<compile_context>
chip_gen: v7x
topology: tpu7x:2x2x1
jax: 0.10.2.dev20260603
libtpu: 0.0.44.dev20260713+nightly
codegen_flags: <defaults>
</compile_context>

<pallas_src>
import functools

import jax
import jax.numpy as jnp
from jax import lax
from jax.experimental import pallas as pl
from jax.experimental.pallas import tpu as pltpu
from jax.experimental.pallas import tpu_sc as plsc

B = 4
A = 2048
OBS = 64
POS = 3
K = 16
LK = 8
HW = 16
BIN = 16
OBS_H = 128
OBS_E = 64
BH = 64
BL = 32
TH = 64
FD = 64
LH = 64
MD = 64
INTRA = 2
INTER = 2
PH = 128
VH = 128
ACT = 32
BIG = 1e9

ROWS = B * A
RBLK = 512
QBLK = 256
TAB1 = 128
TAB2 = 80
TABF = 128


def _ln(x, g, b):
    m = x.mean(-1, keepdims=True)
    v = ((x - m) ** 2).mean(-1, keepdims=True)
    return (x - m) / jnp.sqrt(v + 1e-5) * g + b


def _full_spec(shape):
    n = len(shape)
    return pl.BlockSpec(shape, lambda *_: (0,) * n)


def _row_spec(shape, blk):
    rest = shape[1:]
    n = len(shape)
    return pl.BlockSpec((blk,) + rest, lambda i: (i,) + (0,) * (n - 1))



_SC_NC = 2
_SC_NS = 16
_SC_NW = _SC_NC * _SC_NS


@functools.lru_cache(maxsize=None)
def _make_sc_gather(M, N, D, dtype):
    b_per_w = M // _SC_NW
    row_bytes = D * dtype.itemsize
    chunk = min(512 if row_bytes <= 192 else 256, b_per_w)
    nch = b_per_w // chunk
    nbuf = min(4, nch)
    mesh = plsc.VectorSubcoreMesh(core_axis_name="c", subcore_axis_name="s")

    @functools.partial(
        pl.kernel,
        mesh=mesh,
        compiler_params=pltpu.CompilerParams(use_tc_tiling_on_sc=False),
        out_type=jax.ShapeDtypeStruct((M, D), dtype),
        scratch_types=[pltpu.VMEM((b_per_w,), jnp.int32)]
        + [pltpu.VMEM((chunk, D), dtype) for _ in range(nbuf)]
        + [pltpu.SemaphoreType.DMA for _ in range(nbuf)],
    )
    def gather_k(table_hbm, idx_hbm, out_hbm, idx_v, *bufsem):
        bufs = bufsem[:nbuf]
        sems = bufsem[nbuf:]
        wid = lax.axis_index("s") * _SC_NC + lax.axis_index("c")
        base = wid * b_per_w
        pltpu.sync_copy(idx_hbm.at[pl.ds(base, b_per_w)], idx_v)
        cps = [None] * nbuf
        for j in range(nbuf):
            cps[j] = pltpu.async_copy(
                table_hbm.at[idx_v.at[pl.ds(j * chunk, chunk)]], bufs[j], sems[j])
        for c in range(nch):
            j = c % nbuf
            cps[j].wait()
            pltpu.sync_copy(bufs[j], out_hbm.at[pl.ds(base + c * chunk, chunk)])
            nxt = c + nbuf
            if nxt < nch:
                cps[j] = pltpu.async_copy(
                    table_hbm.at[idx_v.at[pl.ds(nxt * chunk, chunk)]],
                    bufs[j], sems[j])

    return gather_k


def _sc_gather(table, idx_flat):
    N, D = table.shape
    (M,) = idx_flat.shape
    return _make_sc_gather(M, N, D, table.dtype)(table, idx_flat)



def _encoder_body(obs_ref, hist_ref, pos_ref,
                  bW0, bb0, bg0, bbe0, bWf, bbf,
                  oW0, ob0, og0, obe0, oW1, ob1, og1, obe1, oWf, obf,
                  fW0, fb0, fg0, fbe0, fWf, fbf,
                  pW0, pb0, pg0, pbe0, pWf, pbf,
                  tW1a, tW1b, tb1, imW, imb,
                  bl_out, af_out, pot_out, opart_out, tab1_out, tab2_out):
    hist = hist_ref[...]
    hmean = jnp.mean(hist, axis=1)
    x = jax.nn.gelu(_ln(hmean @ bW0[...] + bb0[...], bg0[...], bbe0[...]))
    bl = x @ bWf[...] + bbf[...]

    o = obs_ref[...]
    o = jax.nn.gelu(_ln(o @ oW0[...] + ob0[...], og0[...], obe0[...]))
    o = jax.nn.gelu(_ln(o @ oW1[...] + ob1[...], og1[...], obe1[...]))
    oe = o @ oWf[...] + obf[...]

    f_in = jnp.concatenate([oe, bl], axis=-1)
    f = jax.nn.gelu(_ln(f_in @ fW0[...] + fb0[...], fg0[...], fbe0[...]))
    af = f @ fWf[...] + fbf[...]

    p = jax.nn.gelu(_ln(af @ pW0[...] + pb0[...], pg0[...], pbe0[...]))
    pot = p @ pWf[...] + pbf[...]

    bp = bl @ tW1b[...]
    msg1 = jax.nn.gelu(af @ imW[...] + imb[...])
    blk = af.shape[0]
    zeros2 = jnp.zeros((blk, TAB2 - FD - POS), jnp.float32)

    bl_out[...] = bl
    af_out[...] = af
    pot_out[...] = pot
    opart_out[...] = oe @ tW1a[...] + tb1[...]
    tab1_out[...] = jnp.concatenate([bp, msg1], axis=-1).astype(jnp.bfloat16)
    tab2_out[...] = jnp.concatenate([af, pos_ref[...], zeros2], axis=-1)


def _run_encoder(obs2, hist3, pos2, p):
    be = p["behavior"]
    ob = p["obs_encoder"]
    fp = p["feature_proj"]
    lp = p["leader_pot"]
    tr = p["trust"]
    tW1 = tr["layers"][0]["W"]
    w_args = [
        be["layers"][0]["W"], be["layers"][0]["b"][None], be["layers"][0]["g"][None], be["layers"][0]["beta"][None],
        be["Wf"], be["bf"][None],
        ob["layers"][0]["W"], ob["layers"][0]["b"][None], ob["layers"][0]["g"][None], ob["layers"][0]["beta"][None],
        ob["layers"][1]["W"], ob["layers"][1]["b"][None], ob["layers"][1]["g"][None], ob["layers"][1]["beta"][None],
        ob["Wf"], ob["bf"][None],
        fp["layers"][0]["W"], fp["layers"][0]["b"][None], fp["layers"][0]["g"][None], fp["layers"][0]["beta"][None],
        fp["Wf"], fp["bf"][None],
        lp["layers"][0]["W"], lp["layers"][0]["b"][None], lp["layers"][0]["g"][None], lp["layers"][0]["beta"][None],
        lp["Wf"], lp["bf"][None],
        tW1[:OBS_E], tW1[OBS_E:], tr["layers"][0]["b"][None],
        p["intra_msg_W"], p["intra_msg_b"][None],
    ]
    in_specs = [_row_spec((ROWS, OBS), RBLK), _row_spec((ROWS, HW, BIN), RBLK),
                _row_spec((ROWS, POS), RBLK)]
    in_specs += [_full_spec(w.shape) for w in w_args]
    out_shapes = [
        jax.ShapeDtypeStruct((ROWS, BL), jnp.float32),
        jax.ShapeDtypeStruct((ROWS, FD), jnp.float32),
        jax.ShapeDtypeStruct((ROWS, 1), jnp.float32),
        jax.ShapeDtypeStruct((ROWS, TH), jnp.float32),
        jax.ShapeDtypeStruct((ROWS, TAB1), jnp.bfloat16),
        jax.ShapeDtypeStruct((ROWS, TAB2), jnp.float32),
    ]
    out_specs = [_row_spec(s.shape, RBLK) for s in out_shapes]
    return pl.pallas_call(
        _encoder_body,
        grid=(ROWS // RBLK,),
        in_specs=in_specs,
        out_specs=out_specs,
        out_shape=out_shapes,
    )(obs2, hist3, pos2, *w_args)



def _topk_body(pq_ref, pall_ref, pot_ref, idx_out, memb_out, npmax_out, *, k):
    pq = pq_ref[0]
    pall = pall_ref[0]
    potrow = pot_ref[0]
    sq_q = jnp.sum(pq * pq, axis=-1, keepdims=True)
    sq_a = jnp.sum(pall * pall, axis=-1)[None, :]
    cross = jax.lax.dot_general(pq, pall, (((1,), (1,)), ((), ())),
                                preferred_element_type=jnp.float32)
    d2 = sq_q + sq_a - 2.0 * cross
    d = jnp.clip(d2, 0.0) + 1e-12
    b = pl.program_id(0)
    i = pl.program_id(1)
    rowid = i * pq.shape[0] + jax.lax.broadcasted_iota(jnp.int32, d.shape, 0)
    colid = jax.lax.broadcasted_iota(jnp.int32, d.shape, 1)
    d = jnp.where(rowid == colid, BIG * BIG, d)
    vals = []
    idxs = []
    selmask = jnp.zeros(d.shape, jnp.bool_)
    for _ in range(k):
        mval = jnp.min(d, axis=1, keepdims=True)
        sel = jnp.min(jnp.where(d == mval, colid, A), axis=1, keepdims=True)
        vals.append(mval)
        idxs.append(sel)
        hit = colid == sel
        selmask = selmask | hit
        d = jnp.where(hit, BIG * BIG, d)
    dvals = jnp.sqrt(jnp.concatenate(vals, axis=1))
    npmax = jnp.max(jnp.where(selmask, potrow, -BIG), axis=1, keepdims=True)
    idx_out[0] = jnp.concatenate(idxs, axis=1) + b * A
    memb_out[0] = jax.nn.softmax(-dvals / 1.0, axis=-1)
    npmax_out[0] = npmax


def _run_topk(positions, pot2):
    body = functools.partial(_topk_body, k=K)
    out_shapes = [
        jax.ShapeDtypeStruct((B, A, K), jnp.int32),
        jax.ShapeDtypeStruct((B, A, K), jnp.float32),
        jax.ShapeDtypeStruct((B, A, 1), jnp.float32),
    ]
    spec_q = pl.BlockSpec((1, QBLK, POS), lambda b, i: (b, i, 0))
    spec_all = pl.BlockSpec((1, A, POS), lambda b, i: (b, 0, 0))
    spec_pot = pl.BlockSpec((1, 1, A), lambda b, i: (b, 0, 0))
    out_spec = pl.BlockSpec((1, QBLK, K), lambda b, i: (b, i, 0))
    out_spec_n = pl.BlockSpec((1, QBLK, 1), lambda b, i: (b, i, 0))
    return pl.pallas_call(
        body,
        grid=(B, A // QBLK),
        in_specs=[spec_q, spec_all, spec_pot],
        out_specs=[out_spec, out_spec, out_spec_n],
        out_shape=out_shapes,
    )(positions, positions, pot2.reshape(B, 1, A))



def _ltopk_body(pq_ref, pall_ref, padq_ref, padall_ref, lw_out, idx_out, *, k):
    pq = pq_ref[0]
    pall = pall_ref[0]
    padq = padq_ref[0][0]
    padall = padall_ref[0][0]
    sq_q = jnp.sum(pq * pq, axis=-1, keepdims=True)
    sq_a = jnp.sum(pall * pall, axis=-1)[None, :]
    cross = jax.lax.dot_general(pq, pall, (((1,), (1,)), ((), ())),
                                preferred_element_type=jnp.float32)
    d2 = sq_q + sq_a - 2.0 * cross
    d = jnp.clip(d2, 0.0) + 1e-12
    b = pl.program_id(0)
    i = pl.program_id(1)
    rowid = i * pq.shape[0] + jax.lax.broadcasted_iota(jnp.int32, d.shape, 0)
    colid = jax.lax.broadcasted_iota(jnp.int32, d.shape, 1)
    valid = (padq[:, None] > 0.5) & (padall[None, :] > 0.5) & (rowid != colid)
    d = jnp.where(valid, d, BIG * BIG)
    vals = []
    idxs = []
    for _ in range(k):
        mval = jnp.min(d, axis=1, keepdims=True)
        sel = jnp.min(jnp.where(d == mval, colid, A), axis=1, keepdims=True)
        vals.append(mval)
        idxs.append(sel)
        d = jnp.where(colid == sel, BIG * BIG, d)
    ltd = jnp.sqrt(jnp.concatenate(vals, axis=1))
    lidx = jnp.concatenate(idxs, axis=1)
    nbvalid = ltd < BIG * 0.5
    lw = jax.nn.softmax(jnp.where(nbvalid, -ltd, -BIG), axis=-1)
    lw = lw * nbvalid.astype(lw.dtype) * padq[:, None]
    lw_out[0] = lw
    idx_out[0] = jnp.where(nbvalid, lidx, 0) + b * A


def _run_ltopk(leader_pos, pad_f):
    body = functools.partial(_ltopk_body, k=LK)
    out_shapes = [
        jax.ShapeDtypeStruct((B, A, LK), jnp.float32),
        jax.ShapeDtypeStruct((B, A, LK), jnp.int32),
    ]
    spec_q = pl.BlockSpec((1, QBLK, POS), lambda b, i: (b, i, 0))
    spec_all = pl.BlockSpec((1, A, POS), lambda b, i: (b, 0, 0))
    spec_padq = pl.BlockSpec((1, 1, QBLK), lambda b, i: (b, 0, i))
    spec_padall = pl.BlockSpec((1, 1, A), lambda b, i: (b, 0, 0))
    out_spec = pl.BlockSpec((1, QBLK, LK), lambda b, i: (b, i, 0))
    return pl.pallas_call(
        body,
        grid=(B, A // QBLK),
        in_specs=[spec_q, spec_all, spec_padq, spec_padall],
        out_specs=[out_spec, out_spec],
        out_shape=out_shapes,
    )(leader_pos, leader_pos, pad_f[:, None, :], pad_f[:, None, :])



def _stage2_body(opart_ref, rows_ref, memb_ref, pot_ref, npmax_ref, af_ref,
                 tg, tbe, tWf, tbf, iuW, iub, ig, ibe, imW, imb,
                 ew_out, lead_out, h_out, msg_out):
    opart = opart_ref[...]
    rows = rows_ref[...].astype(jnp.float32)
    bpnb = rows[:, :, :TH]
    hidden = opart[:, None, :] + bpnb
    h = jax.nn.gelu(_ln(hidden, tg[...], tbe[...]))
    w2 = tWf[...][:, 0]
    trust = jax.nn.sigmoid(jnp.sum(h * w2[None, None, :], axis=-1) + tbf[...][0, 0])
    ew = memb_ref[...] * trust
    ew = ew / (jnp.sum(ew, axis=-1, keepdims=True) + 1e-8)
    ew_out[...] = ew
    pot = pot_ref[...][:, 0]
    npmax = npmax_ref[...][:, 0]
    lead_out[...] = (pot >= npmax).astype(jnp.float32)[:, None]
    agg = jnp.sum(rows[:, :, TH:2 * TH] * ew[:, :, None], axis=1)
    hn = _ln(af_ref[...] + agg @ iuW[...] + iub[...], ig[...], ibe[...])
    h_out[...] = hn
    msg_out[...] = jax.nn.gelu(hn @ imW[...] + imb[...]).astype(jnp.bfloat16)


def _run_stage2(opart, rows, memb2, pot, npmax2, af2, p):
    tr = p["trust"]
    w_args = [tr["layers"][0]["g"][None], tr["layers"][0]["beta"][None],
              tr["Wf"], tr["bf"][None],
              p["intra_upd_W"], p["intra_upd_b"][None],
              p["intra_g"][None], p["intra_beta"][None],
              p["intra_msg_W"], p["intra_msg_b"][None]]
    in_specs = [
        _row_spec((ROWS, TH), RBLK),
        _row_spec((ROWS, K, TAB1), RBLK),
        _row_spec((ROWS, K), RBLK),
        _row_spec((ROWS, 1), RBLK),
        _row_spec((ROWS, 1), RBLK),
        _row_spec((ROWS, FD), RBLK),
    ] + [_full_spec(w.shape) for w in w_args]
    out_shapes = [
        jax.ShapeDtypeStruct((ROWS, K), jnp.float32),
        jax.ShapeDtypeStruct((ROWS, 1), jnp.float32),
        jax.ShapeDtypeStruct((ROWS, FD), jnp.float32),
        jax.ShapeDtypeStruct((ROWS, MD), jnp.bfloat16),
    ]
    out_specs = [_row_spec(s.shape, RBLK) for s in out_shapes]
    return pl.pallas_call(
        _stage2_body,
        grid=(ROWS // RBLK,),
        in_specs=in_specs,
        out_specs=out_specs,
        out_shape=out_shapes,
    )(opart, rows, memb2, pot, npmax2, af2, *w_args)



def _msg_body(h_ref, Wm, bm, msg_out):
    msg_out[...] = jax.nn.gelu(h_ref[...] @ Wm[...] + bm[...]).astype(jnp.bfloat16)


def _run_msg(h, Wm, bm):
    w_args = [Wm, bm[None]]
    return pl.pallas_call(
        _msg_body,
        grid=(ROWS // RBLK,),
        in_specs=[_row_spec((ROWS, FD), RBLK)] + [_full_spec(w.shape) for w in w_args],
        out_specs=_row_spec((ROWS, MD), RBLK),
        out_shape=jax.ShapeDtypeStruct((ROWS, MD), jnp.bfloat16),
    )(h, *w_args)


def _updmsg_body(h_ref, nb_ref, w_ref, Wu, bu, g, be, Wm, bm, h_out, msg_out):
    nb = nb_ref[...].astype(jnp.float32)
    agg = jnp.sum(nb * w_ref[...][:, :, None], axis=1)
    hn = _ln(h_ref[...] + agg @ Wu[...] + bu[...], g[...], be[...])
    h_out[...] = hn
    msg_out[...] = jax.nn.gelu(hn @ Wm[...] + bm[...]).astype(jnp.bfloat16)


def _run_updmsg(h, nb, w, nk, Wu, bu, g, be, Wm, bm):
    w_args = [Wu, bu[None], g[None], be[None], Wm, bm[None]]
    out_shapes = [
        jax.ShapeDtypeStruct((ROWS, FD), jnp.float32),
        jax.ShapeDtypeStruct((ROWS, MD), jnp.bfloat16),
    ]
    return pl.pallas_call(
        _updmsg_body,
        grid=(ROWS // RBLK,),
        in_specs=[_row_spec((ROWS, FD), RBLK), _row_spec((ROWS, nk, MD), RBLK),
                  _row_spec((ROWS, nk), RBLK)]
        + [_full_spec(w_.shape) for w_ in w_args],
        out_specs=[_row_spec(s.shape, RBLK) for s in out_shapes],
        out_shape=out_shapes,
    )(h, nb, w, *w_args)


def _upd_body(h_ref, nb_ref, w_ref, Wu, bu, g, be, h_out):
    nb = nb_ref[...].astype(jnp.float32)
    agg = jnp.sum(nb * w_ref[...][:, :, None], axis=1)
    hn = _ln(h_ref[...] + agg @ Wu[...] + bu[...], g[...], be[...])
    h_out[...] = hn.astype(jnp.bfloat16)


def _run_upd(h, nb, w, nk, Wu, bu, g, be):
    w_args = [Wu, bu[None], g[None], be[None]]
    return pl.pallas_call(
        _upd_body,
        grid=(ROWS // RBLK,),
        in_specs=[_row_spec((ROWS, FD), RBLK), _row_spec((ROWS, nk, MD), RBLK),
                  _row_spec((ROWS, nk), RBLK)]
        + [_full_spec(w_.shape) for w_ in w_args],
        out_specs=_row_spec((ROWS, FD), RBLK),
        out_shape=jax.ShapeDtypeStruct((ROWS, FD), jnp.bfloat16),
    )(h, nb, w, *w_args)



def _final_body(h_ref, rows_ref, ew_ref, bl_ref,
                iuW, iub, ig, ibe,
                aW0, ab0, ag0, abe0, aW1, ab1, ag1, abe1, aWf, abf,
                cW0, cb0, cg0, cbe0, cW1, cb1, cg1, cbe1, cWf, cbf,
                logits_out, values_out):
    rows = rows_ref[...].astype(jnp.float32)
    ew = ew_ref[...][:, :, None]
    agg = jnp.sum(rows[:, :, :MD] * ew, axis=1)
    hn = _ln(h_ref[...] + agg @ iuW[...] + iub[...], ig[...], ibe[...])
    broadcast = jnp.sum(rows[:, :, MD:] * ew, axis=1)
    x = jnp.concatenate([hn, broadcast, bl_ref[...]], axis=-1)
    a = jax.nn.gelu(_ln(x @ aW0[...] + ab0[...], ag0[...], abe0[...]))
    a = jax.nn.gelu(_ln(a @ aW1[...] + ab1[...], ag1[...], abe1[...]))
    logits_out[...] = a @ aWf[...] + abf[...]
    c = jax.nn.gelu(_ln(x @ cW0[...] + cb0[...], cg0[...], cbe0[...]))
    c = jax.nn.gelu(_ln(c @ cW1[...] + cb1[...], cg1[...], cbe1[...]))
    values_out[...] = c @ cWf[...] + cbf[...]


def _run_final(h, rows, ew, bl, p):
    ac = p["actor"]
    cr = p["critic"]

    def mlp_args(m):
        return [
            m["layers"][0]["W"], m["layers"][0]["b"][None], m["layers"][0]["g"][None], m["layers"][0]["beta"][None],
            m["layers"][1]["W"], m["layers"][1]["b"][None], m["layers"][1]["g"][None], m["layers"][1]["beta"][None],
            m["Wf"], m["bf"][None],
        ]

    w_args = [p["intra_upd_W"], p["intra_upd_b"][None],
              p["intra_g"][None], p["intra_beta"][None]]
    w_args += mlp_args(ac) + mlp_args(cr)
    out_shapes = [
        jax.ShapeDtypeStruct((ROWS, ACT), jnp.float32),
        jax.ShapeDtypeStruct((ROWS, 1), jnp.float32),
    ]
    return pl.pallas_call(
        _final_body,
        grid=(ROWS // RBLK,),
        in_specs=[_row_spec((ROWS, FD), RBLK), _row_spec((ROWS, K, TABF), RBLK),
                  _row_spec((ROWS, K), RBLK), _row_spec((ROWS, BL), RBLK)]
        + [_full_spec(w.shape) for w in w_args],
        out_specs=[_row_spec(s.shape, RBLK) for s in out_shapes],
        out_shape=out_shapes,
    )(h, rows, ew, bl, *w_args)


def kernel(obs, positions, history, params):
    p = params
    obs2 = obs.reshape(ROWS, OBS)
    hist3 = history.reshape(ROWS, HW, BIN)
    pos2 = positions.reshape(ROWS, POS)

    bl2, af2, pot2, opart2, tab1, tab2 = _run_encoder(obs2, hist3, pos2, p)

    gnidx3, membership, npmax3 = _run_topk(positions, pot2)
    gnidx = gnidx3.reshape(-1)

    rows1 = _sc_gather(tab1, gnidx).reshape(ROWS, K, TAB1)
    ew2, lead2, h1, msg2 = _run_stage2(opart2, rows1,
                                       membership.reshape(ROWS, K), pot2,
                                       npmax3.reshape(ROWS, 1), af2, p)
    is_leader = lead2.reshape(B, A) > 0.5

    ar = jnp.arange(A)
    sortkey = jnp.where(is_leader, ar, A + ar)
    order = jnp.argsort(sortkey, axis=-1)
    nlead = is_leader.sum(-1)
    leader_indices = jnp.where(ar[None, :] < nlead[:, None], order, -1)
    pad = leader_indices >= 0
    padf = pad.astype(jnp.float32)

    goffs2 = (jnp.arange(B, dtype=jnp.int32) * A)[:, None]
    tab2z = jnp.concatenate([tab2, jnp.zeros((8, TAB2), jnp.float32)], axis=0)
    lidx = jnp.where(pad, leader_indices + goffs2, ROWS).reshape(-1)
    lrows = _sc_gather(tab2z, lidx)
    leader_feat2 = lrows[:, :FD]
    leader_pos = lrows[:, FD:FD + POS].reshape(B, A, POS)

    lw, glnb = _run_ltopk(leader_pos, padf)
    glnidx = glnb.reshape(-1)
    lw2 = lw.reshape(ROWS, LK)

    hl = leader_feat2
    lmsg = _run_msg(hl, p["inter_msg_W"], p["inter_msg_b"])
    nb = _sc_gather(lmsg, glnidx).reshape(ROWS, LK, MD)
    hl, lmsg = _run_updmsg(hl, nb, lw2, LK, p["inter_upd_W"], p["inter_upd_b"],
                           p["inter_g"], p["inter_beta"],
                           p["inter_msg_W"], p["inter_msg_b"])
    nb = _sc_gather(lmsg, glnidx).reshape(ROWS, LK, MD)
    hl = _run_upd(hl, nb, lw2, LK, p["inter_upd_W"], p["inter_upd_b"],
                  p["inter_g"], p["inter_beta"])

    slots = jnp.broadcast_to(ar[None, :], (B, A))
    scat_idx = jnp.where(pad, leader_indices, A)
    tmp = jnp.full((B, A + 1), -1, dtype=jnp.int32)
    bv = jnp.arange(B)[:, None]
    a2s = tmp.at[bv, scat_idx].set(jnp.where(pad, slots, -1).astype(jnp.int32))[:, :A]
    tableHL = jnp.concatenate([hl, jnp.zeros((8, FD), jnp.bfloat16)], axis=0)
    gidx_a2s = jnp.where(a2s >= 0, a2s + goffs2, ROWS).reshape(-1)
    gtab = _sc_gather(tableHL, gidx_a2s)

    tabF = jnp.concatenate([msg2, gtab], axis=-1)
    rowsF = _sc_gather(tabF, gnidx).reshape(ROWS, K, TABF)

    logits2, values2 = _run_final(h1, rowsF, ew2, bl2, p)
    return logits2.reshape(B, A, ACT), values2.reshape(B, A)

# --- scband reference (transcript-rebuilt; emitter-appended) ---
"""Pipeline reference for scband-acorpolicy-6897717478056 (READ-ONLY COPY).

The authoritative reference and input builder live on the scoring server;
editing this copy changes nothing except your own understanding.
"""

import jax, jax.numpy as jnp
import numpy as np

B=4; A=2048; OBS=64; POS=3; K=16; LK=8; HW=16; BIN=16
OBS_H=128; OBS_E=64; BH=64; BL=32; TH=64; FD=64; LH=64; MD=64; INTRA=2; INTER=2; PH=128; VH=128; ACT=32
BIG=1e9

def _ln(x, g, b):
    m = x.mean(-1, keepdims=True)
    v = ((x - m) ** 2).mean(-1, keepdims=True)
    return (x - m) / jnp.sqrt(v + 1e-5) * g + b

def _init_mlp(key, din, dh, dout, depth):
    layers = []
    dim = din
    for _ in range(depth - 1):
        key, k1 = jax.random.split(key)
        layers.append({"W": jax.random.normal(k1, (dim, dh)) * 0.02, "b": jnp.zeros((dh,)), "g": jnp.ones((dh,)), "beta": jnp.zeros((dh,))})
        dim = dh
    key, k1 = jax.random.split(key)
    return {"layers": layers, "Wf": jax.random.normal(k1, (dim, dout)) * 0.02, "bf": jnp.zeros((dout,))}

def _mlp(p, x):
    for l in p["layers"]:
        x = jax.nn.gelu(_ln(x @ l["W"] + l["b"], l["g"], l["beta"]))
    return x @ p["Wf"] + p["bf"]

def _gather(x, idx):
    return jax.vmap(lambda xb, ib: xb[ib])(x, idx)

def _pdist(p):
    sq = (p * p).sum(-1)
    d2 = sq[:, :, None] + sq[:, None, :] - 2.0 * jnp.einsum('bid,bjd->bij', p, p)
    return jnp.sqrt(jnp.clip(d2, 0.0) + 1e-12)

def setup_inputs(seed: int = 0):
    key = jax.random.key(seed)
    ks = jax.random.split(key, 20)
    obs = jax.random.normal(ks[0], (B, A, OBS), dtype=jnp.float32)
    positions = jax.random.uniform(ks[1], (B, A, POS), dtype=jnp.float32) * 10.0
    history = jax.random.normal(ks[2], (B, A, HW, BIN), dtype=jnp.float32)
    params = {
        "obs_encoder": _init_mlp(ks[3], OBS, OBS_H, OBS_E, 3),
        "behavior": _init_mlp(ks[4], BIN, BH, BL, 2),
        "trust": _init_mlp(ks[5], OBS_E + BL, TH, 1, 2),
        "feature_proj": _init_mlp(ks[6], OBS_E + BL, OBS_H, FD, 2),
        "leader_pot": _init_mlp(ks[7], FD, LH, 1, 2),
        "intra_msg_W": jax.random.normal(ks[8], (FD, MD)) * 0.02, "intra_msg_b": jnp.zeros((MD,)),
        "intra_upd_W": jax.random.normal(ks[9], (MD, FD)) * 0.02, "intra_upd_b": jnp.zeros((FD,)),
        "intra_g": jnp.ones((FD,)), "intra_beta": jnp.zeros((FD,)),
        "inter_msg_W": jax.random.normal(ks[10], (FD, MD)) * 0.02, "inter_msg_b": jnp.zeros((MD,)),
        "inter_upd_W": jax.random.normal(ks[11], (MD, FD)) * 0.02, "inter_upd_b": jnp.zeros((FD,)),
        "inter_g": jnp.ones((FD,)), "inter_beta": jnp.zeros((FD,)),
        "actor": _init_mlp(ks[12], FD * 2 + BL, PH, ACT, 3),
        "critic": _init_mlp(ks[13], FD * 2 + BL, VH, 1, 3),
    }
    return {"obs": obs, "positions": positions, "history": history, "params": params}

def _forward(obs, positions, history, params):
    Bc, Ac, _ = obs.shape
    behavior_latent = _mlp(params["behavior"], history.mean(2))
    obs_embed = _mlp(params["obs_encoder"], obs)
    dist = _pdist(positions)
    eye = jnp.eye(Ac, dtype=bool)[None]
    dist = jnp.where(eye, BIG, dist)
    negd, neighbor_idx = jax.lax.top_k(-dist, K)
    topk_dist = -negd
    membership = jax.nn.softmax(-topk_dist / 1.0, axis=-1)
    behavior_neighbors = _gather(behavior_latent, neighbor_idx)
    trust_in = jnp.concatenate([jnp.broadcast_to(obs_embed[:, :, None, :], (Bc, Ac, K, OBS_E)), behavior_neighbors], -1)
    trust_scores = jax.nn.sigmoid(_mlp(params["trust"], trust_in))[..., 0]
    edge_weights = membership * trust_scores
    edge_weights = edge_weights / (edge_weights.sum(-1, keepdims=True) + 1e-8)
    agent_features = _mlp(params["feature_proj"], jnp.concatenate([obs_embed, behavior_latent], -1))
    potentials = _mlp(params["leader_pot"], agent_features)[..., 0]
    npot = _gather(potentials, neighbor_idx)
    is_leader = potentials >= npot.max(-1)
    ar = jnp.arange(Ac)
    sortkey = jnp.where(is_leader, ar, Ac + ar)
    order = jnp.argsort(sortkey, axis=-1)
    nlead = is_leader.sum(-1)
    leader_indices = jnp.where(ar[None, :] < nlead[:, None], order, -1)
    pad = leader_indices >= 0
    safe_li = jnp.clip(leader_indices, 0)
    leader_feat = _gather(agent_features, safe_li) * pad[..., None]
    leader_pos = _gather(positions, safe_li) * pad[..., None]
    ldist = _pdist(leader_pos)
    pairvalid = pad[:, :, None] & pad[:, None, :] & (~jnp.eye(Ac, dtype=bool)[None])
    ldist = jnp.where(pairvalid, ldist, BIG)
    nld, lnb_idx = jax.lax.top_k(-ldist, LK)
    ltd = -nld
    nbvalid = ltd < BIG * 0.5
    lw = jax.nn.softmax(jnp.where(nbvalid, -ltd, -BIG), axis=-1)
    lw = lw * nbvalid.astype(lw.dtype) * pad[..., None].astype(lw.dtype)
    leader_neighbors = jnp.where(nbvalid, lnb_idx, 0)
    h = agent_features
    for _ in range(INTRA):
        msg = jax.nn.gelu(h @ params["intra_msg_W"] + params["intra_msg_b"])
        nb = _gather(msg, neighbor_idx)
        agg = (nb * edge_weights[..., None]).sum(-2)
        h = _ln(h + agg @ params["intra_upd_W"] + params["intra_upd_b"], params["intra_g"], params["intra_beta"])
    hl = leader_feat
    for _ in range(INTER):
        msg = jax.nn.gelu(hl @ params["inter_msg_W"] + params["inter_msg_b"])
        nb = _gather(msg, leader_neighbors)
        agg = (nb * lw[..., None]).sum(-2)
        hl = _ln(hl + agg @ params["inter_upd_W"] + params["inter_upd_b"], params["inter_g"], params["inter_beta"])
    agent_latent = h
    leader_latent = hl
    slots = jnp.broadcast_to(ar[None, :], (Bc, Ac))
    scat_idx = jnp.where(pad, leader_indices, Ac)
    tmp = jnp.full((Bc, Ac + 1), -1, dtype=jnp.int32)
    bv = jnp.arange(Bc)[:, None]
    a2s = tmp.at[bv, scat_idx].set(jnp.where(pad, slots, -1).astype(jnp.int32))[:, :Ac]
    neighbor_slots = _gather(a2s, neighbor_idx)
    safe_slots = jnp.clip(neighbor_slots, 0)
    leader_messages = _gather(leader_latent, safe_slots)
    mask = (neighbor_slots >= 0).astype(edge_weights.dtype)
    broadcast = (leader_messages * mask[..., None] * edge_weights[..., None]).sum(-2)
    fused = jnp.concatenate([agent_latent, broadcast, behavior_latent], -1)
    logits = _mlp(params["actor"], fused)
    values = _mlp(params["critic"], fused)[..., 0]
    return logits, values

def reference(obs, positions, history, params):
    logits, values = _forward(obs, positions, history, params)
    return (logits, values)

if __name__ == "__main__":
    import jax
    _d = setup_inputs()
    print(jax.jit(kernel)(*tuple(_d.values())))

</pallas_src>

<mosaic_0001>
#map = affine_map<(d0, d1) -> (0, 0)>
#map1 = affine_map<(d0, d1) -> (0)>
module attributes {stable_mosaic.version = 14 : i64} {
  func.func @gather_k(%arg0: i32, %arg1: i32, %arg2: memref<8192x64xbf16, #tpu.memory_space<hbm>>, %arg3: memref<65536xi32, #tpu.memory_space<hbm>>, %arg4: memref<65536x64xbf16, #tpu.memory_space<hbm>>, %arg5: memref<2048xi32, #tpu.memory_space<vmem>>, %arg6: memref<512x64xbf16, #tpu.memory_space<vmem>>, %arg7: memref<512x64xbf16, #tpu.memory_space<vmem>>, %arg8: memref<512x64xbf16, #tpu.memory_space<vmem>>, %arg9: memref<512x64xbf16, #tpu.memory_space<vmem>>, %arg10: memref<!tpu.dma_semaphore, #tpu.memory_space<semaphore_mem>>, %arg11: memref<!tpu.dma_semaphore, #tpu.memory_space<semaphore_mem>>, %arg12: memref<!tpu.dma_semaphore, #tpu.memory_space<semaphore_mem>>, %arg13: memref<!tpu.dma_semaphore, #tpu.memory_space<semaphore_mem>>) attributes {dimension_semantics = [#tpu.dimension_semantics<core_parallel>, #tpu.dimension_semantics<subcore_parallel>], iteration_bounds = array<i64: 2, 16>, scalar_prefetch = 0 : i64, scratch_operands = 9 : i64, tpu.core_type = #tpu.core_type<sc_vector_subcore>, window_params = [{transform_indices = #map}, {transform_indices = #map1}, {transform_indices = #map}]} {
    %mul3A = arith.constant 2 : i32
    %mul3A_0 = arith.muli %arg1, %mul3A : i32
    %add3A = arith.addi %mul3A_0, %arg0 : i32
    %mul3A_1 = arith.constant 2048 : i32
    %mul3A_2 = arith.muli %add3A, %mul3A_1 : i32
    "tpu.region"() ({
      %run_scoped3A = tpu.sem_alloc : memref<!tpu.dma_semaphore, #tpu.memory_space<semaphore_mem>>
      %dma_start3A_49 = tpu.memref_slice %arg3[%mul3A_2] : memref<65536xi32, #tpu.memory_space<hbm>> -> memref<2048xi32, #tpu.memory_space<hbm>>
      %dma_start3A_50 = tpu.memref_slice %arg3[%mul3A_2] : memref<65536xi32, #tpu.memory_space<hbm>> -> memref<2048xi32, #tpu.memory_space<hbm>>
      tpu.enqueue_dma source(%dma_start3A_50 : memref<2048xi32, #tpu.memory_space<hbm>>) target(%arg5 : memref<2048xi32, #tpu.memory_space<vmem>>) target_semaphore(%run_scoped3A : memref<!tpu.dma_semaphore, #tpu.memory_space<semaphore_mem>>)
      %dma_wait3A_51 = tpu.memref_slice %arg3[%mul3A_2] : memref<65536xi32, #tpu.memory_space<hbm>> -> memref<2048xi32, #tpu.memory_space<hbm>>
      %dma_wait3A_52 = tpu.memref_slice %arg3[%mul3A_2] : memref<65536xi32, #tpu.memory_space<hbm>> -> memref<2048xi32, #tpu.memory_space<hbm>>
      tpu.wait_dma2 semaphore(%run_scoped3A : memref<!tpu.dma_semaphore, #tpu.memory_space<semaphore_mem>>) src(%dma_wait3A_52 : memref<2048xi32, #tpu.memory_space<hbm>>) dst(%arg5 : memref<2048xi32, #tpu.memory_space<vmem>>)
      tpu.yield
    }) : () -> ()
    %dma_start3A = arith.constant 0 : i32
    %dma_start3A_3 = tpu.memref_slice %arg5[%dma_start3A] : memref<2048xi32, #tpu.memory_space<vmem>> -> memref<512xi32, #tpu.memory_space<vmem>>
    %dma_start3A_4 = arith.constant 0 : i32
    %dma_start3A_5 = arith.constant 0 : i32
    %dma_start3A_6 = tpu.memref_slice %arg2[%dma_start3A_4, %dma_start3A_5] : memref<8192x64xbf16, #tpu.memory_space<hbm>> -> memref<8192x64xbf16, #tpu.memory_space<hbm>>
    tpu.enqueue_indirect_dma source(%dma_start3A_6 : memref<8192x64xbf16, #tpu.memory_space<hbm>>) target(%arg6 : memref<512x64xbf16, #tpu.memory_space<vmem>>) offsets(%dma_start3A_3 : memref<512xi32, #tpu.memory_space<vmem>>) semaphore(%arg10 : memref<!tpu.dma_semaphore, #tpu.memory_space<semaphore_mem>>)
    %dma_start3A_7 = arith.constant 512 : i32
    %dma_start3A_8 = tpu.memref_slice %arg5[%dma_start3A_7] : memref<2048xi32, #tpu.memory_space<vmem>> -> memref<512xi32, #tpu.memory_space<vmem>>
    %dma_start3A_9 = arith.constant 0 : i32
    %dma_start3A_10 = arith.constant 0 : i32
    %dma_start3A_11 = tpu.memref_slice %arg2[%dma_start3A_9, %dma_start3A_10] : memref<8192x64xbf16, #tpu.memory_space<hbm>> -> memref<8192x64xbf16, #tpu.memory_space<hbm>>
    tpu.enqueue_indirect_dma source(%dma_start3A_11 : memref<8192x64xbf16, #tpu.memory_space<hbm>>) target(%arg7 : memref<512x64xbf16, #tpu.memory_space<vmem>>) offsets(%dma_start3A_8 : memref<512xi32, #tpu.memory_space<vmem>>) semaphore(%arg11 : memref<!tpu.dma_semaphore, #tpu.memory_space<semaphore_mem>>)
    %dma_start3A_12 = arith.constant 1024 : i32
    %dma_start3A_13 = tpu.memref_slice %arg5[%dma_start3A_12] : memref<2048xi32, #tpu.memory_space<vmem>> -> memref<512xi32, #tpu.memory_space<vmem>>
    %dma_start3A_14 = arith.constant 0 : i32
    %dma_start3A_15 = arith.constant 0 : i32
    %dma_start3A_16 = tpu.memref_slice %arg2[%dma_start3A_14, %dma_start3A_15] : memref<8192x64xbf16, #tpu.memory_space<hbm>> -> memref<8192x64xbf16, #tpu.memory_space<hbm>>
    tpu.enqueue_indirect_dma source(%dma_start3A_16 : memref<8192x64xbf16, #tpu.memory_space<hbm>>) target(%arg8 : memref<512x64xbf16, #tpu.memory_space<vmem>>) offsets(%dma_start3A_13 : memref<512xi32, #tpu.memory_space<vmem>>) semaphore(%arg12 : memref<!tpu.dma_semaphore, #tpu.memory_space<semaphore_mem>>)
    %dma_start3A_17 = arith.constant 1536 : i32
    %dma_start3A_18 = tpu.memref_slice %arg5[%dma_start3A_17] : memref<2048xi32, #tpu.memory_space<vmem>> -> memref<512xi32, #tpu.memory_space<vmem>>
    %dma_start3A_19 = arith.constant 0 : i32
    %dma_start3A_20 = arith.constant 0 : i32
    %dma_start3A_21 = tpu.memref_slice %arg2[%dma_start3A_19, %dma_start3A_20] : memref<8192x64xbf16, #tpu.memory_space<hbm>> -> memref<8192x64xbf16, #tpu.memory_space<hbm>>
    tpu.enqueue_indirect_dma source(%dma_start3A_21 : memref<8192x64xbf16, #tpu.memory_space<hbm>>) target(%arg9 : memref<512x64xbf16, #tpu.memory_space<vmem>>) offsets(%dma_start3A_18 : memref<512xi32, #tpu.memory_space<vmem>>) semaphore(%arg13 : memref<!tpu.dma_semaphore, #tpu.memory_space<semaphore_mem>>)
    %dma_wait3A = arith.constant 0 : i32
    %dma_wait3A_22 = tpu.memref_slice %arg5[%dma_wait3A] : memref<2048xi32, #tpu.memory_space<vmem>> -> memref<512xi32, #tpu.memory_space<vmem>>
    %dma_wait3A_23 = arith.constant 0 : i32
    %dma_wait3A_24 = arith.constant 0 : i32
    %dma_wait3A_25 = tpu.memref_slice %arg2[%dma_wait3A_23, %dma_wait3A_24] : memref<8192x64xbf16, #tpu.memory_space<hbm>> -> memref<8192x64xbf16, #tpu.memory_space<hbm>>
    tpu.wait_indirect_dma semaphore(%arg10 : memref<!tpu.dma_semaphore, #tpu.memory_space<semaphore_mem>>) src(%dma_wait3A_25 : memref<8192x64xbf16, #tpu.memory_space<hbm>>) dst(%arg6 : memref<512x64xbf16, #tpu.memory_space<vmem>>)
    %add3A_26 = arith.constant 0 : i32
    %add3A_27 = arith.addi %mul3A_2, %add3A_26 : i32
    "tpu.region"() ({
      %run_scoped3A = tpu.sem_alloc : memref<!tpu.dma_semaphore, #tpu.memory_space<semaphore_mem>>
      %dma_start3A_49 = arith.constant 0 : i32
      %dma_start3A_50 = tpu.memref_slice %arg4[%add3A_27, %dma_start3A_49] : memref<65536x64xbf16, #tpu.memory_space<hbm>> -> memref<512x64xbf16, #tpu.memory_space<hbm>>
      %dma_start3A_51 = arith.constant 0 : i32
      %dma_start3A_52 = tpu.memref_slice %arg4[%add3A_27, %dma_start3A_51] : memref<65536x64xbf16, #tpu.memory_space<hbm>> -> memref<512x64xbf16, #tpu.memory_space<hbm>>
      tpu.enqueue_dma source(%arg6 : memref<512x64xbf16, #tpu.memory_space<vmem>>) target(%dma_start3A_52 : memref<512x64xbf16, #tpu.memory_space<hbm>>) target_semaphore(%run_scoped3A : memref<!tpu.dma_semaphore, #tpu.memory_space<semaphore_mem>>)
      %dma_wait3A_53 = arith.constant 0 : i32
      %dma_wait3A_54 = tpu.memref_slice %arg4[%add3A_27, %dma_wait3A_53] : memref<65536x64xbf16, #tpu.memory_space<hbm>> -> memref<512x64xbf16, #tpu.memory_space<hbm>>
      %dma_wait3A_55 = arith.constant 0 : i32
      %dma_wait3A_56 = tpu.memref_slice %arg4[%add3A_27, %dma_wait3A_55] : memref<65536x64xbf16, #tpu.memory_space<hbm>> -> memref<512x64xbf16, #tpu.memory_space<hbm>>
      tpu.wait_dma2 semaphore(%run_scoped3A : memref<!tpu.dma_semaphore, #tpu.memory_space<semaphore_mem>>) src(%arg6 : memref<512x64xbf16, #tpu.memory_space<vmem>>) dst(%dma_wait3A_56 : memref<512x64xbf16, #tpu.memory_space<hbm>>)
      tpu.yield
    }) : () -> ()
    %dma_wait3A_28 = arith.constant 512 : i32
    %dma_wait3A_29 = tpu.memref_slice %arg5[%dma_wait3A_28] : memref<2048xi32, #tpu.memory_space<vmem>> -> memref<512xi32, #tpu.memory_space<vmem>>
    %dma_wait3A_30 = arith.constant 0 : i32
    %dma_wait3A_31 = arith.constant 0 : i32
    %dma_wait3A_32 = tpu.memref_slice %arg2[%dma_wait3A_30, %dma_wait3A_31] : memref<8192x64xbf16, #tpu.memory_space<hbm>> -> memref<8192x64xbf16, #tpu.memory_space<hbm>>
    tpu.wait_indirect_dma semaphore(%arg11 : memref<!tpu.dma_semaphore, #tpu.memory_space<semaphore_mem>>) src(%dma_wait3A_32 : memref<8192x64xbf16, #tpu.memory_space<hbm>>) dst(%arg7 : memref<512x64xbf16, #tpu.memory_space<vmem>>)
    %add3A_33 = arith.constant 512 : i32
    %add3A_34 = arith.addi %mul3A_2, %add3A_33 : i32
    "tpu.region"() ({
      %run_scoped3A = tpu.sem_alloc : memref<!tpu.dma_semaphore, #tpu.memory_space<semaphore_mem>>
      %dma_start3A_49 = arith.constant 0 : i32
      %dma_start3A_50 = tpu.memref_slice %arg4[%add3A_34, %dma_start3A_49] : memref<65536x64xbf16, #tpu.memory_space<hbm>> -> memref<512x64xbf16, #tpu.memory_space<hbm>>
      %dma_start3A_51 = arith.constant 0 : i32
      %dma_start3A_52 = tpu.memref_slice %arg4[%add3A_34, %dma_start3A_51] : memref<65536x64xbf16, #tpu.memory_space<hbm>> -> memref<512x64xbf16, #tpu.memory_space<hbm>>
      tpu.enqueue_dma source(%arg7 : memref<512x64xbf16, #tpu.memory_space<vmem>>) target(%dma_start3A_52 : memref<512x64xbf16, #tpu.memory_space<hbm>>) target_semaphore(%run_scoped3A : memref<!tpu.dma_semaphore, #tpu.memory_space<semaphore_mem>>)
      %dma_wait3A_53 = arith.constant 0 : i32
      %dma_wait3A_54 = tpu.memref_slice %arg4[%add3A_34, %dma_wait3A_53] : memref<65536x64xbf16, #tpu.memory_space<hbm>> -> memref<512x64xbf16, #tpu.memory_space<hbm>>
      %dma_wait3A_55 = arith.constant 0 : i32
      %dma_wait3A_56 = tpu.memref_slice %arg4[%add3A_34, %dma_wait3A_55] : memref<65536x64xbf16, #tpu.memory_space<hbm>> -> memref<512x64xbf16, #tpu.memory_space<hbm>>
      tpu.wait_dma2 semaphore(%run_scoped3A : memref<!tpu.dma_semaphore, #tpu.memory_space<semaphore_mem>>) src(%arg7 : memref<512x64xbf16, #tpu.memory_space<vmem>>) dst(%dma_wait3A_56 : memref<512x64xbf16, #tpu.memory_space<hbm>>)
      tpu.yield
    }) : () -> ()
    %dma_wait3A_35 = arith.constant 1024 : i32
    %dma_wait3A_36 = tpu.memref_slice %arg5[%dma_wait3A_35] : memref<2048xi32, #tpu.memory_space<vmem>> -> memref<512xi32, #tpu.memory_space<vmem>>
    %dma_wait3A_37 = arith.constant 0 : i32
    %dma_wait3A_38 = arith.constant 0 : i32
    %dma_wait3A_39 = tpu.memref_slice %arg2[%dma_wait3A_37, %dma_wait3A_38] : memref<8192x64xbf16, #tpu.memory_space<hbm>> -> memref<8192x64xbf16, #tpu.memory_space<hbm>>
    tpu.wait_indirect_dma semaphore(%arg12 : memref<!tpu.dma_semaphore, #tpu.memory_space<semaphore_mem>>) src(%dma_wait3A_39 : memref<8192x64xbf16, #tpu.memory_space<hbm>>) dst(%arg8 : memref<512x64xbf16, #tpu.memory_space<vmem>>)
    %add3A_40 = arith.constant 1024 : i32
    %add3A_41 = arith.addi %mul3A_2, %add3A_40 : i32
    "tpu.region"() ({
      %run_scoped3A = tpu.sem_alloc : memref<!tpu.dma_semaphore, #tpu.memory_space<semaphore_mem>>
      %dma_start3A_49 = arith.constant 0 : i32
      %dma_start3A_50 = tpu.memref_slice %arg4[%add3A_41, %dma_start3A_49] : memref<65536x64xbf16, #tpu.memory_space<hbm>> -> memref<512x64xbf16, #tpu.memory_space<hbm>>
      %dma_start3A_51 = arith.constant 0 : i32
      %dma_start3A_52 = tpu.memref_slice %arg4[%add3A_41, %dma_start3A_51] : memref<65536x64xbf16, #tpu.memory_space<hbm>> -> memref<512x64xbf16, #tpu.memory_space<hbm>>
      tpu.enqueue_dma source(%arg8 : memref<512x64xbf16, #tpu.memory_space<vmem>>) target(%dma_start3A_52 : memref<512x64xbf16, #tpu.memory_space<hbm>>) target_semaphore(%run_scoped3A : memref<!tpu.dma_semaphore, #tpu.memory_space<semaphore_mem>>)
      %dma_wait3A_53 = arith.constant 0 : i32
      %dma_wait3A_54 = tpu.memref_slice %arg4[%add3A_41, %dma_wait3A_53] : memref<65536x64xbf16, #tpu.memory_space<hbm>> -> memref<512x64xbf16, #tpu.memory_space<hbm>>
      %dma_wait3A_55 = arith.constant 0 : i32
      %dma_wait3A_56 = tpu.memref_slice %arg4[%add3A_41, %dma_wait3A_55] : memref<65536x64xbf16, #tpu.memory_space<hbm>> -> memref<512x64xbf16, #tpu.memory_space<hbm>>
      tpu.wait_dma2 semaphore(%run_scoped3A : memref<!tpu.dma_semaphore, #tpu.memory_space<semaphore_mem>>) src(%arg8 : memref<512x64xbf16, #tpu.memory_space<vmem>>) dst(%dma_wait3A_56 : memref<512x64xbf16, #tpu.memory_space<hbm>>)
      tpu.yield
    }) : () -> ()
    %dma_wait3A_42 = arith.constant 1536 : i32
    %dma_wait3A_43 = tpu.memref_slice %arg5[%dma_wait3A_42] : memref<2048xi32, #tpu.memory_space<vmem>> -> memref<512xi32, #tpu.memory_space<vmem>>
    %dma_wait3A_44 = arith.constant 0 : i32
    %dma_wait3A_45 = arith.constant 0 : i32
    %dma_wait3A_46 = tpu.memref_slice %arg2[%dma_wait3A_44, %dma_wait3A_45] : memref<8192x64xbf16, #tpu.memory_space<hbm>> -> memref<8192x64xbf16, #tpu.memory_space<hbm>>
    tpu.wait_indirect_dma semaphore(%arg13 : memref<!tpu.dma_semaphore, #tpu.memory_space<semaphore_mem>>) src(%dma_wait3A_46 : memref<8192x64xbf16, #tpu.memory_space<hbm>>) dst(%arg9 : memref<512x64xbf16, #tpu.memory_space<vmem>>)
    %add3A_47 = arith.constant 1536 : i32
    %add3A_48 = arith.addi %mul3A_2, %add3A_47 : i32
    "tpu.region"() ({
      %run_scoped3A = tpu.sem_alloc : memref<!tpu.dma_semaphore, #tpu.memory_space<semaphore_mem>>
      %dma_start3A_49 = arith.constant 0 : i32
      %dma_start3A_50 = tpu.memref_slice %arg4[%add3A_48, %dma_start3A_49] : memref<65536x64xbf16, #tpu.memory_space<hbm>> -> memref<512x64xbf16, #tpu.memory_space<hbm>>
      %dma_start3A_51 = arith.constant 0 : i32
      %dma_start3A_52 = tpu.memref_slice %arg4[%add3A_48, %dma_start3A_51] : memref<65536x64xbf16, #tpu.memory_space<hbm>> -> memref<512x64xbf16, #tpu.memory_space<hbm>>
      tpu.enqueue_dma source(%arg9 : memref<512x64xbf16, #tpu.memory_space<vmem>>) target(%dma_start3A_52 : memref<512x64xbf16, #tpu.memory_space<hbm>>) target_semaphore(%run_scoped3A : memref<!tpu.dma_semaphore, #tpu.memory_space<semaphore_mem>>)
      %dma_wait3A_53 = arith.constant 0 : i32
      %dma_wait3A_54 = tpu.memref_slice %arg4[%add3A_48, %dma_wait3A_53] : memref<65536x64xbf16, #tpu.memory_space<hbm>> -> memref<512x64xbf16, #tpu.memory_space<hbm>>
      %dma_wait3A_55 = arith.constant 0 : i32
      %dma_wait3A_56 = tpu.memref_slice %arg4[%add3A_48, %dma_wait3A_55] : memref<65536x64xbf16, #tpu.memory_space<hbm>> -> memref<512x64xbf16, #tpu.memory_space<hbm>>
      tpu.wait_dma2 semaphore(%run_scoped3A : memref<!tpu.dma_semaphore, #tpu.memory_space<semaphore_mem>>) src(%arg9 : memref<512x64xbf16, #tpu.memory_space<vmem>>) dst(%dma_wait3A_56 : memref<512x64xbf16, #tpu.memory_space<hbm>>)
      tpu.yield
    }) : () -> ()
    return
  }
}

#map = affine_map<(d0, d1) -> (0, 0)>
#map1 = affine_map<(d0, d1) -> (0)>
module attributes {stable_mosaic.version = 14 : i64} {
  func.func @gather_k(%arg0: i32, %arg1: i32, %arg2: memref<8200x80xf32, #tpu.memory_space<hbm>>, %arg3: memref<8192xi32, #tpu.memory_space<hbm>>, %arg4: memref<8192x80xf32, #tpu.memory_space<hbm>>, %arg5: memref<256xi32, #tpu.memory_space<vmem>>, %arg6: memref<256x80xf32, #tpu.memory_space<vmem>>, %arg7: memref<!tpu.dma_semaphore, #tpu.memory_space<semaphore_mem>>) attributes {dimension_semantics = [#tpu.dimension_semantics<core_parallel>, #tpu.dimension_semantics<subcore_parallel>], iteration_bounds = array<i64: 2, 16>, scalar_prefetch = 0 : i64, scratch_operands = 3 : i64, tpu.core_type = #tpu.core_type<sc_vector_subcore>, window_params = [{transform_indices = #map}, {transform_indices = #map1}, {transform_indices = #map}]} {
    %mul3A = arith.constant 2 : i32
    %mul3A_0 = arith.muli %arg1, %mul3A : i32
    %add3A = arith.addi %mul3A_0, %arg0 : i32
    %mul3A_1 = arith.constant 256 : i32
    %mul3A_2 = arith.muli %add3A, %mul3A_1 : i32
    "tpu.region"() ({
      %run_scoped3A = tpu.sem_alloc : memref<!tpu.dma_semaphore, #tpu.memory_space<semaphore_mem>>
      %dma_start3A_13 = tpu.memref_slice %arg3[%mul3A_2] : memref<8192xi32, #tpu.memory_space<hbm>> -> memref<256xi32, #tpu.memory_space<hbm>>
      %dma_start3A_14 = tpu.memref_slice %arg3[%mul3A_2] : memref<8192xi32, #tpu.memory_space<hbm>> -> memref<256xi32, #tpu.memory_space<hbm>>
      tpu.enqueue_dma source(%dma_start3A_14 : memref<256xi32, #tpu.memory_space<hbm>>) target(%arg5 : memref<256xi32, #tpu.memory_space<vmem>>) target_semaphore(%run_scoped3A : memref<!tpu.dma_semaphore, #tpu.memory_space<semaphore_mem>>)
      %dma_wait3A_15 = tpu.memref_slice %arg3[%mul3A_2] : memref<8192xi32, #tpu.memory_space<hbm>> -> memref<256xi32, #tpu.memory_space<hbm>>
      %dma_wait3A_16 = tpu.memref_slice %arg3[%mul3A_2] : memref<8192xi32, #tpu.memory_space<hbm>> -> memref<256xi32, #tpu.memory_space<hbm>>
      tpu.wait_dma2 semaphore(%run_scoped3A : memref<!tpu.dma_semaphore, #tpu.memory_space<semaphore_mem>>) src(%dma_wait3A_16 : memref<256xi32, #tpu.memory_space<hbm>>) dst(%arg5 : memref<256xi32, #tpu.memory_space<vmem>>)
      tpu.yield
    }) : () -> ()
    %dma_start3A = arith.constant 0 : i32
    %dma_start3A_3 = tpu.memref_slice %arg5[%dma_start3A] : memref<256xi32, #tpu.memory_space<vmem>> -> memref<256xi32, #tpu.memory_space<vmem>>
    %dma_start3A_4 = arith.constant 0 : i32
    %dma_start3A_5 = arith.constant 0 : i32
    %dma_start3A_6 = tpu.memref_slice %arg2[%dma_start3A_4, %dma_start3A_5] : memref<8200x80xf32, #tpu.memory_space<hbm>> -> memref<8200x80xf32, #tpu.memory_space<hbm>>
    tpu.enqueue_indirect_dma source(%dma_start3A_6 : memref<8200x80xf32, #tpu.memory_space<hbm>>) target(%arg6 : memref<256x80xf32, #tpu.memory_space<vmem>>) offsets(%dma_start3A_3 : memref<256xi32, #tpu.memory_space<vmem>>) semaphore(%arg7 : memref<!tpu.dma_semaphore, #tpu.memory_space<semaphore_mem>>)
    %dma_wait3A = arith.constant 0 : i32
    %dma_wait3A_7 = tpu.memref_slice %arg5[%dma_wait3A] : memref<256xi32, #tpu.memory_space<vmem>> -> memref<256xi32, #tpu.memory_space<vmem>>
    %dma_wait3A_8 = arith.constant 0 : i32
    %dma_wait3A_9 = arith.constant 0 : i32
    %dma_wait3A_10 = tpu.memref_slice %arg2[%dma_wait3A_8, %dma_wait3A_9] : memref<8200x80xf32, #tpu.memory_space<hbm>> -> memref<8200x80xf32, #tpu.memory_space<hbm>>
    tpu.wait_indirect_dma semaphore(%arg7 : memref<!tpu.dma_semaphore, #tpu.memory_space<semaphore_mem>>) src(%dma_wait3A_10 : memref<8200x80xf32, #tpu.memory_space<hbm>>) dst(%arg6 : memref<256x80xf32, #tpu.memory_space<vmem>>)
    %add3A_11 = arith.constant 0 : i32
    %add3A_12 = arith.addi %mul3A_2, %add3A_11 : i32
    "tpu.region"() ({
      %run_scoped3A = tpu.sem_alloc : memref<!tpu.dma_semaphore, #tpu.memory_space<semaphore_mem>>
      %dma_start3A_13 = arith.constant 0 : i32
      %dma_start3A_14 = tpu.memref_slice %arg4[%add3A_12, %dma_start3A_13] : memref<8192x80xf32, #tpu.memory_space<hbm>> -> memref<256x80xf32, #tpu.memory_space<hbm>>
      %dma_start3A_15 = arith.constant 0 : i32
      %dma_start3A_16 = tpu.memref_slice %arg4[%add3A_12, %dma_start3A_15] : memref<8192x80xf32, #tpu.memory_space<hbm>> -> memref<256x80xf32, #tpu.memory_space<hbm>>
      tpu.enqueue_dma source(%arg6 : memref<256x80xf32, #tpu.memory_space<vmem>>) target(%dma_start3A_16 : memref<256x80xf32, #tpu.memory_space<hbm>>) target_semaphore(%run_scoped3A : memref<!tpu.dma_semaphore, #tpu.memory_space<semaphore_mem>>)
      %dma_wait3A_17 = arith.constant 0 : i32
      %dma_wait3A_18 = tpu.memref_slice %arg4[%add3A_12, %dma_wait3A_17] : memref<8192x80xf32, #tpu.memory_space<hbm>> -> memref<256x80xf32, #tpu.memory_space<hbm>>
      %dma_wait3A_19 = arith.constant 0 : i32
      %dma_wait3A_20 = tpu.memref_slice %arg4[%add3A_12, %dma_wait3A_19] : memref<8192x80xf32, #tpu.memory_space<hbm>> -> memref<256x80xf32, #tpu.memory_space<hbm>>
      tpu.wait_dma2 semaphore(%run_scoped3A : memref<!tpu.dma_semaphore, #tpu.memory_space<semaphore_mem>>) src(%arg6 : memref<256x80xf32, #tpu.memory_space<vmem>>) dst(%dma_wait3A_20 : memref<256x80xf32, #tpu.memory_space<hbm>>)
      tpu.yield
    }) : () -> ()
    return
  }
}

#map = affine_map<(d0, d1) -> (0, 0)>
#map1 = affine_map<(d0, d1) -> (0)>
module attributes {stable_mosaic.version = 14 : i64} {
  func.func @gather_k(%arg0: i32, %arg1: i32, %arg2: memref<8192x128xbf16, #tpu.memory_space<hbm>>, %arg3: memref<131072xi32, #tpu.memory_space<hbm>>, %arg4: memref<131072x128xbf16, #tpu.memory_space<hbm>>, %arg5: memref<4096xi32, #tpu.memory_space<vmem>>, %arg6: memref<256x128xbf16, #tpu.memory_space<vmem>>, %arg7: memref<256x128xbf16, #tpu.memory_space<vmem>>, %arg8: memref<256x128xbf16, #tpu.memory_space<vmem>>, %arg9: memref<256x128xbf16, #tpu.memory_space<vmem>>, %arg10: memref<!tpu.dma_semaphore, #tpu.memory_space<semaphore_mem>>, %arg11: memref<!tpu.dma_semaphore, #tpu.memory_space<semaphore_mem>>, %arg12: memref<!tpu.dma_semaphore, #tpu.memory_space<semaphore_mem>>, %arg13: memref<!tpu.dma_semaphore, #tpu.memory_space<semaphore_mem>>) attributes {dimension_semantics = [#tpu.dimension_semantics<core_parallel>, #tpu.dimension_semantics<subcore_parallel>], iteration_bounds = array<i64: 2, 16>, scalar_prefetch = 0 : i64, scratch_operands = 9 : i64, tpu.core_type = #tpu.core_type<sc_vector_subcore>, window_params = [{transform_indices = #map}, {transform_indices = #map1}, {transform_indices = #map}]} {
    %mul3A = arith.constant 2 : i32
    %mul3A_0 = arith.muli %arg1, %mul3A : i32
    %add3A = arith.addi %mul3A_0, %arg0 : i32
    %mul3A_1 = arith.constant 4096 : i32
    %mul3A_2 = arith.muli %add3A, %mul3A_1 : i32
    "tpu.region"() ({
      %run_scoped3A = tpu.sem_alloc : memref<!tpu.dma_semaphore, #tpu.memory_space<semaphore_mem>>
      %dma_start3A_193 = tpu.memref_slice %arg3[%mul3A_2] : memref<131072xi32, #tpu.memory_space<hbm>> -> memref<4096xi32, #tpu.memory_space<hbm>>
      %dma_start3A_194 = tpu.memref_slice %arg3[%mul3A_2] : memref<131072xi32, #tpu.memory_space<hbm>> -> memref<4096xi32, #tpu.memory_space<hbm>>
      tpu.enqueue_dma source(%dma_start3A_194 : memref<4096xi32, #tpu.memory_space<hbm>>) target(%arg5 : memref<4096xi32, #tpu.memory_space<vmem>>) target_semaphore(%run_scoped3A : memref<!tpu.dma_semaphore, #tpu.memory_space<semaphore_mem>>)
      %dma_wait3A_195 = tpu.memref_slice %arg3[%mul3A_2] : memref<131072xi32, #tpu.memory_space<hbm>> -> memref<4096xi32, #tpu.memory_space<hbm>>
      %dma_wait3A_196 = tpu.memref_slice %arg3[%mul3A_2] : memref<131072xi32, #tpu.memory_space<hbm>> -> memref<4096xi32, #tpu.memory_space<hbm>>
      tpu.wait_dma2 semaphore(%run_scoped3A : memref<!tpu.dma_semaphore, #tpu.memory_space<semaphore_mem>>) src(%dma_wait3A_196 : memref<4096xi32, #tpu.memory_space<hbm>>) dst(%arg5 : memref<4096xi32, #tpu.memory_space<vmem>>)
      tpu.yield
    }) : () -> ()
    %dma_start3A = arith.constant 0 : i32
    %dma_start3A_3 = tpu.memref_slice %arg5[%dma_start3A] : memref<4096xi32, #tpu.memory_space<vmem>> -> memref<256xi32, #tpu.memory_space<vmem>>
    %dma_start3A_4 = arith.constant 0 : i32
    %dma_start3A_5 = arith.constant 0 : i32
    %dma_start3A_6 = tpu.memref_slice %arg2[%dma_start3A_4, %dma_start3A_5] : memref<8192x128xbf16, #tpu.memory_space<hbm>> -> memref<8192x128xbf16, #tpu.memory_space<hbm>>
    tpu.enqueue_indirect_dma source(%dma_start3A_6 : memref<8192x128xbf16, #tpu.memory_space<hbm>>) target(%arg6 : memref<256x128xbf16, #tpu.memory_space<vmem>>) offsets(%dma_start3A_3 : memref<256xi32, #tpu.memory_space<vmem>>) semaphore(%arg10 : memref<!tpu.dma_semaphore, #tpu.memory_space<semaphore_mem>>)
    %dma_start3A_7 = arith.constant 256 : i32
    %dma_start3A_8 = tpu.memref_slice %arg5[%dma_start3A_7] : memref<4096xi32, #tpu.memory_space<vmem>> -> memref<256xi32, #tpu.memory_space<vmem>>
    %dma_start3A_9 = arith.constant 0 : i32
    %dma_start3A_10 = arith.constant 0 : i32
    %dma_start3A_11 = tpu.memref_slice %arg2[%dma_start3A_9, %dma_start3A_10] : memref<8192x128xbf16, #tpu.memory_space<hbm>> -> memref<8192x128xbf16, #tpu.memory_space<hbm>>
    tpu.enqueue_indirect_dma source(%dma_start3A_11 : memref<8192x128xbf16, #tpu.memory_space<hbm>>) target(%arg7 : memref<256x128xbf16, #tpu.memory_space<vmem>>) offsets(%dma_start3A_8 : memref<256xi32, #tpu.memory_space<vmem>>) semaphore(%arg11 : memref<!tpu.dma_semaphore, #tpu.memory_space<semaphore_mem>>)
    %dma_start3A_12 = arith.constant 512 : i32
    %dma_start3A_13 = tpu.memref_slice %arg5[%dma_start3A_12] : memref<4096xi32, #tpu.memory_space<vmem>> -> memref<256xi32, #tpu.memory_space<vmem>>
    %dma_start3A_14 = arith.constant 0 : i32
    %dma_start3A_15 = arith.constant 0 : i32
    %dma_start3A_16 = tpu.memref_slice %arg2[%dma_start3A_14, %dma_start3A_15] : memref<8192x128xbf16, #tpu.memory_space<hbm>> -> memref<8192x128xbf16, #tpu.memory_space<hbm>>
    tpu.enqueue_indirect_dma source(%dma_start3A_16 : memref<8192x128xbf16, #tpu.memory_space<hbm>>) target(%arg8 : memref<256x128xbf16, #tpu.memory_space<vmem>>) offsets(%dma_start3A_13 : memref<256xi32, #tpu.memory_space<vmem>>) semaphore(%arg12 : memref<!tpu.dma_semaphore, #tpu.memory_space<semaphore_mem>>)
    %dma_start3A_17 = arith.constant 768 : i32
    %dma_start3A_18 = tpu.memref_slice %arg5[%dma_start3A_17] : memref<4096xi32, #tpu.memory_space<vmem>> -> memref<256xi32, #tpu.memory_space<vmem>>
    %dma_start3A_19 = arith.constant 0 : i32
    %dma_start3A_20 = arith.constant 0 : i32
    %dma_start3A_21 = tpu.memref_slice %arg2[%dma_start3A_19, %dma_start3A_20] : memref<8192x128xbf16, #tpu.memory_space<hbm>> -> memref<8192x128xbf16, #tpu.memory_space<hbm>>
    tpu.enqueue_indirect_dma source(%dma_start3A_21 : memref<8192x128xbf16, #tpu.memory_space<hbm>>) target(%arg9 : memref<256x128xbf16, #tpu.memory_space<vmem>>) offsets(%dma_start3A_18 : memref<256xi32, #tpu.memory_space<vmem>>) semaphore(%arg13 : memref<!tpu.dma_semaphore, #tpu.memory_space<semaphore_mem>>)
    %dma_wait3A = arith.constant 0 : i32
    %dma_wait3A_22 = tpu.memref_slice %arg5[%dma_wait3A] : memref<4096xi32, #tpu.memory_space<vmem>> -> memref<256xi32, #tpu.memory_space<vmem>>
    %dma_wait3A_23 = arith.constant 0 : i32
    %dma_wait3A_24 = arith.constant 0 : i32
    %dma_wait3A_25 = tpu.memref_slice %arg2[%dma_wait3A_23, %dma_wait3A_24] : memref<8192x128xbf16, #tpu.memory_space<hbm>> -> memref<8192x128xbf16, #tpu.memory_space<hbm>>
    tpu.wait_indirect_dma semaphore(%arg10 : memref<!tpu.dma_semaphore, #tpu.memory_space<semaphore_mem>>) src(%dma_wait3A_25 : memref<8192x128xbf16, #tpu.memory_space<hbm>>) dst(%arg6 : memref<256x128xbf16, #tpu.memory_space<vmem>>)
    %add3A_26 = arith.constant 0 : i32
    %add3A_27 = arith.addi %mul3A_2, %add3A_26 : i32
    "tpu.region"() ({
      %run_scoped3A = tpu.sem_alloc : memref<!tpu.dma_semaphore, #tpu.memory_space<semaphore_mem>>
      %dma_start3A_193 = arith.constant 0 : i32
      %dma_start3A_194 = tpu.memref_slice %arg4[%add3A_27, %dma_start3A_193] : memref<131072x128xbf16, #tpu.memory_space<hbm>> -> memref<256x128xbf16, #tpu.memory_space<hbm>>
      %dma_start3A_195 = arith.constant 0 : i32
      %dma_start3A_196 = tpu.memref_slice %arg4[%add3A_27, %dma_start3A_195] : memref<131072x128xbf16, #tpu.memory_space<hbm>> -> memref<256x128xbf16, #tpu.memory_space<hbm>>
      tpu.enqueue_dma source(%arg6 : memref<256x128xbf16, #tpu.memory_space<vmem>>) target(%dma_start3A_196 : memref<256x128xbf16, #tpu.memory_space<hbm>>) target_semaphore(%run_scoped3A : memref<!tpu.dma_semaphore, #tpu.memory_space<semaphore_mem>>)
      %dma_wait3A_197 = arith.constant 0 : i32
      %dma_wait3A_198 = tpu.memref_slice %arg4[%add3A_27, %dma_wait3A_197] : memref<131072x128xbf16, #tpu.memory_space<hbm>> -> memref<256x128xbf16, #tpu.memory_space<hbm>>
      %dma_wait3A_199 = arith.constant 0 : i32
      %dma_wait3A_200 = tpu.memref_slice %arg4[%add3A_27, %dma_wait3A_199] : memref<131072x128xbf16, #tpu.memory_space<hbm>> -> memref<256x128xbf16, #tpu.memory_space<hbm>>
      tpu.wait_dma2 semaphore(%run_scoped3A : memref<!tpu.dma_semaphore, #tpu.memory_space<semaphore_mem>>) src(%arg6 : memref<256x128xbf16, #tpu.memory_space<vmem>>) dst(%dma_wait3A_200 : memref<256x128xbf16, #tpu.memory_space<hbm>>)
      tpu.yield
    }) : () -> ()
    %dma_start3A_28 = arith.constant 1024 : i32
    %dma_start3A_29 = tpu.memref_slice %arg5[%dma_start3A_28] : memref<4096xi32, #tpu.memory_space<vmem>> -> memref<256xi32, #tpu.memory_space<vmem>>
    %dma_start3A_30 = arith.constant 0 : i32
    %dma_start3A_31 = arith.constant 0 : i32
    %dma_start3A_32 = tpu.memref_slice %arg2[%dma_start3A_30, %dma_start3A_31] : memref<8192x128xbf16, #tpu.memory_space<hbm>> -> memref<8192x128xbf16, #tpu.memory_space<hbm>>
    tpu.enqueue_indirect_dma source(%dma_start3A_32 : memref<8192x128xbf16, #tpu.memory_space<hbm>>) target(%arg6 : memref<256x128xbf16, #tpu.memory_space<vmem>>) offsets(%dma_start3A_29 : memref<256xi32, #tpu.memory_space<vmem>>) semaphore(%arg10 : memref<!tpu.dma_semaphore, #tpu.memory_space<semaphore_mem>>)
    %dma_wait3A_33 = arith.constant 256 : i32
    %dma_wait3A_34 = tpu.memref_slice %arg5[%dma_wait3A_33] : memref<4096xi32, #tpu.memory_space<vmem>> -> memref<256xi32, #tpu.memory_space<vmem>>
    %dma_wait3A_35 = arith.constant 0 : i32
    %dma_wait3A_36 = arith.constant 0 : i32
    %dma_wait3A_37 = tpu.memref_slice %arg2[%dma_wait3A_35, %dma_wait3A_36] : memref<8192x128xbf16, #tpu.memory_space<hbm>> -> memref<8192x128xbf16, #tpu.memory_space<hbm>>
    tpu.wait_indirect_dma semaphore(%arg11 : memref<!tpu.dma_semaphore, #tpu.memory_space<semaphore_mem>>) src(%dma_wait3A_37 : memref<8192x128xbf16, #tpu.memory_space<hbm>>) dst(%arg7 : memref<256x128xbf16, #tpu.memory_space<vmem>>)
    %add3A_38 = arith.constant 256 : i32
    %add3A_39 = arith.addi %mul3A_2, %add3A_38 : i32
    "tpu.region"() ({
      %run_scoped3A = tpu.sem_alloc : memref<!tpu.dma_semaphore, #tpu.memory_space<semaphore_mem>>
      %dma_start3A_193 = arith.constant 0 : i32
      %dma_start3A_194 = tpu.memref_slice %arg4[%add3A_39, %dma_start3A_193] : memref<131072x128xbf16, #tpu.memory_space<hbm>> -> memref<256x128xbf16, #tpu.memory_space<hbm>>
      %dma_start3A_195 = arith.constant 0 : i32
      %dma_start3A_196 = tpu.memref_slice %arg4[%add3A_39, %dma_start3A_195] : memref<131072x128xbf16, #tpu.memory_space<hbm>> -> memref<256x128xbf16, #tpu.memory_space<hbm>>
      tpu.enqueue_dma source(%arg7 : memref<256x128xbf16, #tpu.memory_space<vmem>>) target(%dma_start3A_196 : memref<256x128xbf16, #tpu.memory_space<hbm>>) target_semaphore(%run_scoped3A : memref<!tpu.dma_semaphore, #tpu.memory_space<semaphore_mem>>)
      %dma_wait3A_197 = arith.constant 0 : i32
      %dma_wait3A_198 = tpu.memref_slice %arg4[%add3A_39, %dma_wait3A_197] : memref<131072x128xbf16, #tpu.memory_space<hbm>> -> memref<256x128xbf16, #tpu.memory_space<hbm>>
      %dma_wait3A_199 = arith.constant 0 : i32
      %dma_wait3A_200 = tpu.memref_slice %arg4[%add3A_39, %dma_wait3A_199] : memref<131072x128xbf16, #tpu.memory_space<hbm>> -> memref<256x128xbf16, #tpu.memory_space<hbm>>
      tpu.wait_dma2 semaphore(%run_scoped3A : memref<!tpu.dma_semaphore, #tpu.memory_space<semaphore_mem>>) src(%arg7 : memref<256x128xbf16, #tpu.memory_space<vmem>>) dst(%dma_wait3A_200 : memref<256x128xbf16, #tpu.memory_space<hbm>>)
      tpu.yield
    }) : () -> ()
    %dma_start3A_40 = arith.constant 1280 : i32
    %dma_start3A_41 = tpu.memref_slice %arg5[%dma_start3A_40] : memref<4096xi32, #tpu.memory_space<vmem>> -> memref<256xi32, #tpu.memory_space<vmem>>
    %dma_start3A_42 = arith.constant 0 : i32
    %dma_start3A_43 = arith.constant 0 : i32
    %dma_start3A_44 = tpu.memref_slice %arg2[%dma_start3A_42, %dma_start3A_43] : memref<8192x128xbf16, #tpu.memory_space<hbm>> -> memref<8192x128xbf16, #tpu.memory_space<hbm>>
    tpu.enqueue_indirect_dma source(%dma_start3A_44 : memref<8192x128xbf16, #tpu.memory_space<hbm>>) target(%arg7 : memref<256x128xbf16, #tpu.memory_space<vmem>>) offsets(%dma_start3A_41 : memref<256xi32, #tpu.memory_space<vmem>>) semaphore(%arg11 : memref<!tpu.dma_semaphore, #tpu.memory_space<semaphore_mem>>)
    %dma_wait3A_45 = arith.constant 512 : i32
    %dma_wait3A_46 = tpu.memref_slice %arg5[%dma_wait3A_45] : memref<4096xi32, #tpu.memory_space<vmem>> -> memref<256xi32, #tpu.memory_space<vmem>>
    %dma_wait3A_47 = arith.constant 0 : i32
    %dma_wait3A_48 = arith.constant 0 : i32
    %dma_wait3A_49 = tpu.memref_slice %arg2[%dma_wait3A_47, %dma_wait3A_48] : memref<8192x128xbf16, #tpu.memory_space<hbm>> -> memref<8192x128xbf16, #tpu.memory_space<hbm>>
    tpu.wait_indirect_dma semaphore(%arg12 : memref<!tpu.dma_semaphore, #tpu.memory_space<semaphore_mem>>) src(%dma_wait3A_49 : memref<8192x128xbf16, #tpu.memory_space<hbm>>) dst(%arg8 : memref<256x128xbf16, #tpu.memory_space<vmem>>)
    %add3A_50 = arith.constant 512 : i32
    %add3A_51 = arith.addi %mul3A_2, %add3A_50 : i32
    "tpu.region"() ({
      %run_scoped3A = tpu.sem_alloc : memref<!tpu.dma_semaphore, #tpu.memory_space<semaphore_mem>>
      %dma_start3A_193 = arith.constant 0 : i32
      %dma_start3A_194 = tpu.memref_slice %arg4[%add3A_51, %dma_start3A_193] : memref<131072x128xbf16, #tpu.memory_space<hbm>> -> memref<256x128xbf16, #tpu.memory_space<hbm>>
      %dma_start3A_195 = arith.constant 0 : i32
      %dma_start3A_196 = tpu.memref_slice %arg4[%add3A_51, %dma_start3A_195] : memref<131072x128xbf16, #tpu.memory_space<hbm>> -> memref<256x128xbf16, #tpu.memory_space<hbm>>
      tpu.enqueue_dma source(%arg8 : memref<256x128xbf16, #tpu.memory_space<vmem>>) target(%dma_start3A_196 : memref<256x128xbf16, #tpu.memory_space<hbm>>) target_semaphore(%run_scoped3A : memref<!tpu.dma_semaphore, #tpu.memory_space<semaphore_mem>>)
      %dma_wait3A_197 = arith.constant 0 : i32
      %dma_wait3A_198 = tpu.memref_slice %arg4[%add3A_51, %dma_wait3A_197] : memref<131072x128xbf16, #tpu.memory_space<hbm>> -> memref<256x128xbf16, #tpu.memory_space<hbm>>
      %dma_wait3A_199 = arith.constant 0 : i32
      %dma_wait3A_200 = tpu.memref_slice %arg4[%add3A_51, %dma_wait3A_199] : memref<131072x128xbf16, #tpu.memory_space<hbm>> -> memref<256x128xbf16, #tpu.memory_space<hbm>>
      tpu.wait_dma2 semaphore(%run_scoped3A : memref<!tpu.dma_semaphore, #tpu.memory_space<semaphore_mem>>) src(%arg8 : memref<256x128xbf16, #tpu.memory_space<vmem>>) dst(%dma_wait3A_200 : memref<256x128xbf16, #tpu.memory_space<hbm>>)
      tpu.yield
    }) : () -> ()
    %dma_start3A_52 = arith.constant 1536 : i32
    %dma_start3A_53 = tpu.memref_slice %arg5[%dma_start3A_52] : memref<4096xi32, #tpu.memory_space<vmem>> -> memref<256xi32, #tpu.memory_space<vmem>>
    %dma_start3A_54 = arith.constant 0 : i32
    %dma_start3A_55 = arith.constant 0 : i32
    %dma_start3A_56 = tpu.memref_slice %arg2[%dma_start3A_54, %dma_start3A_55] : memref<8192x128xbf16, #tpu.memory_space<hbm>> -> memref<8192x128xbf16, #tpu.memory_space<hbm>>
    tpu.enqueue_indirect_dma source(%dma_start3A_56 : memref<8192x128xbf16, #tpu.memory_space<hbm>>) target(%arg8 : memref<256x128xbf16, #tpu.memory_space<vmem>>) offsets(%dma_start3A_53 : memref<256xi32, #tpu.memory_space<vmem>>) semaphore(%arg12 : memref<!tpu.dma_semaphore, #tpu.memory_space<semaphore_mem>>)
    %dma_wait3A_57 = arith.constant 768 : i32
    %dma_wait3A_58 = tpu.memref_slice %arg5[%dma_wait3A_57] : memref<4096xi32, #tpu.memory_space<vmem>> -> memref<256xi32, #tpu.memory_space<vmem>>
    %dma_wait3A_59 = arith.constant 0 : i32
    %dma_wait3A_60 = arith.constant 0 : i32
    %dma_wait3A_61 = tpu.memref_slice %arg2[%dma_wait3A_59, %dma_wait3A_60] : memref<8192x128xbf16, #tpu.memory_space<hbm>> -> memref<8192x128xbf16, #tpu.memory_space<hbm>>
    tpu.wait_indirect_dma semaphore(%arg13 : memref<!tpu.dma_semaphore, #tpu.memory_space<semaphore_mem>>) src(%dma_wait3A_61 : memref<8192x128xbf16, #tpu.memory_space<hbm>>) dst(%arg9 : memref<256x128xbf16, #tpu.memory_space<vmem>>)
    %add3A_62 = arith.constant 768 : i32
    %add3A_63 = arith.addi %mul3A_2, %add3A_62 : i32
    "tpu.region"() ({
      %run_scoped3A = tpu.sem_alloc : memref<!tpu.dma_semaphore, #tpu.memory_space<semaphore_mem>>
      %dma_start3A_193 = arith.constant 0 : i32
      %dma_start3A_194 = tpu.memref_slice %arg4[%add3A_63, %dma_start3A_193] : memref<131072x128xbf16, #tpu.memory_space<hbm>> -> memref<256x128xbf16, #tpu.memory_space<hbm>>
      %dma_start3A_195 = arith.constant 0 : i32
      %dma_start3A_196 = tpu.memref_slice %arg4[%add3A_63, %dma_start3A_195] : memref<131072x128xbf16, #tpu.memory_space<hbm>> -> memref<256x128xbf16, #tpu.memory_space<hbm>>
      tpu.enqueue_dma source(%arg9 : memref<256x128xbf16, #tpu.memory_space<vmem>>) target(%dma_start3A_196 : memref<256x128xbf16, #tpu.memory_space<hbm>>) target_semaphore(%run_scoped3A : memref<!tpu.dma_semaphore, #tpu.memory_space<semaphore_mem>>)
      %dma_wait3A_197 = arith.constant 0 : i32
      %dma_wait3A_198 = tpu.memref_slice %arg4[%add3A_63, %dma_wait3A_197] : memref<131072x128xbf16, #tpu.memory_space<hbm>> -> memref<256x128xbf16, #tpu.memory_space<hbm>>
      %dma_wait3A_199 = arith.constant 0 : i32
      %dma_wait3A_200 = tpu.memref_slice %arg4[%add3A_63, %dma_wait3A_199] : memref<131072x128xbf16, #tpu.memory_space<hbm>> -> memref<256x128xbf16, #tpu.memory_space<hbm>>
      tpu.wait_dma2 semaphore(%run_scoped3A : memref<!tpu.dma_semaphore, #tpu.memory_space<semaphore_mem>>) src(%arg9 : memref<256x128xbf16, #tpu.memory_space<vmem>>) dst(%dma_wait3A_200 : memref<256x128xbf16, #tpu.memory_space<hbm>>)
      tpu.yield
    }) : () -> ()
    %dma_start3A_64 = arith.constant 1792 : i32
    %dma_start3A_65 = tpu.memref_slice %arg5[%dma_start3A_64] : memref<4096xi32, #tpu.memory_space<vmem>> -> memref<256xi32, #tpu.memory_space<vmem>>
    %dma_start3A_66 = arith.constant 0 : i32
    %dma_start3A_67 = arith.constant 0 : i32
    %dma_start3A_68 = tpu.memref_slice %arg2[%dma_start3A_66, %dma_start3A_67] : memref<8192x128xbf16, #tpu.memory_space<hbm>> -> memref<8192x128xbf16, #tpu.memory_space<hbm>>
    tpu.enqueue_indirect_dma source(%dma_start3A_68 : memref<8192x128xbf16, #tpu.memory_space<hbm>>) target(%arg9 : memref<256x128xbf16, #tpu.memory_space<vmem>>) offsets(%dma_start3A_65 : memref<256xi32, #tpu.memory_space<vmem>>) semaphore(%arg13 : memref<!tpu.dma_semaphore, #tpu.memory_space<semaphore_mem>>)
    %dma_wait3A_69 = arith.constant 1024 : i32
    %dma_wait3A_70 = tpu.memref_slice %arg5[%dma_wait3A_69] : memref<4096xi32, #tpu.memory_space<vmem>> -> memref<256xi32, #tpu.memory_space<vmem>>
    %dma_wait3A_71 = arith.constant 0 : i32
    %dma_wait3A_72 = arith.constant 0 : i32
    %dma_wait3A_73 = tpu.memref_slice %arg2[%dma_wait3A_71, %dma_wait3A_72] : memref<8192x128xbf16, #tpu.memory_space<hbm>> -> memref<8192x128xbf16, #tpu.memory_space<hbm>>
    tpu.wait_indirect_dma semaphore(%arg10 : memref<!tpu.dma_semaphore, #tpu.memory_space<semaphore_mem>>) src(%dma_wait3A_73 : memref<8192x128xbf16, #tpu.memory_space<hbm>>) dst(%arg6 : memref<256x128xbf16, #tpu.memory_space<vmem>>)
    %add3A_74 = arith.constant 1024 : i32
    %add3A_75 = arith.addi %mul3A_2, %add3A_74 : i32
    "tpu.region"() ({
      %run_scoped3A = tpu.sem_alloc : memref<!tpu.dma_semaphore, #tpu.memory_space<semaphore_mem>>
      %dma_start3A_193 = arith.constant 0 : i32
      %dma_start3A_194 = tpu.memref_slice %arg4[%add3A_75, %dma_start3A_193] : memref<131072x128xbf16, #tpu.memory_space<hbm>> -> memref<256x128xbf16, #tpu.memory_space<hbm>>
      %dma_start3A_195 = arith.constant 0 : i32
      %dma_start3A_196 = tpu.memref_slice %arg4[%add3A_75, %dma_start3A_195] : memref<131072x128xbf16, #tpu.memory_space<hbm>> -> memref<256x128xbf16, #tpu.memory_space<hbm>>
      tpu.enqueue_dma source(%arg6 : memref<256x128xbf16, #tpu.memory_space<vmem>>) target(%dma_start3A_196 : memref<256x128xbf16, #tpu.memory_space<hbm>>) target_semaphore(%run_scoped3A : memref<!tpu.dma_semaphore, #tpu.memory_space<semaphore_mem>>)
      %dma_wait3A_197 = arith.constant 0 : i32
      %dma_wait3A_198 = tpu.memref_slice %arg4[%add3A_75, %dma_wait3A_197] : memref<131072x128xbf16, #tpu.memory_space<hbm>> -> memref<256x128xbf16, #tpu.memory_space<hbm>>
      %dma_wait3A_199 = arith.constant 0 : i32
      %dma_wait3A_200 = tpu.memref_slice %arg4[%add3A_75, %dma_wait3A_199] : memref<131072x128xbf16, #tpu.memory_space<hbm>> -> memref<256x128xbf16, #tpu.memory_space<hbm>>
      tpu.wait_dma2 semaphore(%run_scoped3A : memref<!tpu.dma_semaphore, #tpu.memory_space<semaphore_mem>>) src(%arg6 : memref<256x128xbf16, #tpu.memory_space<vmem>>) dst(%dma_wait3A_200 : memref<256x128xbf16, #tpu.memory_space<hbm>>)
      tpu.yield
    }) : () -> ()
    %dma_start3A_76 = arith.constant 2048 : i32
    %dma_start3A_77 = tpu.memref_slice %arg5[%dma_start3A_76] : memref<4096xi32, #tpu.memory_space<vmem>> -> memref<256xi32, #tpu.memory_space<vmem>>
    %dma_start3A_78 = arith.constant 0 : i32
    %dma_start3A_79 = arith.constant 0 : i32
    %dma_start3A_80 = tpu.memref_slice %arg2[%dma_start3A_78, %dma_start3A_79] : memref<8192x128xbf16, #tpu.memory_space<hbm>> -> memref<8192x128xbf16, #tpu.memory_space<hbm>>
    tpu.enqueue_indirect_dma source(%dma_start3A_80 : memref<8192x128xbf16, #tpu.memory_space<hbm>>) target(%arg6 : memref<256x128xbf16, #tpu.memory_space<vmem>>) offsets(%dma_start3A_77 : memref<256xi32, #tpu.memory_space<vmem>>) semaphore(%arg10 : memref<!tpu.dma_semaphore, #tpu.memory_space<semaphore_mem>>)
    %dma_wait3A_81 = arith.constant 1280 : i32
    %dma_wait3A_82 = tpu.memref_slice %arg5[%dma_wait3A_81] : memref<4096xi32, #tpu.memory_space<vmem>> -> memref<256xi32, #tpu.memory_space<vmem>>
    %dma_wait3A_83 = arith.constant 0 : i32
    %dma_wait3A_84 = arith.constant 0 : i32
    %dma_wait3A_85 = tpu.memref_slice %arg2[%dma_wait3A_83, %dma_wait3A_84] : memref<8192x128xbf16, #tpu.memory_space<hbm>> -> memref<8192x128xbf16, #tpu.memory_space<hbm>>
    tpu.wait_indirect_dma semaphore(%arg11 : memref<!tpu.dma_semaphore, #tpu.memory_space<semaphore_mem>>) src(%dma_wait3A_85 : memref<8192x128xbf16, #tpu.memory_space<hbm>>) dst(%arg7 : memref<256x128xbf16, #tpu.memory_space<vmem>>)
    %add3A_86 = arith.constant 1280 : i32
    %add3A_87 = arith.addi %mul3A_2, %add3A_86 : i32
    "tpu.region"() ({
      %run_scoped3A = tpu.sem_alloc : memref<!tpu.dma_semaphore, #tpu.memory_space<semaphore_mem>>
      %dma_start3A_193 = arith.constant 0 : i32
      %dma_start3A_194 = tpu.memref_slice %arg4[%add3A_87, %dma_start3A_193] : memref<131072x128xbf16, #tpu.memory_space<hbm>> -> memref<256x128xbf16, #tpu.memory_space<hbm>>
      %dma_start3A_195 = arith.constant 0 : i32
      %dma_start3A_196 = tpu.memref_slice %arg4[%add3A_87, %dma_start3A_195] : memref<131072x128xbf16, #tpu.memory_space<hbm>> -> memref<256x128xbf16, #tpu.memory_space<hbm>>
      tpu.enqueue_dma source(%arg7 : memref<256x128xbf16, #tpu.memory_space<vmem>>) target(%dma_start3A_196 : memref<256x128xbf16, #tpu.memory_space<hbm>>) target_semaphore(%run_scoped3A : memref<!tpu.dma_semaphore, #tpu.memory_space<semaphore_mem>>)
      %dma_wait3A_197 = arith.constant 0 : i32
      %dma_wait3A_198 = tpu.memref_slice %arg4[%add3A_87, %dma_wait3A_197] : memref<131072x128xbf16, #tpu.memory_space<hbm>> -> memref<256x128xbf16, #tpu.memory_space<hbm>>
      %dma_wait3A_199 = arith.constant 0 : i32
      %dma_wait3A_200 = tpu.memref_slice %arg4[%add3A_87, %dma_wait3A_199] : memref<131072x128xbf16, #tpu.memory_space<hbm>> -> memref<256x128xbf16, #tpu.memory_space<hbm>>
      tpu.wait_dma2 semaphore(%run_scoped3A : memref<!tpu.dma_semaphore, #tpu.memory_space<semaphore_mem>>) src(%arg7 : memref<256x128xbf16, #tpu.memory_space<vmem>>) dst(%dma_wait3A_200 : memref<256x128xbf16, #tpu.memory_space<hbm>>)
      tpu.yield
    }) : () -> ()
    %dma_start3A_88 = arith.constant 2304 : i32
    %dma_start3A_89 = tpu.memref_slice %arg5[%dma_start3A_88] : memref<4096xi32, #tpu.memory_space<vmem>> -> memref<256xi32, #tpu.memory_space<vmem>>
    %dma_start3A_90 = arith.constant 0 : i32
    %dma_start3A_91 = arith.constant 0 : i32
    %dma_start3A_92 = tpu.memref_slice %arg2[%dma_start3A_90, %dma_start3A_91] : memref<8192x128xbf16, #tpu.memory_space<hbm>> -> memref<8192x128xbf16, #tpu.memory_space<hbm>>
    tpu.enqueue_indirect_dma source(%dma_start3A_92 : memref<8192x128xbf16, #tpu.memory_space<hbm>>) target(%arg7 : memref<256x128xbf16, #tpu.memory_space<vmem>>) offsets(%dma_start3A_89 : memref<256xi32, #tpu.memory_space<vmem>>) semaphore(%arg11 : memref<!tpu.dma_semaphore, #tpu.memory_space<semaphore_mem>>)
    %dma_wait3A_93 = arith.constant 1536 : i32
    %dma_wait3A_94 = tpu.memref_slice %arg5[%dma_wait3A_93] : memref<4096xi32, #tpu.memory_space<vmem>> -> memref<256xi32, #tpu.memory_space<vmem>>
    %dma_wait3A_95 = arith.constant 0 : i32
    %dma_wait3A_96 = arith.constant 0 : i32
    %dma_wait3A_97 = tpu.memref_slice %arg2[%dma_wait3A_95, %dma_wait3A_96] : memref<8192x128xbf16, #tpu.memory_space<hbm>> -> memref<8192x128xbf16, #tpu.memory_space<hbm>>
    tpu.wait_indirect_dma semaphore(%arg12 : memref<!tpu.dma_semaphore, #tpu.memory_space<semaphore_mem>>) src(%dma_wait3A_97 : memref<8192x128xbf16, #tpu.memory_space<hbm>>) dst(%arg8 : memref<256x128xbf16, #tpu.memory_space<vmem>>)
    %add3A_98 = arith.constant 1536 : i32
    %add3A_99 = arith.addi %mul3A_2, %add3A_98 : i32
    "tpu.region"() ({
      %run_scoped3A = tpu.sem_alloc : memref<!tpu.dma_semaphore, #tpu.memory_space<semaphore_mem>>
      %dma_start3A_193 = arith.constant 0 : i32
      %dma_start3A_194 = tpu.memref_slice %arg4[%add3A_99, %dma_start3A_193] : memref<131072x128xbf16, #tpu.memory_space<hbm>> -> memref<256x128xbf16, #tpu.memory_space<hbm>>
      %dma_start3A_195 = arith.constant 0 : i32
      %dma_start3A_196 = tpu.memref_slice %arg4[%add3A_99, %dma_start3A_195] : memref<131072x128xbf16, #tpu.memory_space<hbm>> -> memref<256x128xbf16, #tpu.memory_space<hbm>>
      tpu.enqueue_dma source(%arg8 : memref<256x128xbf16, #tpu.memory_space<vmem>>) target(%dma_start3A_196 : memref<256x128xbf16, #tpu.memory_space<hbm>>) target_semaphore(%run_scoped3A : memref<!tpu.dma_semaphore, #tpu.memory_space<semaphore_mem>>)
      %dma_wait3A_197 = arith.constant 0 : i32
      %dma_wait3A_198 = tpu.memref_slice %arg4[%add3A_99, %dma_wait3A_197] : memref<131072x128xbf16, #tpu.memory_space<hbm>> -> memref<256x128xbf16, #tpu.memory_space<hbm>>
      %dma_wait3A_199 = arith.constant 0 : i32
      %dma_wait3A_200 = tpu.memref_slice %arg4[%add3A_99, %dma_wait3A_199] : memref<131072x128xbf16, #tpu.memory_space<hbm>> -> memref<256x128xbf16, #tpu.memory_space<hbm>>
      tpu.wait_dma2 semaphore(%run_scoped3A : memref<!tpu.dma_semaphore, #tpu.memory_space<semaphore_mem>>) src(%arg8 : memref<256x128xbf16, #tpu.memory_space<vmem>>) dst(%dma_wait3A_200 : memref<256x128xbf16, #tpu.memory_space<hbm>>)
      tpu.yield
    }) : () -> ()
    %dma_start3A_100 = arith.constant 2560 : i32
    %dma_start3A_101 = tpu.memref_slice %arg5[%dma_start3A_100] : memref<4096xi32, #tpu.memory_space<vmem>> -> memref<256xi32, #tpu.memory_space<vmem>>
    %dma_start3A_102 = arith.constant 0 : i32
    %dma_start3A_103 = arith.constant 0 : i32
    %dma_start3A_104 = tpu.memref_slice %arg2[%dma_start3A_102, %dma_start3A_103] : memref<8192x128xbf16, #tpu.memory_space<hbm>> -> memref<8192x128xbf16, #tpu.memory_space<hbm>>
    tpu.enqueue_indirect_dma source(%dma_start3A_104 : memref<8192x128xbf16, #tpu.memory_space<hbm>>) target(%arg8 : memref<256x128xbf16, #tpu.memory_space<vmem>>) offsets(%dma_start3A_101 : memref<256xi32, #tpu.memory_space<vmem>>) semaphore(%arg12 : memref<!tpu.dma_semaphore, #tpu.memory_space<semaphore_mem>>)
    %dma_wait3A_105 = arith.constant 1792 : i32
    %dma_wait3A_106 = tpu.memref_slice %arg5[%dma_wait3A_105] : memref<4096xi32, #tpu.memory_space<vmem>> -> memref<256xi32, #tpu.memory_space<vmem>>
    %dma_wait3A_107 = arith.constant 0 : i32
    %dma_wait3A_108 = arith.constant 0 : i32
    %dma_wait3A_109 = tpu.memref_slice %arg2[%dma_wait3A_107, %dma_wait3A_108] : memref<8192x128xbf16, #tpu.memory_space<hbm>> -> memref<8192x128xbf16, #tpu.memory_space<hbm>>
    tpu.wait_indirect_dma semaphore(%arg13 : memref<!tpu.dma_semaphore, #tpu.memory_space<semaphore_mem>>) src(%dma_wait3A_109 : memref<8192x128xbf16, #tpu.memory_space<hbm>>) dst(%arg9 : memref<256x128xbf16, #tpu.memory_space<vmem>>)
    %add3A_110 = arith.constant 1792 : i32
    %add3A_111 = arith.addi %mul3A_2, %add3A_110 : i32
    "tpu.region"() ({
      %run_scoped3A = tpu.sem_alloc : memref<!tpu.dma_semaphore, #tpu.memory_space<semaphore_mem>>
      %dma_start3A_193 = arith.constant 0 : i32
      %dma_start3A_194 = tpu.memref_slice %arg4[%add3A_111, %dma_start3A_193] : memref<131072x128xbf16, #tpu.memory_space<hbm>> -> memref<256x128xbf16, #tpu.memory_space<hbm>>
      %dma_start3A_195 = arith.constant 0 : i32
      %dma_start3A_196 = tpu.memref_slice %arg4[%add3A_111, %dma_start3A_195] : memref<131072x128xbf16, #tpu.memory_space<hbm>> -> memref<256x128xbf16, #tpu.memory_space<hbm>>
      tpu.enqueue_dma source(%arg9 : memref<256x128xbf16, #tpu.memory_space<vmem>>) target(%dma_start3A_196 : memref<256x128xbf16, #tpu.memory_space<hbm>>) target_semaphore(%run_scoped3A : memref<!tpu.dma_semaphore, #tpu.memory_space<semaphore_mem>>)
      %dma_wait3A_197 = arith.constant 0 : i32
      %dma_wait3A_198 = tpu.memref_slice %arg4[%add3A_111, %dma_wait3A_197] : memref<131072x128xbf16, #tpu.memory_space<hbm>> -> memref<256x128xbf16, #tpu.memory_space<hbm>>
      %dma_wait3A_199 = arith.constant 0 : i32
      %dma_wait3A_200 = tpu.memref_slice %arg4[%add3A_111, %dma_wait3A_199] : memref<131072x128xbf16, #tpu.memory_space<hbm>> -> memref<256x128xbf16, #tpu.memory_space<hbm>>
      tpu.wait_dma2 semaphore(%run_scoped3A : memref<!tpu.dma_semaphore, #tpu.memory_space<semaphore_mem>>) src(%arg9 : memref<256x128xbf16, #tpu.memory_space<vmem>>) dst(%dma_wait3A_200 : memref<256x128xbf16, #tpu.memory_space<hbm>>)
      tpu.yield
    }) : () -> ()
    %dma_start3A_112 = arith.constant 2816 : i32
    %dma_start3A_113 = tpu.memref_slice %arg5[%dma_start3A_112] : memref<4096xi32, #tpu.memory_space<vmem>> -> memref<256xi32, #tpu.memory_space<vmem>>
    %dma_start3A_114 = arith.constant 0 : i32
    %dma_start3A_115 = arith.constant 0 : i32
    %dma_start3A_116 = tpu.memref_slice %arg2[%dma_start3A_114, %dma_start3A_115] : memref<8192x128xbf16, #tpu.memory_space<hbm>> -> memref<8192x128xbf16, #tpu.memory_space<hbm>>
    tpu.enqueue_indirect_dma source(%dma_start3A_116 : memref<8192x128xbf16, #tpu.memory_space<hbm>>) target(%arg9 : memref<256x128xbf16, #tpu.memory_space<vmem>>) offsets(%dma_start3A_113 : memref<256xi32, #tpu.memory_space<vmem>>) semaphore(%arg13 : memref<!tpu.dma_semaphore, #tpu.memory_space<semaphore_mem>>)
    %dma_wait3A_117 = arith.constant 2048 : i32
    %dma_wait3A_118 = tpu.memref_slice %arg5[%dma_wait3A_117] : memref<4096xi32, #tpu.memory_space<vmem>> -> memref<256xi32, #tpu.memory_space<vmem>>
    %dma_wait3A_119 = arith.constant 0 : i32
    %dma_wait3A_120 = arith.constant 0 : i32
    %dma_wait3A_121 = tpu.memref_slice %arg2[%dma_wait3A_119, %dma_wait3A_120] : memref<8192x128xbf16, #tpu.memory_space<hbm>> -> memref<8192x128xbf16, #tpu.memory_space<hbm>>
    tpu.wait_indirect_dma semaphore(%arg10 : memref<!tpu.dma_semaphore, #tpu.memory_space<semaphore_mem>>) src(%dma_wait3A_121 : memref<8192x128xbf16, #tpu.memory_space<hbm>>) dst(%arg6 : memref<256x128xbf16, #tpu.memory_space<vmem>>)
    %add3A_122 = arith.constant 2048 : i32
    %add3A_123 = arith.addi %mul3A_2, %add3A_122 : i32
    "tpu.region"() ({
      %run_scoped3A = tpu.sem_alloc : memref<!tpu.dma_semaphore, #tpu.memory_space<semaphore_mem>>
      %dma_start3A_193 = arith.constant 0 : i32
      %dma_start3A_194 = tpu.memref_slice %arg4[%add3A_123, %dma_start3A_193] : memref<131072x128xbf16, #tpu.memory_space<hbm>> -> memref<256x128xbf16, #tpu.memory_space<hbm>>
      %dma_start3A_195 = arith.constant 0 : i32
      %dma_start3A_196 = tpu.memref_slice %arg4[%add3A_123, %dma_start3A_195] : memref<131072x128xbf16, #tpu.memory_space<hbm>> -> memref<256x128xbf16, #tpu.memory_space<hbm>>
      tpu.enqueue_dma source(%arg6 : memref<256x128xbf16, #tpu.memory_space<vmem>>) target(%dma_start3A_196 : memref<256x128xbf16, #tpu.memory_space<hbm>>) target_semaphore(%run_scoped3A : memref<!tpu.dma_semaphore, #tpu.memory_space<semaphore_mem>>)
      %dma_wait3A_197 = arith.constant 0 : i32
      %dma_wait3A_198 = tpu.memref_slice %arg4[%add3A_123, %dma_wait3A_197] : memref<131072x128xbf16, #tpu.memory_space<hbm>> -> memref<256x128xbf16, #tpu.memory_space<hbm>>
      %dma_wait3A_199 = arith.constant 0 : i32
      %dma_wait3A_200 = tpu.memref_slice %arg4[%add3A_123, %dma_wait3A_199] : memref<131072x128xbf16, #tpu.memory_space<hbm>> -> memref<256x128xbf16, #tpu.memory_space<hbm>>
      tpu.wait_dma2 semaphore(%run_scoped3A : memref<!tpu.dma_semaphore, #tpu.memory_space<semaphore_mem>>) src(%arg6 : memref<256x128xbf16, #tpu.memory_space<vmem>>) dst(%dma_wait3A_200 : memref<256x128xbf16, #tpu.memory_space<hbm>>)
      tpu.yield
    }) : () -> ()
    %dma_start3A_124 = arith.constant 3072 : i32
    %dma_start3A_125 = tpu.memref_slice %arg5[%dma_start3A_124] : memref<4096xi32, #tpu.memory_space<vmem>> -> memref<256xi32, #tpu.memory_space<vmem>>
    %dma_start3A_126 = arith.constant 0 : i32
    %dma_start3A_127 = arith.constant 0 : i32
    %dma_start3A_128 = tpu.memref_slice %arg2[%dma_start3A_126, %dma_start3A_127] : memref<8192x128xbf16, #tpu.memory_space<hbm>> -> memref<8192x128xbf16, #tpu.memory_space<hbm>>
    tpu.enqueue_indirect_dma source(%dma_start3A_128 : memref<8192x128xbf16, #tpu.memory_space<hbm>>) target(%arg6 : memref<256x128xbf16, #tpu.memory_space<vmem>>) offsets(%dma_start3A_125 : memref<256xi32, #tpu.memory_space<vmem>>) semaphore(%arg10 : memref<!tpu.dma_semaphore, #tpu.memory_space<semaphore_mem>>)
    %dma_wait3A_129 = arith.constant 2304 : i32
    %dma_wait3A_130 = tpu.memref_slice %arg5[%dma_wait3A_129] : memref<4096xi32, #tpu.memory_space<vmem>> -> memref<256xi32, #tpu.memory_space<vmem>>
    %dma_wait3A_131 = arith.constant 0 : i32
    %dma_wait3A_132 = arith.constant 0 : i32
    %dma_wait3A_133 = tpu.memref_slice %arg2[%dma_wait3A_131, %dma_wait3A_132] : memref<8192x128xbf16, #tpu.memory_space<hbm>> -> memref<8192x128xbf16, #tpu.memory_space<hbm>>
    tpu.wait_indirect_dma semaphore(%arg11 : memref<!tpu.dma_semaphore, #tpu.memory_space<semaphore_mem>>) src(%dma_wait3A_133 : memref<8192x128xbf16, #tpu.memory_space<hbm>>) dst(%arg7 : memref<256x128xbf16, #tpu.memory_space<vmem>>)
    %add3A_134 = arith.constant 2304 : i32
    %add3A_135 = arith.addi %mul3A_2, %add3A_134 : i32
    "tpu.region"() ({
      %run_scoped3A = tpu.sem_alloc : memref<!tpu.dma_semaphore, #tpu.memory_space<semaphore_mem>>
      %dma_start3A_193 = arith.constant 0 : i32
      %dma_start3A_194 = tpu.memref_slice %arg4[%add3A_135, %dma_start3A_193] : memref<131072x128xbf16, #tpu.memory_space<hbm>> -> memref<256x128xbf16, #tpu.memory_space<hbm>>
      %dma_start3A_195 = arith.constant 0 : i32
      %dma_start3A_196 = tpu.memref_slice %arg4[%add3A_135, %dma_start3A_195] : memref<131072x128xbf16, #tpu.memory_space<hbm>> -> memref<256x128xbf16, #tpu.memory_space<hbm>>
      tpu.enqueue_dma source(%arg7 : memref<256x128xbf16, #tpu.memory_space<vmem>>) target(%dma_start3A_196 : memref<256x128xbf16, #tpu.memory_space<hbm>>) target_semaphore(%run_scoped3A : memref<!tpu.dma_semaphore, #tpu.memory_space<semaphore_mem>>)
      %dma_wait3A_197 = arith.constant 0 : i32
      %dma_wait3A_198 = tpu.memref_slice %arg4[%add3A_135, %dma_wait3A_197] : memref<131072x128xbf16, #tpu.memory_space<hbm>> -> memref<256x128xbf16, #tpu.memory_space<hbm>>
      %dma_wait3A_199 = arith.constant 0 : i32
      %dma_wait3A_200 = tpu.memref_slice %arg4[%add3A_135, %dma_wait3A_199] : memref<131072x128xbf16, #tpu.memory_space<hbm>> -> memref<256x128xbf16, #tpu.memory_space<hbm>>
      tpu.wait_dma2 semaphore(%run_scoped3A : memref<!tpu.dma_semaphore, #tpu.memory_space<semaphore_mem>>) src(%arg7 : memref<256x128xbf16, #tpu.memory_space<vmem>>) dst(%dma_wait3A_200 : memref<256x128xbf16, #tpu.memory_space<hbm>>)
      tpu.yield
    }) : () -> ()
    %dma_start3A_136 = arith.constant 3328 : i32
    %dma_start3A_137 = tpu.memref_slice %arg5[%dma_start3A_136] : memref<4096xi32, #tpu.memory_space<vmem>> -> memref<256xi32, #tpu.memory_space<vmem>>
    %dma_start3A_138 = arith.constant 0 : i32
    %dma_start3A_139 = arith.constant 0 : i32
    %dma_start3A_140 = tpu.memref_slice %arg2[%dma_start3A_138, %dma_start3A_139] : memref<8192x128xbf16, #tpu.memory_space<hbm>> -> memref<8192x128xbf16, #tpu.memory_space<hbm>>
    tpu.enqueue_indirect_dma source(%dma_start3A_140 : memref<8192x128xbf16, #tpu.memory_space<hbm>>) target(%arg7 : memref<256x128xbf16, #tpu.memory_space<vmem>>) offsets(%dma_start3A_137 : memref<256xi32, #tpu.memory_space<vmem>>) semaphore(%arg11 : memref<!tpu.dma_semaphore, #tpu.memory_space<semaphore_mem>>)
    %dma_wait3A_141 = arith.constant 2560 : i32
    %dma_wait3A_142 = tpu.memref_slice %arg5[%dma_wait3A_141] : memref<4096xi32, #tpu.memory_space<vmem>> -> memref<256xi32, #tpu.memory_space<vmem>>
    %dma_wait3A_143 = arith.constant 0 : i32
    %dma_wait3A_144 = arith.constant 0 : i32
    %dma_wait3A_145 = tpu.memref_slice %arg2[%dma_wait3A_143, %dma_wait3A_144] : memref<8192x128xbf16, #tpu.memory_space<hbm>> -> memref<8192x128xbf16, #tpu.memory_space<hbm>>
    tpu.wait_indirect_dma semaphore(%arg12 : memref<!tpu.dma_semaphore, #tpu.memory_space<semaphore_mem>>) src(%dma_wait3A_145 : memref<8192x128xbf16, #tpu.memory_space<hbm>>) dst(%arg8 : memref<256x128xbf16, #tpu.memory_space<vmem>>)
    %add3A_146 = arith.constant 2560 : i32
    %add3A_147 = arith.addi %mul3A_2, %add3A_146 : i32
    "tpu.region"() ({
      %run_scoped3A = tpu.sem_alloc : memref<!tpu.dma_semaphore, #tpu.memory_space<semaphore_mem>>
      %dma_start3A_193 = arith.constant 0 : i32
      %dma_start3A_194 = tpu.memref_slice %arg4[%add3A_147, %dma_start3A_193] : memref<131072x128xbf16, #tpu.memory_space<hbm>> -> memref<256x128xbf16, #tpu.memory_space<hbm>>
      %dma_start3A_195 = arith.constant 0 : i32
      %dma_start3A_196 = tpu.memref_slice %arg4[%add3A_147, %dma_start3A_195] : memref<131072x128xbf16, #tpu.memory_space<hbm>> -> memref<256x128xbf16, #tpu.memory_space<hbm>>
      tpu.enqueue_dma source(%arg8 : memref<256x128xbf16, #tpu.memory_space<vmem>>) target(%dma_start3A_196 : memref<256x128xbf16, #tpu.memory_space<hbm>>) target_semaphore(%run_scoped3A : memref<!tpu.dma_semaphore, #tpu.memory_space<semaphore_mem>>)
      %dma_wait3A_197 = arith.constant 0 : i32
      %dma_wait3A_198 = tpu.memref_slice %arg4[%add3A_147, %dma_wait3A_197] : memref<131072x128xbf16, #tpu.memory_space<hbm>> -> memref<256x128xbf16, #tpu.memory_space<hbm>>
      %dma_wait3A_199 = arith.constant 0 : i32
      %dma_wait3A_200 = tpu.memref_slice %arg4[%add3A_147, %dma_wait3A_199] : memref<131072x128xbf16, #tpu.memory_space<hbm>> -> memref<256x128xbf16, #tpu.memory_space<hbm>>
      tpu.wait_dma2 semaphore(%run_scoped3A : memref<!tpu.dma_semaphore, #tpu.memory_space<semaphore_mem>>) src(%arg8 : memref<256x128xbf16, #tpu.memory_space<vmem>>) dst(%dma_wait3A_200 : memref<256x128xbf16, #tpu.memory_space<hbm>>)
      tpu.yield
    }) : () -> ()
    %dma_start3A_148 = arith.constant 3584 : i32
    %dma_start3A_149 = tpu.memref_slice %arg5[%dma_start3A_148] : memref<4096xi32, #tpu.memory_space<vmem>> -> memref<256xi32, #tpu.memory_space<vmem>>
    %dma_start3A_150 = arith.constant 0 : i32
    %dma_start3A_151 = arith.constant 0 : i32
    %dma_start3A_152 = tpu.memref_slice %arg2[%dma_start3A_150, %dma_start3A_151] : memref<8192x128xbf16, #tpu.memory_space<hbm>> -> memref<8192x128xbf16, #tpu.memory_space<hbm>>
    tpu.enqueue_indirect_dma source(%dma_start3A_152 : memref<8192x128xbf16, #tpu.memory_space<hbm>>) target(%arg8 : memref<256x128xbf16, #tpu.memory_space<vmem>>) offsets(%dma_start3A_149 : memref<256xi32, #tpu.memory_space<vmem>>) semaphore(%arg12 : memref<!tpu.dma_semaphore, #tpu.memory_space<semaphore_mem>>)
    %dma_wait3A_153 = arith.constant 2816 : i32
    %dma_wait3A_154 = tpu.memref_slice %arg5[%dma_wait3A_153] : memref<4096xi32, #tpu.memory_space<vmem>> -> memref<256xi32, #tpu.memory_space<vmem>>
    %dma_wait3A_155 = arith.constant 0 : i32
    %dma_wait3A_156 = arith.constant 0 : i32
    %dma_wait3A_157 = tpu.memref_slice %arg2[%dma_wait3A_155, %dma_wait3A_156] : memref<8192x128xbf16, #tpu.memory_space<hbm>> -> memref<8192x128xbf16, #tpu.memory_space<hbm>>
    tpu.wait_indirect_dma semaphore(%arg13 : memref<!tpu.dma_semaphore, #tpu.memory_space<semaphore_mem>>) src(%dma_wait3A_157 : memref<8192x128xbf16, #tpu.memory_space<hbm>>) dst(%arg9 : memref<256x128xbf16, #tpu.memory_space<vmem>>)
    %add3A_158 = arith.constant 2816 : i32
    %add3A_159 = arith.addi %mul3A_2, %add3A_158 : i32
    "tpu.region"() ({
      %run_scoped3A = tpu.sem_alloc : memref<!tpu.dma_semaphore, #tpu.memory_space<semaphore_mem>>
      %dma_start3A_193 = arith.constant 0 : i32
      %dma_start3A_194 = tpu.memref_slice %arg4[%add3A_159, %dma_start3A_193] : memref<131072x128xbf16, #tpu.memory_space<hbm>> -> memref<256x128xbf16, #tpu.memory_space<hbm>>
      %dma_start3A_195 = arith.constant 0 : i32
      %dma_start3A_196 = tpu.memref_slice %arg4[%add3A_159, %dma_start3A_195] : memref<131072x128xbf16, #tpu.memory_space<hbm>> -> memref<256x128xbf16, #tpu.memory_space<hbm>>
      tpu.enqueue_dma source(%arg9 : memref<256x128xbf16, #tpu.memory_space<vmem>>) target(%dma_start3A_196 : memref<256x128xbf16, #tpu.memory_space<hbm>>) target_semaphore(%run_scoped3A : memref<!tpu.dma_semaphore, #tpu.memory_space<semaphore_mem>>)
      %dma_wait3A_197 = arith.constant 0 : i32
      %dma_wait3A_198 = tpu.memref_slice %arg4[%add3A_159, %dma_wait3A_197] : memref<131072x128xbf16, #tpu.memory_space<hbm>> -> memref<256x128xbf16, #tpu.memory_space<hbm>>
      %dma_wait3A_199 = arith.constant 0 : i32
      %dma_wait3A_200 = tpu.memref_slice %arg4[%add3A_159, %dma_wait3A_199] : memref<131072x128xbf16, #tpu.memory_space<hbm>> -> memref<256x128xbf16, #tpu.memory_space<hbm>>
      tpu.wait_dma2 semaphore(%run_scoped3A : memref<!tpu.dma_semaphore, #tpu.memory_space<semaphore_mem>>) src(%arg9 : memref<256x128xbf16, #tpu.memory_space<vmem>>) dst(%dma_wait3A_200 : memref<256x128xbf16, #tpu.memory_space<hbm>>)
      tpu.yield
    }) : () -> ()
    %dma_start3A_160 = arith.constant 3840 : i32
    %dma_start3A_161 = tpu.memref_slice %arg5[%dma_start3A_160] : memref<4096xi32, #tpu.memory_space<vmem>> -> memref<256xi32, #tpu.memory_space<vmem>>
    %dma_start3A_162 = arith.constant 0 : i32
    %dma_start3A_163 = arith.constant 0 : i32
    %dma_start3A_164 = tpu.memref_slice %arg2[%dma_start3A_162, %dma_start3A_163] : memref<8192x128xbf16, #tpu.memory_space<hbm>> -> memref<8192x128xbf16, #tpu.memory_space<hbm>>
    tpu.enqueue_indirect_dma source(%dma_start3A_164 : memref<8192x128xbf16, #tpu.memory_space<hbm>>) target(%arg9 : memref<256x128xbf16, #tpu.memory_space<vmem>>) offsets(%dma_start3A_161 : memref<256xi32, #tpu.memory_space<vmem>>) semaphore(%arg13 : memref<!tpu.dma_semaphore, #tpu.memory_space<semaphore_mem>>)
    %dma_wait3A_165 = arith.constant 3072 : i32
    %dma_wait3A_166 = tpu.memref_slice %arg5[%dma_wait3A_165] : memref<4096xi32, #tpu.memory_space<vmem>> -> memref<256xi32, #tpu.memory_space<vmem>>
    %dma_wait3A_167 = arith.constant 0 : i32
    %dma_wait3A_168 = arith.constant 0 : i32
    %dma_wait3A_169 = tpu.memref_slice %arg2[%dma_wait3A_167, %dma_wait3A_168] : memref<8192x128xbf16, #tpu.memory_space<hbm>> -> memref<8192x128xbf16, #tpu.memory_space<hbm>>
    tpu.wait_indirect_dma semaphore(%arg10 : memref<!tpu.dma_semaphore, #tpu.memory_space<semaphore_mem>>) src(%dma_wait3A_169 : memref<8192x128xbf16, #tpu.memory_space<hbm>>) dst(%arg6 : memref<256x128xbf16, #tpu.memory_space<vmem>>)
    %add3A_170 = arith.constant 3072 : i32
    %add3A_171 = arith.addi %mul3A_2, %add3A_170 : i32
    "tpu.region"() ({
      %run_scoped3A = tpu.sem_alloc : memref<!tpu.dma_semaphore, #tpu.memory_space<semaphore_mem>>
      %dma_start3A_193 = arith.constant 0 : i32
      %dma_start3A_194 = tpu.memref_slice %arg4[%add3A_171, %dma_start3A_193] : memref<131072x128xbf16, #tpu.memory_space<hbm>> -> memref<256x128xbf16, #tpu.memory_space<hbm>>
      %dma_start3A_195 = arith.constant 0 : i32
      %dma_start3A_196 = tpu.memref_slice %arg4[%add3A_171, %dma_start3A_195] : memref<131072x128xbf16, #tpu.memory_space<hbm>> -> memref<256x128xbf16, #tpu.memory_space<hbm>>
      tpu.enqueue_dma source(%arg6 : memref<256x128xbf16, #tpu.memory_space<vmem>>) target(%dma_start3A_196 : memref<256x128xbf16, #tpu.memory_space<hbm>>) target_semaphore(%run_scoped3A : memref<!tpu.dma_semaphore, #tpu.memory_space<semaphore_mem>>)
      %dma_wait3A_197 = arith.constant 0 : i32
      %dma_wait3A_198 = tpu.memref_slice %arg4[%add3A_171, %dma_wait3A_197] : memref<131072x128xbf16, #tpu.memory_space<hbm>> -> memref<256x128xbf16, #tpu.memory_space<hbm>>
      %dma_wait3A_199 = arith.constant 0 : i32
      %dma_wait3A_200 = tpu.memref_slice %arg4[%add3A_171, %dma_wait3A_199] : memref<131072x128xbf16, #tpu.memory_space<hbm>> -> memref<256x128xbf16, #tpu.memory_space<hbm>>
      tpu.wait_dma2 semaphore(%run_scoped3A : memref<!tpu.dma_semaphore, #tpu.memory_space<semaphore_mem>>) src(%arg6 : memref<256x128xbf16, #tpu.memory_space<vmem>>) dst(%dma_wait3A_200 : memref<256x128xbf16, #tpu.memory_space<hbm>>)
      tpu.yield
    }) : () -> ()
    %dma_wait3A_172 = arith.constant 3328 : i32
    %dma_wait3A_173 = tpu.memref_slice %arg5[%dma_wait3A_172] : memref<4096xi32, #tpu.memory_space<vmem>> -> memref<256xi32, #tpu.memory_space<vmem>>
    %dma_wait3A_174 = arith.constant 0 : i32
    %dma_wait3A_175 = arith.constant 0 : i32
    %dma_wait3A_176 = tpu.memref_slice %arg2[%dma_wait3A_174, %dma_wait3A_175] : memref<8192x128xbf16, #tpu.memory_space<hbm>> -> memref<8192x128xbf16, #tpu.memory_space<hbm>>
    tpu.wait_indirect_dma semaphore(%arg11 : memref<!tpu.dma_semaphore, #tpu.memory_space<semaphore_mem>>) src(%dma_wait3A_176 : memref<8192x128xbf16, #tpu.memory_space<hbm>>) dst(%arg7 : memref<256x128xbf16, #tpu.memory_space<vmem>>)
    %add3A_177 = arith.constant 3328 : i32
    %add3A_178 = arith.addi %mul3A_2, %add3A_177 : i32
    "tpu.region"() ({
      %run_scoped3A = tpu.sem_alloc : memref<!tpu.dma_semaphore, #tpu.memory_space<semaphore_mem>>
      %dma_start3A_193 = arith.constant 0 : i32
      %dma_start3A_194 = tpu.memref_slice %arg4[%add3A_178, %dma_start3A_193] : memref<131072x128xbf16, #tpu.memory_space<hbm>> -> memref<256x128xbf16, #tpu.memory_space<hbm>>
      %dma_start3A_195 = arith.constant 0 : i32
      %dma_start3A_196 = tpu.memref_slice %arg4[%add3A_178, %dma_start3A_195] : memref<131072x128xbf16, #tpu.memory_space<hbm>> -> memref<256x128xbf16, #tpu.memory_space<hbm>>
      tpu.enqueue_dma source(%arg7 : memref<256x128xbf16, #tpu.memory_space<vmem>>) target(%dma_start3A_196 : memref<256x128xbf16, #tpu.memory_space<hbm>>) target_semaphore(%run_scoped3A : memref<!tpu.dma_semaphore, #tpu.memory_space<semaphore_mem>>)
      %dma_wait3A_197 = arith.constant 0 : i32
      %dma_wait3A_198 = tpu.memref_slice %arg4[%add3A_178, %dma_wait3A_197] : memref<131072x128xbf16, #tpu.memory_space<hbm>> -> memref<256x128xbf16, #tpu.memory_space<hbm>>
      %dma_wait3A_199 = arith.constant 0 : i32
      %dma_wait3A_200 = tpu.memref_slice %arg4[%add3A_178, %dma_wait3A_199] : memref<131072x128xbf16, #tpu.memory_space<hbm>> -> memref<256x128xbf16, #tpu.memory_space<hbm>>
      tpu.wait_dma2 semaphore(%run_scoped3A : memref<!tpu.dma_semaphore, #tpu.memory_space<semaphore_mem>>) src(%arg7 : memref<256x128xbf16, #tpu.memory_space<vmem>>) dst(%dma_wait3A_200 : memref<256x128xbf16, #tpu.memory_space<hbm>>)
      tpu.yield
    }) : () -> ()
    %dma_wait3A_179 = arith.constant 3584 : i32
    %dma_wait3A_180 = tpu.memref_slice %arg5[%dma_wait3A_179] : memref<4096xi32, #tpu.memory_space<vmem>> -> memref<256xi32, #tpu.memory_space<vmem>>
    %dma_wait3A_181 = arith.constant 0 : i32
    %dma_wait3A_182 = arith.constant 0 : i32
    %dma_wait3A_183 = tpu.memref_slice %arg2[%dma_wait3A_181, %dma_wait3A_182] : memref<8192x128xbf16, #tpu.memory_space<hbm>> -> memref<8192x128xbf16, #tpu.memory_space<hbm>>
    tpu.wait_indirect_dma semaphore(%arg12 : memref<!tpu.dma_semaphore, #tpu.memory_space<semaphore_mem>>) src(%dma_wait3A_183 : memref<8192x128xbf16, #tpu.memory_space<hbm>>) dst(%arg8 : memref<256x128xbf16, #tpu.memory_space<vmem>>)
    %add3A_184 = arith.constant 3584 : i32
    %add3A_185 = arith.addi %mul3A_2, %add3A_184 : i32
    "tpu.region"() ({
      %run_scoped3A = tpu.sem_alloc : memref<!tpu.dma_semaphore, #tpu.memory_space<semaphore_mem>>
      %dma_start3A_193 = arith.constant 0 : i32
      %dma_start3A_194 = tpu.memref_slice %arg4[%add3A_185, %dma_start3A_193] : memref<131072x128xbf16, #tpu.memory_space<hbm>> -> memref<256x128xbf16, #tpu.memory_space<hbm>>
      %dma_start3A_195 = arith.constant 0 : i32
      %dma_start3A_196 = tpu.memref_slice %arg4[%add3A_185, %dma_start3A_195] : memref<131072x128xbf16, #tpu.memory_space<hbm>> -> memref<256x128xbf16, #tpu.memory_space<hbm>>
      tpu.enqueue_dma source(%arg8 : memref<256x128xbf16, #tpu.memory_space<vmem>>) target(%dma_start3A_196 : memref<256x128xbf16, #tpu.memory_space<hbm>>) target_semaphore(%run_scoped3A : memref<!tpu.dma_semaphore, #tpu.memory_space<semaphore_mem>>)
      %dma_wait3A_197 = arith.constant 0 : i32
      %dma_wait3A_198 = tpu.memref_slice %arg4[%add3A_185, %dma_wait3A_197] : memref<131072x128xbf16, #tpu.memory_space<hbm>> -> memref<256x128xbf16, #tpu.memory_space<hbm>>
      %dma_wait3A_199 = arith.constant 0 : i32
      %dma_wait3A_200 = tpu.memref_slice %arg4[%add3A_185, %dma_wait3A_199] : memref<131072x128xbf16, #tpu.memory_space<hbm>> -> memref<256x128xbf16, #tpu.memory_space<hbm>>
      tpu.wait_dma2 semaphore(%run_scoped3A : memref<!tpu.dma_semaphore, #tpu.memory_space<semaphore_mem>>) src(%arg8 : memref<256x128xbf16, #tpu.memory_space<vmem>>) dst(%dma_wait3A_200 : memref<256x128xbf16, #tpu.memory_space<hbm>>)
      tpu.yield
    }) : () -> ()
    %dma_wait3A_186 = arith.constant 3840 : i32
    %dma_wait3A_187 = tpu.memref_slice %arg5[%dma_wait3A_186] : memref<4096xi32, #tpu.memory_space<vmem>> -> memref<256xi32, #tpu.memory_space<vmem>>
    %dma_wait3A_188 = arith.constant 0 : i32
    %dma_wait3A_189 = arith.constant 0 : i32
    %dma_wait3A_190 = tpu.memref_slice %arg2[%dma_wait3A_188, %dma_wait3A_189] : memref<8192x128xbf16, #tpu.memory_space<hbm>> -> memref<8192x128xbf16, #tpu.memory_space<hbm>>
    tpu.wait_indirect_dma semaphore(%arg13 : memref<!tpu.dma_semaphore, #tpu.memory_space<semaphore_mem>>) src(%dma_wait3A_190 : memref<8192x128xbf16, #tpu.memory_space<hbm>>) dst(%arg9 : memref<256x128xbf16, #tpu.memory_space<vmem>>)
    %add3A_191 = arith.constant 3840 : i32
    %add3A_192 = arith.addi %mul3A_2, %add3A_191 : i32
    "tpu.region"() ({
      %run_scoped3A = tpu.sem_alloc : memref<!tpu.dma_semaphore, #tpu.memory_space<semaphore_mem>>
      %dma_start3A_193 = arith.constant 0 : i32
      %dma_start3A_194 = tpu.memref_slice %arg4[%add3A_192, %dma_start3A_193] : memref<131072x128xbf16, #tpu.memory_space<hbm>> -> memref<256x128xbf16, #tpu.memory_space<hbm>>
      %dma_start3A_195 = arith.constant 0 : i32
      %dma_start3A_196 = tpu.memref_slice %arg4[%add3A_192, %dma_start3A_195] : memref<131072x128xbf16, #tpu.memory_space<hbm>> -> memref<256x128xbf16, #tpu.memory_space<hbm>>
      tpu.enqueue_dma source(%arg9 : memref<256x128xbf16, #tpu.memory_space<vmem>>) target(%dma_start3A_196 : memref<256x128xbf16, #tpu.memory_space<hbm>>) target_semaphore(%run_scoped3A : memref<!tpu.dma_semaphore, #tpu.memory_space<semaphore_mem>>)
      %dma_wait3A_197 = arith.constant 0 : i32
      %dma_wait3A_198 = tpu.memref_slice %arg4[%add3A_192, %dma_wait3A_197] : memref<131072x128xbf16, #tpu.memory_space<hbm>> -> memref<256x128xbf16, #tpu.memory_space<hbm>>
      %dma_wait3A_199 = arith.constant 0 : i32
      %dma_wait3A_200 = tpu.memref_slice %arg4[%add3A_192, %dma_wait3A_199] : memref<131072x128xbf16, #tpu.memory_space<hbm>> -> memref<256x128xbf16, #tpu.memory_space<hbm>>
      tpu.wait_dma2 semaphore(%run_scoped3A : memref<!tpu.dma_semaphore, #tpu.memory_space<semaphore_mem>>) src(%arg9 : memref<256x128xbf16, #tpu.memory_space<vmem>>) dst(%dma_wait3A_200 : memref<256x128xbf16, #tpu.memory_space<hbm>>)
      tpu.yield
    }) : () -> ()
    return
  }
}

#map = affine_map<(d0, d1) -> (0, 0)>
#map1 = affine_map<(d0, d1) -> (0)>
module attributes {stable_mosaic.version = 14 : i64} {
  func.func @gather_k(%arg0: i32, %arg1: i32, %arg2: memref<8192x64xbf16, #tpu.memory_space<hbm>>, %arg3: memref<65536xi32, #tpu.memory_space<hbm>>, %arg4: memref<65536x64xbf16, #tpu.memory_space<hbm>>, %arg5: memref<2048xi32, #tpu.memory_space<vmem>>, %arg6: memref<512x64xbf16, #tpu.memory_space<vmem>>, %arg7: memref<512x64xbf16, #tpu.memory_space<vmem>>, %arg8: memref<512x64xbf16, #tpu.memory_space<vmem>>, %arg9: memref<512x64xbf16, #tpu.memory_space<vmem>>, %arg10: memref<!tpu.dma_semaphore, #tpu.memory_space<semaphore_mem>>, %arg11: memref<!tpu.dma_semaphore, #tpu.memory_space<semaphore_mem>>, %arg12: memref<!tpu.dma_semaphore, #tpu.memory_space<semaphore_mem>>, %arg13: memref<!tpu.dma_semaphore, #tpu.memory_space<semaphore_mem>>) attributes {dimension_semantics = [#tpu.dimension_semantics<core_parallel>, #tpu.dimension_semantics<subcore_parallel>], iteration_bounds = array<i64: 2, 16>, scalar_prefetch = 0 : i64, scratch_operands = 9 : i64, tpu.core_type = #tpu.core_type<sc_vector_subcore>, window_params = [{transform_indices = #map}, {transform_indices = #map1}, {transform_indices = #map}]} {
    %mul3A = arith.constant 2 : i32
    %mul3A_0 = arith.muli %arg1, %mul3A : i32
    %add3A = arith.addi %mul3A_0, %arg0 : i32
    %mul3A_1 = arith.constant 2048 : i32
    %mul3A_2 = arith.muli %add3A, %mul3A_1 : i32
    "tpu.region"() ({
      %run_scoped3A = tpu.sem_alloc : memref<!tpu.dma_semaphore, #tpu.memory_space<semaphore_mem>>
      %dma_start3A_49 = tpu.memref_slice %arg3[%mul3A_2] : memref<65536xi32, #tpu.memory_space<hbm>> -> memref<2048xi32, #tpu.memory_space<hbm>>
      %dma_start3A_50 = tpu.memref_slice %arg3[%mul3A_2] : memref<65536xi32, #tpu.memory_space<hbm>> -> memref<2048xi32, #tpu.memory_space<hbm>>
      tpu.enqueue_dma source(%dma_start3A_50 : memref<2048xi32, #tpu.memory_space<hbm>>) target(%arg5 : memref<2048xi32, #tpu.memory_space<vmem>>) target_semaphore(%run_scoped3A : memref<!tpu.dma_semaphore, #tpu.memory_space<semaphore_mem>>)
      %dma_wait3A_51 = tpu.memref_slice %arg3[%mul3A_2] : memref<65536xi32, #tpu.memory_space<hbm>> -> memref<2048xi32, #tpu.memory_space<hbm>>
      %dma_wait3A_52 = tpu.memref_slice %arg3[%mul3A_2] : memref<65536xi32, #tpu.memory_space<hbm>> -> memref<2048xi32, #tpu.memory_space<hbm>>
      tpu.wait_dma2 semaphore(%run_scoped3A : memref<!tpu.dma_semaphore, #tpu.memory_space<semaphore_mem>>) src(%dma_wait3A_52 : memref<2048xi32, #tpu.memory_space<hbm>>) dst(%arg5 : memref<2048xi32, #tpu.memory_space<vmem>>)
      tpu.yield
    }) : () -> ()
    %dma_start3A = arith.constant 0 : i32
    %dma_start3A_3 = tpu.memref_slice %arg5[%dma_start3A] : memref<2048xi32, #tpu.memory_space<vmem>> -> memref<512xi32, #tpu.memory_space<vmem>>
    %dma_start3A_4 = arith.constant 0 : i32
    %dma_start3A_5 = arith.constant 0 : i32
    %dma_start3A_6 = tpu.memref_slice %arg2[%dma_start3A_4, %dma_start3A_5] : memref<8192x64xbf16, #tpu.memory_space<hbm>> -> memref<8192x64xbf16, #tpu.memory_space<hbm>>
    tpu.enqueue_indirect_dma source(%dma_start3A_6 : memref<8192x64xbf16, #tpu.memory_space<hbm>>) target(%arg6 : memref<512x64xbf16, #tpu.memory_space<vmem>>) offsets(%dma_start3A_3 : memref<512xi32, #tpu.memory_space<vmem>>) semaphore(%arg10 : memref<!tpu.dma_semaphore, #tpu.memory_space<semaphore_mem>>)
    %dma_start3A_7 = arith.constant 512 : i32
    %dma_start3A_8 = tpu.memref_slice %arg5[%dma_start3A_7] : memref<2048xi32, #tpu.memory_space<vmem>> -> memref<512xi32, #tpu.memory_space<vmem>>
    %dma_start3A_9 = arith.constant 0 : i32
    %dma_start3A_10 = arith.constant 0 : i32
    %dma_start3A_11 = tpu.memref_slice %arg2[%dma_start3A_9, %dma_start3A_10] : memref<8192x64xbf16, #tpu.memory_space<hbm>> -> memref<8192x64xbf16, #tpu.memory_space<hbm>>
    tpu.enqueue_indirect_dma source(%dma_start3A_11 : memref<8192x64xbf16, #tpu.memory_space<hbm>>) target(%arg7 : memref<512x64xbf16, #tpu.memory_space<vmem>>) offsets(%dma_start3A_8 : memref<512xi32, #tpu.memory_space<vmem>>) semaphore(%arg11 : memref<!tpu.dma_semaphore, #tpu.memory_space<semaphore_mem>>)
    %dma_start3A_12 = arith.constant 1024 : i32
    %dma_start3A_13 = tpu.memref_slice %arg5[%dma_start3A_12] : memref<2048xi32, #tpu.memory_space<vmem>> -> memref<512xi32, #tpu.memory_space<vmem>>
    %dma_start3A_14 = arith.constant 0 : i32
    %dma_start3A_15 = arith.constant 0 : i32
    %dma_start3A_16 = tpu.memref_slice %arg2[%dma_start3A_14, %dma_start3A_15] : memref<8192x64xbf16, #tpu.memory_space<hbm>> -> memref<8192x64xbf16, #tpu.memory_space<hbm>>
    tpu.enqueue_indirect_dma source(%dma_start3A_16 : memref<8192x64xbf16, #tpu.memory_space<hbm>>) target(%arg8 : memref<512x64xbf16, #tpu.memory_space<vmem>>) offsets(%dma_start3A_13 : memref<512xi32, #tpu.memory_space<vmem>>) semaphore(%arg12 : memref<!tpu.dma_semaphore, #tpu.memory_space<semaphore_mem>>)
    %dma_start3A_17 = arith.constant 1536 : i32
    %dma_start3A_18 = tpu.memref_slice %arg5[%dma_start3A_17] : memref<2048xi32, #tpu.memory_space<vmem>> -> memref<512xi32, #tpu.memory_space<vmem>>
    %dma_start3A_19 = arith.constant 0 : i32
    %dma_start3A_20 = arith.constant 0 : i32
    %dma_start3A_21 = tpu.memref_slice %arg2[%dma_start3A_19, %dma_start3A_20] : memref<8192x64xbf16, #tpu.memory_space<hbm>> -> memref<8192x64xbf16, #tpu.memory_space<hbm>>
    tpu.enqueue_indirect_dma source(%dma_start3A_21 : memref<8192x64xbf16, #tpu.memory_space<hbm>>) target(%arg9 : memref<512x64xbf16, #tpu.memory_space<vmem>>) offsets(%dma_start3A_18 : memref<512xi32, #tpu.memory_space<vmem>>) semaphore(%arg13 : memref<!tpu.dma_semaphore, #tpu.memory_space<semaphore_mem>>)
    %dma_wait3A = arith.constant 0 : i32
    %dma_wait3A_22 = tpu.memref_slice %arg5[%dma_wait3A] : memref<2048xi32, #tpu.memory_space<vmem>> -> memref<512xi32, #tpu.memory_space<vmem>>
    %dma_wait3A_23 = arith.constant 0 : i32
    %dma_wait3A_24 = arith.constant 0 : i32
    %dma_wait3A_25 = tpu.memref_slice %arg2[%dma_wait3A_23, %dma_wait3A_24] : memref<8192x64xbf16, #tpu.memory_space<hbm>> -> memref<8192x64xbf16, #tpu.memory_space<hbm>>
    tpu.wait_indirect_dma semaphore(%arg10 : memref<!tpu.dma_semaphore, #tpu.memory_space<semaphore_mem>>) src(%dma_wait3A_25 : memref<8192x64xbf16, #tpu.memory_space<hbm>>) dst(%arg6 : memref<512x64xbf16, #tpu.memory_space<vmem>>)
    %add3A_26 = arith.constant 0 : i32
    %add3A_27 = arith.addi %mul3A_2, %add3A_26 : i32
    "tpu.region"() ({
      %run_scoped3A = tpu.sem_alloc : memref<!tpu.dma_semaphore, #tpu.memory_space<semaphore_mem>>
      %dma_start3A_49 = arith.constant 0 : i32
      %dma_start3A_50 = tpu.memref_slice %arg4[%add3A_27, %dma_start3A_49] : memref<65536x64xbf16, #tpu.memory_space<hbm>> -> memref<512x64xbf16, #tpu.memory_space<hbm>>
      %dma_start3A_51 = arith.constant 0 : i32
      %dma_start3A_52 = tpu.memref_slice %arg4[%add3A_27, %dma_start3A_51] : memref<65536x64xbf16, #tpu.memory_space<hbm>> -> memref<512x64xbf16, #tpu.memory_space<hbm>>
      tpu.enqueue_dma source(%arg6 : memref<512x64xbf16, #tpu.memory_space<vmem>>) target(%dma_start3A_52 : memref<512x64xbf16, #tpu.memory_space<hbm>>) target_semaphore(%run_scoped3A : memref<!tpu.dma_semaphore, #tpu.memory_space<semaphore_mem>>)
      %dma_wait3A_53 = arith.constant 0 : i32
      %dma_wait3A_54 = tpu.memref_slice %arg4[%add3A_27, %dma_wait3A_53] : memref<65536x64xbf16, #tpu.memory_space<hbm>> -> memref<512x64xbf16, #tpu.memory_space<hbm>>
      %dma_wait3A_55 = arith.constant 0 : i32
      %dma_wait3A_56 = tpu.memref_slice %arg4[%add3A_27, %dma_wait3A_55] : memref<65536x64xbf16, #tpu.memory_space<hbm>> -> memref<512x64xbf16, #tpu.memory_space<hbm>>
      tpu.wait_dma2 semaphore(%run_scoped3A : memref<!tpu.dma_semaphore, #tpu.memory_space<semaphore_mem>>) src(%arg6 : memref<512x64xbf16, #tpu.memory_space<vmem>>) dst(%dma_wait3A_56 : memref<512x64xbf16, #tpu.memory_space<hbm>>)
      tpu.yield
    }) : () -> ()
    %dma_wait3A_28 = arith.constant 512 : i32
    %dma_wait3A_29 = tpu.memref_slice %arg5[%dma_wait3A_28] : memref<2048xi32, #tpu.memory_space<vmem>> -> memref<512xi32, #tpu.memory_space<vmem>>
    %dma_wait3A_30 = arith.constant 0 : i32
    %dma_wait3A_31 = arith.constant 0 : i32
    %dma_wait3A_32 = tpu.memref_slice %arg2[%dma_wait3A_30, %dma_wait3A_31] : memref<8192x64xbf16, #tpu.memory_space<hbm>> -> memref<8192x64xbf16, #tpu.memory_space<hbm>>
    tpu.wait_indirect_dma semaphore(%arg11 : memref<!tpu.dma_semaphore, #tpu.memory_space<semaphore_mem>>) src(%dma_wait3A_32 : memref<8192x64xbf16, #tpu.memory_space<hbm>>) dst(%arg7 : memref<512x64xbf16, #tpu.memory_space<vmem>>)
    %add3A_33 = arith.constant 512 : i32
    %add3A_34 = arith.addi %mul3A_2, %add3A_33 : i32
    "tpu.region"() ({
      %run_scoped3A = tpu.sem_alloc : memref<!tpu.dma_semaphore, #tpu.memory_space<semaphore_mem>>
      %dma_start3A_49 = arith.constant 0 : i32
      %dma_start3A_50 = tpu.memref_slice %arg4[%add3A_34, %dma_start3A_49] : memref<65536x64xbf16, #tpu.memory_space<hbm>> -> memref<512x64xbf16, #tpu.memory_space<hbm>>
      %dma_start3A_51 = arith.constant 0 : i32
      %dma_start3A_52 = tpu.memref_slice %arg4[%add3A_34, %dma_start3A_51] : memref<65536x64xbf16, #tpu.memory_space<hbm>> -> memref<512x64xbf16, #tpu.memory_space<hbm>>
      tpu.enqueue_dma source(%arg7 : memref<512x64xbf16, #tpu.memory_space<vmem>>) target(%dma_start3A_52 : memref<512x64xbf16, #tpu.memory_space<hbm>>) target_semaphore(%run_scoped3A : memref<!tpu.dma_semaphore, #tpu.memory_space<semaphore_mem>>)
      %dma_wait3A_53 = arith.constant 0 : i32
      %dma_wait3A_54 = tpu.memref_slice %arg4[%add3A_34, %dma_wait3A_53] : memref<65536x64xbf16, #tpu.memory_space<hbm>> -> memref<512x64xbf16, #tpu.memory_space<hbm>>
      %dma_wait3A_55 = arith.constant 0 : i32
      %dma_wait3A_56 = tpu.memref_slice %arg4[%add3A_34, %dma_wait3A_55] : memref<65536x64xbf16, #tpu.memory_space<hbm>> -> memref<512x64xbf16, #tpu.memory_space<hbm>>
      tpu.wait_dma2 semaphore(%run_scoped3A : memref<!tpu.dma_semaphore, #tpu.memory_space<semaphore_mem>>) src(%arg7 : memref<512x64xbf16, #tpu.memory_space<vmem>>) dst(%dma_wait3A_56 : memref<512x64xbf16, #tpu.memory_space<hbm>>)
      tpu.yield
    }) : () -> ()
    %dma_wait3A_35 = arith.constant 1024 : i32
    %dma_wait3A_36 = tpu.memref_slice %arg5[%dma_wait3A_35] : memref<2048xi32, #tpu.memory_space<vmem>> -> memref<512xi32, #tpu.memory_space<vmem>>
    %dma_wait3A_37 = arith.constant 0 : i32
    %dma_wait3A_38 = arith.constant 0 : i32
    %dma_wait3A_39 = tpu.memref_slice %arg2[%dma_wait3A_37, %dma_wait3A_38] : memref<8192x64xbf16, #tpu.memory_space<hbm>> -> memref<8192x64xbf16, #tpu.memory_space<hbm>>
    tpu.wait_indirect_dma semaphore(%arg12 : memref<!tpu.dma_semaphore, #tpu.memory_space<semaphore_mem>>) src(%dma_wait3A_39 : memref<8192x64xbf16, #tpu.memory_space<hbm>>) dst(%arg8 : memref<512x64xbf16, #tpu.memory_space<vmem>>)
    %add3A_40 = arith.constant 1024 : i32
    %add3A_41 = arith.addi %mul3A_2, %add3A_40 : i32
    "tpu.region"() ({
      %run_scoped3A = tpu.sem_alloc : memref<!tpu.dma_semaphore, #tpu.memory_space<semaphore_mem>>
      %dma_start3A_49 = arith.constant 0 : i32
      %dma_start3A_50 = tpu.memref_slice %arg4[%add3A_41, %dma_start3A_49] : memref<65536x64xbf16, #tpu.memory_space<hbm>> -> memref<512x64xbf16, #tpu.memory_space<hbm>>
      %dma_start3A_51 = arith.constant 0 : i32
      %dma_start3A_52 = tpu.memref_slice %arg4[%add3A_41, %dma_start3A_51] : memref<65536x64xbf16, #tpu.memory_space<hbm>> -> memref<512x64xbf16, #tpu.memory_space<hbm>>
      tpu.enqueue_dma source(%arg8 : memref<512x64xbf16, #tpu.memory_space<vmem>>) target(%dma_start3A_52 : memref<512x64xbf16, #tpu.memory_space<hbm>>) target_semaphore(%run_scoped3A : memref<!tpu.dma_semaphore, #tpu.memory_space<semaphore_mem>>)
      %dma_wait3A_53 = arith.constant 0 : i32
      %dma_wait3A_54 = tpu.memref_slice %arg4[%add3A_41, %dma_wait3A_53] : memref<65536x64xbf16, #tpu.memory_space<hbm>> -> memref<512x64xbf16, #tpu.memory_space<hbm>>
      %dma_wait3A_55 = arith.constant 0 : i32
      %dma_wait3A_56 = tpu.memref_slice %arg4[%add3A_41, %dma_wait3A_55] : memref<65536x64xbf16, #tpu.memory_space<hbm>> -> memref<512x64xbf16, #tpu.memory_space<hbm>>
      tpu.wait_dma2 semaphore(%run_scoped3A : memref<!tpu.dma_semaphore, #tpu.memory_space<semaphore_mem>>) src(%arg8 : memref<512x64xbf16, #tpu.memory_space<vmem>>) dst(%dma_wait3A_56 : memref<512x64xbf16, #tpu.memory_space<hbm>>)
      tpu.yield
    }) : () -> ()
    %dma_wait3A_42 = arith.constant 1536 : i32
    %dma_wait3A_43 = tpu.memref_slice %arg5[%dma_wait3A_42] : memref<2048xi32, #tpu.memory_space<vmem>> -> memref<512xi32, #tpu.memory_space<vmem>>
    %dma_wait3A_44 = arith.constant 0 : i32
    %dma_wait3A_45 = arith.constant 0 : i32
    %dma_wait3A_46 = tpu.memref_slice %arg2[%dma_wait3A_44, %dma_wait3A_45] : memref<8192x64xbf16, #tpu.memory_space<hbm>> -> memref<8192x64xbf16, #tpu.memory_space<hbm>>
    tpu.wait_indirect_dma semaphore(%arg13 : memref<!tpu.dma_semaphore, #tpu.memory_space<semaphore_mem>>) src(%dma_wait3A_46 : memref<8192x64xbf16, #tpu.memory_space<hbm>>) dst(%arg9 : memref<512x64xbf16, #tpu.memory_space<vmem>>)
    %add3A_47 = arith.constant 1536 : i32
    %add3A_48 = arith.addi %mul3A_2, %add3A_47 : i32
    "tpu.region"() ({
      %run_scoped3A = tpu.sem_alloc : memref<!tpu.dma_semaphore, #tpu.memory_space<semaphore_mem>>
      %dma_start3A_49 = arith.constant 0 : i32
      %dma_start3A_50 = tpu.memref_slice %arg4[%add3A_48, %dma_start3A_49] : memref<65536x64xbf16, #tpu.memory_space<hbm>> -> memref<512x64xbf16, #tpu.memory_space<hbm>>
      %dma_start3A_51 = arith.constant 0 : i32
      %dma_start3A_52 = tpu.memref_slice %arg4[%add3A_48, %dma_start3A_51] : memref<65536x64xbf16, #tpu.memory_space<hbm>> -> memref<512x64xbf16, #tpu.memory_space<hbm>>
      tpu.enqueue_dma source(%arg9 : memref<512x64xbf16, #tpu.memory_space<vmem>>) target(%dma_start3A_52 : memref<512x64xbf16, #tpu.memory_space<hbm>>) target_semaphore(%run_scoped3A : memref<!tpu.dma_semaphore, #tpu.memory_space<semaphore_mem>>)
      %dma_wait3A_53 = arith.constant 0 : i32
      %dma_wait3A_54 = tpu.memref_slice %arg4[%add3A_48, %dma_wait3A_53] : memref<65536x64xbf16, #tpu.memory_space<hbm>> -> memref<512x64xbf16, #tpu.memory_space<hbm>>
      %dma_wait3A_55 = arith.constant 0 : i32
      %dma_wait3A_56 = tpu.memref_slice %arg4[%add3A_48, %dma_wait3A_55] : memref<65536x64xbf16, #tpu.memory_space<hbm>> -> memref<512x64xbf16, #tpu.memory_space<hbm>>
      tpu.wait_dma2 semaphore(%run_scoped3A : memref<!tpu.dma_semaphore, #tpu.memory_space<semaphore_mem>>) src(%arg9 : memref<512x64xbf16, #tpu.memory_space<vmem>>) dst(%dma_wait3A_56 : memref<512x64xbf16, #tpu.memory_space<hbm>>)
      tpu.yield
    }) : () -> ()
    return
  }
}

#map = affine_map<(d0, d1) -> (0, 0)>
#map1 = affine_map<(d0, d1) -> (0)>
module attributes {stable_mosaic.version = 14 : i64} {
  func.func @gather_k(%arg0: i32, %arg1: i32, %arg2: memref<8192x128xbf16, #tpu.memory_space<hbm>>, %arg3: memref<131072xi32, #tpu.memory_space<hbm>>, %arg4: memref<131072x128xbf16, #tpu.memory_space<hbm>>, %arg5: memref<4096xi32, #tpu.memory_space<vmem>>, %arg6: memref<256x128xbf16, #tpu.memory_space<vmem>>, %arg7: memref<256x128xbf16, #tpu.memory_space<vmem>>, %arg8: memref<256x128xbf16, #tpu.memory_space<vmem>>, %arg9: memref<256x128xbf16, #tpu.memory_space<vmem>>, %arg10: memref<!tpu.dma_semaphore, #tpu.memory_space<semaphore_mem>>, %arg11: memref<!tpu.dma_semaphore, #tpu.memory_space<semaphore_mem>>, %arg12: memref<!tpu.dma_semaphore, #tpu.memory_space<semaphore_mem>>, %arg13: memref<!tpu.dma_semaphore, #tpu.memory_space<semaphore_mem>>) attributes {dimension_semantics = [#tpu.dimension_semantics<core_parallel>, #tpu.dimension_semantics<subcore_parallel>], iteration_bounds = array<i64: 2, 16>, scalar_prefetch = 0 : i64, scratch_operands = 9 : i64, tpu.core_type = #tpu.core_type<sc_vector_subcore>, window_params = [{transform_indices = #map}, {transform_indices = #map1}, {transform_indices = #map}]} {
    %mul3A = arith.constant 2 : i32
    %mul3A_0 = arith.muli %arg1, %mul3A : i32
    %add3A = arith.addi %mul3A_0, %arg0 : i32
    %mul3A_1 = arith.constant 4096 : i32
    %mul3A_2 = arith.muli %add3A, %mul3A_1 : i32
    "tpu.region"() ({
      %run_scoped3A = tpu.sem_alloc : memref<!tpu.dma_semaphore, #tpu.memory_space<semaphore_mem>>
      %dma_start3A_193 = tpu.memref_slice %arg3[%mul3A_2] : memref<131072xi32, #tpu.memory_space<hbm>> -> memref<4096xi32, #tpu.memory_space<hbm>>
      %dma_start3A_194 = tpu.memref_slice %arg3[%mul3A_2] : memref<131072xi32, #tpu.memory_space<hbm>> -> memref<4096xi32, #tpu.memory_space<hbm>>
      tpu.enqueue_dma source(%dma_start3A_194 : memref<4096xi32, #tpu.memory_space<hbm>>) target(%arg5 : memref<4096xi32, #tpu.memory_space<vmem>>) target_semaphore(%run_scoped3A : memref<!tpu.dma_semaphore, #tpu.memory_space<semaphore_mem>>)
      %dma_wait3A_195 = tpu.memref_slice %arg3[%mul3A_2] : memref<131072xi32, #tpu.memory_space<hbm>> -> memref<4096xi32, #tpu.memory_space<hbm>>
      %dma_wait3A_196 = tpu.memref_slice %arg3[%mul3A_2] : memref<131072xi32, #tpu.memory_space<hbm>> -> memref<4096xi32, #tpu.memory_space<hbm>>
      tpu.wait_dma2 semaphore(%run_scoped3A : memref<!tpu.dma_semaphore, #tpu.memory_space<semaphore_mem>>) src(%dma_wait3A_196 : memref<4096xi32, #tpu.memory_space<hbm>>) dst(%arg5 : memref<4096xi32, #tpu.memory_space<vmem>>)
      tpu.yield
    }) : () -> ()
    %dma_start3A = arith.constant 0 : i32
    %dma_start3A_3 = tpu.memref_slice %arg5[%dma_start3A] : memref<4096xi32, #tpu.memory_space<vmem>> -> memref<256xi32, #tpu.memory_space<vmem>>
    %dma_start3A_4 = arith.constant 0 : i32
    %dma_start3A_5 = arith.constant 0 : i32
    %dma_start3A_6 = tpu.memref_slice %arg2[%dma_start3A_4, %dma_start3A_5] : memref<8192x128xbf16, #tpu.memory_space<hbm>> -> memref<8192x128xbf16, #tpu.memory_space<hbm>>
    tpu.enqueue_indirect_dma source(%dma_start3A_6 : memref<8192x128xbf16, #tpu.memory_space<hbm>>) target(%arg6 : memref<256x128xbf16, #tpu.memory_space<vmem>>) offsets(%dma_start3A_3 : memref<256xi32, #tpu.memory_space<vmem>>) semaphore(%arg10 : memref<!tpu.dma_semaphore, #tpu.memory_space<semaphore_mem>>)
    %dma_start3A_7 = arith.constant 256 : i32
    %dma_start3A_8 = tpu.memref_slice %arg5[%dma_start3A_7] : memref<4096xi32, #tpu.memory_space<vmem>> -> memref<256xi32, #tpu.memory_space<vmem>>
    %dma_start3A_9 = arith.constant 0 : i32
    %dma_start3A_10 = arith.constant 0 : i32
    %dma_start3A_11 = tpu.memref_slice %arg2[%dma_start3A_9, %dma_start3A_10] : memref<8192x128xbf16, #tpu.memory_space<hbm>> -> memref<8192x128xbf16, #tpu.memory_space<hbm>>
    tpu.enqueue_indirect_dma source(%dma_start3A_11 : memref<8192x128xbf16, #tpu.memory_space<hbm>>) target(%arg7 : memref<256x128xbf16, #tpu.memory_space<vmem>>) offsets(%dma_start3A_8 : memref<256xi32, #tpu.memory_space<vmem>>) semaphore(%arg11 : memref<!tpu.dma_semaphore, #tpu.memory_space<semaphore_mem>>)
    %dma_start3A_12 = arith.constant 512 : i32
    %dma_start3A_13 = tpu.memref_slice %arg5[%dma_start3A_12] : memref<4096xi32, #tpu.memory_space<vmem>> -> memref<256xi32, #tpu.memory_space<vmem>>
    %dma_start3A_14 = arith.constant 0 : i32
    %dma_start3A_15 = arith.constant 0 : i32
    %dma_start3A_16 = tpu.memref_slice %arg2[%dma_start3A_14, %dma_start3A_15] : memref<8192x128xbf16, #tpu.memory_space<hbm>> -> memref<8192x128xbf16, #tpu.memory_space<hbm>>
    tpu.enqueue_indirect_dma source(%dma_start3A_16 : memref<8192x128xbf16, #tpu.memory_space<hbm>>) target(%arg8 : memref<256x128xbf16, #tpu.memory_space<vmem>>) offsets(%dma_start3A_13 : memref<256xi32, #tpu.memory_space<vmem>>) semaphore(%arg12 : memref<!tpu.dma_semaphore, #tpu.memory_space<semaphore_mem>>)
    %dma_start3A_17 = arith.constant 768 : i32
    %dma_start3A_18 = tpu.memref_slice %arg5[%dma_start3A_17] : memref<4096xi32, #tpu.memory_space<vmem>> -> memref<256xi32, #tpu.memory_space<vmem>>
    %dma_start3A_19 = arith.constant 0 : i32
    %dma_start3A_20 = arith.constant 0 : i32
    %dma_start3A_21 = tpu.memref_slice %arg2[%dma_start3A_19, %dma_start3A_20] : memref<8192x128xbf16, #tpu.memory_space<hbm>> -> memref<8192x128xbf16, #tpu.memory_space<hbm>>
    tpu.enqueue_indirect_dma source(%dma_start3A_21 : memref<8192x128xbf16, #tpu.memory_space<hbm>>) target(%arg9 : memref<256x128xbf16, #tpu.memory_space<vmem>>) offsets(%dma_start3A_18 : memref<256xi32, #tpu.memory_space<vmem>>) semaphore(%arg13 : memref<!tpu.dma_semaphore, #tpu.memory_space<semaphore_mem>>)
    %dma_wait3A = arith.constant 0 : i32
    %dma_wait3A_22 = tpu.memref_slice %arg5[%dma_wait3A] : memref<4096xi32, #tpu.memory_space<vmem>> -> memref<256xi32, #tpu.memory_space<vmem>>
    %dma_wait3A_23 = arith.constant 0 : i32
    %dma_wait3A_24 = arith.constant 0 : i32
    %dma_wait3A_25 = tpu.memref_slice %arg2[%dma_wait3A_23, %dma_wait3A_24] : memref<8192x128xbf16, #tpu.memory_space<hbm>> -> memref<8192x128xbf16, #tpu.memory_space<hbm>>
    tpu.wait_indirect_dma semaphore(%arg10 : memref<!tpu.dma_semaphore, #tpu.memory_space<semaphore_mem>>) src(%dma_wait3A_25 : memref<8192x128xbf16, #tpu.memory_space<hbm>>) dst(%arg6 : memref<256x128xbf16, #tpu.memory_space<vmem>>)
    %add3A_26 = arith.constant 0 : i32
    %add3A_27 = arith.addi %mul3A_2, %add3A_26 : i32
    "tpu.region"() ({
      %run_scoped3A = tpu.sem_alloc : memref<!tpu.dma_semaphore, #tpu.memory_space<semaphore_mem>>
      %dma_start3A_193 = arith.constant 0 : i32
      %dma_start3A_194 = tpu.memref_slice %arg4[%add3A_27, %dma_start3A_193] : memref<131072x128xbf16, #tpu.memory_space<hbm>> -> memref<256x128xbf16, #tpu.memory_space<hbm>>
      %dma_start3A_195 = arith.constant 0 : i32
      %dma_start3A_196 = tpu.memref_slice %arg4[%add3A_27, %dma_start3A_195] : memref<131072x128xbf16, #tpu.memory_space<hbm>> -> memref<256x128xbf16, #tpu.memory_space<hbm>>
      tpu.enqueue_dma source(%arg6 : memref<256x128xbf16, #tpu.memory_space<vmem>>) target(%dma_start3A_196 : memref<256x128xbf16, #tpu.memory_space<hbm>>) target_semaphore(%run_scoped3A : memref<!tpu.dma_semaphore, #tpu.memory_space<semaphore_mem>>)
      %dma_wait3A_197 = arith.constant 0 : i32
      %dma_wait3A_198 = tpu.memref_slice %arg4[%add3A_27, %dma_wait3A_197] : memref<131072x128xbf16, #tpu.memory_space<hbm>> -> memref<256x128xbf16, #tpu.memory_space<hbm>>
      %dma_wait3A_199 = arith.constant 0 : i32
      %dma_wait3A_200 = tpu.memref_slice %arg4[%add3A_27, %dma_wait3A_199] : memref<131072x128xbf16, #tpu.memory_space<hbm>> -> memref<256x128xbf16, #tpu.memory_space<hbm>>
      tpu.wait_dma2 semaphore(%run_scoped3A : memref<!tpu.dma_semaphore, #tpu.memory_space<semaphore_mem>>) src(%arg6 : memref<256x128xbf16, #tpu.memory_space<vmem>>) dst(%dma_wait3A_200 : memref<256x128xbf16, #tpu.memory_space<hbm>>)
      tpu.yield
    }) : () -> ()
    %dma_start3A_28 = arith.constant 1024 : i32
    %dma_start3A_29 = tpu.memref_slice %arg5[%dma_start3A_28] : memref<4096xi32, #tpu.memory_space<vmem>> -> memref<256xi32, #tpu.memory_space<vmem>>
    %dma_start3A_30 = arith.constant 0 : i32
    %dma_start3A_31 = arith.constant 0 : i32
    %dma_start3A_32 = tpu.memref_slice %arg2[%dma_start3A_30, %dma_start3A_31] : memref<8192x128xbf16, #tpu.memory_space<hbm>> -> memref<8192x128xbf16, #tpu.memory_space<hbm>>
    tpu.enqueue_indirect_dma source(%dma_start3A_32 : memref<8192x128xbf16, #tpu.memory_space<hbm>>) target(%arg6 : memref<256x128xbf16, #tpu.memory_space<vmem>>) offsets(%dma_start3A_29 : memref<256xi32, #tpu.memory_space<vmem>>) semaphore(%arg10 : memref<!tpu.dma_semaphore, #tpu.memory_space<semaphore_mem>>)
    %dma_wait3A_33 = arith.constant 256 : i32
    %dma_wait3A_34 = tpu.memref_slice %arg5[%dma_wait3A_33] : memref<4096xi32, #tpu.memory_space<vmem>> -> memref<256xi32, #tpu.memory_space<vmem>>
    %dma_wait3A_35 = arith.constant 0 : i32
    %dma_wait3A_36 = arith.constant 0 : i32
    %dma_wait3A_37 = tpu.memref_slice %arg2[%dma_wait3A_35, %dma_wait3A_36] : memref<8192x128xbf16, #tpu.memory_space<hbm>> -> memref<8192x128xbf16, #tpu.memory_space<hbm>>
    tpu.wait_indirect_dma semaphore(%arg11 : memref<!tpu.dma_semaphore, #tpu.memory_space<semaphore_mem>>) src(%dma_wait3A_37 : memref<8192x128xbf16, #tpu.memory_space<hbm>>) dst(%arg7 : memref<256x128xbf16, #tpu.memory_space<vmem>>)
    %add3A_38 = arith.constant 256 : i32
    %add3A_39 = arith.addi %mul3A_2, %add3A_38 : i32
    "tpu.region"() ({
      %run_scoped3A = tpu.sem_alloc : memref<!tpu.dma_semaphore, #tpu.memory_space<semaphore_mem>>
      %dma_start3A_193 = arith.constant 0 : i32
      %dma_start3A_194 = tpu.memref_slice %arg4[%add3A_39, %dma_start3A_193] : memref<131072x128xbf16, #tpu.memory_space<hbm>> -> memref<256x128xbf16, #tpu.memory_space<hbm>>
      %dma_start3A_195 = arith.constant 0 : i32
      %dma_start3A_196 = tpu.memref_slice %arg4[%add3A_39, %dma_start3A_195] : memref<131072x128xbf16, #tpu.memory_space<hbm>> -> memref<256x128xbf16, #tpu.memory_space<hbm>>
      tpu.enqueue_dma source(%arg7 : memref<256x128xbf16, #tpu.memory_space<vmem>>) target(%dma_start3A_196 : memref<256x128xbf16, #tpu.memory_space<hbm>>) target_semaphore(%run_scoped3A : memref<!tpu.dma_semaphore, #tpu.memory_space<semaphore_mem>>)
      %dma_wait3A_197 = arith.constant 0 : i32
      %dma_wait3A_198 = tpu.memref_slice %arg4[%add3A_39, %dma_wait3A_197] : memref<131072x128xbf16, #tpu.memory_space<hbm>> -> memref<256x128xbf16, #tpu.memory_space<hbm>>
      %dma_wait3A_199 = arith.constant 0 : i32
      %dma_wait3A_200 = tpu.memref_slice %arg4[%add3A_39, %dma_wait3A_199] : memref<131072x128xbf16, #tpu.memory_space<hbm>> -> memref<256x128xbf16, #tpu.memory_space<hbm>>
      tpu.wait_dma2 semaphore(%run_scoped3A : memref<!tpu.dma_semaphore, #tpu.memory_space<semaphore_mem>>) src(%arg7 : memref<256x128xbf16, #tpu.memory_space<vmem>>) dst(%dma_wait3A_200 : memref<256x128xbf16, #tpu.memory_space<hbm>>)
      tpu.yield
    }) : () -> ()
    %dma_start3A_40 = arith.constant 1280 : i32
    %dma_start3A_41 = tpu.memref_slice %arg5[%dma_start3A_40] : memref<4096xi32, #tpu.memory_space<vmem>> -> memref<256xi32, #tpu.memory_space<vmem>>
    %dma_start3A_42 = arith.constant 0 : i32
    %dma_start3A_43 = arith.constant 0 : i32
    %dma_start3A_44 = tpu.memref_slice %arg2[%dma_start3A_42, %dma_start3A_43] : memref<8192x128xbf16, #tpu.memory_space<hbm>> -> memref<8192x128xbf16, #tpu.memory_space<hbm>>
    tpu.enqueue_indirect_dma source(%dma_start3A_44 : memref<8192x128xbf16, #tpu.memory_space<hbm>>) target(%arg7 : memref<256x128xbf16, #tpu.memory_space<vmem>>) offsets(%dma_start3A_41 : memref<256xi32, #tpu.memory_space<vmem>>) semaphore(%arg11 : memref<!tpu.dma_semaphore, #tpu.memory_space<semaphore_mem>>)
    %dma_wait3A_45 = arith.constant 512 : i32
    %dma_wait3A_46 = tpu.memref_slice %arg5[%dma_wait3A_45] : memref<4096xi32, #tpu.memory_space<vmem>> -> memref<256xi32, #tpu.memory_space<vmem>>
    %dma_wait3A_47 = arith.constant 0 : i32
    %dma_wait3A_48 = arith.constant 0 : i32
    %dma_wait3A_49 = tpu.memref_slice %arg2[%dma_wait3A_47, %dma_wait3A_48] : memref<8192x128xbf16, #tpu.memory_space<hbm>> -> memref<8192x128xbf16, #tpu.memory_space<hbm>>
    tpu.wait_indirect_dma semaphore(%arg12 : memref<!tpu.dma_semaphore, #tpu.memory_space<semaphore_mem>>) src(%dma_wait3A_49 : memref<8192x128xbf16, #tpu.memory_space<hbm>>) dst(%arg8 : memref<256x128xbf16, #tpu.memory_space<vmem>>)
    %add3A_50 = arith.constant 512 : i32
    %add3A_51 = arith.addi %mul3A_2, %add3A_50 : i32
    "tpu.region"() ({
      %run_scoped3A = tpu.sem_alloc : memref<!tpu.dma_semaphore, #tpu.memory_space<semaphore_mem>>
      %dma_start3A_193 = arith.constant 0 : i32
      %dma_start3A_194 = tpu.memref_slice %arg4[%add3A_51, %dma_start3A_193] : memref<131072x128xbf16, #tpu.memory_space<hbm>> -> memref<256x128xbf16, #tpu.memory_space<hbm>>
      %dma_start3A_195 = arith.constant 0 : i32
      %dma_start3A_196 = tpu.memref_slice %arg4[%add3A_51, %dma_start3A_195] : memref<131072x128xbf16, #tpu.memory_space<hbm>> -> memref<256x128xbf16, #tpu.memory_space<hbm>>
      tpu.enqueue_dma source(%arg8 : memref<256x128xbf16, #tpu.memory_space<vmem>>) target(%dma_start3A_196 : memref<256x128xbf16, #tpu.memory_space<hbm>>) target_semaphore(%run_scoped3A : memref<!tpu.dma_semaphore, #tpu.memory_space<semaphore_mem>>)
      %dma_wait3A_197 = arith.constant 0 : i32
      %dma_wait3A_198 = tpu.memref_slice %arg4[%add3A_51, %dma_wait3A_197] : memref<131072x128xbf16, #tpu.memory_space<hbm>> -> memref<256x128xbf16, #tpu.memory_space<hbm>>
      %dma_wait3A_199 = arith.constant 0 : i32
      %dma_wait3A_200 = tpu.memref_slice %arg4[%add3A_51, %dma_wait3A_199] : memref<131072x128xbf16, #tpu.memory_space<hbm>> -> memref<256x128xbf16, #tpu.memory_space<hbm>>
      tpu.wait_dma2 semaphore(%run_scoped3A : memref<!tpu.dma_semaphore, #tpu.memory_space<semaphore_mem>>) src(%arg8 : memref<256x128xbf16, #tpu.memory_space<vmem>>) dst(%dma_wait3A_200 : memref<256x128xbf16, #tpu.memory_space<hbm>>)
      tpu.yield
    }) : () -> ()
    %dma_start3A_52 = arith.constant 1536 : i32
    %dma_start3A_53 = tpu.memref_slice %arg5[%dma_start3A_52] : memref<4096xi32, #tpu.memory_space<vmem>> -> memref<256xi32, #tpu.memory_space<vmem>>
    %dma_start3A_54 = arith.constant 0 : i32
    %dma_start3A_55 = arith.constant 0 : i32
    %dma_start3A_56 = tpu.memref_slice %arg2[%dma_start3A_54, %dma_start3A_55] : memref<8192x128xbf16, #tpu.memory_space<hbm>> -> memref<8192x128xbf16, #tpu.memory_space<hbm>>
    tpu.enqueue_indirect_dma source(%dma_start3A_56 : memref<8192x128xbf16, #tpu.memory_space<hbm>>) target(%arg8 : memref<256x128xbf16, #tpu.memory_space<vmem>>) offsets(%dma_start3A_53 : memref<256xi32, #tpu.memory_space<vmem>>) semaphore(%arg12 : memref<!tpu.dma_semaphore, #tpu.memory_space<semaphore_mem>>)
    %dma_wait3A_57 = arith.constant 768 : i32
    %dma_wait3A_58 = tpu.memref_slice %arg5[%dma_wait3A_57] : memref<4096xi32, #tpu.memory_space<vmem>> -> memref<256xi32, #tpu.memory_space<vmem>>
    %dma_wait3A_59 = arith.constant 0 : i32
    %dma_wait3A_60 = arith.constant 0 : i32
    %dma_wait3A_61 = tpu.memref_slice %arg2[%dma_wait3A_59, %dma_wait3A_60] : memref<8192x128xbf16, #tpu.memory_space<hbm>> -> memref<8192x128xbf16, #tpu.memory_space<hbm>>
    tpu.wait_indirect_dma semaphore(%arg13 : memref<!tpu.dma_semaphore, #tpu.memory_space<semaphore_mem>>) src(%dma_wait3A_61 : memref<8192x128xbf16, #tpu.memory_space<hbm>>) dst(%arg9 : memref<256x128xbf16, #tpu.memory_space<vmem>>)
    %add3A_62 = arith.constant 768 : i32
    %add3A_63 = arith.addi %mul3A_2, %add3A_62 : i32
    "tpu.region"() ({
      %run_scoped3A = tpu.sem_alloc : memref<!tpu.dma_semaphore, #tpu.memory_space<semaphore_mem>>
      %dma_start3A_193 = arith.constant 0 : i32
      %dma_start3A_194 = tpu.memref_slice %arg4[%add3A_63, %dma_start3A_193] : memref<131072x128xbf16, #tpu.memory_space<hbm>> -> memref<256x128xbf16, #tpu.memory_space<hbm>>
      %dma_start3A_195 = arith.constant 0 : i32
      %dma_start3A_196 = tpu.memref_slice %arg4[%add3A_63, %dma_start3A_195] : memref<131072x128xbf16, #tpu.memory_space<hbm>> -> memref<256x128xbf16, #tpu.memory_space<hbm>>
      tpu.enqueue_dma source(%arg9 : memref<256x128xbf16, #tpu.memory_space<vmem>>) target(%dma_start3A_196 : memref<256x128xbf16, #tpu.memory_space<hbm>>) target_semaphore(%run_scoped3A : memref<!tpu.dma_semaphore, #tpu.memory_space<semaphore_mem>>)
      %dma_wait3A_197 = arith.constant 0 : i32
      %dma_wait3A_198 = tpu.memref_slice %arg4[%add3A_63, %dma_wait3A_197] : memref<131072x128xbf16, #tpu.memory_space<hbm>> -> memref<256x128xbf16, #tpu.memory_space<hbm>>
      %dma_wait3A_199 = arith.constant 0 : i32
      %dma_wait3A_200 = tpu.memref_slice %arg4[%add3A_63, %dma_wait3A_199] : memref<131072x128xbf16, #tpu.memory_space<hbm>> -> memref<256x128xbf16, #tpu.memory_space<hbm>>
      tpu.wait_dma2 semaphore(%run_scoped3A : memref<!tpu.dma_semaphore, #tpu.memory_space<semaphore_mem>>) src(%arg9 : memref<256x128xbf16, #tpu.memory_space<vmem>>) dst(%dma_wait3A_200 : memref<256x128xbf16, #tpu.memory_space<hbm>>)
      tpu.yield
    }) : () -> ()
    %dma_start3A_64 = arith.constant 1792 : i32
    %dma_start3A_65 = tpu.memref_slice %arg5[%dma_start3A_64] : memref<4096xi32, #tpu.memory_space<vmem>> -> memref<256xi32, #tpu.memory_space<vmem>>
    %dma_start3A_66 = arith.constant 0 : i32
    %dma_start3A_67 = arith.constant 0 : i32
    %dma_start3A_68 = tpu.memref_slice %arg2[%dma_start3A_66, %dma_start3A_67] : memref<8192x128xbf16, #tpu.memory_space<hbm>> -> memref<8192x128xbf16, #tpu.memory_space<hbm>>
    tpu.enqueue_indirect_dma source(%dma_start3A_68 : memref<8192x128xbf16, #tpu.memory_space<hbm>>) target(%arg9 : memref<256x128xbf16, #tpu.memory_space<vmem>>) offsets(%dma_start3A_65 : memref<256xi32, #tpu.memory_space<vmem>>) semaphore(%arg13 : memref<!tpu.dma_semaphore, #tpu.memory_space<semaphore_mem>>)
    %dma_wait3A_69 = arith.constant 1024 : i32
    %dma_wait3A_70 = tpu.memref_slice %arg5[%dma_wait3A_69] : memref<4096xi32, #tpu.memory_space<vmem>> -> memref<256xi32, #tpu.memory_space<vmem>>
    %dma_wait3A_71 = arith.constant 0 : i32
    %dma_wait3A_72 = arith.constant 0 : i32
    %dma_wait3A_73 = tpu.memref_slice %arg2[%dma_wait3A_71, %dma_wait3A_72] : memref<8192x128xbf16, #tpu.memory_space<hbm>> -> memref<8192x128xbf16, #tpu.memory_space<hbm>>
    tpu.wait_indirect_dma semaphore(%arg10 : memref<!tpu.dma_semaphore, #tpu.memory_space<semaphore_mem>>) src(%dma_wait3A_73 : memref<8192x128xbf16, #tpu.memory_space<hbm>>) dst(%arg6 : memref<256x128xbf16, #tpu.memory_space<vmem>>)
    %add3A_74 = arith.constant 1024 : i32
    %add3A_75 = arith.addi %mul3A_2, %add3A_74 : i32
    "tpu.region"() ({
      %run_scoped3A = tpu.sem_alloc : memref<!tpu.dma_semaphore, #tpu.memory_space<semaphore_mem>>
      %dma_start3A_193 = arith.constant 0 : i32
      %dma_start3A_194 = tpu.memref_slice %arg4[%add3A_75, %dma_start3A_193] : memref<131072x128xbf16, #tpu.memory_space<hbm>> -> memref<256x128xbf16, #tpu.memory_space<hbm>>
      %dma_start3A_195 = arith.constant 0 : i32
      %dma_start3A_196 = tpu.memref_slice %arg4[%add3A_75, %dma_start3A_195] : memref<131072x128xbf16, #tpu.memory_space<hbm>> -> memref<256x128xbf16, #tpu.memory_space<hbm>>
      tpu.enqueue_dma source(%arg6 : memref<256x128xbf16, #tpu.memory_space<vmem>>) target(%dma_start3A_196 : memref<256x128xbf16, #tpu.memory_space<hbm>>) target_semaphore(%run_scoped3A : memref<!tpu.dma_semaphore, #tpu.memory_space<semaphore_mem>>)
      %dma_wait3A_197 = arith.constant 0 : i32
      %dma_wait3A_198 = tpu.memref_slice %arg4[%add3A_75, %dma_wait3A_197] : memref<131072x128xbf16, #tpu.memory_space<hbm>> -> memref<256x128xbf16, #tpu.memory_space<hbm>>
      %dma_wait3A_199 = arith.constant 0 : i32
      %dma_wait3A_200 = tpu.memref_slice %arg4[%add3A_75, %dma_wait3A_199] : memref<131072x128xbf16, #tpu.memory_space<hbm>> -> memref<256x128xbf16, #tpu.memory_space<hbm>>
      tpu.wait_dma2 semaphore(%run_scoped3A : memref<!tpu.dma_semaphore, #tpu.memory_space<semaphore_mem>>) src(%arg6 : memref<256x128xbf16, #tpu.memory_space<vmem>>) dst(%dma_wait3A_200 : memref<256x128xbf16, #tpu.memory_space<hbm>>)
      tpu.yield
    }) : () -> ()
    %dma_start3A_76 = arith.constant 2048 : i32
    %dma_start3A_77 = tpu.memref_slice %arg5[%dma_start3A_76] : memref<4096xi32, #tpu.memory_space<vmem>> -> memref<256xi32, #tpu.memory_space<vmem>>
    %dma_start3A_78 = arith.constant 0 : i32
    %dma_start3A_79 = arith.constant 0 : i32
    %dma_start3A_80 = tpu.memref_slice %arg2[%dma_start3A_78, %dma_start3A_79] : memref<8192x128xbf16, #tpu.memory_space<hbm>> -> memref<8192x128xbf16, #tpu.memory_space<hbm>>
    tpu.enqueue_indirect_dma source(%dma_start3A_80 : memref<8192x128xbf16, #tpu.memory_space<hbm>>) target(%arg6 : memref<256x128xbf16, #tpu.memory_space<vmem>>) offsets(%dma_start3A_77 : memref<256xi32, #tpu.memory_space<vmem>>) semaphore(%arg10 : memref<!tpu.dma_semaphore, #tpu.memory_space<semaphore_mem>>)
    %dma_wait3A_81 = arith.constant 1280 : i32
    %dma_wait3A_82 = tpu.memref_slice %arg5[%dma_wait3A_81] : memref<4096xi32, #tpu.memory_space<vmem>> -> memref<256xi32, #tpu.memory_space<vmem>>
    %dma_wait3A_83 = arith.constant 0 : i32
    %dma_wait3A_84 = arith.constant 0 : i32
    %dma_wait3A_85 = tpu.memref_slice %arg2[%dma_wait3A_83, %dma_wait3A_84] : memref<8192x128xbf16, #tpu.memory_space<hbm>> -> memref<8192x128xbf16, #tpu.memory_space<hbm>>
    tpu.wait_indirect_dma semaphore(%arg11 : memref<!tpu.dma_semaphore, #tpu.memory_space<semaphore_mem>>) src(%dma_wait3A_85 : memref<8192x128xbf16, #tpu.memory_space<hbm>>) dst(%arg7 : memref<256x128xbf16, #tpu.memory_space<vmem>>)
    %add3A_86 = arith.constant 1280 : i32
    %add3A_87 = arith.addi %mul3A_2, %add3A_86 : i32
    "tpu.region"() ({
      %run_scoped3A = tpu.sem_alloc : memref<!tpu.dma_semaphore, #tpu.memory_space<semaphore_mem>>
      %dma_start3A_193 = arith.constant 0 : i32
      %dma_start3A_194 = tpu.memref_slice %arg4[%add3A_87, %dma_start3A_193] : memref<131072x128xbf16, #tpu.memory_space<hbm>> -> memref<256x128xbf16, #tpu.memory_space<hbm>>
      %dma_start3A_195 = arith.constant 0 : i32
      %dma_start3A_196 = tpu.memref_slice %arg4[%add3A_87, %dma_start3A_195] : memref<131072x128xbf16, #tpu.memory_space<hbm>> -> memref<256x128xbf16, #tpu.memory_space<hbm>>
      tpu.enqueue_dma source(%arg7 : memref<256x128xbf16, #tpu.memory_space<vmem>>) target(%dma_start3A_196 : memref<256x128xbf16, #tpu.memory_space<hbm>>) target_semaphore(%run_scoped3A : memref<!tpu.dma_semaphore, #tpu.memory_space<semaphore_mem>>)
      %dma_wait3A_197 = arith.constant 0 : i32
      %dma_wait3A_198 = tpu.memref_slice %arg4[%add3A_87, %dma_wait3A_197] : memref<131072x128xbf16, #tpu.memory_space<hbm>> -> memref<256x128xbf16, #tpu.memory_space<hbm>>
      %dma_wait3A_199 = arith.constant 0 : i32
      %dma_wait3A_200 = tpu.memref_slice %arg4[%add3A_87, %dma_wait3A_199] : memref<131072x128xbf16, #tpu.memory_space<hbm>> -> memref<256x128xbf16, #tpu.memory_space<hbm>>
      tpu.wait_dma2 semaphore(%run_scoped3A : memref<!tpu.dma_semaphore, #tpu.memory_space<semaphore_mem>>) src(%arg7 : memref<256x128xbf16, #tpu.memory_space<vmem>>) dst(%dma_wait3A_200 : memref<256x128xbf16, #tpu.memory_space<hbm>>)
      tpu.yield
    }) : () -> ()
    %dma_start3A_88 = arith.constant 2304 : i32
    %dma_start3A_89 = tpu.memref_slice %arg5[%dma_start3A_88] : memref<4096xi32, #tpu.memory_space<vmem>> -> memref<256xi32, #tpu.memory_space<vmem>>
    %dma_start3A_90 = arith.constant 0 : i32
    %dma_start3A_91 = arith.constant 0 : i32
    %dma_start3A_92 = tpu.memref_slice %arg2[%dma_start3A_90, %dma_start3A_91] : memref<8192x128xbf16, #tpu.memory_space<hbm>> -> memref<8192x128xbf16, #tpu.memory_space<hbm>>
    tpu.enqueue_indirect_dma source(%dma_start3A_92 : memref<8192x128xbf16, #tpu.memory_space<hbm>>) target(%arg7 : memref<256x128xbf16, #tpu.memory_space<vmem>>) offsets(%dma_start3A_89 : memref<256xi32, #tpu.memory_space<vmem>>) semaphore(%arg11 : memref<!tpu.dma_semaphore, #tpu.memory_space<semaphore_mem>>)
    %dma_wait3A_93 = arith.constant 1536 : i32
    %dma_wait3A_94 = tpu.memref_slice %arg5[%dma_wait3A_93] : memref<4096xi32, #tpu.memory_space<vmem>> -> memref<256xi32, #tpu.memory_space<vmem>>
    %dma_wait3A_95 = arith.constant 0 : i32
    %dma_wait3A_96 = arith.constant 0 : i32
    %dma_wait3A_97 = tpu.memref_slice %arg2[%dma_wait3A_95, %dma_wait3A_96] : memref<8192x128xbf16, #tpu.memory_space<hbm>> -> memref<8192x128xbf16, #tpu.memory_space<hbm>>
    tpu.wait_indirect_dma semaphore(%arg12 : memref<!tpu.dma_semaphore, #tpu.memory_space<semaphore_mem>>) src(%dma_wait3A_97 : memref<8192x128xbf16, #tpu.memory_space<hbm>>) dst(%arg8 : memref<256x128xbf16, #tpu.memory_space<vmem>>)
    %add3A_98 = arith.constant 1536 : i32
    %add3A_99 = arith.addi %mul3A_2, %add3A_98 : i32
    "tpu.region"() ({
      %run_scoped3A = tpu.sem_alloc : memref<!tpu.dma_semaphore, #tpu.memory_space<semaphore_mem>>
      %dma_start3A_193 = arith.constant 0 : i32
      %dma_start3A_194 = tpu.memref_slice %arg4[%add3A_99, %dma_start3A_193] : memref<131072x128xbf16, #tpu.memory_space<hbm>> -> memref<256x128xbf16, #tpu.memory_space<hbm>>
      %dma_start3A_195 = arith.constant 0 : i32
      %dma_start3A_196 = tpu.memref_slice %arg4[%add3A_99, %dma_start3A_195] : memref<131072x128xbf16, #tpu.memory_space<hbm>> -> memref<256x128xbf16, #tpu.memory_space<hbm>>
      tpu.enqueue_dma source(%arg8 : memref<256x128xbf16, #tpu.memory_space<vmem>>) target(%dma_start3A_196 : memref<256x128xbf16, #tpu.memory_space<hbm>>) target_semaphore(%run_scoped3A : memref<!tpu.dma_semaphore, #tpu.memory_space<semaphore_mem>>)
      %dma_wait3A_197 = arith.constant 0 : i32
      %dma_wait3A_198 = tpu.memref_slice %arg4[%add3A_99, %dma_wait3A_197] : memref<131072x128xbf16, #tpu.memory_space<hbm>> -> memref<256x128xbf16, #tpu.memory_space<hbm>>
      %dma_wait3A_199 = arith.constant 0 : i32
      %dma_wait3A_200 = tpu.memref_slice %arg4[%add3A_99, %dma_wait3A_199] : memref<131072x128xbf16, #tpu.memory_space<hbm>> -> memref<256x128xbf16, #tpu.memory_space<hbm>>
      tpu.wait_dma2 semaphore(%run_scoped3A : memref<!tpu.dma_semaphore, #tpu.memory_space<semaphore_mem>>) src(%arg8 : memref<256x128xbf16, #tpu.memory_space<vmem>>) dst(%dma_wait3A_200 : memref<256x128xbf16, #tpu.memory_space<hbm>>)
      tpu.yield
    }) : () -> ()
    %dma_start3A_100 = arith.constant 2560 : i32
    %dma_start3A_101 = tpu.memref_slice %arg5[%dma_start3A_100] : memref<4096xi32, #tpu.memory_space<vmem>> -> memref<256xi32, #tpu.memory_space<vmem>>
    %dma_start3A_102 = arith.constant 0 : i32
    %dma_start3A_103 = arith.constant 0 : i32
    %dma_start3A_104 = tpu.memref_slice %arg2[%dma_start3A_102, %dma_start3A_103] : memref<8192x128xbf16, #tpu.memory_space<hbm>> -> memref<8192x128xbf16, #tpu.memory_space<hbm>>
    tpu.enqueue_indirect_dma source(%dma_start3A_104 : memref<8192x128xbf16, #tpu.memory_space<hbm>>) target(%arg8 : memref<256x128xbf16, #tpu.memory_space<vmem>>) offsets(%dma_start3A_101 : memref<256xi32, #tpu.memory_space<vmem>>) semaphore(%arg12 : memref<!tpu.dma_semaphore, #tpu.memory_space<semaphore_mem>>)
    %dma_wait3A_105 = arith.constant 1792 : i32
    %dma_wait3A_106 = tpu.memref_slice %arg5[%dma_wait3A_105] : memref<4096xi32, #tpu.memory_space<vmem>> -> memref<256xi32, #tpu.memory_space<vmem>>
    %dma_wait3A_107 = arith.constant 0 : i32
    %dma_wait3A_108 = arith.constant 0 : i32
    %dma_wait3A_109 = tpu.memref_slice %arg2[%dma_wait3A_107, %dma_wait3A_108] : memref<8192x128xbf16, #tpu.memory_space<hbm>> -> memref<8192x128xbf16, #tpu.memory_space<hbm>>
    tpu.wait_indirect_dma semaphore(%arg13 : memref<!tpu.dma_semaphore, #tpu.memory_space<semaphore_mem>>) src(%dma_wait3A_109 : memref<8192x128xbf16, #tpu.memory_space<hbm>>) dst(%arg9 : memref<256x128xbf16, #tpu.memory_space<vmem>>)
    %add3A_110 = arith.constant 1792 : i32
    %add3A_111 = arith.addi %mul3A_2, %add3A_110 : i32
    "tpu.region"() ({
      %run_scoped3A = tpu.sem_alloc : memref<!tpu.dma_semaphore, #tpu.memory_space<semaphore_mem>>
      %dma_start3A_193 = arith.constant 0 : i32
      %dma_start3A_194 = tpu.memref_slice %arg4[%add3A_111, %dma_start3A_193] : memref<131072x128xbf16, #tpu.memory_space<hbm>> -> memref<256x128xbf16, #tpu.memory_space<hbm>>
      %dma_start3A_195 = arith.constant 0 : i32
      %dma_start3A_196 = tpu.memref_slice %arg4[%add3A_111, %dma_start3A_195] : memref<131072x128xbf16, #tpu.memory_space<hbm>> -> memref<256x128xbf16, #tpu.memory_space<hbm>>
      tpu.enqueue_dma source(%arg9 : memref<256x128xbf16, #tpu.memory_space<vmem>>) target(%dma_start3A_196 : memref<256x128xbf16, #tpu.memory_space<hbm>>) target_semaphore(%run_scoped3A : memref<!tpu.dma_semaphore, #tpu.memory_space<semaphore_mem>>)
      %dma_wait3A_197 = arith.constant 0 : i32
      %dma_wait3A_198 = tpu.memref_slice %arg4[%add3A_111, %dma_wait3A_197] : memref<131072x128xbf16, #tpu.memory_space<hbm>> -> memref<256x128xbf16, #tpu.memory_space<hbm>>
      %dma_wait3A_199 = arith.constant 0 : i32
      %dma_wait3A_200 = tpu.memref_slice %arg4[%add3A_111, %dma_wait3A_199] : memref<131072x128xbf16, #tpu.memory_space<hbm>> -> memref<256x128xbf16, #tpu.memory_space<hbm>>
      tpu.wait_dma2 semaphore(%run_scoped3A : memref<!tpu.dma_semaphore, #tpu.memory_space<semaphore_mem>>) src(%arg9 : memref<256x128xbf16, #tpu.memory_space<vmem>>) dst(%dma_wait3A_200 : memref<256x128xbf16, #tpu.memory_space<hbm>>)
      tpu.yield
    }) : () -> ()
    %dma_start3A_112 = arith.constant 2816 : i32
    %dma_start3A_113 = tpu.memref_slice %arg5[%dma_start3A_112] : memref<4096xi32, #tpu.memory_space<vmem>> -> memref<256xi32, #tpu.memory_space<vmem>>
    %dma_start3A_114 = arith.constant 0 : i32
    %dma_start3A_115 = arith.constant 0 : i32
    %dma_start3A_116 = tpu.memref_slice %arg2[%dma_start3A_114, %dma_start3A_115] : memref<8192x128xbf16, #tpu.memory_space<hbm>> -> memref<8192x128xbf16, #tpu.memory_space<hbm>>
    tpu.enqueue_indirect_dma source(%dma_start3A_116 : memref<8192x128xbf16, #tpu.memory_space<hbm>>) target(%arg9 : memref<256x128xbf16, #tpu.memory_space<vmem>>) offsets(%dma_start3A_113 : memref<256xi32, #tpu.memory_space<vmem>>) semaphore(%arg13 : memref<!tpu.dma_semaphore, #tpu.memory_space<semaphore_mem>>)
    %dma_wait3A_117 = arith.constant 2048 : i32
    %dma_wait3A_118 = tpu.memref_slice %arg5[%dma_wait3A_117] : memref<4096xi32, #tpu.memory_space<vmem>> -> memref<256xi32, #tpu.memory_space<vmem>>
    %dma_wait3A_119 = arith.constant 0 : i32
    %dma_wait3A_120 = arith.constant 0 : i32
    %dma_wait3A_121 = tpu.memref_slice %arg2[%dma_wait3A_119, %dma_wait3A_120] : memref<8192x128xbf16, #tpu.memory_space<hbm>> -> memref<8192x128xbf16, #tpu.memory_space<hbm>>
    tpu.wait_indirect_dma semaphore(%arg10 : memref<!tpu.dma_semaphore, #tpu.memory_space<semaphore_mem>>) src(%dma_wait3A_121 : memref<8192x128xbf16, #tpu.memory_space<hbm>>) dst(%arg6 : memref<256x128xbf16, #tpu.memory_space<vmem>>)
    %add3A_122 = arith.constant 2048 : i32
    %add3A_123 = arith.addi %mul3A_2, %add3A_122 : i32
    "tpu.region"() ({
      %run_scoped3A = tpu.sem_alloc : memref<!tpu.dma_semaphore, #tpu.memory_space<semaphore_mem>>
      %dma_start3A_193 = arith.constant 0 : i32
      %dma_start3A_194 = tpu.memref_slice %arg4[%add3A_123, %dma_start3A_193] : memref<131072x128xbf16, #tpu.memory_space<hbm>> -> memref<256x128xbf16, #tpu.memory_space<hbm>>
      %dma_start3A_195 = arith.constant 0 : i32
      %dma_start3A_196 = tpu.memref_slice %arg4[%add3A_123, %dma_start3A_195] : memref<131072x128xbf16, #tpu.memory_space<hbm>> -> memref<256x128xbf16, #tpu.memory_space<hbm>>
      tpu.enqueue_dma source(%arg6 : memref<256x128xbf16, #tpu.memory_space<vmem>>) target(%dma_start3A_196 : memref<256x128xbf16, #tpu.memory_space<hbm>>) target_semaphore(%run_scoped3A : memref<!tpu.dma_semaphore, #tpu.memory_space<semaphore_mem>>)
      %dma_wait3A_197 = arith.constant 0 : i32
      %dma_wait3A_198 = tpu.memref_slice %arg4[%add3A_123, %dma_wait3A_197] : memref<131072x128xbf16, #tpu.memory_space<hbm>> -> memref<256x128xbf16, #tpu.memory_space<hbm>>
      %dma_wait3A_199 = arith.constant 0 : i32
      %dma_wait3A_200 = tpu.memref_slice %arg4[%add3A_123, %dma_wait3A_199] : memref<131072x128xbf16, #tpu.memory_space<hbm>> -> memref<256x128xbf16, #tpu.memory_space<hbm>>
      tpu.wait_dma2 semaphore(%run_scoped3A : memref<!tpu.dma_semaphore, #tpu.memory_space<semaphore_mem>>) src(%arg6 : memref<256x128xbf16, #tpu.memory_space<vmem>>) dst(%dma_wait3A_200 : memref<256x128xbf16, #tpu.memory_space<hbm>>)
      tpu.yield
    }) : () -> ()
    %dma_start3A_124 = arith.constant 3072 : i32
    %dma_start3A_125 = tpu.memref_slice %arg5[%dma_start3A_124] : memref<4096xi32, #tpu.memory_space<vmem>> -> memref<256xi32, #tpu.memory_space<vmem>>
    %dma_start3A_126 = arith.constant 0 : i32
    %dma_start3A_127 = arith.constant 0 : i32
    %dma_start3A_128 = tpu.memref_slice %arg2[%dma_start3A_126, %dma_start3A_127] : memref<8192x128xbf16, #tpu.memory_space<hbm>> -> memref<8192x128xbf16, #tpu.memory_space<hbm>>
    tpu.enqueue_indirect_dma source(%dma_start3A_128 : memref<8192x128xbf16, #tpu.memory_space<hbm>>) target(%arg6 : memref<256x128xbf16, #tpu.memory_space<vmem>>) offsets(%dma_start3A_125 : memref<256xi32, #tpu.memory_space<vmem>>) semaphore(%arg10 : memref<!tpu.dma_semaphore, #tpu.memory_space<semaphore_mem>>)
    %dma_wait3A_129 = arith.constant 2304 : i32
    %dma_wait3A_130 = tpu.memref_slice %arg5[%dma_wait3A_129] : memref<4096xi32, #tpu.memory_space<vmem>> -> memref<256xi32, #tpu.memory_space<vmem>>
    %dma_wait3A_131 = arith.constant 0 : i32
    %dma_wait3A_132 = arith.constant 0 : i32
    %dma_wait3A_133 = tpu.memref_slice %arg2[%dma_wait3A_131, %dma_wait3A_132] : memref<8192x128xbf16, #tpu.memory_space<hbm>> -> memref<8192x128xbf16, #tpu.memory_space<hbm>>
    tpu.wait_indirect_dma semaphore(%arg11 : memref<!tpu.dma_semaphore, #tpu.memory_space<semaphore_mem>>) src(%dma_wait3A_133 : memref<8192x128xbf16, #tpu.memory_space<hbm>>) dst(%arg7 : memref<256x128xbf16, #tpu.memory_space<vmem>>)
    %add3A_134 = arith.constant 2304 : i32
    %add3A_135 = arith.addi %mul3A_2, %add3A_134 : i32
    "tpu.region"() ({
      %run_scoped3A = tpu.sem_alloc : memref<!tpu.dma_semaphore, #tpu.memory_space<semaphore_mem>>
      %dma_start3A_193 = arith.constant 0 : i32
      %dma_start3A_194 = tpu.memref_slice %arg4[%add3A_135, %dma_start3A_193] : memref<131072x128xbf16, #tpu.memory_space<hbm>> -> memref<256x128xbf16, #tpu.memory_space<hbm>>
      %dma_start3A_195 = arith.constant 0 : i32
      %dma_start3A_196 = tpu.memref_slice %arg4[%add3A_135, %dma_start3A_195] : memref<131072x128xbf16, #tpu.memory_space<hbm>> -> memref<256x128xbf16, #tpu.memory_space<hbm>>
      tpu.enqueue_dma source(%arg7 : memref<256x128xbf16, #tpu.memory_space<vmem>>) target(%dma_start3A_196 : memref<256x128xbf16, #tpu.memory_space<hbm>>) target_semaphore(%run_scoped3A : memref<!tpu.dma_semaphore, #tpu.memory_space<semaphore_mem>>)
      %dma_wait3A_197 = arith.constant 0 : i32
      %dma_wait3A_198 = tpu.memref_slice %arg4[%add3A_135, %dma_wait3A_197] : memref<131072x128xbf16, #tpu.memory_space<hbm>> -> memref<256x128xbf16, #tpu.memory_space<hbm>>
      %dma_wait3A_199 = arith.constant 0 : i32
      %dma_wait3A_200 = tpu.memref_slice %arg4[%add3A_135, %dma_wait3A_199] : memref<131072x128xbf16, #tpu.memory_space<hbm>> -> memref<256x128xbf16, #tpu.memory_space<hbm>>
      tpu.wait_dma2 semaphore(%run_scoped3A : memref<!tpu.dma_semaphore, #tpu.memory_space<semaphore_mem>>) src(%arg7 : memref<256x128xbf16, #tpu.memory_space<vmem>>) dst(%dma_wait3A_200 : memref<256x128xbf16, #tpu.memory_space<hbm>>)
      tpu.yield
    }) : () -> ()
    %dma_start3A_136 = arith.constant 3328 : i32
    %dma_start3A_137 = tpu.memref_slice %arg5[%dma_start3A_136] : memref<4096xi32, #tpu.memory_space<vmem>> -> memref<256xi32, #tpu.memory_space<vmem>>
    %dma_start3A_138 = arith.constant 0 : i32
    %dma_start3A_139 = arith.constant 0 : i32
    %dma_start3A_140 = tpu.memref_slice %arg2[%dma_start3A_138, %dma_start3A_139] : memref<8192x128xbf16, #tpu.memory_space<hbm>> -> memref<8192x128xbf16, #tpu.memory_space<hbm>>
    tpu.enqueue_indirect_dma source(%dma_start3A_140 : memref<8192x128xbf16, #tpu.memory_space<hbm>>) target(%arg7 : memref<256x128xbf16, #tpu.memory_space<vmem>>) offsets(%dma_start3A_137 : memref<256xi32, #tpu.memory_space<vmem>>) semaphore(%arg11 : memref<!tpu.dma_semaphore, #tpu.memory_space<semaphore_mem>>)
    %dma_wait3A_141 = arith.constant 2560 : i32
    %dma_wait3A_142 = tpu.memref_slice %arg5[%dma_wait3A_141] : memref<4096xi32, #tpu.memory_space<vmem>> -> memref<256xi32, #tpu.memory_space<vmem>>
    %dma_wait3A_143 = arith.constant 0 : i32
    %dma_wait3A_144 = arith.constant 0 : i32
    %dma_wait3A_145 = tpu.memref_slice %arg2[%dma_wait3A_143, %dma_wait3A_144] : memref<8192x128xbf16, #tpu.memory_space<hbm>> -> memref<8192x128xbf16, #tpu.memory_space<hbm>>
    tpu.wait_indirect_dma semaphore(%arg12 : memref<!tpu.dma_semaphore, #tpu.memory_space<semaphore_mem>>) src(%dma_wait3A_145 : memref<8192x128xbf16, #tpu.memory_space<hbm>>) dst(%arg8 : memref<256x128xbf16, #tpu.memory_space<vmem>>)
    %add3A_146 = arith.constant 2560 : i32
    %add3A_147 = arith.addi %mul3A_2, %add3A_146 : i32
    "tpu.region"() ({
      %run_scoped3A = tpu.sem_alloc : memref<!tpu.dma_semaphore, #tpu.memory_space<semaphore_mem>>
      %dma_start3A_193 = arith.constant 0 : i32
      %dma_start3A_194 = tpu.memref_slice %arg4[%add3A_147, %dma_start3A_193] : memref<131072x128xbf16, #tpu.memory_space<hbm>> -> memref<256x128xbf16, #tpu.memory_space<hbm>>
      %dma_start3A_195 = arith.constant 0 : i32
      %dma_start3A_196 = tpu.memref_slice %arg4[%add3A_147, %dma_start3A_195] : memref<131072x128xbf16, #tpu.memory_space<hbm>> -> memref<256x128xbf16, #tpu.memory_space<hbm>>
      tpu.enqueue_dma source(%arg8 : memref<256x128xbf16, #tpu.memory_space<vmem>>) target(%dma_start3A_196 : memref<256x128xbf16, #tpu.memory_space<hbm>>) target_semaphore(%run_scoped3A : memref<!tpu.dma_semaphore, #tpu.memory_space<semaphore_mem>>)
      %dma_wait3A_197 = arith.constant 0 : i32
      %dma_wait3A_198 = tpu.memref_slice %arg4[%add3A_147, %dma_wait3A_197] : memref<131072x128xbf16, #tpu.memory_space<hbm>> -> memref<256x128xbf16, #tpu.memory_space<hbm>>
      %dma_wait3A_199 = arith.constant 0 : i32
      %dma_wait3A_200 = tpu.memref_slice %arg4[%add3A_147, %dma_wait3A_199] : memref<131072x128xbf16, #tpu.memory_space<hbm>> -> memref<256x128xbf16, #tpu.memory_space<hbm>>
      tpu.wait_dma2 semaphore(%run_scoped3A : memref<!tpu.dma_semaphore, #tpu.memory_space<semaphore_mem>>) src(%arg8 : memref<256x128xbf16, #tpu.memory_space<vmem>>) dst(%dma_wait3A_200 : memref<256x128xbf16, #tpu.memory_space<hbm>>)
      tpu.yield
    }) : () -> ()
    %dma_start3A_148 = arith.constant 3584 : i32
    %dma_start3A_149 = tpu.memref_slice %arg5[%dma_start3A_148] : memref<4096xi32, #tpu.memory_space<vmem>> -> memref<256xi32, #tpu.memory_space<vmem>>
    %dma_start3A_150 = arith.constant 0 : i32
    %dma_start3A_151 = arith.constant 0 : i32
    %dma_start3A_152 = tpu.memref_slice %arg2[%dma_start3A_150, %dma_start3A_151] : memref<8192x128xbf16, #tpu.memory_space<hbm>> -> memref<8192x128xbf16, #tpu.memory_space<hbm>>
    tpu.enqueue_indirect_dma source(%dma_start3A_152 : memref<8192x128xbf16, #tpu.memory_space<hbm>>) target(%arg8 : memref<256x128xbf16, #tpu.memory_space<vmem>>) offsets(%dma_start3A_149 : memref<256xi32, #tpu.memory_space<vmem>>) semaphore(%arg12 : memref<!tpu.dma_semaphore, #tpu.memory_space<semaphore_mem>>)
    %dma_wait3A_153 = arith.constant 2816 : i32
    %dma_wait3A_154 = tpu.memref_slice %arg5[%dma_wait3A_153] : memref<4096xi32, #tpu.memory_space<vmem>> -> memref<256xi32, #tpu.memory_space<vmem>>
    %dma_wait3A_155 = arith.constant 0 : i32
    %dma_wait3A_156 = arith.constant 0 : i32
    %dma_wait3A_157 = tpu.memref_slice %arg2[%dma_wait3A_155, %dma_wait3A_156] : memref<8192x128xbf16, #tpu.memory_space<hbm>> -> memref<8192x128xbf16, #tpu.memory_space<hbm>>
    tpu.wait_indirect_dma semaphore(%arg13 : memref<!tpu.dma_semaphore, #tpu.memory_space<semaphore_mem>>) src(%dma_wait3A_157 : memref<8192x128xbf16, #tpu.memory_space<hbm>>) dst(%arg9 : memref<256x128xbf16, #tpu.memory_space<vmem>>)
    %add3A_158 = arith.constant 2816 : i32
    %add3A_159 = arith.addi %mul3A_2, %add3A_158 : i32
    "tpu.region"() ({
      %run_scoped3A = tpu.sem_alloc : memref<!tpu.dma_semaphore, #tpu.memory_space<semaphore_mem>>
      %dma_start3A_193 = arith.constant 0 : i32
      %dma_start3A_194 = tpu.memref_slice %arg4[%add3A_159, %dma_start3A_193] : memref<131072x128xbf16, #tpu.memory_space<hbm>> -> memref<256x128xbf16, #tpu.memory_space<hbm>>
      %dma_start3A_195 = arith.constant 0 : i32
      %dma_start3A_196 = tpu.memref_slice %arg4[%add3A_159, %dma_start3A_195] : memref<131072x128xbf16, #tpu.memory_space<hbm>> -> memref<256x128xbf16, #tpu.memory_space<hbm>>
      tpu.enqueue_dma source(%arg9 : memref<256x128xbf16, #tpu.memory_space<vmem>>) target(%dma_start3A_196 : memref<256x128xbf16, #tpu.memory_space<hbm>>) target_semaphore(%run_scoped3A : memref<!tpu.dma_semaphore, #tpu.memory_space<semaphore_mem>>)
      %dma_wait3A_197 = arith.constant 0 : i32
      %dma_wait3A_198 = tpu.memref_slice %arg4[%add3A_159, %dma_wait3A_197] : memref<131072x128xbf16, #tpu.memory_space<hbm>> -> memref<256x128xbf16, #tpu.memory_space<hbm>>
      %dma_wait3A_199 = arith.constant 0 : i32
      %dma_wait3A_200 = tpu.memref_slice %arg4[%add3A_159, %dma_wait3A_199] : memref<131072x128xbf16, #tpu.memory_space<hbm>> -> memref<256x128xbf16, #tpu.memory_space<hbm>>
      tpu.wait_dma2 semaphore(%run_scoped3A : memref<!tpu.dma_semaphore, #tpu.memory_space<semaphore_mem>>) src(%arg9 : memref<256x128xbf16, #tpu.memory_space<vmem>>) dst(%dma_wait3A_200 : memref<256x128xbf16, #tpu.memory_space<hbm>>)
      tpu.yield
    }) : () -> ()
    %dma_start3A_160 = arith.constant 3840 : i32
    %dma_start3A_161 = tpu.memref_slice %arg5[%dma_start3A_160] : memref<4096xi32, #tpu.memory_space<vmem>> -> memref<256xi32, #tpu.memory_space<vmem>>
    %dma_start3A_162 = arith.constant 0 : i32
    %dma_start3A_163 = arith.constant 0 : i32
    %dma_start3A_164 = tpu.memref_slice %arg2[%dma_start3A_162, %dma_start3A_163] : memref<8192x128xbf16, #tpu.memory_space<hbm>> -> memref<8192x128xbf16, #tpu.memory_space<hbm>>
    tpu.enqueue_indirect_dma source(%dma_start3A_164 : memref<8192x128xbf16, #tpu.memory_space<hbm>>) target(%arg9 : memref<256x128xbf16, #tpu.memory_space<vmem>>) offsets(%dma_start3A_161 : memref<256xi32, #tpu.memory_space<vmem>>) semaphore(%arg13 : memref<!tpu.dma_semaphore, #tpu.memory_space<semaphore_mem>>)
    %dma_wait3A_165 = arith.constant 3072 : i32
    %dma_wait3A_166 = tpu.memref_slice %arg5[%dma_wait3A_165] : memref<4096xi32, #tpu.memory_space<vmem>> -> memref<256xi32, #tpu.memory_space<vmem>>
    %dma_wait3A_167 = arith.constant 0 : i32
    %dma_wait3A_168 = arith.constant 0 : i32
    %dma_wait3A_169 = tpu.memref_slice %arg2[%dma_wait3A_167, %dma_wait3A_168] : memref<8192x128xbf16, #tpu.memory_space<hbm>> -> memref<8192x128xbf16, #tpu.memory_space<hbm>>
    tpu.wait_indirect_dma semaphore(%arg10 : memref<!tpu.dma_semaphore, #tpu.memory_space<semaphore_mem>>) src(%dma_wait3A_169 : memref<8192x128xbf16, #tpu.memory_space<hbm>>) dst(%arg6 : memref<256x128xbf16, #tpu.memory_space<vmem>>)
    %add3A_170 = arith.constant 3072 : i32
    %add3A_171 = arith.addi %mul3A_2, %add3A_170 : i32
    "tpu.region"() ({
      %run_scoped3A = tpu.sem_alloc : memref<!tpu.dma_semaphore, #tpu.memory_space<semaphore_mem>>
      %dma_start3A_193 = arith.constant 0 : i32
      %dma_start3A_194 = tpu.memref_slice %arg4[%add3A_171, %dma_start3A_193] : memref<131072x128xbf16, #tpu.memory_space<hbm>> -> memref<256x128xbf16, #tpu.memory_space<hbm>>
      %dma_start3A_195 = arith.constant 0 : i32
      %dma_start3A_196 = tpu.memref_slice %arg4[%add3A_171, %dma_start3A_195] : memref<131072x128xbf16, #tpu.memory_space<hbm>> -> memref<256x128xbf16, #tpu.memory_space<hbm>>
      tpu.enqueue_dma source(%arg6 : memref<256x128xbf16, #tpu.memory_space<vmem>>) target(%dma_start3A_196 : memref<256x128xbf16, #tpu.memory_space<hbm>>) target_semaphore(%run_scoped3A : memref<!tpu.dma_semaphore, #tpu.memory_space<semaphore_mem>>)
      %dma_wait3A_197 = arith.constant 0 : i32
      %dma_wait3A_198 = tpu.memref_slice %arg4[%add3A_171, %dma_wait3A_197] : memref<131072x128xbf16, #tpu.memory_space<hbm>> -> memref<256x128xbf16, #tpu.memory_space<hbm>>
      %dma_wait3A_199 = arith.constant 0 : i32
      %dma_wait3A_200 = tpu.memref_slice %arg4[%add3A_171, %dma_wait3A_199] : memref<131072x128xbf16, #tpu.memory_space<hbm>> -> memref<256x128xbf16, #tpu.memory_space<hbm>>
      tpu.wait_dma2 semaphore(%run_scoped3A : memref<!tpu.dma_semaphore, #tpu.memory_space<semaphore_mem>>) src(%arg6 : memref<256x128xbf16, #tpu.memory_space<vmem>>) dst(%dma_wait3A_200 : memref<256x128xbf16, #tpu.memory_space<hbm>>)
      tpu.yield
    }) : () -> ()
    %dma_wait3A_172 = arith.constant 3328 : i32
    %dma_wait3A_173 = tpu.memref_slice %arg5[%dma_wait3A_172] : memref<4096xi32, #tpu.memory_space<vmem>> -> memref<256xi32, #tpu.memory_space<vmem>>
    %dma_wait3A_174 = arith.constant 0 : i32
    %dma_wait3A_175 = arith.constant 0 : i32
    %dma_wait3A_176 = tpu.memref_slice %arg2[%dma_wait3A_174, %dma_wait3A_175] : memref<8192x128xbf16, #tpu.memory_space<hbm>> -> memref<8192x128xbf16, #tpu.memory_space<hbm>>
    tpu.wait_indirect_dma semaphore(%arg11 : memref<!tpu.dma_semaphore, #tpu.memory_space<semaphore_mem>>) src(%dma_wait3A_176 : memref<8192x128xbf16, #tpu.memory_space<hbm>>) dst(%arg7 : memref<256x128xbf16, #tpu.memory_space<vmem>>)
    %add3A_177 = arith.constant 3328 : i32
    %add3A_178 = arith.addi %mul3A_2, %add3A_177 : i32
    "tpu.region"() ({
      %run_scoped3A = tpu.sem_alloc : memref<!tpu.dma_semaphore, #tpu.memory_space<semaphore_mem>>
      %dma_start3A_193 = arith.constant 0 : i32
      %dma_start3A_194 = tpu.memref_slice %arg4[%add3A_178, %dma_start3A_193] : memref<131072x128xbf16, #tpu.memory_space<hbm>> -> memref<256x128xbf16, #tpu.memory_space<hbm>>
      %dma_start3A_195 = arith.constant 0 : i32
      %dma_start3A_196 = tpu.memref_slice %arg4[%add3A_178, %dma_start3A_195] : memref<131072x128xbf16, #tpu.memory_space<hbm>> -> memref<256x128xbf16, #tpu.memory_space<hbm>>
      tpu.enqueue_dma source(%arg7 : memref<256x128xbf16, #tpu.memory_space<vmem>>) target(%dma_start3A_196 : memref<256x128xbf16, #tpu.memory_space<hbm>>) target_semaphore(%run_scoped3A : memref<!tpu.dma_semaphore, #tpu.memory_space<semaphore_mem>>)
      %dma_wait3A_197 = arith.constant 0 : i32
      %dma_wait3A_198 = tpu.memref_slice %arg4[%add3A_178, %dma_wait3A_197] : memref<131072x128xbf16, #tpu.memory_space<hbm>> -> memref<256x128xbf16, #tpu.memory_space<hbm>>
      %dma_wait3A_199 = arith.constant 0 : i32
      %dma_wait3A_200 = tpu.memref_slice %arg4[%add3A_178, %dma_wait3A_199] : memref<131072x128xbf16, #tpu.memory_space<hbm>> -> memref<256x128xbf16, #tpu.memory_space<hbm>>
      tpu.wait_dma2 semaphore(%run_scoped3A : memref<!tpu.dma_semaphore, #tpu.memory_space<semaphore_mem>>) src(%arg7 : memref<256x128xbf16, #tpu.memory_space<vmem>>) dst(%dma_wait3A_200 : memref<256x128xbf16, #tpu.memory_space<hbm>>)
      tpu.yield
    }) : () -> ()
    %dma_wait3A_179 = arith.constant 3584 : i32
    %dma_wait3A_180 = tpu.memref_slice %arg5[%dma_wait3A_179] : memref<4096xi32, #tpu.memory_space<vmem>> -> memref<256xi32, #tpu.memory_space<vmem>>
    %dma_wait3A_181 = arith.constant 0 : i32
    %dma_wait3A_182 = arith.constant 0 : i32
    %dma_wait3A_183 = tpu.memref_slice %arg2[%dma_wait3A_181, %dma_wait3A_182] : memref<8192x128xbf16, #tpu.memory_space<hbm>> -> memref<8192x128xbf16, #tpu.memory_space<hbm>>
    tpu.wait_indirect_dma semaphore(%arg12 : memref<!tpu.dma_semaphore, #tpu.memory_space<semaphore_mem>>) src(%dma_wait3A_183 : memref<8192x128xbf16, #tpu.memory_space<hbm>>) dst(%arg8 : memref<256x128xbf16, #tpu.memory_space<vmem>>)
    %add3A_184 = arith.constant 3584 : i32
    %add3A_185 = arith.addi %mul3A_2, %add3A_184 : i32
    "tpu.region"() ({
      %run_scoped3A = tpu.sem_alloc : memref<!tpu.dma_semaphore, #tpu.memory_space<semaphore_mem>>
      %dma_start3A_193 = arith.constant 0 : i32
      %dma_start3A_194 = tpu.memref_slice %arg4[%add3A_185, %dma_start3A_193] : memref<131072x128xbf16, #tpu.memory_space<hbm>> -> memref<256x128xbf16, #tpu.memory_space<hbm>>
      %dma_start3A_195 = arith.constant 0 : i32
      %dma_start3A_196 = tpu.memref_slice %arg4[%add3A_185, %dma_start3A_195] : memref<131072x128xbf16, #tpu.memory_space<hbm>> -> memref<256x128xbf16, #tpu.memory_space<hbm>>
      tpu.enqueue_dma source(%arg8 : memref<256x128xbf16, #tpu.memory_space<vmem>>) target(%dma_start3A_196 : memref<256x128xbf16, #tpu.memory_space<hbm>>) target_semaphore(%run_scoped3A : memref<!tpu.dma_semaphore, #tpu.memory_space<semaphore_mem>>)
      %dma_wait3A_197 = arith.constant 0 : i32
      %dma_wait3A_198 = tpu.memref_slice %arg4[%add3A_185, %dma_wait3A_197] : memref<131072x128xbf16, #tpu.memory_space<hbm>> -> memref<256x128xbf16, #tpu.memory_space<hbm>>
      %dma_wait3A_199 = arith.constant 0 : i32
      %dma_wait3A_200 = tpu.memref_slice %arg4[%add3A_185, %dma_wait3A_199] : memref<131072x128xbf16, #tpu.memory_space<hbm>> -> memref<256x128xbf16, #tpu.memory_space<hbm>>
      tpu.wait_dma2 semaphore(%run_scoped3A : memref<!tpu.dma_semaphore, #tpu.memory_space<semaphore_mem>>) src(%arg8 : memref<256x128xbf16, #tpu.memory_space<vmem>>) dst(%dma_wait3A_200 : memref<256x128xbf16, #tpu.memory_space<hbm>>)
      tpu.yield
    }) : () -> ()
    %dma_wait3A_186 = arith.constant 3840 : i32
    %dma_wait3A_187 = tpu.memref_slice %arg5[%dma_wait3A_186] : memref<4096xi32, #tpu.memory_space<vmem>> -> memref<256xi32, #tpu.memory_space<vmem>>
    %dma_wait3A_188 = arith.constant 0 : i32
    %dma_wait3A_189 = arith.constant 0 : i32
    %dma_wait3A_190 = tpu.memref_slice %arg2[%dma_wait3A_188, %dma_wait3A_189] : memref<8192x128xbf16, #tpu.memory_space<hbm>> -> memref<8192x128xbf16, #tpu.memory_space<hbm>>
    tpu.wait_indirect_dma semaphore(%arg13 : memref<!tpu.dma_semaphore, #tpu.memory_space<semaphore_mem>>) src(%dma_wait3A_190 : memref<8192x128xbf16, #tpu.memory_space<hbm>>) dst(%arg9 : memref<256x128xbf16, #tpu.memory_space<vmem>>)
    %add3A_191 = arith.constant 3840 : i32
    %add3A_192 = arith.addi %mul3A_2, %add3A_191 : i32
    "tpu.region"() ({
      %run_scoped3A = tpu.sem_alloc : memref<!tpu.dma_semaphore, #tpu.memory_space<semaphore_mem>>
      %dma_start3A_193 = arith.constant 0 : i32
      %dma_start3A_194 = tpu.memref_slice %arg4[%add3A_192, %dma_start3A_193] : memref<131072x128xbf16, #tpu.memory_space<hbm>> -> memref<256x128xbf16, #tpu.memory_space<hbm>>
      %dma_start3A_195 = arith.constant 0 : i32
      %dma_start3A_196 = tpu.memref_slice %arg4[%add3A_192, %dma_start3A_195] : memref<131072x128xbf16, #tpu.memory_space<hbm>> -> memref<256x128xbf16, #tpu.memory_space<hbm>>
      tpu.enqueue_dma source(%arg9 : memref<256x128xbf16, #tpu.memory_space<vmem>>) target(%dma_start3A_196 : memref<256x128xbf16, #tpu.memory_space<hbm>>) target_semaphore(%run_scoped3A : memref<!tpu.dma_semaphore, #tpu.memory_space<semaphore_mem>>)
      %dma_wait3A_197 = arith.constant 0 : i32
      %dma_wait3A_198 = tpu.memref_slice %arg4[%add3A_192, %dma_wait3A_197] : memref<131072x128xbf16, #tpu.memory_space<hbm>> -> memref<256x128xbf16, #tpu.memory_space<hbm>>
      %dma_wait3A_199 = arith.constant 0 : i32
      %dma_wait3A_200 = tpu.memref_slice %arg4[%add3A_192, %dma_wait3A_199] : memref<131072x128xbf16, #tpu.memory_space<hbm>> -> memref<256x128xbf16, #tpu.memory_space<hbm>>
      tpu.wait_dma2 semaphore(%run_scoped3A : memref<!tpu.dma_semaphore, #tpu.memory_space<semaphore_mem>>) src(%arg9 : memref<256x128xbf16, #tpu.memory_space<vmem>>) dst(%dma_wait3A_200 : memref<256x128xbf16, #tpu.memory_space<hbm>>)
      tpu.yield
    }) : () -> ()
    return
  }
}

#map = affine_map<(d0, d1) -> (0, 0)>
#map1 = affine_map<(d0, d1) -> (0)>
module attributes {stable_mosaic.version = 14 : i64} {
  func.func @gather_k(%arg0: i32, %arg1: i32, %arg2: memref<8200x64xbf16, #tpu.memory_space<hbm>>, %arg3: memref<8192xi32, #tpu.memory_space<hbm>>, %arg4: memref<8192x64xbf16, #tpu.memory_space<hbm>>, %arg5: memref<256xi32, #tpu.memory_space<vmem>>, %arg6: memref<256x64xbf16, #tpu.memory_space<vmem>>, %arg7: memref<!tpu.dma_semaphore, #tpu.memory_space<semaphore_mem>>) attributes {dimension_semantics = [#tpu.dimension_semantics<core_parallel>, #tpu.dimension_semantics<subcore_parallel>], iteration_bounds = array<i64: 2, 16>, scalar_prefetch = 0 : i64, scratch_operands = 3 : i64, tpu.core_type = #tpu.core_type<sc_vector_subcore>, window_params = [{transform_indices = #map}, {transform_indices = #map1}, {transform_indices = #map}]} {
    %mul3A = arith.constant 2 : i32
    %mul3A_0 = arith.muli %arg1, %mul3A : i32
    %add3A = arith.addi %mul3A_0, %arg0 : i32
    %mul3A_1 = arith.constant 256 : i32
    %mul3A_2 = arith.muli %add3A, %mul3A_1 : i32
    "tpu.region"() ({
      %run_scoped3A = tpu.sem_alloc : memref<!tpu.dma_semaphore, #tpu.memory_space<semaphore_mem>>
      %dma_start3A_13 = tpu.memref_slice %arg3[%mul3A_2] : memref<8192xi32, #tpu.memory_space<hbm>> -> memref<256xi32, #tpu.memory_space<hbm>>
      %dma_start3A_14 = tpu.memref_slice %arg3[%mul3A_2] : memref<8192xi32, #tpu.memory_space<hbm>> -> memref<256xi32, #tpu.memory_space<hbm>>
      tpu.enqueue_dma source(%dma_start3A_14 : memref<256xi32, #tpu.memory_space<hbm>>) target(%arg5 : memref<256xi32, #tpu.memory_space<vmem>>) target_semaphore(%run_scoped3A : memref<!tpu.dma_semaphore, #tpu.memory_space<semaphore_mem>>)
      %dma_wait3A_15 = tpu.memref_slice %arg3[%mul3A_2] : memref<8192xi32, #tpu.memory_space<hbm>> -> memref<256xi32, #tpu.memory_space<hbm>>
      %dma_wait3A_16 = tpu.memref_slice %arg3[%mul3A_2] : memref<8192xi32, #tpu.memory_space<hbm>> -> memref<256xi32, #tpu.memory_space<hbm>>
      tpu.wait_dma2 semaphore(%run_scoped3A : memref<!tpu.dma_semaphore, #tpu.memory_space<semaphore_mem>>) src(%dma_wait3A_16 : memref<256xi32, #tpu.memory_space<hbm>>) dst(%arg5 : memref<256xi32, #tpu.memory_space<vmem>>)
      tpu.yield
    }) : () -> ()
    %dma_start3A = arith.constant 0 : i32
    %dma_start3A_3 = tpu.memref_slice %arg5[%dma_start3A] : memref<256xi32, #tpu.memory_space<vmem>> -> memref<256xi32, #tpu.memory_space<vmem>>
    %dma_start3A_4 = arith.constant 0 : i32
    %dma_start3A_5 = arith.constant 0 : i32
    %dma_start3A_6 = tpu.memref_slice %arg2[%dma_start3A_4, %dma_start3A_5] : memref<8200x64xbf16, #tpu.memory_space<hbm>> -> memref<8200x64xbf16, #tpu.memory_space<hbm>>
    tpu.enqueue_indirect_dma source(%dma_start3A_6 : memref<8200x64xbf16, #tpu.memory_space<hbm>>) target(%arg6 : memref<256x64xbf16, #tpu.memory_space<vmem>>) offsets(%dma_start3A_3 : memref<256xi32, #tpu.memory_space<vmem>>) semaphore(%arg7 : memref<!tpu.dma_semaphore, #tpu.memory_space<semaphore_mem>>)
    %dma_wait3A = arith.constant 0 : i32
    %dma_wait3A_7 = tpu.memref_slice %arg5[%dma_wait3A] : memref<256xi32, #tpu.memory_space<vmem>> -> memref<256xi32, #tpu.memory_space<vmem>>
    %dma_wait3A_8 = arith.constant 0 : i32
    %dma_wait3A_9 = arith.constant 0 : i32
    %dma_wait3A_10 = tpu.memref_slice %arg2[%dma_wait3A_8, %dma_wait3A_9] : memref<8200x64xbf16, #tpu.memory_space<hbm>> -> memref<8200x64xbf16, #tpu.memory_space<hbm>>
    tpu.wait_indirect_dma semaphore(%arg7 : memref<!tpu.dma_semaphore, #tpu.memory_space<semaphore_mem>>) src(%dma_wait3A_10 : memref<8200x64xbf16, #tpu.memory_space<hbm>>) dst(%arg6 : memref<256x64xbf16, #tpu.memory_space<vmem>>)
    %add3A_11 = arith.constant 0 : i32
    %add3A_12 = arith.addi %mul3A_2, %add3A_11 : i32
    "tpu.region"() ({
      %run_scoped3A = tpu.sem_alloc : memref<!tpu.dma_semaphore, #tpu.memory_space<semaphore_mem>>
      %dma_start3A_13 = arith.constant 0 : i32
      %dma_start3A_14 = tpu.memref_slice %arg4[%add3A_12, %dma_start3A_13] : memref<8192x64xbf16, #tpu.memory_space<hbm>> -> memref<256x64xbf16, #tpu.memory_space<hbm>>
      %dma_start3A_15 = arith.constant 0 : i32
      %dma_start3A_16 = tpu.memref_slice %arg4[%add3A_12, %dma_start3A_15] : memref<8192x64xbf16, #tpu.memory_space<hbm>> -> memref<256x64xbf16, #tpu.memory_space<hbm>>
      tpu.enqueue_dma source(%arg6 : memref<256x64xbf16, #tpu.memory_space<vmem>>) target(%dma_start3A_16 : memref<256x64xbf16, #tpu.memory_space<hbm>>) target_semaphore(%run_scoped3A : memref<!tpu.dma_semaphore, #tpu.memory_space<semaphore_mem>>)
      %dma_wait3A_17 = arith.constant 0 : i32
      %dma_wait3A_18 = tpu.memref_slice %arg4[%add3A_12, %dma_wait3A_17] : memref<8192x64xbf16, #tpu.memory_space<hbm>> -> memref<256x64xbf16, #tpu.memory_space<hbm>>
      %dma_wait3A_19 = arith.constant 0 : i32
      %dma_wait3A_20 = tpu.memref_slice %arg4[%add3A_12, %dma_wait3A_19] : memref<8192x64xbf16, #tpu.memory_space<hbm>> -> memref<256x64xbf16, #tpu.memory_space<hbm>>
      tpu.wait_dma2 semaphore(%run_scoped3A : memref<!tpu.dma_semaphore, #tpu.memory_space<semaphore_mem>>) src(%arg6 : memref<256x64xbf16, #tpu.memory_space<vmem>>) dst(%dma_wait3A_20 : memref<256x64xbf16, #tpu.memory_space<hbm>>)
      tpu.yield
    }) : () -> ()
    return
  }
}

module attributes {stable_mosaic.version = 14 : i64} {
  func.func @_encoder_body(%arg0: i32, %arg1: memref<512x64xf32, #tpu.memory_space<vmem>>, %arg2: memref<512x16x16xf32, #tpu.memory_space<vmem>>, %arg3: memref<512x3xf32, #tpu.memory_space<vmem>>, %arg4: memref<16x64xf32, #tpu.memory_space<vmem>>, %arg5: memref<1x64xf32, #tpu.memory_space<vmem>>, %arg6: memref<1x64xf32, #tpu.memory_space<vmem>>, %arg7: memref<1x64xf32, #tpu.memory_space<vmem>>, %arg8: memref<64x32xf32, #tpu.memory_space<vmem>>, %arg9: memref<1x32xf32, #tpu.memory_space<vmem>>, %arg10: memref<64x128xf32, #tpu.memory_space<vmem>>, %arg11: memref<1x128xf32, #tpu.memory_space<vmem>>, %arg12: memref<1x128xf32, #tpu.memory_space<vmem>>, %arg13: memref<1x128xf32, #tpu.memory_space<vmem>>, %arg14: memref<128x128xf32, #tpu.memory_space<vmem>>, %arg15: memref<1x128xf32, #tpu.memory_space<vmem>>, %arg16: memref<1x128xf32, #tpu.memory_space<vmem>>, %arg17: memref<1x128xf32, #tpu.memory_space<vmem>>, %arg18: memref<128x64xf32, #tpu.memory_space<vmem>>, %arg19: memref<1x64xf32, #tpu.memory_space<vmem>>, %arg20: memref<96x128xf32, #tpu.memory_space<vmem>>, %arg21: memref<1x128xf32, #tpu.memory_space<vmem>>, %arg22: memref<1x128xf32, #tpu.memory_space<vmem>>, %arg23: memref<1x128xf32, #tpu.memory_space<vmem>>, %arg24: memref<128x64xf32, #tpu.memory_space<vmem>>, %arg25: memref<1x64xf32, #tpu.memory_space<vmem>>, %arg26: memref<64x64xf32, #tpu.memory_space<vmem>>, %arg27: memref<1x64xf32, #tpu.memory_space<vmem>>, %arg28: memref<1x64xf32, #tpu.memory_space<vmem>>, %arg29: memref<1x64xf32, #tpu.memory_space<vmem>>, %arg30: memref<64x1xf32, #tpu.memory_space<vmem>>, %arg31: memref<1x1xf32, #tpu.memory_space<vmem>>, %arg32: memref<64x64xf32, #tpu.memory_space<vmem>>, %arg33: memref<32x64xf32, #tpu.memory_space<vmem>>, %arg34: memref<1x64xf32, #tpu.memory_space<vmem>>, %arg35: memref<64x64xf32, #tpu.memory_space<vmem>>, %arg36: memref<1x64xf32, #tpu.memory_space<vmem>>, %arg37: memref<512x32xf32, #tpu.memory_space<vmem>>, %arg38: memref<512x64xf32, #tpu.memory_space<vmem>>, %arg39: memref<512x1xf32, #tpu.memory_space<vmem>>, %arg40: memref<512x64xf32, #tpu.memory_space<vmem>>, %arg41: memref<512x128xbf16, #tpu.memory_space<vmem>>, %arg42: memref<512x80xf32, #tpu.memory_space<vmem>>) attributes {dimension_semantics = [#tpu.dimension_semantics<arbitrary>], iteration_bounds = array<i64: 16>, scalar_prefetch = 0 : i64, scratch_operands = 0 : i64, tpu.core_type = #tpu.core_type<tc>, window_params = [{transform_indices = @transform_0, window_bounds = array<i64: 512, 64>}, {transform_indices = @transform_1, window_bounds = array<i64: 512, 16, 16>}, {transform_indices = @transform_2, window_bounds = array<i64: 512, 3>}, {pipeline_mode = #tpu.pipeline_mode<synchronous>, transform_indices = @transform_3, window_bounds = array<i64: 16, 64>}, {pipeline_mode = #tpu.pipeline_mode<synchronous>, transform_indices = @transform_4, window_bounds = array<i64: 1, 64>}, {pipeline_mode = #tpu.pipeline_mode<synchronous>, transform_indices = @transform_5, window_bounds = array<i64: 1, 64>}, {pipeline_mode = #tpu.pipeline_mode<synchronous>, transform_indices = @transform_6, window_bounds = array<i64: 1, 64>}, {pipeline_mode = #tpu.pipeline_mode<synchronous>, transform_indices = @transform_7, window_bounds = array<i64: 64, 32>}, {pipeline_mode = #tpu.pipeline_mode<synchronous>, transform_indices = @transform_8, window_bounds = array<i64: 1, 32>}, {pipeline_mode = #tpu.pipeline_mode<synchronous>, transform_indices = @transform_9, window_bounds = array<i64: 64, 128>}, {pipeline_mode = #tpu.pipeline_mode<synchronous>, transform_indices = @transform_10, window_bounds = array<i64: 1, 128>}, {pipeline_mode = #tpu.pipeline_mode<synchronous>, transform_indices = @transform_11, window_bounds = array<i64: 1, 128>}, {pipeline_mode = #tpu.pipeline_mode<synchronous>, transform_indices = @transform_12, window_bounds = array<i64: 1, 128>}, {pipeline_mode = #tpu.pipeline_mode<synchronous>, transform_indices = @transform_13, window_bounds = array<i64: 128, 128>}, {pipeline_mode = #tpu.pipeline_mode<synchronous>, transform_indices = @transform_14, window_bounds = array<i64: 1, 128>}, {pipeline_mode = #tpu.pipeline_mode<synchronous>, transform_indices = @transform_15, window_bounds = array<i64: 1, 128>}, {pipeline_mode = #tpu.pipeline_mode<synchronous>, transform_indices = @transform_16, window_bounds = array<i64: 1, 128>}, {pipeline_mode = #tpu.pipeline_mode<synchronous>, transform_indices = @transform_17, window_bounds = array<i64: 128, 64>}, {pipeline_mode = #tpu.pipeline_mode<synchronous>, transform_indices = @transform_18, window_bounds = array<i64: 1, 64>}, {pipeline_mode = #tpu.pipeline_mode<synchronous>, transform_indices = @transform_19, window_bounds = array<i64: 96, 128>}, {pipeline_mode = #tpu.pipeline_mode<synchronous>, transform_indices = @transform_20, window_bounds = array<i64: 1, 128>}, {pipeline_mode = #tpu.pipeline_mode<synchronous>, transform_indices = @transform_21, window_bounds = array<i64: 1, 128>}, {pipeline_mode = #tpu.pipeline_mode<synchronous>, transform_indices = @transform_22, window_bounds = array<i64: 1, 128>}, {pipeline_mode = #tpu.pipeline_mode<synchronous>, transform_indices = @transform_23, window_bounds = array<i64: 128, 64>}, {pipeline_mode = #tpu.pipeline_mode<synchronous>, transform_indices = @transform_24, window_bounds = array<i64: 1, 64>}, {pipeline_mode = #tpu.pipeline_mode<synchronous>, transform_indices = @transform_25, window_bounds = array<i64: 64, 64>}, {pipeline_mode = #tpu.pipeline_mode<synchronous>, transform_indices = @transform_26, window_bounds = array<i64: 1, 64>}, {pipeline_mode = #tpu.pipeline_mode<synchronous>, transform_indices = @transform_27, window_bounds = array<i64: 1, 64>}, {pipeline_mode = #tpu.pipeline_mode<synchronous>, transform_indices = @transform_28, window_bounds = array<i64: 1, 64>}, {pipeline_mode = #tpu.pipeline_mode<synchronous>, transform_indices = @transform_29, window_bounds = array<i64: 64, 1>}, {pipeline_mode = #tpu.pipeline_mode<synchronous>, transform_indices = @transform_30, window_bounds = array<i64: 1, 1>}, {pipeline_mode = #tpu.pipeline_mode<synchronous>, transform_indices = @transform_31, window_bounds = array<i64: 64, 64>}, {pipeline_mode = #tpu.pipeline_mode<synchronous>, transform_indices = @transform_32, window_bounds = array<i64: 32, 64>}, {pipeline_mode = #tpu.pipeline_mode<synchronous>, transform_indices = @transform_33, window_bounds = array<i64: 1, 64>}, {pipeline_mode = #tpu.pipeline_mode<synchronous>, transform_indices = @transform_34, window_bounds = array<i64: 64, 64>}, {pipeline_mode = #tpu.pipeline_mode<synchronous>, transform_indices = @transform_35, window_bounds = array<i64: 1, 64>}, {transform_indices = @transform_36, window_bounds = array<i64: 512, 32>}, {transform_indices = @transform_37, window_bounds = array<i64: 512, 64>}, {transform_indices = @transform_38, window_bounds = array<i64: 512, 1>}, {transform_indices = @transform_39, window_bounds = array<i64: 512, 64>}, {transform_indices = @transform_40, window_bounds = array<i64: 512, 128>}, {transform_indices = @transform_41, window_bounds = array<i64: 512, 80>}]} {
    %get3A = arith.constant 0 : index
    %get3A_0 = arith.constant 0 : index
    %get3A_1 = arith.constant 0 : index
    %get3A_2 = vector.load %arg2[%get3A, %get3A_0, %get3A_1] : memref<512x16x16xf32, #tpu.memory_space<vmem>>, vector<512x16x16xf32>
    %reduce_sum3A = arith.constant dense<0.000000e+00> : vector<512x16xf32>
    %reduce_sum3A_3 = vector.multi_reduction <add>, %get3A_2, %reduce_sum3A [1] : vector<512x16x16xf32> to vector<512x16xf32>
    %div3A = arith.constant 1.600000e+01 : f32
    %div3A_4 = vector.broadcast %div3A : f32 to vector<512x16xf32>
    %div3A_5 = arith.divf %reduce_sum3A_3, %div3A_4 : vector<512x16xf32>
    %get3A_6 = arith.constant 0 : index
    %get3A_7 = arith.constant 0 : index
    %get3A_8 = vector.load %arg4[%get3A_6, %get3A_7] : memref<16x64xf32, #tpu.memory_space<vmem>>, vector<16x64xf32>
    %dot_general3A = arith.constant dense<0.000000e+00> : vector<512x64xf32>
    %dot_general3A_9 = tpu.matmul %div3A_5, %get3A_8, %dot_general3A {dimension_numbers = #tpu.dot_dimension_numbers<[1], [0], [0], [1], [0, 0, 1, 1], [], []>, transpose_lhs_hint = false} : vector<512x16xf32>, vector<16x64xf32>, vector<512x64xf32> -> vector<512x64xf32>
    %get3A_10 = arith.constant 0 : index
    %get3A_11 = arith.constant 0 : index
    %get3A_12 = vector.load %arg5[%get3A_10, %get3A_11] : memref<1x64xf32, #tpu.memory_space<vmem>>, vector<1x64xf32>
    %add3A = vector.broadcast %get3A_12 : vector<1x64xf32> to vector<512x64xf32>
    %add3A_13 = arith.addf %dot_general3A_9, %add3A : vector<512x64xf32>
    %get3A_14 = arith.constant 0 : index
    %get3A_15 = arith.constant 0 : index
    %get3A_16 = vector.load %arg6[%get3A_14, %get3A_15] : memref<1x64xf32, #tpu.memory_space<vmem>>, vector<1x64xf32>
    %get3A_17 = arith.constant 0 : index
    %get3A_18 = arith.constant 0 : index
    %get3A_19 = vector.load %arg7[%get3A_17, %get3A_18] : memref<1x64xf32, #tpu.memory_space<vmem>>, vector<1x64xf32>
    %reduce_sum3A_20 = arith.constant dense<0.000000e+00> : vector<512xf32>
    %reduce_sum3A_21 = vector.multi_reduction <add>, %add3A_13, %reduce_sum3A_20 [1] : vector<512x64xf32> to vector<512xf32>
    %broadcast_in_dim3A = vector.shape_cast %reduce_sum3A_21 : vector<512xf32> to vector<512x1xf32>
    %div3A_22 = arith.constant 6.400000e+01 : f32
    %div3A_23 = vector.broadcast %div3A_22 : f32 to vector<512x1xf32>
    %div3A_24 = arith.divf %broadcast_in_dim3A, %div3A_23 : vector<512x1xf32>
    %sub3A = vector.broadcast %div3A_24 : vector<512x1xf32> to vector<512x64xf32>
    %sub3A_25 = arith.subf %add3A_13, %sub3A : vector<512x64xf32>
    %integer_pow3A = arith.mulf %sub3A_25, %sub3A_25 : vector<512x64xf32>
    %reduce_sum3A_26 = arith.constant dense<0.000000e+00> : vector<512xf32>
    %reduce_sum3A_27 = vector.multi_reduction <add>, %integer_pow3A, %reduce_sum3A_26 [1] : vector<512x64xf32> to vector<512xf32>
    %broadcast_in_dim3A_28 = vector.shape_cast %reduce_sum3A_27 : vector<512xf32> to vector<512x1xf32>
    %div3A_29 = arith.constant 6.400000e+01 : f32
    %div3A_30 = vector.broadcast %div3A_29 : f32 to vector<512x1xf32>
    %div3A_31 = arith.divf %broadcast_in_dim3A_28, %div3A_30 : vector<512x1xf32>
    %sub3A_32 = vector.broadcast %div3A_24 : vector<512x1xf32> to vector<512x64xf32>
    %sub3A_33 = arith.subf %add3A_13, %sub3A_32 : vector<512x64xf32>
    %add3A_34 = arith.constant 9.99999974E-6 : f32
    %add3A_35 = vector.broadcast %add3A_34 : f32 to vector<512x1xf32>
    %add3A_36 = arith.addf %div3A_31, %add3A_35 : vector<512x1xf32>
    %sqrt3A = math.sqrt %add3A_36 : vector<512x1xf32>
    %div3A_37 = vector.broadcast %sqrt3A : vector<512x1xf32> to vector<512x64xf32>
    %div3A_38 = arith.divf %sub3A_33, %div3A_37 : vector<512x64xf32>
    %mul3A = vector.broadcast %get3A_16 : vector<1x64xf32> to vector<512x64xf32>
    %mul3A_39 = arith.mulf %div3A_38, %mul3A : vector<512x64xf32>
    %add3A_40 = vector.broadcast %get3A_19 : vector<1x64xf32> to vector<512x64xf32>
    %add3A_41 = arith.addf %mul3A_39, %add3A_40 : vector<512x64xf32>
    %integer_pow3A_42 = arith.mulf %add3A_41, %add3A_41 : vector<512x64xf32>
    %integer_pow3A_43 = arith.mulf %add3A_41, %integer_pow3A_42 : vector<512x64xf32>
    %mul3A_44 = arith.constant 4.471500e-02 : f32
    %mul3A_45 = vector.broadcast %mul3A_44 : f32 to vector<512x64xf32>
    %mul3A_46 = arith.mulf %mul3A_45, %integer_pow3A_43 : vector<512x64xf32>
    %add3A_47 = arith.addf %add3A_41, %mul3A_46 : vector<512x64xf32>
    %mul3A_48 = arith.constant 0.797884583 : f32
    %mul3A_49 = vector.broadcast %mul3A_48 : f32 to vector<512x64xf32>
    %mul3A_50 = arith.mulf %mul3A_49, %add3A_47 : vector<512x64xf32>
    %tanh3A = math.tanh %mul3A_50 : vector<512x64xf32>
    %add3A_51 = arith.constant 1.000000e+00 : f32
    %add3A_52 = vector.broadcast %add3A_51 : f32 to vector<512x64xf32>
    %add3A_53 = arith.addf %add3A_52, %tanh3A : vector<512x64xf32>
    %mul3A_54 = arith.constant 5.000000e-01 : f32
    %mul3A_55 = vector.broadcast %mul3A_54 : f32 to vector<512x64xf32>
    %mul3A_56 = arith.mulf %mul3A_55, %add3A_53 : vector<512x64xf32>
    %mul3A_57 = arith.mulf %add3A_41, %mul3A_56 : vector<512x64xf32>
    %get3A_58 = arith.constant 0 : index
    %get3A_59 = arith.constant 0 : index
    %get3A_60 = vector.load %arg8[%get3A_58, %get3A_59] : memref<64x32xf32, #tpu.memory_space<vmem>>, vector<64x32xf32>
    %dot_general3A_61 = arith.constant dense<0.000000e+00> : vector<512x32xf32>
    %dot_general3A_62 = tpu.matmul %mul3A_57, %get3A_60, %dot_general3A_61 {dimension_numbers = #tpu.dot_dimension_numbers<[1], [0], [0], [1], [0, 0, 1, 1], [], []>, transpose_lhs_hint = false} : vector<512x64xf32>, vector<64x32xf32>, vector<512x32xf32> -> vector<512x32xf32>
    %get3A_63 = arith.constant 0 : index
    %get3A_64 = arith.constant 0 : index
    %get3A_65 = vector.load %arg9[%get3A_63, %get3A_64] : memref<1x32xf32, #tpu.memory_space<vmem>>, vector<1x32xf32>
    %add3A_66 = vector.broadcast %get3A_65 : vector<1x32xf32> to vector<512x32xf32>
    %add3A_67 = arith.addf %dot_general3A_62, %add3A_66 : vector<512x32xf32>
    %get3A_68 = arith.constant 0 : index
    %get3A_69 = arith.constant 0 : index
    %get3A_70 = vector.load %arg1[%get3A_68, %get3A_69] : memref<512x64xf32, #tpu.memory_space<vmem>>, vector<512x64xf32>
    %get3A_71 = arith.constant 0 : index
    %get3A_72 = arith.constant 0 : index
    %get3A_73 = vector.load %arg10[%get3A_71, %get3A_72] : memref<64x128xf32, #tpu.memory_space<vmem>>, vector<64x128xf32>
    %dot_general3A_74 = arith.constant dense<0.000000e+00> : vector<512x128xf32>
    %dot_general3A_75 = tpu.matmul %get3A_70, %get3A_73, %dot_general3A_74 {dimension_numbers = #tpu.dot_dimension_numbers<[1], [0], [0], [1], [0, 0, 1, 1], [], []>, transpose_lhs_hint = false} : vector<512x64xf32>, vector<64x128xf32>, vector<512x128xf32> -> vector<512x128xf32>
    %get3A_76 = arith.constant 0 : index
    %get3A_77 = arith.constant 0 : index
    %get3A_78 = vector.load %arg11[%get3A_76, %get3A_77] : memref<1x128xf32, #tpu.memory_space<vmem>>, vector<1x128xf32>
    %add3A_79 = vector.broadcast %get3A_78 : vector<1x128xf32> to vector<512x128xf32>
    %add3A_80 = arith.addf %dot_general3A_75, %add3A_79 : vector<512x128xf32>
    %get3A_81 = arith.constant 0 : index
    %get3A_82 = arith.constant 0 : index
    %get3A_83 = vector.load %arg12[%get3A_81, %get3A_82] : memref<1x128xf32, #tpu.memory_space<vmem>>, vector<1x128xf32>
    %get3A_84 = arith.constant 0 : index
    %get3A_85 = arith.constant 0 : index
    %get3A_86 = vector.load %arg13[%get3A_84, %get3A_85] : memref<1x128xf32, #tpu.memory_space<vmem>>, vector<1x128xf32>
    %reduce_sum3A_87 = arith.constant dense<0.000000e+00> : vector<512xf32>
    %reduce_sum3A_88 = vector.multi_reduction <add>, %add3A_80, %reduce_sum3A_87 [1] : vector<512x128xf32> to vector<512xf32>
    %broadcast_in_dim3A_89 = vector.shape_cast %reduce_sum3A_88 : vector<512xf32> to vector<512x1xf32>
    %div3A_90 = arith.constant 1.280000e+02 : f32
    %div3A_91 = vector.broadcast %div3A_90 : f32 to vector<512x1xf32>
    %div3A_92 = arith.divf %broadcast_in_dim3A_89, %div3A_91 : vector<512x1xf32>
    %sub3A_93 = vector.broadcast %div3A_92 : vector<512x1xf32> to vector<512x128xf32>
    %sub3A_94 = arith.subf %add3A_80, %sub3A_93 : vector<512x128xf32>
    %integer_pow3A_95 = arith.mulf %sub3A_94, %sub3A_94 : vector<512x128xf32>
    %reduce_sum3A_96 = arith.constant dense<0.000000e+00> : vector<512xf32>
    %reduce_sum3A_97 = vector.multi_reduction <add>, %integer_pow3A_95, %reduce_sum3A_96 [1] : vector<512x128xf32> to vector<512xf32>
    %broadcast_in_dim3A_98 = vector.shape_cast %reduce_sum3A_97 : vector<512xf32> to vector<512x1xf32>
    %div3A_99 = arith.constant 1.280000e+02 : f32
    %div3A_100 = vector.broadcast %div3A_99 : f32 to vector<512x1xf32>
    %div3A_101 = arith.divf %broadcast_in_dim3A_98, %div3A_100 : vector<512x1xf32>
    %sub3A_102 = vector.broadcast %div3A_92 : vector<512x1xf32> to vector<512x128xf32>
    %sub3A_103 = arith.subf %add3A_80, %sub3A_102 : vector<512x128xf32>
    %add3A_104 = arith.constant 9.99999974E-6 : f32
    %add3A_105 = vector.broadcast %add3A_104 : f32 to vector<512x1xf32>
    %add3A_106 = arith.addf %div3A_101, %add3A_105 : vector<512x1xf32>
    %sqrt3A_107 = math.sqrt %add3A_106 : vector<512x1xf32>
    %div3A_108 = vector.broadcast %sqrt3A_107 : vector<512x1xf32> to vector<512x128xf32>
    %div3A_109 = arith.divf %sub3A_103, %div3A_108 : vector<512x128xf32>
    %mul3A_110 = vector.broadcast %get3A_83 : vector<1x128xf32> to vector<512x128xf32>
    %mul3A_111 = arith.mulf %div3A_109, %mul3A_110 : vector<512x128xf32>
    %add3A_112 = vector.broadcast %get3A_86 : vector<1x128xf32> to vector<512x128xf32>
    %add3A_113 = arith.addf %mul3A_111, %add3A_112 : vector<512x128xf32>
    %integer_pow3A_114 = arith.mulf %add3A_113, %add3A_113 : vector<512x128xf32>
    %integer_pow3A_115 = arith.mulf %add3A_113, %integer_pow3A_114 : vector<512x128xf32>
    %mul3A_116 = arith.constant 4.471500e-02 : f32
    %mul3A_117 = vector.broadcast %mul3A_116 : f32 to vector<512x128xf32>
    %mul3A_118 = arith.mulf %mul3A_117, %integer_pow3A_115 : vector<512x128xf32>
    %add3A_119 = arith.addf %add3A_113, %mul3A_118 : vector<512x128xf32>
    %mul3A_120 = arith.constant 0.797884583 : f32
    %mul3A_121 = vector.broadcast %mul3A_120 : f32 to vector<512x128xf32>
    %mul3A_122 = arith.mulf %mul3A_121, %add3A_119 : vector<512x128xf32>
    %tanh3A_123 = math.tanh %mul3A_122 : vector<512x128xf32>
    %add3A_124 = arith.constant 1.000000e+00 : f32
    %add3A_125 = vector.broadcast %add3A_124 : f32 to vector<512x128xf32>
    %add3A_126 = arith.addf %add3A_125, %tanh3A_123 : vector<512x128xf32>
    %mul3A_127 = arith.constant 5.000000e-01 : f32
    %mul3A_128 = vector.broadcast %mul3A_127 : f32 to vector<512x128xf32>
    %mul3A_129 = arith.mulf %mul3A_128, %add3A_126 : vector<512x128xf32>
    %mul3A_130 = arith.mulf %add3A_113, %mul3A_129 : vector<512x128xf32>
    %get3A_131 = arith.constant 0 : index
    %get3A_132 = arith.constant 0 : index
    %get3A_133 = vector.load %arg14[%get3A_131, %get3A_132] : memref<128x128xf32, #tpu.memory_space<vmem>>, vector<128x128xf32>
    %dot_general3A_134 = arith.constant dense<0.000000e+00> : vector<512x128xf32>
    %dot_general3A_135 = tpu.matmul %mul3A_130, %get3A_133, %dot_general3A_134 {dimension_numbers = #tpu.dot_dimension_numbers<[1], [0], [0], [1], [0, 0, 1, 1], [], []>, transpose_lhs_hint = false} : vector<512x128xf32>, vector<128x128xf32>, vector<512x128xf32> -> vector<512x128xf32>
    %get3A_136 = arith.constant 0 : index
    %get3A_137 = arith.constant 0 : index
    %get3A_138 = vector.load %arg15[%get3A_136, %get3A_137] : memref<1x128xf32, #tpu.memory_space<vmem>>, vector<1x128xf32>
    %add3A_139 = vector.broadcast %get3A_138 : vector<1x128xf32> to vector<512x128xf32>
    %add3A_140 = arith.addf %dot_general3A_135, %add3A_139 : vector<512x128xf32>
    %get3A_141 = arith.constant 0 : index
    %get3A_142 = arith.constant 0 : index
    %get3A_143 = vector.load %arg16[%get3A_141, %get3A_142] : memref<1x128xf32, #tpu.memory_space<vmem>>, vector<1x128xf32>
    %get3A_144 = arith.constant 0 : index
    %get3A_145 = arith.constant 0 : index
    %get3A_146 = vector.load %arg17[%get3A_144, %get3A_145] : memref<1x128xf32, #tpu.memory_space<vmem>>, vector<1x128xf32>
    %reduce_sum3A_147 = arith.constant dense<0.000000e+00> : vector<512xf32>
    %reduce_sum3A_148 = vector.multi_reduction <add>, %add3A_140, %reduce_sum3A_147 [1] : vector<512x128xf32> to vector<512xf32>
    %broadcast_in_dim3A_149 = vector.shape_cast %reduce_sum3A_148 : vector<512xf32> to vector<512x1xf32>
    %div3A_150 = arith.constant 1.280000e+02 : f32
    %div3A_151 = vector.broadcast %div3A_150 : f32 to vector<512x1xf32>
    %div3A_152 = arith.divf %broadcast_in_dim3A_149, %div3A_151 : vector<512x1xf32>
    %sub3A_153 = vector.broadcast %div3A_152 : vector<512x1xf32> to vector<512x128xf32>
    %sub3A_154 = arith.subf %add3A_140, %sub3A_153 : vector<512x128xf32>
    %integer_pow3A_155 = arith.mulf %sub3A_154, %sub3A_154 : vector<512x128xf32>
    %reduce_sum3A_156 = arith.constant dense<0.000000e+00> : vector<512xf32>
    %reduce_sum3A_157 = vector.multi_reduction <add>, %integer_pow3A_155, %reduce_sum3A_156 [1] : vector<512x128xf32> to vector<512xf32>
    %broadcast_in_dim3A_158 = vector.shape_cast %reduce_sum3A_157 : vector<512xf32> to vector<512x1xf32>
    %div3A_159 = arith.constant 1.280000e+02 : f32
    %div3A_160 = vector.broadcast %div3A_159 : f32 to vector<512x1xf32>
    %div3A_161 = arith.divf %broadcast_in_dim3A_158, %div3A_160 : vector<512x1xf32>
    %sub3A_162 = vector.broadcast %div3A_152 : vector<512x1xf32> to vector<512x128xf32>
    %sub3A_163 = arith.subf %add3A_140, %sub3A_162 : vector<512x128xf32>
    %add3A_164 = arith.constant 9.99999974E-6 : f32
    %add3A_165 = vector.broadcast %add3A_164 : f32 to vector<512x1xf32>
    %add3A_166 = arith.addf %div3A_161, %add3A_165 : vector<512x1xf32>
    %sqrt3A_167 = math.sqrt %add3A_166 : vector<512x1xf32>
    %div3A_168 = vector.broadcast %sqrt3A_167 : vector<512x1xf32> to vector<512x128xf32>
    %div3A_169 = arith.divf %sub3A_163, %div3A_168 : vector<512x128xf32>
    %mul3A_170 = vector.broadcast %get3A_143 : vector<1x128xf32> to vector<512x128xf32>
    %mul3A_171 = arith.mulf %div3A_169, %mul3A_170 : vector<512x128xf32>
    %add3A_172 = vector.broadcast %get3A_146 : vector<1x128xf32> to vector<512x128xf32>
    %add3A_173 = arith.addf %mul3A_171, %add3A_172 : vector<512x128xf32>
    %integer_pow3A_174 = arith.mulf %add3A_173, %add3A_173 : vector<512x128xf32>
    %integer_pow3A_175 = arith.mulf %add3A_173, %integer_pow3A_174 : vector<512x128xf32>
    %mul3A_176 = arith.constant 4.471500e-02 : f32
    %mul3A_177 = vector.broadcast %mul3A_176 : f32 to vector<512x128xf32>
    %mul3A_178 = arith.mulf %mul3A_177, %integer_pow3A_175 : vector<512x128xf32>
    %add3A_179 = arith.addf %add3A_173, %mul3A_178 : vector<512x128xf32>
    %mul3A_180 = arith.constant 0.797884583 : f32
    %mul3A_181 = vector.broadcast %mul3A_180 : f32 to vector<512x128xf32>
    %mul3A_182 = arith.mulf %mul3A_181, %add3A_179 : vector<512x128xf32>
    %tanh3A_183 = math.tanh %mul3A_182 : vector<512x128xf32>
    %add3A_184 = arith.constant 1.000000e+00 : f32
    %add3A_185 = vector.broadcast %add3A_184 : f32 to vector<512x128xf32>
    %add3A_186 = arith.addf %add3A_185, %tanh3A_183 : vector<512x128xf32>
    %mul3A_187 = arith.constant 5.000000e-01 : f32
    %mul3A_188 = vector.broadcast %mul3A_187 : f32 to vector<512x128xf32>
    %mul3A_189 = arith.mulf %mul3A_188, %add3A_186 : vector<512x128xf32>
    %mul3A_190 = arith.mulf %add3A_173, %mul3A_189 : vector<512x128xf32>
    %get3A_191 = arith.constant 0 : index
    %get3A_192 = arith.constant 0 : index
    %get3A_193 = vector.load %arg18[%get3A_191, %get3A_192] : memref<128x64xf32, #tpu.memory_space<vmem>>, vector<128x64xf32>
    %dot_general3A_194 = arith.constant dense<0.000000e+00> : vector<512x64xf32>
    %dot_general3A_195 = tpu.matmul %mul3A_190, %get3A_193, %dot_general3A_194 {dimension_numbers = #tpu.dot_dimension_numbers<[1], [0], [0], [1], [0, 0, 1, 1], [], []>, transpose_lhs_hint = false} : vector<512x128xf32>, vector<128x64xf32>, vector<512x64xf32> -> vector<512x64xf32>
    %get3A_196 = arith.constant 0 : index
    %get3A_197 = arith.constant 0 : index
    %get3A_198 = vector.load %arg19[%get3A_196, %get3A_197] : memref<1x64xf32, #tpu.memory_space<vmem>>, vector<1x64xf32>
    %add3A_199 = vector.broadcast %get3A_198 : vector<1x64xf32> to vector<512x64xf32>
    %add3A_200 = arith.addf %dot_general3A_195, %add3A_199 : vector<512x64xf32>
    %concatenate3A = tpu.concatenate %add3A_200, %add3A_67 in 1 : vector<512x64xf32>, vector<512x32xf32> -> vector<512x96xf32>
    %get3A_201 = arith.constant 0 : index
    %get3A_202 = arith.constant 0 : index
    %get3A_203 = vector.load %arg20[%get3A_201, %get3A_202] : memref<96x128xf32, #tpu.memory_space<vmem>>, vector<96x128xf32>
    %dot_general3A_204 = arith.constant dense<0.000000e+00> : vector<512x128xf32>
    %dot_general3A_205 = tpu.matmul %concatenate3A, %get3A_203, %dot_general3A_204 {dimension_numbers = #tpu.dot_dimension_numbers<[1], [0], [0], [1], [0, 0, 1, 1], [], []>, transpose_lhs_hint = false} : vector<512x96xf32>, vector<96x128xf32>, vector<512x128xf32> -> vector<512x128xf32>
    %get3A_206 = arith.constant 0 : index
    %get3A_207 = arith.constant 0 : index
    %get3A_208 = vector.load %arg21[%get3A_206, %get3A_207] : memref<1x128xf32, #tpu.memory_space<vmem>>, vector<1x128xf32>
    %add3A_209 = vector.broadcast %get3A_208 : vector<1x128xf32> to vector<512x128xf32>
    %add3A_210 = arith.addf %dot_general3A_205, %add3A_209 : vector<512x128xf32>
    %get3A_211 = arith.constant 0 : index
    %get3A_212 = arith.constant 0 : index
    %get3A_213 = vector.load %arg22[%get3A_211, %get3A_212] : memref<1x128xf32, #tpu.memory_space<vmem>>, vector<1x128xf32>
    %get3A_214 = arith.constant 0 : index
    %get3A_215 = arith.constant 0 : index
    %get3A_216 = vector.load %arg23[%get3A_214, %get3A_215] : memref<1x128xf32, #tpu.memory_space<vmem>>, vector<1x128xf32>
    %reduce_sum3A_217 = arith.constant dense<0.000000e+00> : vector<512xf32>
    %reduce_sum3A_218 = vector.multi_reduction <add>, %add3A_210, %reduce_sum3A_217 [1] : vector<512x128xf32> to vector<512xf32>
    %broadcast_in_dim3A_219 = vector.shape_cast %reduce_sum3A_218 : vector<512xf32> to vector<512x1xf32>
    %div3A_220 = arith.constant 1.280000e+02 : f32
    %div3A_221 = vector.broadcast %div3A_220 : f32 to vector<512x1xf32>
    %div3A_222 = arith.divf %broadcast_in_dim3A_219, %div3A_221 : vector<512x1xf32>
    %sub3A_223 = vector.broadcast %div3A_222 : vector<512x1xf32> to vector<512x128xf32>
    %sub3A_224 = arith.subf %add3A_210, %sub3A_223 : vector<512x128xf32>
    %integer_pow3A_225 = arith.mulf %sub3A_224, %sub3A_224 : vector<512x128xf32>
    %reduce_sum3A_226 = arith.constant dense<0.000000e+00> : vector<512xf32>
    %reduce_sum3A_227 = vector.multi_reduction <add>, %integer_pow3A_225, %reduce_sum3A_226 [1] : vector<512x128xf32> to vector<512xf32>
    %broadcast_in_dim3A_228 = vector.shape_cast %reduce_sum3A_227 : vector<512xf32> to vector<512x1xf32>
    %div3A_229 = arith.constant 1.280000e+02 : f32
    %div3A_230 = vector.broadcast %div3A_229 : f32 to vector<512x1xf32>
    %div3A_231 = arith.divf %broadcast_in_dim3A_228, %div3A_230 : vector<512x1xf32>
    %sub3A_232 = vector.broadcast %div3A_222 : vector<512x1xf32> to vector<512x128xf32>
    %sub3A_233 = arith.subf %add3A_210, %sub3A_232 : vector<512x128xf32>
    %add3A_234 = arith.constant 9.99999974E-6 : f32
    %add3A_235 = vector.broadcast %add3A_234 : f32 to vector<512x1xf32>
    %add3A_236 = arith.addf %div3A_231, %add3A_235 : vector<512x1xf32>
    %sqrt3A_237 = math.sqrt %add3A_236 : vector<512x1xf32>
    %div3A_238 = vector.broadcast %sqrt3A_237 : vector<512x1xf32> to vector<512x128xf32>
    %div3A_239 = arith.divf %sub3A_233, %div3A_238 : vector<512x128xf32>
    %mul3A_240 = vector.broadcast %get3A_213 : vector<1x128xf32> to vector<512x128xf32>
    %mul3A_241 = arith.mulf %div3A_239, %mul3A_240 : vector<512x128xf32>
    %add3A_242 = vector.broadcast %get3A_216 : vector<1x128xf32> to vector<512x128xf32>
    %add3A_243 = arith.addf %mul3A_241, %add3A_242 : vector<512x128xf32>
    %integer_pow3A_244 = arith.mulf %add3A_243, %add3A_243 : vector<512x128xf32>
    %integer_pow3A_245 = arith.mulf %add3A_243, %integer_pow3A_244 : vector<512x128xf32>
    %mul3A_246 = arith.constant 4.471500e-02 : f32
    %mul3A_247 = vector.broadcast %mul3A_246 : f32 to vector<512x128xf32>
    %mul3A_248 = arith.mulf %mul3A_247, %integer_pow3A_245 : vector<512x128xf32>
    %add3A_249 = arith.addf %add3A_243, %mul3A_248 : vector<512x128xf32>
    %mul3A_250 = arith.constant 0.797884583 : f32
    %mul3A_251 = vector.broadcast %mul3A_250 : f32 to vector<512x128xf32>
    %mul3A_252 = arith.mulf %mul3A_251, %add3A_249 : vector<512x128xf32>
    %tanh3A_253 = math.tanh %mul3A_252 : vector<512x128xf32>
    %add3A_254 = arith.constant 1.000000e+00 : f32
    %add3A_255 = vector.broadcast %add3A_254 : f32 to vector<512x128xf32>
    %add3A_256 = arith.addf %add3A_255, %tanh3A_253 : vector<512x128xf32>
    %mul3A_257 = arith.constant 5.000000e-01 : f32
    %mul3A_258 = vector.broadcast %mul3A_257 : f32 to vector<512x128xf32>
    %mul3A_259 = arith.mulf %mul3A_258, %add3A_256 : vector<512x128xf32>
    %mul3A_260 = arith.mulf %add3A_243, %mul3A_259 : vector<512x128xf32>
    %get3A_261 = arith.constant 0 : index
    %get3A_262 = arith.constant 0 : index
    %get3A_263 = vector.load %arg24[%get3A_261, %get3A_262] : memref<128x64xf32, #tpu.memory_space<vmem>>, vector<128x64xf32>
    %dot_general3A_264 = arith.constant dense<0.000000e+00> : vector<512x64xf32>
    %dot_general3A_265 = tpu.matmul %mul3A_260, %get3A_263, %dot_general3A_264 {dimension_numbers = #tpu.dot_dimension_numbers<[1], [0], [0], [1], [0, 0, 1, 1], [], []>, transpose_lhs_hint = false} : vector<512x128xf32>, vector<128x64xf32>, vector<512x64xf32> -> vector<512x64xf32>
    %get3A_266 = arith.constant 0 : index
    %get3A_267 = arith.constant 0 : index
    %get3A_268 = vector.load %arg25[%get3A_266, %get3A_267] : memref<1x64xf32, #tpu.memory_space<vmem>>, vector<1x64xf32>
    %add3A_269 = vector.broadcast %get3A_268 : vector<1x64xf32> to vector<512x64xf32>
    %add3A_270 = arith.addf %dot_general3A_265, %add3A_269 : vector<512x64xf32>
    %get3A_271 = arith.constant 0 : index
    %get3A_272 = arith.constant 0 : index
    %get3A_273 = vector.load %arg26[%get3A_271, %get3A_272] : memref<64x64xf32, #tpu.memory_space<vmem>>, vector<64x64xf32>
    %dot_general3A_274 = arith.constant dense<0.000000e+00> : vector<512x64xf32>
    %dot_general3A_275 = tpu.matmul %add3A_270, %get3A_273, %dot_general3A_274 {dimension_numbers = #tpu.dot_dimension_numbers<[1], [0], [0], [1], [0, 0, 1, 1], [], []>, transpose_lhs_hint = false} : vector<512x64xf32>, vector<64x64xf32>, vector<512x64xf32> -> vector<512x64xf32>
    %get3A_276 = arith.constant 0 : index
    %get3A_277 = arith.constant 0 : index
    %get3A_278 = vector.load %arg27[%get3A_276, %get3A_277] : memref<1x64xf32, #tpu.memory_space<vmem>>, vector<1x64xf32>
    %add3A_279 = vector.broadcast %get3A_278 : vector<1x64xf32> to vector<512x64xf32>
    %add3A_280 = arith.addf %dot_general3A_275, %add3A_279 : vector<512x64xf32>
    %get3A_281 = arith.constant 0 : index
    %get3A_282 = arith.constant 0 : index
    %get3A_283 = vector.load %arg28[%get3A_281, %get3A_282] : memref<1x64xf32, #tpu.memory_space<vmem>>, vector<1x64xf32>
    %get3A_284 = arith.constant 0 : index
    %get3A_285 = arith.constant 0 : index
    %get3A_286 = vector.load %arg29[%get3A_284, %get3A_285] : memref<1x64xf32, #tpu.memory_space<vmem>>, vector<1x64xf32>
    %reduce_sum3A_287 = arith.constant dense<0.000000e+00> : vector<512xf32>
    %reduce_sum3A_288 = vector.multi_reduction <add>, %add3A_280, %reduce_sum3A_287 [1] : vector<512x64xf32> to vector<512xf32>
    %broadcast_in_dim3A_289 = vector.shape_cast %reduce_sum3A_288 : vector<512xf32> to vector<512x1xf32>
    %div3A_290 = arith.constant 6.400000e+01 : f32
    %div3A_291 = vector.broadcast %div3A_290 : f32 to vector<512x1xf32>
    %div3A_292 = arith.divf %broadcast_in_dim3A_289, %div3A_291 : vector<512x1xf32>
    %sub3A_293 = vector.broadcast %div3A_292 : vector<512x1xf32> to vector<512x64xf32>
    %sub3A_294 = arith.subf %add3A_280, %sub3A_293 : vector<512x64xf32>
    %integer_pow3A_295 = arith.mulf %sub3A_294, %sub3A_294 : vector<512x64xf32>
    %reduce_sum3A_296 = arith.constant dense<0.000000e+00> : vector<512xf32>
    %reduce_sum3A_297 = vector.multi_reduction <add>, %integer_pow3A_295, %reduce_sum3A_296 [1] : vector<512x64xf32> to vector<512xf32>
    %broadcast_in_dim3A_298 = vector.shape_cast %reduce_sum3A_297 : vector<512xf32> to vector<512x1xf32>
    %div3A_299 = arith.constant 6.400000e+01 : f32
    %div3A_300 = vector.broadcast %div3A_299 : f32 to vector<512x1xf32>
    %div3A_301 = arith.divf %broadcast_in_dim3A_298, %div3A_300 : vector<512x1xf32>
    %sub3A_302 = vector.broadcast %div3A_292 : vector<512x1xf32> to vector<512x64xf32>
    %sub3A_303 = arith.subf %add3A_280, %sub3A_302 : vector<512x64xf32>
    %add3A_304 = arith.constant 9.99999974E-6 : f32
    %add3A_305 = vector.broadcast %add3A_304 : f32 to vector<512x1xf32>
    %add3A_306 = arith.addf %div3A_301, %add3A_305 : vector<512x1xf32>
    %sqrt3A_307 = math.sqrt %add3A_306 : vector<512x1xf32>
    %div3A_308 = vector.broadcast %sqrt3A_307 : vector<512x1xf32> to vector<512x64xf32>
    %div3A_309 = arith.divf %sub3A_303, %div3A_308 : vector<512x64xf32>
    %mul3A_310 = vector.broadcast %get3A_283 : vector<1x64xf32> to vector<512x64xf32>
    %mul3A_311 = arith.mulf %div3A_309, %mul3A_310 : vector<512x64xf32>
    %add3A_312 = vector.broadcast %get3A_286 : vector<1x64xf32> to vector<512x64xf32>
    %add3A_313 = arith.addf %mul3A_311, %add3A_312 : vector<512x64xf32>
    %integer_pow3A_314 = arith.mulf %add3A_313, %add3A_313 : vector<512x64xf32>
    %integer_pow3A_315 = arith.mulf %add3A_313, %integer_pow3A_314 : vector<512x64xf32>
    %mul3A_316 = arith.constant 4.471500e-02 : f32
    %mul3A_317 = vector.broadcast %mul3A_316 : f32 to vector<512x64xf32>
    %mul3A_318 = arith.mulf %mul3A_317, %integer_pow3A_315 : vector<512x64xf32>
    %add3A_319 = arith.addf %add3A_313, %mul3A_318 : vector<512x64xf32>
    %mul3A_320 = arith.constant 0.797884583 : f32
    %mul3A_321 = vector.broadcast %mul3A_320 : f32 to vector<512x64xf32>
    %mul3A_322 = arith.mulf %mul3A_321, %add3A_319 : vector<512x64xf32>
    %tanh3A_323 = math.tanh %mul3A_322 : vector<512x64xf32>
    %add3A_324 = arith.constant 1.000000e+00 : f32
    %add3A_325 = vector.broadcast %add3A_324 : f32 to vector<512x64xf32>
    %add3A_326 = arith.addf %add3A_325, %tanh3A_323 : vector<512x64xf32>
    %mul3A_327 = arith.constant 5.000000e-01 : f32
    %mul3A_328 = vector.broadcast %mul3A_327 : f32 to vector<512x64xf32>
    %mul3A_329 = arith.mulf %mul3A_328, %add3A_326 : vector<512x64xf32>
    %mul3A_330 = arith.mulf %add3A_313, %mul3A_329 : vector<512x64xf32>
    %get3A_331 = arith.constant 0 : index
    %get3A_332 = arith.constant 0 : index
    %get3A_333 = vector.load %arg30[%get3A_331, %get3A_332] : memref<64x1xf32, #tpu.memory_space<vmem>>, vector<64x1xf32>
    %dot_general3A_334 = arith.constant dense<0.000000e+00> : vector<512x1xf32>
    %dot_general3A_335 = tpu.matmul %mul3A_330, %get3A_333, %dot_general3A_334 {dimension_numbers = #tpu.dot_dimension_numbers<[1], [0], [0], [1], [0, 0, 1, 1], [], []>, transpose_lhs_hint = false} : vector<512x64xf32>, vector<64x1xf32>, vector<512x1xf32> -> vector<512x1xf32>
    %get3A_336 = arith.constant 0 : index
    %get3A_337 = arith.constant 0 : index
    %get3A_338 = vector.load %arg31[%get3A_336, %get3A_337] : memref<1x1xf32, #tpu.memory_space<vmem>>, vector<1x1xf32>
    %add3A_339 = vector.broadcast %get3A_338 : vector<1x1xf32> to vector<512x1xf32>
    %add3A_340 = arith.addf %dot_general3A_335, %add3A_339 : vector<512x1xf32>
    %get3A_341 = arith.constant 0 : index
    %get3A_342 = arith.constant 0 : index
    %get3A_343 = vector.load %arg33[%get3A_341, %get3A_342] : memref<32x64xf32, #tpu.memory_space<vmem>>, vector<32x64xf32>
    %dot_general3A_344 = arith.constant dense<0.000000e+00> : vector<512x64xf32>
    %dot_general3A_345 = tpu.matmul %add3A_67, %get3A_343, %dot_general3A_344 {dimension_numbers = #tpu.dot_dimension_numbers<[1], [0], [0], [1], [0, 0, 1, 1], [], []>, transpose_lhs_hint = false} : vector<512x32xf32>, vector<32x64xf32>, vector<512x64xf32> -> vector<512x64xf32>
    %get3A_346 = arith.constant 0 : index
    %get3A_347 = arith.constant 0 : index
    %get3A_348 = vector.load %arg35[%get3A_346, %get3A_347] : memref<64x64xf32, #tpu.memory_space<vmem>>, vector<64x64xf32>
    %dot_general3A_349 = arith.constant dense<0.000000e+00> : vector<512x64xf32>
    %dot_general3A_350 = tpu.matmul %add3A_270, %get3A_348, %dot_general3A_349 {dimension_numbers = #tpu.dot_dimension_numbers<[1], [0], [0], [1], [0, 0, 1, 1], [], []>, transpose_lhs_hint = false} : vector<512x64xf32>, vector<64x64xf32>, vector<512x64xf32> -> vector<512x64xf32>
    %get3A_351 = arith.constant 0 : index
    %get3A_352 = arith.constant 0 : index
    %get3A_353 = vector.load %arg36[%get3A_351, %get3A_352] : memref<1x64xf32, #tpu.memory_space<vmem>>, vector<1x64xf32>
    %add3A_354 = vector.broadcast %get3A_353 : vector<1x64xf32> to vector<512x64xf32>
    %add3A_355 = arith.addf %dot_general3A_350, %add3A_354 : vector<512x64xf32>
    %integer_pow3A_356 = arith.mulf %add3A_355, %add3A_355 : vector<512x64xf32>
    %integer_pow3A_357 = arith.mulf %add3A_355, %integer_pow3A_356 : vector<512x64xf32>
    %mul3A_358 = arith.constant 4.471500e-02 : f32
    %mul3A_359 = vector.broadcast %mul3A_358 : f32 to vector<512x64xf32>
    %mul3A_360 = arith.mulf %mul3A_359, %integer_pow3A_357 : vector<512x64xf32>
    %add3A_361 = arith.addf %add3A_355, %mul3A_360 : vector<512x64xf32>
    %mul3A_362 = arith.constant 0.797884583 : f32
    %mul3A_363 = vector.broadcast %mul3A_362 : f32 to vector<512x64xf32>
    %mul3A_364 = arith.mulf %mul3A_363, %add3A_361 : vector<512x64xf32>
    %tanh3A_365 = math.tanh %mul3A_364 : vector<512x64xf32>
    %add3A_366 = arith.constant 1.000000e+00 : f32
    %add3A_367 = vector.broadcast %add3A_366 : f32 to vector<512x64xf32>
    %add3A_368 = arith.addf %add3A_367, %tanh3A_365 : vector<512x64xf32>
    %mul3A_369 = arith.constant 5.000000e-01 : f32
    %mul3A_370 = vector.broadcast %mul3A_369 : f32 to vector<512x64xf32>
    %mul3A_371 = arith.mulf %mul3A_370, %add3A_368 : vector<512x64xf32>
    %mul3A_372 = arith.mulf %add3A_355, %mul3A_371 : vector<512x64xf32>
    %broadcast_in_dim3A_373 = arith.constant 0.000000e+00 : f32
    %broadcast_in_dim3A_374 = vector.broadcast %broadcast_in_dim3A_373 : f32 to vector<512x13xf32>
    %swap3A = arith.constant 0 : index
    %swap3A_375 = arith.constant 0 : index
    %swap3A_376 = vector.load %arg37[%swap3A, %swap3A_375] : memref<512x32xf32, #tpu.memory_space<vmem>>, vector<512x32xf32>
    tpu.vector_store %arg37[%swap3A, %swap3A_375], %add3A_67 {strides = array<i32>} : memref<512x32xf32, #tpu.memory_space<vmem>>, vector<512x32xf32>,
    %swap3A_377 = arith.constant 0 : index
    %swap3A_378 = arith.constant 0 : index
    %swap3A_379 = vector.load %arg38[%swap3A_377, %swap3A_378] : memref<512x64xf32, #tpu.memory_space<vmem>>, vector<512x64xf32>
    tpu.vector_store %arg38[%swap3A_377, %swap3A_378], %add3A_270 {strides = array<i32>} : memref<512x64xf32, #tpu.memory_space<vmem>>, vector<512x64xf32>,
    %swap3A_380 = arith.constant 0 : index
    %swap3A_381 = arith.constant 0 : index
    %swap3A_382 = vector.load %arg39[%swap3A_380, %swap3A_381] : memref<512x1xf32, #tpu.memory_space<vmem>>, vector<512x1xf32>
    tpu.vector_store %arg39[%swap3A_380, %swap3A_381], %add3A_340 {strides = array<i32>} : memref<512x1xf32, #tpu.memory_space<vmem>>, vector<512x1xf32>,
    %get3A_383 = arith.constant 0 : index
    %get3A_384 = arith.constant 0 : index
    %get3A_385 = vector.load %arg32[%get3A_383, %get3A_384] : memref<64x64xf32, #tpu.memory_space<vmem>>, vector<64x64xf32>
    %dot_general3A_386 = arith.constant dense<0.000000e+00> : vector<512x64xf32>
    %dot_general3A_387 = tpu.matmul %add3A_200, %get3A_385, %dot_general3A_386 {dimension_numbers = #tpu.dot_dimension_numbers<[1], [0], [0], [1], [0, 0, 1, 1], [], []>, transpose_lhs_hint = false} : vector<512x64xf32>, vector<64x64xf32>, vector<512x64xf32> -> vector<512x64xf32>
    %get3A_388 = arith.constant 0 : index
    %get3A_389 = arith.constant 0 : index
    %get3A_390 = vector.load %arg34[%get3A_388, %get3A_389] : memref<1x64xf32, #tpu.memory_space<vmem>>, vector<1x64xf32>
    %add3A_391 = vector.broadcast %get3A_390 : vector<1x64xf32> to vector<512x64xf32>
    %add3A_392 = arith.addf %dot_general3A_387, %add3A_391 : vector<512x64xf32>
    %swap3A_393 = arith.constant 0 : index
    %swap3A_394 = arith.constant 0 : index
    %swap3A_395 = vector.load %arg40[%swap3A_393, %swap3A_394] : memref<512x64xf32, #tpu.memory_space<vmem>>, vector<512x64xf32>
    tpu.vector_store %arg40[%swap3A_393, %swap3A_394], %add3A_392 {strides = array<i32>} : memref<512x64xf32, #tpu.memory_space<vmem>>, vector<512x64xf32>,
    %concatenate3A_396 = tpu.concatenate %dot_general3A_345, %mul3A_372 in 1 : vector<512x64xf32>, vector<512x64xf32> -> vector<512x128xf32>
    %convert_element_type3A = arith.truncf %concatenate3A_396 : vector<512x128xf32> to vector<512x128xbf16>
    %swap3A_397 = arith.constant 0 : index
    %swap3A_398 = arith.constant 0 : index
    %swap3A_399 = vector.load %arg41[%swap3A_397, %swap3A_398] : memref<512x128xbf16, #tpu.memory_space<vmem>>, vector<512x128xbf16>
    tpu.vector_store %arg41[%swap3A_397, %swap3A_398], %convert_element_type3A {strides = array<i32>} : memref<512x128xbf16, #tpu.memory_space<vmem>>, vector<512x128xbf16>,
    %get3A_400 = arith.constant 0 : index
    %get3A_401 = arith.constant 0 : index
    %get3A_402 = vector.load %arg3[%get3A_400, %get3A_401] : memref<512x3xf32, #tpu.memory_space<vmem>>, vector<512x3xf32>
    %concatenate3A_403 = tpu.concatenate %add3A_270, %get3A_402, %broadcast_in_dim3A_374 in 1 : vector<512x64xf32>, vector<512x3xf32>, vector<512x13xf32> -> vector<512x80xf32>
    %swap3A_404 = arith.constant 0 : index
    %swap3A_405 = arith.constant 0 : index
    %swap3A_406 = vector.load %arg42[%swap3A_404, %swap3A_405] : memref<512x80xf32, #tpu.memory_space<vmem>>, vector<512x80xf32>
    tpu.vector_store %arg42[%swap3A_404, %swap3A_405], %concatenate3A_403 {strides = array<i32>} : memref<512x80xf32, #tpu.memory_space<vmem>>, vector<512x80xf32>,
    return
  }
  func.func @transform_0(%arg0: i32) -> (i32, i32) {
    %c0_i32 = arith.constant 0 : i32
    %c0_i32_0 = arith.constant 0 : i32
    return %arg0, %c0_i32 : i32, i32
  }
  func.func @transform_1(%arg0: i32) -> (i32, i32, i32) {
    %c0_i32 = arith.constant 0 : i32
    %c0_i32_0 = arith.constant 0 : i32
    %c0_i32_1 = arith.constant 0 : i32
    return %arg0, %c0_i32, %c0_i32_0 : i32, i32, i32
  }
  func.func @transform_2(%arg0: i32) -> (i32, i32) {
    %c0_i32 = arith.constant 0 : i32
    %c0_i32_0 = arith.constant 0 : i32
    return %arg0, %c0_i32 : i32, i32
  }
  func.func @transform_3(%arg0: i32) -> (i32, i32) {
    %c0_i32 = arith.constant 0 : i32
    %c0_i32_0 = arith.constant 0 : i32
    %c0_i32_1 = arith.constant 0 : i32
    return %c0_i32, %c0_i32_0 : i32, i32
  }
  func.func @transform_4(%arg0: i32) -> (i32, i32) {
    %c0_i32 = arith.constant 0 : i32
    %c0_i32_0 = arith.constant 0 : i32
    %c0_i32_1 = arith.constant 0 : i32
    return %c0_i32, %c0_i32_0 : i32, i32
  }
  func.func @transform_5(%arg0: i32) -> (i32, i32) {
    %c0_i32 = arith.constant 0 : i32
    %c0_i32_0 = arith.constant 0 : i32
    %c0_i32_1 = arith.constant 0 : i32
    return %c0_i32, %c0_i32_0 : i32, i32
  }
  func.func @transform_6(%arg0: i32) -> (i32, i32) {
    %c0_i32 = arith.constant 0 : i32
    %c0_i32_0 = arith.constant 0 : i32
    %c0_i32_1 = arith.constant 0 : i32
    return %c0_i32, %c0_i32_0 : i32, i32
  }
  func.func @transform_7(%arg0: i32) -> (i32, i32) {
    %c0_i32 = arith.constant 0 : i32
    %c0_i32_0 = arith.constant 0 : i32
    %c0_i32_1 = arith.constant 0 : i32
    return %c0_i32, %c0_i32_0 : i32, i32
  }
  func.func @transform_8(%arg0: i32) -> (i32, i32) {
    %c0_i32 = arith.constant 0 : i32
    %c0_i32_0 = arith.constant 0 : i32
    %c0_i32_1 = arith.constant 0 : i32
    return %c0_i32, %c0_i32_0 : i32, i32
  }
  func.func @transform_9(%arg0: i32) -> (i32, i32) {
    %c0_i32 = arith.constant 0 : i32
    %c0_i32_0 = arith.constant 0 : i32
    %c0_i32_1 = arith.constant 0 : i32
    return %c0_i32, %c0_i32_0 : i32, i32
  }
  func.func @transform_10(%arg0: i32) -> (i32, i32) {
    %c0_i32 = arith.constant 0 : i32
    %c0_i32_0 = arith.constant 0 : i32
    %c0_i32_1 = arith.constant 0 : i32
    return %c0_i32, %c0_i32_0 : i32, i32
  }
  func.func @transform_11(%arg0: i32) -> (i32, i32) {
    %c0_i32 = arith.constant 0 : i32
    %c0_i32_0 = arith.constant 0 : i32
    %c0_i32_1 = arith.constant 0 : i32
    return %c0_i32, %c0_i32_0 : i32, i32
  }
  func.func @transform_12(%arg0: i32) -> (i32, i32) {
    %c0_i32 = arith.constant 0 : i32
    %c0_i32_0 = arith.constant 0 : i32
    %c0_i32_1 = arith.constant 0 : i32
    return %c0_i32, %c0_i32_0 : i32, i32
  }
  func.func @transform_13(%arg0: i32) -> (i32, i32) {
    %c0_i32 = arith.constant 0 : i32
    %c0_i32_0 = arith.constant 0 : i32
    %c0_i32_1 = arith.constant 0 : i32
    return %c0_i32, %c0_i32_0 : i32, i32
  }
  func.func @transform_14(%arg0: i32) -> (i32, i32) {
    %c0_i32 = arith.constant 0 : i32
    %c0_i32_0 = arith.constant 0 : i32
    %c0_i32_1 = arith.constant 0 : i32
    return %c0_i32, %c0_i32_0 : i32, i32
  }
  func.func @transform_15(%arg0: i32) -> (i32, i32) {
    %c0_i32 = arith.constant 0 : i32
    %c0_i32_0 = arith.constant 0 : i32
    %c0_i32_1 = arith.constant 0 : i32
    return %c0_i32, %c0_i32_0 : i32, i32
  }
  func.func @transform_16(%arg0: i32) -> (i32, i32) {
    %c0_i32 = arith.constant 0 : i32
    %c0_i32_0 = arith.constant 0 : i32
    %c0_i32_1 = arith.constant 0 : i32
    return %c0_i32, %c0_i32_0 : i32, i32
  }
  func.func @transform_17(%arg0: i32) -> (i32, i32) {
    %c0_i32 = arith.constant 0 : i32
    %c0_i32_0 = arith.constant 0 : i32
    %c0_i32_1 = arith.constant 0 : i32
    return %c0_i32, %c0_i32_0 : i32, i32
  }
  func.func @transform_18(%arg0: i32) -> (i32, i32) {
    %c0_i32 = arith.constant 0 : i32
    %c0_i32_0 = arith.constant 0 : i32
    %c0_i32_1 = arith.constant 0 : i32
    return %c0_i32, %c0_i32_0 : i32, i32
  }
  func.func @transform_19(%arg0: i32) -> (i32, i32) {
    %c0_i32 = arith.constant 0 : i32
    %c0_i32_0 = arith.constant 0 : i32
    %c0_i32_1 = arith.constant 0 : i32
    return %c0_i32, %c0_i32_0 : i32, i32
  }
  func.func @transform_20(%arg0: i32) -> (i32, i32) {
    %c0_i32 = arith.constant 0 : i32
    %c0_i32_0 = arith.constant 0 : i32
    %c0_i32_1 = arith.constant 0 : i32
    return %c0_i32, %c0_i32_0 : i32, i32
  }
  func.func @transform_21(%arg0: i32) -> (i32, i32) {
    %c0_i32 = arith.constant 0 : i32
    %c0_i32_0 = arith.constant 0 : i32
    %c0_i32_1 = arith.constant 0 : i32
    return %c0_i32, %c0_i32_0 : i32, i32
  }
  func.func @transform_22(%arg0: i32) -> (i32, i32) {
    %c0_i32 = arith.constant 0 : i32
    %c0_i32_0 = arith.constant 0 : i32
    %c0_i32_1 = arith.constant 0 : i32
    return %c0_i32, %c0_i32_0 : i32, i32
  }
  func.func @transform_23(%arg0: i32) -> (i32, i32) {
    %c0_i32 = arith.constant 0 : i32
    %c0_i32_0 = arith.constant 0 : i32
    %c0_i32_1 = arith.constant 0 : i32
    return %c0_i32, %c0_i32_0 : i32, i32
  }
  func.func @transform_24(%arg0: i32) -> (i32, i32) {
    %c0_i32 = arith.constant 0 : i32
    %c0_i32_0 = arith.constant 0 : i32
    %c0_i32_1 = arith.constant 0 : i32
    return %c0_i32, %c0_i32_0 : i32, i32
  }
  func.func @transform_25(%arg0: i32) -> (i32, i32) {
    %c0_i32 = arith.constant 0 : i32
    %c0_i32_0 = arith.constant 0 : i32
    %c0_i32_1 = arith.constant 0 : i32
    return %c0_i32, %c0_i32_0 : i32, i32
  }
  func.func @transform_26(%arg0: i32) -> (i32, i32) {
    %c0_i32 = arith.constant 0 : i32
    %c0_i32_0 = arith.constant 0 : i32
    %c0_i32_1 = arith.constant 0 : i32
    return %c0_i32, %c0_i32_0 : i32, i32
  }
  func.func @transform_27(%arg0: i32) -> (i32, i32) {
    %c0_i32 = arith.constant 0 : i32
    %c0_i32_0 = arith.constant 0 : i32
    %c0_i32_1 = arith.constant 0 : i32
    return %c0_i32, %c0_i32_0 : i32, i32
  }
  func.func @transform_28(%arg0: i32) -> (i32, i32) {
    %c0_i32 = arith.constant 0 : i32
    %c0_i32_0 = arith.constant 0 : i32
    %c0_i32_1 = arith.constant 0 : i32
    return %c0_i32, %c0_i32_0 : i32, i32
  }
  func.func @transform_29(%arg0: i32) -> (i32, i32) {
    %c0_i32 = arith.constant 0 : i32
    %c0_i32_0 = arith.constant 0 : i32
    %c0_i32_1 = arith.constant 0 : i32
    return %c0_i32, %c0_i32_0 : i32, i32
  }
  func.func @transform_30(%arg0: i32) -> (i32, i32) {
    %c0_i32 = arith.constant 0 : i32
    %c0_i32_0 = arith.constant 0 : i32
    %c0_i32_1 = arith.constant 0 : i32
    return %c0_i32, %c0_i32_0 : i32, i32
  }
  func.func @transform_31(%arg0: i32) -> (i32, i32) {
    %c0_i32 = arith.constant 0 : i32
    %c0_i32_0 = arith.constant 0 : i32
    %c0_i32_1 = arith.constant 0 : i32
    return %c0_i32, %c0_i32_0 : i32, i32
  }
  func.func @transform_32(%arg0: i32) -> (i32, i32) {
    %c0_i32 = arith.constant 0 : i32
    %c0_i32_0 = arith.constant 0 : i32
    %c0_i32_1 = arith.constant 0 : i32
    return %c0_i32, %c0_i32_0 : i32, i32
  }
  func.func @transform_33(%arg0: i32) -> (i32, i32) {
    %c0_i32 = arith.constant 0 : i32
    %c0_i32_0 = arith.constant 0 : i32
    %c0_i32_1 = arith.constant 0 : i32
    return %c0_i32, %c0_i32_0 : i32, i32
  }
  func.func @transform_34(%arg0: i32) -> (i32, i32) {
    %c0_i32 = arith.constant 0 : i32
    %c0_i32_0 = arith.constant 0 : i32
    %c0_i32_1 = arith.constant 0 : i32
    return %c0_i32, %c0_i32_0 : i32, i32
  }
  func.func @transform_35(%arg0: i32) -> (i32, i32) {
    %c0_i32 = arith.constant 0 : i32
    %c0_i32_0 = arith.constant 0 : i32
    %c0_i32_1 = arith.constant 0 : i32
    return %c0_i32, %c0_i32_0 : i32, i32
  }
  func.func @transform_36(%arg0: i32) -> (i32, i32) {
    %c0_i32 = arith.constant 0 : i32
    %c0_i32_0 = arith.constant 0 : i32
    return %arg0, %c0_i32 : i32, i32
  }
  func.func @transform_37(%arg0: i32) -> (i32, i32) {
    %c0_i32 = arith.constant 0 : i32
    %c0_i32_0 = arith.constant 0 : i32
    return %arg0, %c0_i32 : i32, i32
  }
  func.func @transform_38(%arg0: i32) -> (i32, i32) {
    %c0_i32 = arith.constant 0 : i32
    %c0_i32_0 = arith.constant 0 : i32
    return %arg0, %c0_i32 : i32, i32
  }
  func.func @transform_39(%arg0: i32) -> (i32, i32) {
    %c0_i32 = arith.constant 0 : i32
    %c0_i32_0 = arith.constant 0 : i32
    return %arg0, %c0_i32 : i32, i32
  }
  func.func @transform_40(%arg0: i32) -> (i32, i32) {
    %c0_i32 = arith.constant 0 : i32
    %c0_i32_0 = arith.constant 0 : i32
    return %arg0, %c0_i32 : i32, i32
  }
  func.func @transform_41(%arg0: i32) -> (i32, i32) {
    %c0_i32 = arith.constant 0 : i32
    %c0_i32_0 = arith.constant 0 : i32
    return %arg0, %c0_i32 : i32, i32
  }
}

module attributes {stable_mosaic.version = 14 : i64} {
  func.func @_topk_body(%arg0: i32, %arg1: i32, %arg2: memref<1x256x3xf32, #tpu.memory_space<vmem>>, %arg3: memref<1x2048x3xf32, #tpu.memory_space<vmem>>, %arg4: memref<1x1x2048xf32, #tpu.memory_space<vmem>>, %arg5: memref<1x256x16xi32, #tpu.memory_space<vmem>>, %arg6: memref<1x256x16xf32, #tpu.memory_space<vmem>>, %arg7: memref<1x256x1xf32, #tpu.memory_space<vmem>>) attributes {dimension_semantics = [#tpu.dimension_semantics<arbitrary>, #tpu.dimension_semantics<arbitrary>], iteration_bounds = array<i64: 4, 8>, scalar_prefetch = 0 : i64, scratch_operands = 0 : i64, tpu.core_type = #tpu.core_type<tc>, window_params = [{transform_indices = @transform_0, window_bounds = array<i64: 1, 256, 3>}, {transform_indices = @transform_1, window_bounds = array<i64: 1, 2048, 3>}, {transform_indices = @transform_2, window_bounds = array<i64: 1, 1, 2048>}, {transform_indices = @transform_3, window_bounds = array<i64: 1, 256, 16>}, {transform_indices = @transform_4, window_bounds = array<i64: 1, 256, 16>}, {transform_indices = @transform_5, window_bounds = array<i64: 1, 256, 1>}]} {
    %get3A = arith.constant 0 : index
    %get3A_0 = arith.constant 0 : index
    %get3A_1 = arith.constant 0 : index
    %get3A_2 = vector.load %arg2[%get3A, %get3A_0, %get3A_1] : memref<1x256x3xf32, #tpu.memory_space<vmem>>, vector<1x256x3xf32>
    %get3A_3 = vector.shape_cast %get3A_2 : vector<1x256x3xf32> to vector<256x3xf32>
    %get3A_4 = arith.constant 0 : index
    %get3A_5 = arith.constant 0 : index
    %get3A_6 = arith.constant 0 : index
    %get3A_7 = vector.load %arg3[%get3A_4, %get3A_5, %get3A_6] : memref<1x2048x3xf32, #tpu.memory_space<vmem>>, vector<1x2048x3xf32>
    %get3A_8 = vector.shape_cast %get3A_7 : vector<1x2048x3xf32> to vector<2048x3xf32>
    %get3A_9 = arith.constant 0 : index
    %get3A_10 = arith.constant 0 : index
    %get3A_11 = arith.constant 0 : index
    %get3A_12 = vector.load %arg4[%get3A_9, %get3A_10, %get3A_11] : memref<1x1x2048xf32, #tpu.memory_space<vmem>>, vector<1x1x2048xf32>
    %get3A_13 = vector.shape_cast %get3A_12 : vector<1x1x2048xf32> to vector<1x2048xf32>
    %mul3A = arith.mulf %get3A_3, %get3A_3 : vector<256x3xf32>
    %reduce_sum3A = arith.constant dense<0.000000e+00> : vector<256xf32>
    %reduce_sum3A_14 = vector.multi_reduction <add>, %mul3A, %reduce_sum3A [1] : vector<256x3xf32> to vector<256xf32>
    %broadcast_in_dim3A = vector.shape_cast %reduce_sum3A_14 : vector<256xf32> to vector<256x1xf32>
    %mul3A_15 = arith.mulf %get3A_8, %get3A_8 : vector<2048x3xf32>
    %reduce_sum3A_16 = arith.constant dense<0.000000e+00> : vector<2048xf32>
    %reduce_sum3A_17 = vector.multi_reduction <add>, %mul3A_15, %reduce_sum3A_16 [1] : vector<2048x3xf32> to vector<2048xf32>
    %broadcast_in_dim3A_18 = vector.shape_cast %reduce_sum3A_17 : vector<2048xf32> to vector<1x2048xf32>
    %dot_general3A = arith.constant dense<0.000000e+00> : vector<256x2048xf32>
    %dot_general3A_19 = tpu.matmul %get3A_3, %get3A_8, %dot_general3A {dimension_numbers = #tpu.dot_dimension_numbers<[1], [1], [0], [0], [0, 0, 1, 0], [], []>, transpose_lhs_hint = false} : vector<256x3xf32>, vector<2048x3xf32>, vector<256x2048xf32> -> vector<256x2048xf32>
    %add3A = vector.broadcast %broadcast_in_dim3A : vector<256x1xf32> to vector<256x2048xf32>
    %add3A_20 = vector.broadcast %broadcast_in_dim3A_18 : vector<1x2048xf32> to vector<256x2048xf32>
    %add3A_21 = arith.addf %add3A, %add3A_20 : vector<256x2048xf32>
    %mul3A_22 = arith.constant 2.000000e+00 : f32
    %mul3A_23 = vector.broadcast %mul3A_22 : f32 to vector<256x2048xf32>
    %mul3A_24 = arith.mulf %mul3A_23, %dot_general3A_19 : vector<256x2048xf32>
    %sub3A = arith.subf %add3A_21, %mul3A_24 : vector<256x2048xf32>
    %jit3A = arith.constant 0.000000e+00 : f32
    %max3A = vector.broadcast %jit3A : f32 to vector<256x2048xf32>
    %max3A_25 = arith.maximumf %max3A, %sub3A : vector<256x2048xf32>
    %add3A_26 = arith.constant 9.99999996E-13 : f32
    %add3A_27 = vector.broadcast %add3A_26 : f32 to vector<256x2048xf32>
    %add3A_28 = arith.addf %max3A_25, %add3A_27 : vector<256x2048xf32>
    %mul3A_29 = arith.constant 256 : i32
    %mul3A_30 = arith.muli %arg1, %mul3A_29 : i32
    %iota3A = tpu.iota {dimensions = array<i32: 0>} : vector<256x2048xi32>
    %add3A_31 = vector.broadcast %mul3A_30 : i32 to vector<256x2048xi32>
    %add3A_32 = arith.addi %add3A_31, %iota3A : vector<256x2048xi32>
    %iota3A_33 = tpu.iota {dimensions = array<i32: 1>} : vector<256x2048xi32>
    %eq3A = arith.cmpi eq, %add3A_32, %iota3A_33 : vector<256x2048xi32>
    %jit3A_34 = arith.constant 9.99999984E+17 : f32
    %broadcast_in_dim3A_35 = vector.broadcast %jit3A_34 : f32 to vector<256x2048xf32>
    %select_n3A = arith.select %eq3A, %broadcast_in_dim3A_35, %add3A_28 : vector<256x2048xi1>, vector<256x2048xf32>
    %broadcast_in_dim3A_36 = arith.constant false
    %broadcast_in_dim3A_37 = vector.broadcast %broadcast_in_dim3A_36 : i1 to vector<256x2048xi1>
    %reduce_min3A = arith.constant dense<0x7F800000> : vector<256xf32>
    %reduce_min3A_38 = vector.multi_reduction <minimumf>, %select_n3A, %reduce_min3A [1] : vector<256x2048xf32> to vector<256xf32>
    %broadcast_in_dim3A_39 = vector.shape_cast %reduce_min3A_38 : vector<256xf32> to vector<256x1xf32>
    %eq3A_40 = vector.broadcast %broadcast_in_dim3A_39 : vector<256x1xf32> to vector<256x2048xf32>
    %eq3A_41 = arith.cmpf oeq, %select_n3A, %eq3A_40 : vector<256x2048xf32>
    %jit3A_42 = arith.constant 2048 : i32
    %broadcast_in_dim3A_43 = vector.broadcast %jit3A_42 : i32 to vector<256x2048xi32>
    %select_n3A_44 = arith.select %eq3A_41, %iota3A_33, %broadcast_in_dim3A_43 : vector<256x2048xi1>, vector<256x2048xi32>
    %reduce_min3A_45 = arith.constant dense<2147483647> : vector<256xi32>
    %reduce_min3A_46 = vector.multi_reduction <minsi>, %select_n3A_44, %reduce_min3A_45 [1] : vector<256x2048xi32> to vector<256xi32>
    %broadcast_in_dim3A_47 = vector.shape_cast %reduce_min3A_46 : vector<256xi32> to vector<256x1xi32>
    %eq3A_48 = vector.broadcast %broadcast_in_dim3A_47 : vector<256x1xi32> to vector<256x2048xi32>
    %eq3A_49 = arith.cmpi eq, %iota3A_33, %eq3A_48 : vector<256x2048xi32>
    %or3A = arith.ori %broadcast_in_dim3A_37, %eq3A_49 : vector<256x2048xi1>
    %jit3A_50 = arith.constant 9.99999984E+17 : f32
    %broadcast_in_dim3A_51 = vector.broadcast %jit3A_50 : f32 to vector<256x2048xf32>
    %select_n3A_52 = arith.select %eq3A_49, %broadcast_in_dim3A_51, %select_n3A : vector<256x2048xi1>, vector<256x2048xf32>
    %reduce_min3A_53 = arith.constant dense<0x7F800000> : vector<256xf32>
    %reduce_min3A_54 = vector.multi_reduction <minimumf>, %select_n3A_52, %reduce_min3A_53 [1] : vector<256x2048xf32> to vector<256xf32>
    %broadcast_in_dim3A_55 = vector.shape_cast %reduce_min3A_54 : vector<256xf32> to vector<256x1xf32>
    %eq3A_56 = vector.broadcast %broadcast_in_dim3A_55 : vector<256x1xf32> to vector<256x2048xf32>
    %eq3A_57 = arith.cmpf oeq, %select_n3A_52, %eq3A_56 : vector<256x2048xf32>
    %jit3A_58 = arith.constant 2048 : i32
    %broadcast_in_dim3A_59 = vector.broadcast %jit3A_58 : i32 to vector<256x2048xi32>
    %select_n3A_60 = arith.select %eq3A_57, %iota3A_33, %broadcast_in_dim3A_59 : vector<256x2048xi1>, vector<256x2048xi32>
    %reduce_min3A_61 = arith.constant dense<2147483647> : vector<256xi32>
    %reduce_min3A_62 = vector.multi_reduction <minsi>, %select_n3A_60, %reduce_min3A_61 [1] : vector<256x2048xi32> to vector<256xi32>
    %broadcast_in_dim3A_63 = vector.shape_cast %reduce_min3A_62 : vector<256xi32> to vector<256x1xi32>
    %eq3A_64 = vector.broadcast %broadcast_in_dim3A_63 : vector<256x1xi32> to vector<256x2048xi32>
    %eq3A_65 = arith.cmpi eq, %iota3A_33, %eq3A_64 : vector<256x2048xi32>
    %or3A_66 = arith.ori %or3A, %eq3A_65 : vector<256x2048xi1>
    %jit3A_67 = arith.constant 9.99999984E+17 : f32
    %broadcast_in_dim3A_68 = vector.broadcast %jit3A_67 : f32 to vector<256x2048xf32>
    %select_n3A_69 = arith.select %eq3A_65, %broadcast_in_dim3A_68, %select_n3A_52 : vector<256x2048xi1>, vector<256x2048xf32>
    %reduce_min3A_70 = arith.constant dense<0x7F800000> : vector<256xf32>
    %reduce_min3A_71 = vector.multi_reduction <minimumf>, %select_n3A_69, %reduce_min3A_70 [1] : vector<256x2048xf32> to vector<256xf32>
    %broadcast_in_dim3A_72 = vector.shape_cast %reduce_min3A_71 : vector<256xf32> to vector<256x1xf32>
    %eq3A_73 = vector.broadcast %broadcast_in_dim3A_72 : vector<256x1xf32> to vector<256x2048xf32>
    %eq3A_74 = arith.cmpf oeq, %select_n3A_69, %eq3A_73 : vector<256x2048xf32>
    %jit3A_75 = arith.constant 2048 : i32
    %broadcast_in_dim3A_76 = vector.broadcast %jit3A_75 : i32 to vector<256x2048xi32>
    %select_n3A_77 = arith.select %eq3A_74, %iota3A_33, %broadcast_in_dim3A_76 : vector<256x2048xi1>, vector<256x2048xi32>
    %reduce_min3A_78 = arith.constant dense<2147483647> : vector<256xi32>
    %reduce_min3A_79 = vector.multi_reduction <minsi>, %select_n3A_77, %reduce_min3A_78 [1] : vector<256x2048xi32> to vector<256xi32>
    %broadcast_in_dim3A_80 = vector.shape_cast %reduce_min3A_79 : vector<256xi32> to vector<256x1xi32>
    %eq3A_81 = vector.broadcast %broadcast_in_dim3A_80 : vector<256x1xi32> to vector<256x2048xi32>
    %eq3A_82 = arith.cmpi eq, %iota3A_33, %eq3A_81 : vector<256x2048xi32>
    %or3A_83 = arith.ori %or3A_66, %eq3A_82 : vector<256x2048xi1>
    %jit3A_84 = arith.constant 9.99999984E+17 : f32
    %broadcast_in_dim3A_85 = vector.broadcast %jit3A_84 : f32 to vector<256x2048xf32>
    %select_n3A_86 = arith.select %eq3A_82, %broadcast_in_dim3A_85, %select_n3A_69 : vector<256x2048xi1>, vector<256x2048xf32>
    %reduce_min3A_87 = arith.constant dense<0x7F800000> : vector<256xf32>
    %reduce_min3A_88 = vector.multi_reduction <minimumf>, %select_n3A_86, %reduce_min3A_87 [1] : vector<256x2048xf32> to vector<256xf32>
    %broadcast_in_dim3A_89 = vector.shape_cast %reduce_min3A_88 : vector<256xf32> to vector<256x1xf32>
    %eq3A_90 = vector.broadcast %broadcast_in_dim3A_89 : vector<256x1xf32> to vector<256x2048xf32>
    %eq3A_91 = arith.cmpf oeq, %select_n3A_86, %eq3A_90 : vector<256x2048xf32>
    %jit3A_92 = arith.constant 2048 : i32
    %broadcast_in_dim3A_93 = vector.broadcast %jit3A_92 : i32 to vector<256x2048xi32>
    %select_n3A_94 = arith.select %eq3A_91, %iota3A_33, %broadcast_in_dim3A_93 : vector<256x2048xi1>, vector<256x2048xi32>
    %reduce_min3A_95 = arith.constant dense<2147483647> : vector<256xi32>
    %reduce_min3A_96 = vector.multi_reduction <minsi>, %select_n3A_94, %reduce_min3A_95 [1] : vector<256x2048xi32> to vector<256xi32>
    %broadcast_in_dim3A_97 = vector.shape_cast %reduce_min3A_96 : vector<256xi32> to vector<256x1xi32>
    %eq3A_98 = vector.broadcast %broadcast_in_dim3A_97 : vector<256x1xi32> to vector<256x2048xi32>
    %eq3A_99 = arith.cmpi eq, %iota3A_33, %eq3A_98 : vector<256x2048xi32>
    %or3A_100 = arith.ori %or3A_83, %eq3A_99 : vector<256x2048xi1>
    %jit3A_101 = arith.constant 9.99999984E+17 : f32
    %broadcast_in_dim3A_102 = vector.broadcast %jit3A_101 : f32 to vector<256x2048xf32>
    %select_n3A_103 = arith.select %eq3A_99, %broadcast_in_dim3A_102, %select_n3A_86 : vector<256x2048xi1>, vector<256x2048xf32>
    %reduce_min3A_104 = arith.constant dense<0x7F800000> : vector<256xf32>
    %reduce_min3A_105 = vector.multi_reduction <minimumf>, %select_n3A_103, %reduce_min3A_104 [1] : vector<256x2048xf32> to vector<256xf32>
    %broadcast_in_dim3A_106 = vector.shape_cast %reduce_min3A_105 : vector<256xf32> to vector<256x1xf32>
    %eq3A_107 = vector.broadcast %broadcast_in_dim3A_106 : vector<256x1xf32> to vector<256x2048xf32>
    %eq3A_108 = arith.cmpf oeq, %select_n3A_103, %eq3A_107 : vector<256x2048xf32>
    %jit3A_109 = arith.constant 2048 : i32
    %broadcast_in_dim3A_110 = vector.broadcast %jit3A_109 : i32 to vector<256x2048xi32>
    %select_n3A_111 = arith.select %eq3A_108, %iota3A_33, %broadcast_in_dim3A_110 : vector<256x2048xi1>, vector<256x2048xi32>
    %reduce_min3A_112 = arith.constant dense<2147483647> : vector<256xi32>
    %reduce_min3A_113 = vector.multi_reduction <minsi>, %select_n3A_111, %reduce_min3A_112 [1] : vector<256x2048xi32> to vector<256xi32>
    %broadcast_in_dim3A_114 = vector.shape_cast %reduce_min3A_113 : vector<256xi32> to vector<256x1xi32>
    %eq3A_115 = vector.broadcast %broadcast_in_dim3A_114 : vector<256x1xi32> to vector<256x2048xi32>
    %eq3A_116 = arith.cmpi eq, %iota3A_33, %eq3A_115 : vector<256x2048xi32>
    %or3A_117 = arith.ori %or3A_100, %eq3A_116 : vector<256x2048xi1>
    %jit3A_118 = arith.constant 9.99999984E+17 : f32
    %broadcast_in_dim3A_119 = vector.broadcast %jit3A_118 : f32 to vector<256x2048xf32>
    %select_n3A_120 = arith.select %eq3A_116, %broadcast_in_dim3A_119, %select_n3A_103 : vector<256x2048xi1>, vector<256x2048xf32>
    %reduce_min3A_121 = arith.constant dense<0x7F800000> : vector<256xf32>
    %reduce_min3A_122 = vector.multi_reduction <minimumf>, %select_n3A_120, %reduce_min3A_121 [1] : vector<256x2048xf32> to vector<256xf32>
    %broadcast_in_dim3A_123 = vector.shape_cast %reduce_min3A_122 : vector<256xf32> to vector<256x1xf32>
    %eq3A_124 = vector.broadcast %broadcast_in_dim3A_123 : vector<256x1xf32> to vector<256x2048xf32>
    %eq3A_125 = arith.cmpf oeq, %select_n3A_120, %eq3A_124 : vector<256x2048xf32>
    %jit3A_126 = arith.constant 2048 : i32
    %broadcast_in_dim3A_127 = vector.broadcast %jit3A_126 : i32 to vector<256x2048xi32>
    %select_n3A_128 = arith.select %eq3A_125, %iota3A_33, %broadcast_in_dim3A_127 : vector<256x2048xi1>, vector<256x2048xi32>
    %reduce_min3A_129 = arith.constant dense<2147483647> : vector<256xi32>
    %reduce_min3A_130 = vector.multi_reduction <minsi>, %select_n3A_128, %reduce_min3A_129 [1] : vector<256x2048xi32> to vector<256xi32>
    %broadcast_in_dim3A_131 = vector.shape_cast %reduce_min3A_130 : vector<256xi32> to vector<256x1xi32>
    %eq3A_132 = vector.broadcast %broadcast_in_dim3A_131 : vector<256x1xi32> to vector<256x2048xi32>
    %eq3A_133 = arith.cmpi eq, %iota3A_33, %eq3A_132 : vector<256x2048xi32>
    %or3A_134 = arith.ori %or3A_117, %eq3A_133 : vector<256x2048xi1>
    %jit3A_135 = arith.constant 9.99999984E+17 : f32
    %broadcast_in_dim3A_136 = vector.broadcast %jit3A_135 : f32 to vector<256x2048xf32>
    %select_n3A_137 = arith.select %eq3A_133, %broadcast_in_dim3A_136, %select_n3A_120 : vector<256x2048xi1>, vector<256x2048xf32>
    %reduce_min3A_138 = arith.constant dense<0x7F800000> : vector<256xf32>
    %reduce_min3A_139 = vector.multi_reduction <minimumf>, %select_n3A_137, %reduce_min3A_138 [1] : vector<256x2048xf32> to vector<256xf32>
    %broadcast_in_dim3A_140 = vector.shape_cast %reduce_min3A_139 : vector<256xf32> to vector<256x1xf32>
    %eq3A_141 = vector.broadcast %broadcast_in_dim3A_140 : vector<256x1xf32> to vector<256x2048xf32>
    %eq3A_142 = arith.cmpf oeq, %select_n3A_137, %eq3A_141 : vector<256x2048xf32>
    %jit3A_143 = arith.constant 2048 : i32
    %broadcast_in_dim3A_144 = vector.broadcast %jit3A_143 : i32 to vector<256x2048xi32>
    %select_n3A_145 = arith.select %eq3A_142, %iota3A_33, %broadcast_in_dim3A_144 : vector<256x2048xi1>, vector<256x2048xi32>
    %reduce_min3A_146 = arith.constant dense<2147483647> : vector<256xi32>
    %reduce_min3A_147 = vector.multi_reduction <minsi>, %select_n3A_145, %reduce_min3A_146 [1] : vector<256x2048xi32> to vector<256xi32>
    %broadcast_in_dim3A_148 = vector.shape_cast %reduce_min3A_147 : vector<256xi32> to vector<256x1xi32>
    %eq3A_149 = vector.broadcast %broadcast_in_dim3A_148 : vector<256x1xi32> to vector<256x2048xi32>
    %eq3A_150 = arith.cmpi eq, %iota3A_33, %eq3A_149 : vector<256x2048xi32>
    %or3A_151 = arith.ori %or3A_134, %eq3A_150 : vector<256x2048xi1>
    %jit3A_152 = arith.constant 9.99999984E+17 : f32
    %broadcast_in_dim3A_153 = vector.broadcast %jit3A_152 : f32 to vector<256x2048xf32>
    %select_n3A_154 = arith.select %eq3A_150, %broadcast_in_dim3A_153, %select_n3A_137 : vector<256x2048xi1>, vector<256x2048xf32>
    %reduce_min3A_155 = arith.constant dense<0x7F800000> : vector<256xf32>
    %reduce_min3A_156 = vector.multi_reduction <minimumf>, %select_n3A_154, %reduce_min3A_155 [1] : vector<256x2048xf32> to vector<256xf32>
    %broadcast_in_dim3A_157 = vector.shape_cast %reduce_min3A_156 : vector<256xf32> to vector<256x1xf32>
    %eq3A_158 = vector.broadcast %broadcast_in_dim3A_157 : vector<256x1xf32> to vector<256x2048xf32>
    %eq3A_159 = arith.cmpf oeq, %select_n3A_154, %eq3A_158 : vector<256x2048xf32>
    %jit3A_160 = arith.constant 2048 : i32
    %broadcast_in_dim3A_161 = vector.broadcast %jit3A_160 : i32 to vector<256x2048xi32>
    %select_n3A_162 = arith.select %eq3A_159, %iota3A_33, %broadcast_in_dim3A_161 : vector<256x2048xi1>, vector<256x2048xi32>
    %reduce_min3A_163 = arith.constant dense<2147483647> : vector<256xi32>
    %reduce_min3A_164 = vector.multi_reduction <minsi>, %select_n3A_162, %reduce_min3A_163 [1] : vector<256x2048xi32> to vector<256xi32>
    %broadcast_in_dim3A_165 = vector.shape_cast %reduce_min3A_164 : vector<256xi32> to vector<256x1xi32>
    %eq3A_166 = vector.broadcast %broadcast_in_dim3A_165 : vector<256x1xi32> to vector<256x2048xi32>
    %eq3A_167 = arith.cmpi eq, %iota3A_33, %eq3A_166 : vector<256x2048xi32>
    %or3A_168 = arith.ori %or3A_151, %eq3A_167 : vector<256x2048xi1>
    %jit3A_169 = arith.constant 9.99999984E+17 : f32
    %broadcast_in_dim3A_170 = vector.broadcast %jit3A_169 : f32 to vector<256x2048xf32>
    %select_n3A_171 = arith.select %eq3A_167, %broadcast_in_dim3A_170, %select_n3A_154 : vector<256x2048xi1>, vector<256x2048xf32>
    %reduce_min3A_172 = arith.constant dense<0x7F800000> : vector<256xf32>
    %reduce_min3A_173 = vector.multi_reduction <minimumf>, %select_n3A_171, %reduce_min3A_172 [1] : vector<256x2048xf32> to vector<256xf32>
    %broadcast_in_dim3A_174 = vector.shape_cast %reduce_min3A_173 : vector<256xf32> to vector<256x1xf32>
    %eq3A_175 = vector.broadcast %broadcast_in_dim3A_174 : vector<256x1xf32> to vector<256x2048xf32>
    %eq3A_176 = arith.cmpf oeq, %select_n3A_171, %eq3A_175 : vector<256x2048xf32>
    %jit3A_177 = arith.constant 2048 : i32
    %broadcast_in_dim3A_178 = vector.broadcast %jit3A_177 : i32 to vector<256x2048xi32>
    %select_n3A_179 = arith.select %eq3A_176, %iota3A_33, %broadcast_in_dim3A_178 : vector<256x2048xi1>, vector<256x2048xi32>
    %reduce_min3A_180 = arith.constant dense<2147483647> : vector<256xi32>
    %reduce_min3A_181 = vector.multi_reduction <minsi>, %select_n3A_179, %reduce_min3A_180 [1] : vector<256x2048xi32> to vector<256xi32>
    %broadcast_in_dim3A_182 = vector.shape_cast %reduce_min3A_181 : vector<256xi32> to vector<256x1xi32>
    %eq3A_183 = vector.broadcast %broadcast_in_dim3A_182 : vector<256x1xi32> to vector<256x2048xi32>
    %eq3A_184 = arith.cmpi eq, %iota3A_33, %eq3A_183 : vector<256x2048xi32>
    %or3A_185 = arith.ori %or3A_168, %eq3A_184 : vector<256x2048xi1>
    %jit3A_186 = arith.constant 9.99999984E+17 : f32
    %broadcast_in_dim3A_187 = vector.broadcast %jit3A_186 : f32 to vector<256x2048xf32>
    %select_n3A_188 = arith.select %eq3A_184, %broadcast_in_dim3A_187, %select_n3A_171 : vector<256x2048xi1>, vector<256x2048xf32>
    %reduce_min3A_189 = arith.constant dense<0x7F800000> : vector<256xf32>
    %reduce_min3A_190 = vector.multi_reduction <minimumf>, %select_n3A_188, %reduce_min3A_189 [1] : vector<256x2048xf32> to vector<256xf32>
    %broadcast_in_dim3A_191 = vector.shape_cast %reduce_min3A_190 : vector<256xf32> to vector<256x1xf32>
    %eq3A_192 = vector.broadcast %broadcast_in_dim3A_191 : vector<256x1xf32> to vector<256x2048xf32>
    %eq3A_193 = arith.cmpf oeq, %select_n3A_188, %eq3A_192 : vector<256x2048xf32>
    %jit3A_194 = arith.constant 2048 : i32
    %broadcast_in_dim3A_195 = vector.broadcast %jit3A_194 : i32 to vector<256x2048xi32>
    %select_n3A_196 = arith.select %eq3A_193, %iota3A_33, %broadcast_in_dim3A_195 : vector<256x2048xi1>, vector<256x2048xi32>
    %reduce_min3A_197 = arith.constant dense<2147483647> : vector<256xi32>
    %reduce_min3A_198 = vector.multi_reduction <minsi>, %select_n3A_196, %reduce_min3A_197 [1] : vector<256x2048xi32> to vector<256xi32>
    %broadcast_in_dim3A_199 = vector.shape_cast %reduce_min3A_198 : vector<256xi32> to vector<256x1xi32>
    %eq3A_200 = vector.broadcast %broadcast_in_dim3A_199 : vector<256x1xi32> to vector<256x2048xi32>
    %eq3A_201 = arith.cmpi eq, %iota3A_33, %eq3A_200 : vector<256x2048xi32>
    %or3A_202 = arith.ori %or3A_185, %eq3A_201 : vector<256x2048xi1>
    %jit3A_203 = arith.constant 9.99999984E+17 : f32
    %broadcast_in_dim3A_204 = vector.broadcast %jit3A_203 : f32 to vector<256x2048xf32>
    %select_n3A_205 = arith.select %eq3A_201, %broadcast_in_dim3A_204, %select_n3A_188 : vector<256x2048xi1>, vector<256x2048xf32>
    %reduce_min3A_206 = arith.constant dense<0x7F800000> : vector<256xf32>
    %reduce_min3A_207 = vector.multi_reduction <minimumf>, %select_n3A_205, %reduce_min3A_206 [1] : vector<256x2048xf32> to vector<256xf32>
    %broadcast_in_dim3A_208 = vector.shape_cast %reduce_min3A_207 : vector<256xf32> to vector<256x1xf32>
    %eq3A_209 = vector.broadcast %broadcast_in_dim3A_208 : vector<256x1xf32> to vector<256x2048xf32>
    %eq3A_210 = arith.cmpf oeq, %select_n3A_205, %eq3A_209 : vector<256x2048xf32>
    %jit3A_211 = arith.constant 2048 : i32
    %broadcast_in_dim3A_212 = vector.broadcast %jit3A_211 : i32 to vector<256x2048xi32>
    %select_n3A_213 = arith.select %eq3A_210, %iota3A_33, %broadcast_in_dim3A_212 : vector<256x2048xi1>, vector<256x2048xi32>
    %reduce_min3A_214 = arith.constant dense<2147483647> : vector<256xi32>
    %reduce_min3A_215 = vector.multi_reduction <minsi>, %select_n3A_213, %reduce_min3A_214 [1] : vector<256x2048xi32> to vector<256xi32>
    %broadcast_in_dim3A_216 = vector.shape_cast %reduce_min3A_215 : vector<256xi32> to vector<256x1xi32>
    %eq3A_217 = vector.broadcast %broadcast_in_dim3A_216 : vector<256x1xi32> to vector<256x2048xi32>
    %eq3A_218 = arith.cmpi eq, %iota3A_33, %eq3A_217 : vector<256x2048xi32>
    %or3A_219 = arith.ori %or3A_202, %eq3A_218 : vector<256x2048xi1>
    %jit3A_220 = arith.constant 9.99999984E+17 : f32
    %broadcast_in_dim3A_221 = vector.broadcast %jit3A_220 : f32 to vector<256x2048xf32>
    %select_n3A_222 = arith.select %eq3A_218, %broadcast_in_dim3A_221, %select_n3A_205 : vector<256x2048xi1>, vector<256x2048xf32>
    %reduce_min3A_223 = arith.constant dense<0x7F800000> : vector<256xf32>
    %reduce_min3A_224 = vector.multi_reduction <minimumf>, %select_n3A_222, %reduce_min3A_223 [1] : vector<256x2048xf32> to vector<256xf32>
    %broadcast_in_dim3A_225 = vector.shape_cast %reduce_min3A_224 : vector<256xf32> to vector<256x1xf32>
    %eq3A_226 = vector.broadcast %broadcast_in_dim3A_225 : vector<256x1xf32> to vector<256x2048xf32>
    %eq3A_227 = arith.cmpf oeq, %select_n3A_222, %eq3A_226 : vector<256x2048xf32>
    %jit3A_228 = arith.constant 2048 : i32
    %broadcast_in_dim3A_229 = vector.broadcast %jit3A_228 : i32 to vector<256x2048xi32>
    %select_n3A_230 = arith.select %eq3A_227, %iota3A_33, %broadcast_in_dim3A_229 : vector<256x2048xi1>, vector<256x2048xi32>
    %reduce_min3A_231 = arith.constant dense<2147483647> : vector<256xi32>
    %reduce_min3A_232 = vector.multi_reduction <minsi>, %select_n3A_230, %reduce_min3A_231 [1] : vector<256x2048xi32> to vector<256xi32>
    %broadcast_in_dim3A_233 = vector.shape_cast %reduce_min3A_232 : vector<256xi32> to vector<256x1xi32>
    %eq3A_234 = vector.broadcast %broadcast_in_dim3A_233 : vector<256x1xi32> to vector<256x2048xi32>
    %eq3A_235 = arith.cmpi eq, %iota3A_33, %eq3A_234 : vector<256x2048xi32>
    %or3A_236 = arith.ori %or3A_219, %eq3A_235 : vector<256x2048xi1>
    %jit3A_237 = arith.constant 9.99999984E+17 : f32
    %broadcast_in_dim3A_238 = vector.broadcast %jit3A_237 : f32 to vector<256x2048xf32>
    %select_n3A_239 = arith.select %eq3A_235, %broadcast_in_dim3A_238, %select_n3A_222 : vector<256x2048xi1>, vector<256x2048xf32>
    %reduce_min3A_240 = arith.constant dense<0x7F800000> : vector<256xf32>
    %reduce_min3A_241 = vector.multi_reduction <minimumf>, %select_n3A_239, %reduce_min3A_240 [1] : vector<256x2048xf32> to vector<256xf32>
    %broadcast_in_dim3A_242 = vector.shape_cast %reduce_min3A_241 : vector<256xf32> to vector<256x1xf32>
    %eq3A_243 = vector.broadcast %broadcast_in_dim3A_242 : vector<256x1xf32> to vector<256x2048xf32>
    %eq3A_244 = arith.cmpf oeq, %select_n3A_239, %eq3A_243 : vector<256x2048xf32>
    %jit3A_245 = arith.constant 2048 : i32
    %broadcast_in_dim3A_246 = vector.broadcast %jit3A_245 : i32 to vector<256x2048xi32>
    %select_n3A_247 = arith.select %eq3A_244, %iota3A_33, %broadcast_in_dim3A_246 : vector<256x2048xi1>, vector<256x2048xi32>
    %reduce_min3A_248 = arith.constant dense<2147483647> : vector<256xi32>
    %reduce_min3A_249 = vector.multi_reduction <minsi>, %select_n3A_247, %reduce_min3A_248 [1] : vector<256x2048xi32> to vector<256xi32>
    %broadcast_in_dim3A_250 = vector.shape_cast %reduce_min3A_249 : vector<256xi32> to vector<256x1xi32>
    %eq3A_251 = vector.broadcast %broadcast_in_dim3A_250 : vector<256x1xi32> to vector<256x2048xi32>
    %eq3A_252 = arith.cmpi eq, %iota3A_33, %eq3A_251 : vector<256x2048xi32>
    %or3A_253 = arith.ori %or3A_236, %eq3A_252 : vector<256x2048xi1>
    %jit3A_254 = arith.constant 9.99999984E+17 : f32
    %broadcast_in_dim3A_255 = vector.broadcast %jit3A_254 : f32 to vector<256x2048xf32>
    %select_n3A_256 = arith.select %eq3A_252, %broadcast_in_dim3A_255, %select_n3A_239 : vector<256x2048xi1>, vector<256x2048xf32>
    %reduce_min3A_257 = arith.constant dense<0x7F800000> : vector<256xf32>
    %reduce_min3A_258 = vector.multi_reduction <minimumf>, %select_n3A_256, %reduce_min3A_257 [1] : vector<256x2048xf32> to vector<256xf32>
    %broadcast_in_dim3A_259 = vector.shape_cast %reduce_min3A_258 : vector<256xf32> to vector<256x1xf32>
    %eq3A_260 = vector.broadcast %broadcast_in_dim3A_259 : vector<256x1xf32> to vector<256x2048xf32>
    %eq3A_261 = arith.cmpf oeq, %select_n3A_256, %eq3A_260 : vector<256x2048xf32>
    %jit3A_262 = arith.constant 2048 : i32
    %broadcast_in_dim3A_263 = vector.broadcast %jit3A_262 : i32 to vector<256x2048xi32>
    %select_n3A_264 = arith.select %eq3A_261, %iota3A_33, %broadcast_in_dim3A_263 : vector<256x2048xi1>, vector<256x2048xi32>
    %reduce_min3A_265 = arith.constant dense<2147483647> : vector<256xi32>
    %reduce_min3A_266 = vector.multi_reduction <minsi>, %select_n3A_264, %reduce_min3A_265 [1] : vector<256x2048xi32> to vector<256xi32>
    %broadcast_in_dim3A_267 = vector.shape_cast %reduce_min3A_266 : vector<256xi32> to vector<256x1xi32>
    %eq3A_268 = vector.broadcast %broadcast_in_dim3A_267 : vector<256x1xi32> to vector<256x2048xi32>
    %eq3A_269 = arith.cmpi eq, %iota3A_33, %eq3A_268 : vector<256x2048xi32>
    %or3A_270 = arith.ori %or3A_253, %eq3A_269 : vector<256x2048xi1>
    %jit3A_271 = arith.constant 9.99999984E+17 : f32
    %broadcast_in_dim3A_272 = vector.broadcast %jit3A_271 : f32 to vector<256x2048xf32>
    %select_n3A_273 = arith.select %eq3A_269, %broadcast_in_dim3A_272, %select_n3A_256 : vector<256x2048xi1>, vector<256x2048xf32>
    %reduce_min3A_274 = arith.constant dense<0x7F800000> : vector<256xf32>
    %reduce_min3A_275 = vector.multi_reduction <minimumf>, %select_n3A_273, %reduce_min3A_274 [1] : vector<256x2048xf32> to vector<256xf32>
    %broadcast_in_dim3A_276 = vector.shape_cast %reduce_min3A_275 : vector<256xf32> to vector<256x1xf32>
    %eq3A_277 = vector.broadcast %broadcast_in_dim3A_276 : vector<256x1xf32> to vector<256x2048xf32>
    %eq3A_278 = arith.cmpf oeq, %select_n3A_273, %eq3A_277 : vector<256x2048xf32>
    %jit3A_279 = arith.constant 2048 : i32
    %broadcast_in_dim3A_280 = vector.broadcast %jit3A_279 : i32 to vector<256x2048xi32>
    %select_n3A_281 = arith.select %eq3A_278, %iota3A_33, %broadcast_in_dim3A_280 : vector<256x2048xi1>, vector<256x2048xi32>
    %reduce_min3A_282 = arith.constant dense<2147483647> : vector<256xi32>
    %reduce_min3A_283 = vector.multi_reduction <minsi>, %select_n3A_281, %reduce_min3A_282 [1] : vector<256x2048xi32> to vector<256xi32>
    %broadcast_in_dim3A_284 = vector.shape_cast %reduce_min3A_283 : vector<256xi32> to vector<256x1xi32>
    %eq3A_285 = vector.broadcast %broadcast_in_dim3A_284 : vector<256x1xi32> to vector<256x2048xi32>
    %eq3A_286 = arith.cmpi eq, %iota3A_33, %eq3A_285 : vector<256x2048xi32>
    %or3A_287 = arith.ori %or3A_270, %eq3A_286 : vector<256x2048xi1>
    %jit3A_288 = arith.constant 9.99999984E+17 : f32
    %broadcast_in_dim3A_289 = vector.broadcast %jit3A_288 : f32 to vector<256x2048xf32>
    %select_n3A_290 = arith.select %eq3A_286, %broadcast_in_dim3A_289, %select_n3A_273 : vector<256x2048xi1>, vector<256x2048xf32>
    %reduce_min3A_291 = arith.constant dense<0x7F800000> : vector<256xf32>
    %reduce_min3A_292 = vector.multi_reduction <minimumf>, %select_n3A_290, %reduce_min3A_291 [1] : vector<256x2048xf32> to vector<256xf32>
    %broadcast_in_dim3A_293 = vector.shape_cast %reduce_min3A_292 : vector<256xf32> to vector<256x1xf32>
    %eq3A_294 = vector.broadcast %broadcast_in_dim3A_293 : vector<256x1xf32> to vector<256x2048xf32>
    %eq3A_295 = arith.cmpf oeq, %select_n3A_290, %eq3A_294 : vector<256x2048xf32>
    %jit3A_296 = arith.constant 2048 : i32
    %broadcast_in_dim3A_297 = vector.broadcast %jit3A_296 : i32 to vector<256x2048xi32>
    %select_n3A_298 = arith.select %eq3A_295, %iota3A_33, %broadcast_in_dim3A_297 : vector<256x2048xi1>, vector<256x2048xi32>
    %reduce_min3A_299 = arith.constant dense<2147483647> : vector<256xi32>
    %reduce_min3A_300 = vector.multi_reduction <minsi>, %select_n3A_298, %reduce_min3A_299 [1] : vector<256x2048xi32> to vector<256xi32>
    %broadcast_in_dim3A_301 = vector.shape_cast %reduce_min3A_300 : vector<256xi32> to vector<256x1xi32>
    %eq3A_302 = vector.broadcast %broadcast_in_dim3A_301 : vector<256x1xi32> to vector<256x2048xi32>
    %eq3A_303 = arith.cmpi eq, %iota3A_33, %eq3A_302 : vector<256x2048xi32>
    %or3A_304 = arith.ori %or3A_287, %eq3A_303 : vector<256x2048xi1>
    %concatenate3A = tpu.concatenate %broadcast_in_dim3A_39, %broadcast_in_dim3A_55, %broadcast_in_dim3A_72, %broadcast_in_dim3A_89, %broadcast_in_dim3A_106, %broadcast_in_dim3A_123, %broadcast_in_dim3A_140, %broadcast_in_dim3A_157, %broadcast_in_dim3A_174, %broadcast_in_dim3A_191, %broadcast_in_dim3A_208, %broadcast_in_dim3A_225, %broadcast_in_dim3A_242, %broadcast_in_dim3A_259, %broadcast_in_dim3A_276, %broadcast_in_dim3A_293 in 1 : vector<256x1xf32>, vector<256x1xf32>, vector<256x1xf32>, vector<256x1xf32>, vector<256x1xf32>, vector<256x1xf32>, vector<256x1xf32>, vector<256x1xf32>, vector<256x1xf32>, vector<256x1xf32>, vector<256x1xf32>, vector<256x1xf32>, vector<256x1xf32>, vector<256x1xf32>, vector<256x1xf32>, vector<256x1xf32> -> vector<256x16xf32>
    %sqrt3A = math.sqrt %concatenate3A : vector<256x16xf32>
    %jit3A_305 = arith.constant -1.000000e+09 : f32
    %broadcast_in_dim3A_306 = vector.shape_cast %get3A_13 : vector<1x2048xf32> to vector<1x2048xf32>
    %broadcast_in_dim3A_307 = vector.broadcast %broadcast_in_dim3A_306 : vector<1x2048xf32> to vector<256x2048xf32>
    %broadcast_in_dim3A_308 = vector.broadcast %jit3A_305 : f32 to vector<256x2048xf32>
    %select_n3A_309 = arith.select %or3A_304, %broadcast_in_dim3A_307, %broadcast_in_dim3A_308 : vector<256x2048xi1>, vector<256x2048xf32>
    %reduce_max3A = arith.constant dense<0xFF800000> : vector<256xf32>
    %reduce_max3A_310 = vector.multi_reduction <maximumf>, %select_n3A_309, %reduce_max3A [1] : vector<256x2048xf32> to vector<256xf32>
    %broadcast_in_dim3A_311 = vector.shape_cast %reduce_max3A_310 : vector<256xf32> to vector<256x1xf32>
    %concatenate3A_312 = tpu.concatenate %broadcast_in_dim3A_47, %broadcast_in_dim3A_63, %broadcast_in_dim3A_80, %broadcast_in_dim3A_97, %broadcast_in_dim3A_114, %broadcast_in_dim3A_131, %broadcast_in_dim3A_148, %broadcast_in_dim3A_165, %broadcast_in_dim3A_182, %broadcast_in_dim3A_199, %broadcast_in_dim3A_216, %broadcast_in_dim3A_233, %broadcast_in_dim3A_250, %broadcast_in_dim3A_267, %broadcast_in_dim3A_284, %broadcast_in_dim3A_301 in 1 : vector<256x1xi32>, vector<256x1xi32>, vector<256x1xi32>, vector<256x1xi32>, vector<256x1xi32>, vector<256x1xi32>, vector<256x1xi32>, vector<256x1xi32>, vector<256x1xi32>, vector<256x1xi32>, vector<256x1xi32>, vector<256x1xi32>, vector<256x1xi32>, vector<256x1xi32>, vector<256x1xi32>, vector<256x1xi32> -> vector<256x16xi32>
    %mul3A_313 = arith.constant 2048 : i32
    %mul3A_314 = arith.muli %arg0, %mul3A_313 : i32
    %add3A_315 = vector.broadcast %mul3A_314 : i32 to vector<256x16xi32>
    %add3A_316 = arith.addi %concatenate3A_312, %add3A_315 : vector<256x16xi32>
    %swap3A = arith.constant 0 : index
    %swap3A_317 = arith.constant 0 : index
    %swap3A_318 = arith.constant 0 : index
    %swap3A_319 = vector.load %arg5[%swap3A, %swap3A_317, %swap3A_318] : memref<1x256x16xi32, #tpu.memory_space<vmem>>, vector<1x256x16xi32>
    %swap3A_320 = vector.shape_cast %swap3A_319 : vector<1x256x16xi32> to vector<256x16xi32>
    %swap3A_321 = vector.shape_cast %add3A_316 : vector<256x16xi32> to vector<1x256x16xi32>
    tpu.vector_store %arg5[%swap3A, %swap3A_317, %swap3A_318], %swap3A_321 {strides = array<i32>} : memref<1x256x16xi32, #tpu.memory_space<vmem>>, vector<1x256x16xi32>,
    %neg3A = arith.constant 0.000000e+00 : f32
    %neg3A_322 = vector.broadcast %neg3A : f32 to vector<256x16xf32>
    %neg3A_323 = arith.subf %neg3A_322, %sqrt3A : vector<256x16xf32>
    %div3A = arith.constant 1.000000e+00 : f32
    %div3A_324 = vector.broadcast %div3A : f32 to vector<256x16xf32>
    %div3A_325 = arith.divf %neg3A_323, %div3A_324 : vector<256x16xf32>
    %reduce_max3A_326 = arith.constant dense<0xFF800000> : vector<256xf32>
    %reduce_max3A_327 = vector.multi_reduction <maximumf>, %div3A_325, %reduce_max3A_326 [1] : vector<256x16xf32> to vector<256xf32>
    %max3A_328 = arith.constant 0xFF800000 : f32
    %max3A_329 = vector.broadcast %max3A_328 : f32 to vector<256xf32>
    %max3A_330 = arith.maximumf %max3A_329, %reduce_max3A_327 : vector<256xf32>
    %broadcast_in_dim3A_331 = vector.shape_cast %max3A_330 : vector<256xf32> to vector<256x1xf32>
    %sub3A_332 = vector.broadcast %broadcast_in_dim3A_331 : vector<256x1xf32> to vector<256x16xf32>
    %sub3A_333 = arith.subf %div3A_325, %sub3A_332 : vector<256x16xf32>
    %exp3A = math.exp %sub3A_333 : vector<256x16xf32>
    %reduce_sum3A_334 = arith.constant dense<0.000000e+00> : vector<256xf32>
    %reduce_sum3A_335 = vector.multi_reduction <add>, %exp3A, %reduce_sum3A_334 [1] : vector<256x16xf32> to vector<256xf32>
    %broadcast_in_dim3A_336 = vector.shape_cast %reduce_sum3A_335 : vector<256xf32> to vector<256x1xf32>
    %div3A_337 = vector.broadcast %broadcast_in_dim3A_336 : vector<256x1xf32> to vector<256x16xf32>
    %div3A_338 = arith.divf %exp3A, %div3A_337 : vector<256x16xf32>
    %swap3A_339 = arith.constant 0 : index
    %swap3A_340 = arith.constant 0 : index
    %swap3A_341 = arith.constant 0 : index
    %swap3A_342 = vector.load %arg6[%swap3A_339, %swap3A_340, %swap3A_341] : memref<1x256x16xf32, #tpu.memory_space<vmem>>, vector<1x256x16xf32>
    %swap3A_343 = vector.shape_cast %swap3A_342 : vector<1x256x16xf32> to vector<256x16xf32>
    %swap3A_344 = vector.shape_cast %div3A_338 : vector<256x16xf32> to vector<1x256x16xf32>
    tpu.vector_store %arg6[%swap3A_339, %swap3A_340, %swap3A_341], %swap3A_344 {strides = array<i32>} : memref<1x256x16xf32, #tpu.memory_space<vmem>>, vector<1x256x16xf32>,
    %swap3A_345 = arith.constant 0 : index
    %swap3A_346 = arith.constant 0 : index
    %swap3A_347 = arith.constant 0 : index
    %swap3A_348 = vector.load %arg7[%swap3A_345, %swap3A_346, %swap3A_347] : memref<1x256x1xf32, #tpu.memory_space<vmem>>, vector<1x256x1xf32>
    %swap3A_349 = vector.shape_cast %swap3A_348 : vector<1x256x1xf32> to vector<256x1xf32>
    %swap3A_350 = vector.shape_cast %broadcast_in_dim3A_311 : vector<256x1xf32> to vector<1x256x1xf32>
    tpu.vector_store %arg7[%swap3A_345, %swap3A_346, %swap3A_347], %swap3A_350 {strides = array<i32>} : memref<1x256x1xf32, #tpu.memory_space<vmem>>, vector<1x256x1xf32>,
    return
  }
  func.func @transform_0(%arg0: i32, %arg1: i32) -> (i32, i32, i32) {
    %c0_i32 = arith.constant 0 : i32
    %c0_i32_0 = arith.constant 0 : i32
    return %arg0, %arg1, %c0_i32 : i32, i32, i32
  }
  func.func @transform_1(%arg0: i32, %arg1: i32) -> (i32, i32, i32) {
    %c0_i32 = arith.constant 0 : i32
    %c0_i32_0 = arith.constant 0 : i32
    %c0_i32_1 = arith.constant 0 : i32
    return %arg0, %c0_i32, %c0_i32_0 : i32, i32, i32
  }
  func.func @transform_2(%arg0: i32, %arg1: i32) -> (i32, i32, i32) {
    %c0_i32 = arith.constant 0 : i32
    %c0_i32_0 = arith.constant 0 : i32
    %c0_i32_1 = arith.constant 0 : i32
    return %arg0, %c0_i32, %c0_i32_0 : i32, i32, i32
  }
  func.func @transform_3(%arg0: i32, %arg1: i32) -> (i32, i32, i32) {
    %c0_i32 = arith.constant 0 : i32
    %c0_i32_0 = arith.constant 0 : i32
    return %arg0, %arg1, %c0_i32 : i32, i32, i32
  }
  func.func @transform_4(%arg0: i32, %arg1: i32) -> (i32, i32, i32) {
    %c0_i32 = arith.constant 0 : i32
    %c0_i32_0 = arith.constant 0 : i32
    return %arg0, %arg1, %c0_i32 : i32, i32, i32
  }
  func.func @transform_5(%arg0: i32, %arg1: i32) -> (i32, i32, i32) {
    %c0_i32 = arith.constant 0 : i32
    %c0_i32_0 = arith.constant 0 : i32
    return %arg0, %arg1, %c0_i32 : i32, i32, i32
  }
}

module attributes {stable_mosaic.version = 14 : i64} {
  func.func @_stage2_body(%arg0: i32, %arg1: memref<512x64xf32, #tpu.memory_space<vmem>>, %arg2: memref<512x16x128xbf16, #tpu.memory_space<vmem>>, %arg3: memref<512x16xf32, #tpu.memory_space<vmem>>, %arg4: memref<512x1xf32, #tpu.memory_space<vmem>>, %arg5: memref<512x1xf32, #tpu.memory_space<vmem>>, %arg6: memref<512x64xf32, #tpu.memory_space<vmem>>, %arg7: memref<1x64xf32, #tpu.memory_space<vmem>>, %arg8: memref<1x64xf32, #tpu.memory_space<vmem>>, %arg9: memref<64x1xf32, #tpu.memory_space<vmem>>, %arg10: memref<1x1xf32, #tpu.memory_space<vmem>>, %arg11: memref<64x64xf32, #tpu.memory_space<vmem>>, %arg12: memref<1x64xf32, #tpu.memory_space<vmem>>, %arg13: memref<1x64xf32, #tpu.memory_space<vmem>>, %arg14: memref<1x64xf32, #tpu.memory_space<vmem>>, %arg15: memref<64x64xf32, #tpu.memory_space<vmem>>, %arg16: memref<1x64xf32, #tpu.memory_space<vmem>>, %arg17: memref<512x16xf32, #tpu.memory_space<vmem>>, %arg18: memref<512x1xf32, #tpu.memory_space<vmem>>, %arg19: memref<512x64xf32, #tpu.memory_space<vmem>>, %arg20: memref<512x64xbf16, #tpu.memory_space<vmem>>) attributes {dimension_semantics = [#tpu.dimension_semantics<arbitrary>], iteration_bounds = array<i64: 16>, scalar_prefetch = 0 : i64, scratch_operands = 0 : i64, tpu.core_type = #tpu.core_type<tc>, window_params = [{transform_indices = @transform_0, window_bounds = array<i64: 512, 64>}, {transform_indices = @transform_1, window_bounds = array<i64: 512, 16, 128>}, {transform_indices = @transform_2, window_bounds = array<i64: 512, 16>}, {transform_indices = @transform_3, window_bounds = array<i64: 512, 1>}, {transform_indices = @transform_4, window_bounds = array<i64: 512, 1>}, {transform_indices = @transform_5, window_bounds = array<i64: 512, 64>}, {pipeline_mode = #tpu.pipeline_mode<synchronous>, transform_indices = @transform_6, window_bounds = array<i64: 1, 64>}, {pipeline_mode = #tpu.pipeline_mode<synchronous>, transform_indices = @transform_7, window_bounds = array<i64: 1, 64>}, {pipeline_mode = #tpu.pipeline_mode<synchronous>, transform_indices = @transform_8, window_bounds = array<i64: 64, 1>}, {pipeline_mode = #tpu.pipeline_mode<synchronous>, transform_indices = @transform_9, window_bounds = array<i64: 1, 1>}, {pipeline_mode = #tpu.pipeline_mode<synchronous>, transform_indices = @transform_10, window_bounds = array<i64: 64, 64>}, {pipeline_mode = #tpu.pipeline_mode<synchronous>, transform_indices = @transform_11, window_bounds = array<i64: 1, 64>}, {pipeline_mode = #tpu.pipeline_mode<synchronous>, transform_indices = @transform_12, window_bounds = array<i64: 1, 64>}, {pipeline_mode = #tpu.pipeline_mode<synchronous>, transform_indices = @transform_13, window_bounds = array<i64: 1, 64>}, {pipeline_mode = #tpu.pipeline_mode<synchronous>, transform_indices = @transform_14, window_bounds = array<i64: 64, 64>}, {pipeline_mode = #tpu.pipeline_mode<synchronous>, transform_indices = @transform_15, window_bounds = array<i64: 1, 64>}, {transform_indices = @transform_16, window_bounds = array<i64: 512, 16>}, {transform_indices = @transform_17, window_bounds = array<i64: 512, 1>}, {transform_indices = @transform_18, window_bounds = array<i64: 512, 64>}, {transform_indices = @transform_19, window_bounds = array<i64: 512, 64>}]} {
    %get3A = arith.constant 0 : index
    %get3A_0 = arith.constant 0 : index
    %get3A_1 = vector.load %arg1[%get3A, %get3A_0] : memref<512x64xf32, #tpu.memory_space<vmem>>, vector<512x64xf32>
    %get3A_2 = arith.constant 0 : index
    %get3A_3 = arith.constant 0 : index
    %get3A_4 = arith.constant 0 : index
    %get3A_5 = vector.load %arg2[%get3A_2, %get3A_3, %get3A_4] : memref<512x16x128xbf16, #tpu.memory_space<vmem>>, vector<512x16x128xbf16>
    %convert_element_type3A = arith.extf %get3A_5 : vector<512x16x128xbf16> to vector<512x16x128xf32>
    %slice3A = vector.extract_strided_slice %convert_element_type3A {offsets = [0, 0, 0], sizes = [512, 16, 64], strides = [1, 1, 1]} : vector<512x16x128xf32> to vector<512x16x64xf32>
    %broadcast_in_dim3A = vector.shape_cast %get3A_1 : vector<512x64xf32> to vector<512x1x64xf32>
    %add3A = vector.broadcast %broadcast_in_dim3A : vector<512x1x64xf32> to vector<512x16x64xf32>
    %add3A_6 = arith.addf %add3A, %slice3A : vector<512x16x64xf32>
    %get3A_7 = arith.constant 0 : index
    %get3A_8 = arith.constant 0 : index
    %get3A_9 = vector.load %arg7[%get3A_7, %get3A_8] : memref<1x64xf32, #tpu.memory_space<vmem>>, vector<1x64xf32>
    %get3A_10 = arith.constant 0 : index
    %get3A_11 = arith.constant 0 : index
    %get3A_12 = vector.load %arg8[%get3A_10, %get3A_11] : memref<1x64xf32, #tpu.memory_space<vmem>>, vector<1x64xf32>
    %reduce_sum3A = arith.constant dense<0.000000e+00> : vector<512x16xf32>
    %reduce_sum3A_13 = vector.multi_reduction <add>, %add3A_6, %reduce_sum3A [2] : vector<512x16x64xf32> to vector<512x16xf32>
    %broadcast_in_dim3A_14 = vector.shape_cast %reduce_sum3A_13 : vector<512x16xf32> to vector<512x16x1xf32>
    %div3A = arith.constant 6.400000e+01 : f32
    %div3A_15 = vector.broadcast %div3A : f32 to vector<512x16x1xf32>
    %div3A_16 = arith.divf %broadcast_in_dim3A_14, %div3A_15 : vector<512x16x1xf32>
    %sub3A = vector.broadcast %div3A_16 : vector<512x16x1xf32> to vector<512x16x64xf32>
    %sub3A_17 = arith.subf %add3A_6, %sub3A : vector<512x16x64xf32>
    %integer_pow3A = arith.mulf %sub3A_17, %sub3A_17 : vector<512x16x64xf32>
    %reduce_sum3A_18 = arith.constant dense<0.000000e+00> : vector<512x16xf32>
    %reduce_sum3A_19 = vector.multi_reduction <add>, %integer_pow3A, %reduce_sum3A_18 [2] : vector<512x16x64xf32> to vector<512x16xf32>
    %broadcast_in_dim3A_20 = vector.shape_cast %reduce_sum3A_19 : vector<512x16xf32> to vector<512x16x1xf32>
    %div3A_21 = arith.constant 6.400000e+01 : f32
    %div3A_22 = vector.broadcast %div3A_21 : f32 to vector<512x16x1xf32>
    %div3A_23 = arith.divf %broadcast_in_dim3A_20, %div3A_22 : vector<512x16x1xf32>
    %sub3A_24 = vector.broadcast %div3A_16 : vector<512x16x1xf32> to vector<512x16x64xf32>
    %sub3A_25 = arith.subf %add3A_6, %sub3A_24 : vector<512x16x64xf32>
    %add3A_26 = arith.constant 9.99999974E-6 : f32
    %add3A_27 = vector.broadcast %add3A_26 : f32 to vector<512x16x1xf32>
    %add3A_28 = arith.addf %div3A_23, %add3A_27 : vector<512x16x1xf32>
    %sqrt3A = math.sqrt %add3A_28 : vector<512x16x1xf32>
    %div3A_29 = vector.broadcast %sqrt3A : vector<512x16x1xf32> to vector<512x16x64xf32>
    %div3A_30 = arith.divf %sub3A_25, %div3A_29 : vector<512x16x64xf32>
    %broadcast_in_dim3A_31 = vector.shape_cast %get3A_9 : vector<1x64xf32> to vector<1x1x64xf32>
    %mul3A = vector.broadcast %broadcast_in_dim3A_31 : vector<1x1x64xf32> to vector<512x16x64xf32>
    %mul3A_32 = arith.mulf %div3A_30, %mul3A : vector<512x16x64xf32>
    %broadcast_in_dim3A_33 = vector.shape_cast %get3A_12 : vector<1x64xf32> to vector<1x1x64xf32>
    %add3A_34 = vector.broadcast %broadcast_in_dim3A_33 : vector<1x1x64xf32> to vector<512x16x64xf32>
    %add3A_35 = arith.addf %mul3A_32, %add3A_34 : vector<512x16x64xf32>
    %integer_pow3A_36 = arith.mulf %add3A_35, %add3A_35 : vector<512x16x64xf32>
    %integer_pow3A_37 = arith.mulf %add3A_35, %integer_pow3A_36 : vector<512x16x64xf32>
    %mul3A_38 = arith.constant 4.471500e-02 : f32
    %mul3A_39 = vector.broadcast %mul3A_38 : f32 to vector<512x16x64xf32>
    %mul3A_40 = arith.mulf %mul3A_39, %integer_pow3A_37 : vector<512x16x64xf32>
    %add3A_41 = arith.addf %add3A_35, %mul3A_40 : vector<512x16x64xf32>
    %mul3A_42 = arith.constant 0.797884583 : f32
    %mul3A_43 = vector.broadcast %mul3A_42 : f32 to vector<512x16x64xf32>
    %mul3A_44 = arith.mulf %mul3A_43, %add3A_41 : vector<512x16x64xf32>
    %tanh3A = math.tanh %mul3A_44 : vector<512x16x64xf32>
    %add3A_45 = arith.constant 1.000000e+00 : f32
    %add3A_46 = vector.broadcast %add3A_45 : f32 to vector<512x16x64xf32>
    %add3A_47 = arith.addf %add3A_46, %tanh3A : vector<512x16x64xf32>
    %mul3A_48 = arith.constant 5.000000e-01 : f32
    %mul3A_49 = vector.broadcast %mul3A_48 : f32 to vector<512x16x64xf32>
    %mul3A_50 = arith.mulf %mul3A_49, %add3A_47 : vector<512x16x64xf32>
    %mul3A_51 = arith.mulf %add3A_35, %mul3A_50 : vector<512x16x64xf32>
    %get3A_52 = arith.constant 0 : index
    %get3A_53 = arith.constant 0 : index
    %get3A_54 = vector.load %arg9[%get3A_52, %get3A_53] : memref<64x1xf32, #tpu.memory_space<vmem>>, vector<64x1xf32>
    %squeeze3A = vector.shape_cast %get3A_54 : vector<64x1xf32> to vector<64xf32>
    %broadcast_in_dim3A_55 = vector.shape_cast %squeeze3A : vector<64xf32> to vector<1x1x64xf32>
    %mul3A_56 = vector.broadcast %broadcast_in_dim3A_55 : vector<1x1x64xf32> to vector<512x16x64xf32>
    %mul3A_57 = arith.mulf %mul3A_51, %mul3A_56 : vector<512x16x64xf32>
    %reduce_sum3A_58 = arith.constant dense<0.000000e+00> : vector<512x16xf32>
    %reduce_sum3A_59 = vector.multi_reduction <add>, %mul3A_57, %reduce_sum3A_58 [2] : vector<512x16x64xf32> to vector<512x16xf32>
    %get3A_60 = arith.constant 0 : index
    %get3A_61 = arith.constant 0 : index
    %get3A_62 = vector.load %arg10[%get3A_60, %get3A_61] : memref<1x1xf32, #tpu.memory_space<vmem>>, vector<1x1xf32>
    %squeeze3A_63 = vector.extract %get3A_62[0, 0] : f32 from vector<1x1xf32>
    %add3A_64 = vector.broadcast %squeeze3A_63 : f32 to vector<512x16xf32>
    %add3A_65 = arith.addf %reduce_sum3A_59, %add3A_64 : vector<512x16xf32>
    %logistic3A = arith.negf %add3A_65 : vector<512x16xf32>
    %logistic3A_66 = math.exp %logistic3A : vector<512x16xf32>
    %logistic3A_67 = arith.constant 1.000000e+00 : f32
    %logistic3A_68 = vector.broadcast %logistic3A_67 : f32 to vector<512x16xf32>
    %logistic3A_69 = arith.addf %logistic3A_68, %logistic3A_66 : vector<512x16xf32>
    %logistic3A_70 = arith.divf %logistic3A_68, %logistic3A_69 : vector<512x16xf32>
    %get3A_71 = arith.constant 0 : index
    %get3A_72 = arith.constant 0 : index
    %get3A_73 = vector.load %arg3[%get3A_71, %get3A_72] : memref<512x16xf32, #tpu.memory_space<vmem>>, vector<512x16xf32>
    %mul3A_74 = arith.mulf %get3A_73, %logistic3A_70 : vector<512x16xf32>
    %reduce_sum3A_75 = arith.constant dense<0.000000e+00> : vector<512xf32>
    %reduce_sum3A_76 = vector.multi_reduction <add>, %mul3A_74, %reduce_sum3A_75 [1] : vector<512x16xf32> to vector<512xf32>
    %broadcast_in_dim3A_77 = vector.shape_cast %reduce_sum3A_76 : vector<512xf32> to vector<512x1xf32>
    %add3A_78 = arith.constant 9.99999993E-9 : f32
    %add3A_79 = vector.broadcast %add3A_78 : f32 to vector<512x1xf32>
    %add3A_80 = arith.addf %broadcast_in_dim3A_77, %add3A_79 : vector<512x1xf32>
    %div3A_81 = vector.broadcast %add3A_80 : vector<512x1xf32> to vector<512x16xf32>
    %div3A_82 = arith.divf %mul3A_74, %div3A_81 : vector<512x16xf32>
    %swap3A = arith.constant 0 : index
    %swap3A_83 = arith.constant 0 : index
    %swap3A_84 = vector.load %arg17[%swap3A, %swap3A_83] : memref<512x16xf32, #tpu.memory_space<vmem>>, vector<512x16xf32>
    tpu.vector_store %arg17[%swap3A, %swap3A_83], %div3A_82 {strides = array<i32>} : memref<512x16xf32, #tpu.memory_space<vmem>>, vector<512x16xf32>,
    %get3A_85 = arith.constant 0 : index
    %get3A_86 = arith.constant 0 : index
    %get3A_87 = vector.load %arg4[%get3A_85, %get3A_86] : memref<512x1xf32, #tpu.memory_space<vmem>>, vector<512x1xf32>
    %squeeze3A_88 = vector.shape_cast %get3A_87 : vector<512x1xf32> to vector<512xf32>
    %get3A_89 = arith.constant 0 : index
    %get3A_90 = arith.constant 0 : index
    %get3A_91 = vector.load %arg5[%get3A_89, %get3A_90] : memref<512x1xf32, #tpu.memory_space<vmem>>, vector<512x1xf32>
    %squeeze3A_92 = vector.shape_cast %get3A_91 : vector<512x1xf32> to vector<512xf32>
    %ge3A = arith.cmpf oge, %squeeze3A_88, %squeeze3A_92 : vector<512xf32>
    %convert_element_type3A_93 = arith.extui %ge3A : vector<512xi1> to vector<512xi32>
    %convert_element_type3A_94 = arith.sitofp %convert_element_type3A_93 : vector<512xi32> to vector<512xf32>
    %broadcast_in_dim3A_95 = vector.shape_cast %convert_element_type3A_94 : vector<512xf32> to vector<512x1xf32>
    %swap3A_96 = arith.constant 0 : index
    %swap3A_97 = arith.constant 0 : index
    %swap3A_98 = vector.load %arg18[%swap3A_96, %swap3A_97] : memref<512x1xf32, #tpu.memory_space<vmem>>, vector<512x1xf32>
    tpu.vector_store %arg18[%swap3A_96, %swap3A_97], %broadcast_in_dim3A_95 {strides = array<i32>} : memref<512x1xf32, #tpu.memory_space<vmem>>, vector<512x1xf32>,
    %slice3A_99 = vector.extract_strided_slice %convert_element_type3A {offsets = [0, 0, 64], sizes = [512, 16, 64], strides = [1, 1, 1]} : vector<512x16x128xf32> to vector<512x16x64xf32>
    %broadcast_in_dim3A_100 = vector.shape_cast %div3A_82 : vector<512x16xf32> to vector<512x16x1xf32>
    %mul3A_101 = vector.broadcast %broadcast_in_dim3A_100 : vector<512x16x1xf32> to vector<512x16x64xf32>
    %mul3A_102 = arith.mulf %slice3A_99, %mul3A_101 : vector<512x16x64xf32>
    %reduce_sum3A_103 = arith.constant dense<0.000000e+00> : vector<512x64xf32>
    %reduce_sum3A_104 = vector.multi_reduction <add>, %mul3A_102, %reduce_sum3A_103 [1] : vector<512x16x64xf32> to vector<512x64xf32>
    %get3A_105 = arith.constant 0 : index
    %get3A_106 = arith.constant 0 : index
    %get3A_107 = vector.load %arg6[%get3A_105, %get3A_106] : memref<512x64xf32, #tpu.memory_space<vmem>>, vector<512x64xf32>
    %get3A_108 = arith.constant 0 : index
    %get3A_109 = arith.constant 0 : index
    %get3A_110 = vector.load %arg11[%get3A_108, %get3A_109] : memref<64x64xf32, #tpu.memory_space<vmem>>, vector<64x64xf32>
    %dot_general3A = arith.constant dense<0.000000e+00> : vector<512x64xf32>
    %dot_general3A_111 = tpu.matmul %reduce_sum3A_104, %get3A_110, %dot_general3A {dimension_numbers = #tpu.dot_dimension_numbers<[1], [0], [0], [1], [0, 0, 1, 1], [], []>, transpose_lhs_hint = false} : vector<512x64xf32>, vector<64x64xf32>, vector<512x64xf32> -> vector<512x64xf32>
    %add3A_112 = arith.addf %get3A_107, %dot_general3A_111 : vector<512x64xf32>
    %get3A_113 = arith.constant 0 : index
    %get3A_114 = arith.constant 0 : index
    %get3A_115 = vector.load %arg12[%get3A_113, %get3A_114] : memref<1x64xf32, #tpu.memory_space<vmem>>, vector<1x64xf32>
    %add3A_116 = vector.broadcast %get3A_115 : vector<1x64xf32> to vector<512x64xf32>
    %add3A_117 = arith.addf %add3A_112, %add3A_116 : vector<512x64xf32>
    %get3A_118 = arith.constant 0 : index
    %get3A_119 = arith.constant 0 : index
    %get3A_120 = vector.load %arg13[%get3A_118, %get3A_119] : memref<1x64xf32, #tpu.memory_space<vmem>>, vector<1x64xf32>
    %get3A_121 = arith.constant 0 : index
    %get3A_122 = arith.constant 0 : index
    %get3A_123 = vector.load %arg14[%get3A_121, %get3A_122] : memref<1x64xf32, #tpu.memory_space<vmem>>, vector<1x64xf32>
    %reduce_sum3A_124 = arith.constant dense<0.000000e+00> : vector<512xf32>
    %reduce_sum3A_125 = vector.multi_reduction <add>, %add3A_117, %reduce_sum3A_124 [1] : vector<512x64xf32> to vector<512xf32>
    %broadcast_in_dim3A_126 = vector.shape_cast %reduce_sum3A_125 : vector<512xf32> to vector<512x1xf32>
    %div3A_127 = arith.constant 6.400000e+01 : f32
    %div3A_128 = vector.broadcast %div3A_127 : f32 to vector<512x1xf32>
    %div3A_129 = arith.divf %broadcast_in_dim3A_126, %div3A_128 : vector<512x1xf32>
    %sub3A_130 = vector.broadcast %div3A_129 : vector<512x1xf32> to vector<512x64xf32>
    %sub3A_131 = arith.subf %add3A_117, %sub3A_130 : vector<512x64xf32>
    %integer_pow3A_132 = arith.mulf %sub3A_131, %sub3A_131 : vector<512x64xf32>
    %reduce_sum3A_133 = arith.constant dense<0.000000e+00> : vector<512xf32>
    %reduce_sum3A_134 = vector.multi_reduction <add>, %integer_pow3A_132, %reduce_sum3A_133 [1] : vector<512x64xf32> to vector<512xf32>
    %broadcast_in_dim3A_135 = vector.shape_cast %reduce_sum3A_134 : vector<512xf32> to vector<512x1xf32>
    %div3A_136 = arith.constant 6.400000e+01 : f32
    %div3A_137 = vector.broadcast %div3A_136 : f32 to vector<512x1xf32>
    %div3A_138 = arith.divf %broadcast_in_dim3A_135, %div3A_137 : vector<512x1xf32>
    %sub3A_139 = vector.broadcast %div3A_129 : vector<512x1xf32> to vector<512x64xf32>
    %sub3A_140 = arith.subf %add3A_117, %sub3A_139 : vector<512x64xf32>
    %add3A_141 = arith.constant 9.99999974E-6 : f32
    %add3A_142 = vector.broadcast %add3A_141 : f32 to vector<512x1xf32>
    %add3A_143 = arith.addf %div3A_138, %add3A_142 : vector<512x1xf32>
    %sqrt3A_144 = math.sqrt %add3A_143 : vector<512x1xf32>
    %div3A_145 = vector.broadcast %sqrt3A_144 : vector<512x1xf32> to vector<512x64xf32>
    %div3A_146 = arith.divf %sub3A_140, %div3A_145 : vector<512x64xf32>
    %mul3A_147 = vector.broadcast %get3A_120 : vector<1x64xf32> to vector<512x64xf32>
    %mul3A_148 = arith.mulf %div3A_146, %mul3A_147 : vector<512x64xf32>
    %add3A_149 = vector.broadcast %get3A_123 : vector<1x64xf32> to vector<512x64xf32>
    %add3A_150 = arith.addf %mul3A_148, %add3A_149 : vector<512x64xf32>
    %swap3A_151 = arith.constant 0 : index
    %swap3A_152 = arith.constant 0 : index
    %swap3A_153 = vector.load %arg19[%swap3A_151, %swap3A_152] : memref<512x64xf32, #tpu.memory_space<vmem>>, vector<512x64xf32>
    tpu.vector_store %arg19[%swap3A_151, %swap3A_152], %add3A_150 {strides = array<i32>} : memref<512x64xf32, #tpu.memory_space<vmem>>, vector<512x64xf32>,
    %get3A_154 = arith.constant 0 : index
    %get3A_155 = arith.constant 0 : index
    %get3A_156 = vector.load %arg15[%get3A_154, %get3A_155] : memref<64x64xf32, #tpu.memory_space<vmem>>, vector<64x64xf32>
    %dot_general3A_157 = arith.constant dense<0.000000e+00> : vector<512x64xf32>
    %dot_general3A_158 = tpu.matmul %add3A_150, %get3A_156, %dot_general3A_157 {dimension_numbers = #tpu.dot_dimension_numbers<[1], [0], [0], [1], [0, 0, 1, 1], [], []>, transpose_lhs_hint = false} : vector<512x64xf32>, vector<64x64xf32>, vector<512x64xf32> -> vector<512x64xf32>
    %get3A_159 = arith.constant 0 : index
    %get3A_160 = arith.constant 0 : index
    %get3A_161 = vector.load %arg16[%get3A_159, %get3A_160] : memref<1x64xf32, #tpu.memory_space<vmem>>, vector<1x64xf32>
    %add3A_162 = vector.broadcast %get3A_161 : vector<1x64xf32> to vector<512x64xf32>
    %add3A_163 = arith.addf %dot_general3A_158, %add3A_162 : vector<512x64xf32>
    %integer_pow3A_164 = arith.mulf %add3A_163, %add3A_163 : vector<512x64xf32>
    %integer_pow3A_165 = arith.mulf %add3A_163, %integer_pow3A_164 : vector<512x64xf32>
    %mul3A_166 = arith.constant 4.471500e-02 : f32
    %mul3A_167 = vector.broadcast %mul3A_166 : f32 to vector<512x64xf32>
    %mul3A_168 = arith.mulf %mul3A_167, %integer_pow3A_165 : vector<512x64xf32>
    %add3A_169 = arith.addf %add3A_163, %mul3A_168 : vector<512x64xf32>
    %mul3A_170 = arith.constant 0.797884583 : f32
    %mul3A_171 = vector.broadcast %mul3A_170 : f32 to vector<512x64xf32>
    %mul3A_172 = arith.mulf %mul3A_171, %add3A_169 : vector<512x64xf32>
    %tanh3A_173 = math.tanh %mul3A_172 : vector<512x64xf32>
    %add3A_174 = arith.constant 1.000000e+00 : f32
    %add3A_175 = vector.broadcast %add3A_174 : f32 to vector<512x64xf32>
    %add3A_176 = arith.addf %add3A_175, %tanh3A_173 : vector<512x64xf32>
    %mul3A_177 = arith.constant 5.000000e-01 : f32
    %mul3A_178 = vector.broadcast %mul3A_177 : f32 to vector<512x64xf32>
    %mul3A_179 = arith.mulf %mul3A_178, %add3A_176 : vector<512x64xf32>
    %mul3A_180 = arith.mulf %add3A_163, %mul3A_179 : vector<512x64xf32>
    %convert_element_type3A_181 = arith.truncf %mul3A_180 : vector<512x64xf32> to vector<512x64xbf16>
    %swap3A_182 = arith.constant 0 : index
    %swap3A_183 = arith.constant 0 : index
    %swap3A_184 = vector.load %arg20[%swap3A_182, %swap3A_183] : memref<512x64xbf16, #tpu.memory_space<vmem>>, vector<512x64xbf16>
    tpu.vector_store %arg20[%swap3A_182, %swap3A_183], %convert_element_type3A_181 {strides = array<i32>} : memref<512x64xbf16, #tpu.memory_space<vmem>>, vector<512x64xbf16>,
    return
  }
  func.func @transform_0(%arg0: i32) -> (i32, i32) {
    %c0_i32 = arith.constant 0 : i32
    %c0_i32_0 = arith.constant 0 : i32
    return %arg0, %c0_i32 : i32, i32
  }
  func.func @transform_1(%arg0: i32) -> (i32, i32, i32) {
    %c0_i32 = arith.constant 0 : i32
    %c0_i32_0 = arith.constant 0 : i32
    %c0_i32_1 = arith.constant 0 : i32
    return %arg0, %c0_i32, %c0_i32_0 : i32, i32, i32
  }
  func.func @transform_2(%arg0: i32) -> (i32, i32) {
    %c0_i32 = arith.constant 0 : i32
    %c0_i32_0 = arith.constant 0 : i32
    return %arg0, %c0_i32 : i32, i32
  }
  func.func @transform_3(%arg0: i32) -> (i32, i32) {
    %c0_i32 = arith.constant 0 : i32
    %c0_i32_0 = arith.constant 0 : i32
    return %arg0, %c0_i32 : i32, i32
  }
  func.func @transform_4(%arg0: i32) -> (i32, i32) {
    %c0_i32 = arith.constant 0 : i32
    %c0_i32_0 = arith.constant 0 : i32
    return %arg0, %c0_i32 : i32, i32
  }
  func.func @transform_5(%arg0: i32) -> (i32, i32) {
    %c0_i32 = arith.constant 0 : i32
    %c0_i32_0 = arith.constant 0 : i32
    return %arg0, %c0_i32 : i32, i32
  }
  func.func @transform_6(%arg0: i32) -> (i32, i32) {
    %c0_i32 = arith.constant 0 : i32
    %c0_i32_0 = arith.constant 0 : i32
    %c0_i32_1 = arith.constant 0 : i32
    return %c0_i32, %c0_i32_0 : i32, i32
  }
  func.func @transform_7(%arg0: i32) -> (i32, i32) {
    %c0_i32 = arith.constant 0 : i32
    %c0_i32_0 = arith.constant 0 : i32
    %c0_i32_1 = arith.constant 0 : i32
    return %c0_i32, %c0_i32_0 : i32, i32
  }
  func.func @transform_8(%arg0: i32) -> (i32, i32) {
    %c0_i32 = arith.constant 0 : i32
    %c0_i32_0 = arith.constant 0 : i32
    %c0_i32_1 = arith.constant 0 : i32
    return %c0_i32, %c0_i32_0 : i32, i32
  }
  func.func @transform_9(%arg0: i32) -> (i32, i32) {
    %c0_i32 = arith.constant 0 : i32
    %c0_i32_0 = arith.constant 0 : i32
    %c0_i32_1 = arith.constant 0 : i32
    return %c0_i32, %c0_i32_0 : i32, i32
  }
  func.func @transform_10(%arg0: i32) -> (i32, i32) {
    %c0_i32 = arith.constant 0 : i32
    %c0_i32_0 = arith.constant 0 : i32
    %c0_i32_1 = arith.constant 0 : i32
    return %c0_i32, %c0_i32_0 : i32, i32
  }
  func.func @transform_11(%arg0: i32) -> (i32, i32) {
    %c0_i32 = arith.constant 0 : i32
    %c0_i32_0 = arith.constant 0 : i32
    %c0_i32_1 = arith.constant 0 : i32
    return %c0_i32, %c0_i32_0 : i32, i32
  }
  func.func @transform_12(%arg0: i32) -> (i32, i32) {
    %c0_i32 = arith.constant 0 : i32
    %c0_i32_0 = arith.constant 0 : i32
    %c0_i32_1 = arith.constant 0 : i32
    return %c0_i32, %c0_i32_0 : i32, i32
  }
  func.func @transform_13(%arg0: i32) -> (i32, i32) {
    %c0_i32 = arith.constant 0 : i32
    %c0_i32_0 = arith.constant 0 : i32
    %c0_i32_1 = arith.constant 0 : i32
    return %c0_i32, %c0_i32_0 : i32, i32
  }
  func.func @transform_14(%arg0: i32) -> (i32, i32) {
    %c0_i32 = arith.constant 0 : i32
    %c0_i32_0 = arith.constant 0 : i32
    %c0_i32_1 = arith.constant 0 : i32
    return %c0_i32, %c0_i32_0 : i32, i32
  }
  func.func @transform_15(%arg0: i32) -> (i32, i32) {
    %c0_i32 = arith.constant 0 : i32
    %c0_i32_0 = arith.constant 0 : i32
    %c0_i32_1 = arith.constant 0 : i32
    return %c0_i32, %c0_i32_0 : i32, i32
  }
  func.func @transform_16(%arg0: i32) -> (i32, i32) {
    %c0_i32 = arith.constant 0 : i32
    %c0_i32_0 = arith.constant 0 : i32
    return %arg0, %c0_i32 : i32, i32
  }
  func.func @transform_17(%arg0: i32) -> (i32, i32) {
    %c0_i32 = arith.constant 0 : i32
    %c0_i32_0 = arith.constant 0 : i32
    return %arg0, %c0_i32 : i32, i32
  }
  func.func @transform_18(%arg0: i32) -> (i32, i32) {
    %c0_i32 = arith.constant 0 : i32
    %c0_i32_0 = arith.constant 0 : i32
    return %arg0, %c0_i32 : i32, i32
  }
  func.func @transform_19(%arg0: i32) -> (i32, i32) {
    %c0_i32 = arith.constant 0 : i32
    %c0_i32_0 = arith.constant 0 : i32
    return %arg0, %c0_i32 : i32, i32
  }
}

module attributes {stable_mosaic.version = 14 : i64} {
  func.func @_ltopk_body(%arg0: i32, %arg1: i32, %arg2: memref<1x256x3xf32, #tpu.memory_space<vmem>>, %arg3: memref<1x2048x3xf32, #tpu.memory_space<vmem>>, %arg4: memref<1x1x256xf32, #tpu.memory_space<vmem>>, %arg5: memref<1x1x2048xf32, #tpu.memory_space<vmem>>, %arg6: memref<1x256x8xf32, #tpu.memory_space<vmem>>, %arg7: memref<1x256x8xi32, #tpu.memory_space<vmem>>) attributes {dimension_semantics = [#tpu.dimension_semantics<arbitrary>, #tpu.dimension_semantics<arbitrary>], iteration_bounds = array<i64: 4, 8>, scalar_prefetch = 0 : i64, scratch_operands = 0 : i64, tpu.core_type = #tpu.core_type<tc>, window_params = [{transform_indices = @transform_0, window_bounds = array<i64: 1, 256, 3>}, {transform_indices = @transform_1, window_bounds = array<i64: 1, 2048, 3>}, {transform_indices = @transform_2, window_bounds = array<i64: 1, 1, 256>}, {transform_indices = @transform_3, window_bounds = array<i64: 1, 1, 2048>}, {transform_indices = @transform_4, window_bounds = array<i64: 1, 256, 8>}, {transform_indices = @transform_5, window_bounds = array<i64: 1, 256, 8>}]} {
    %get3A = arith.constant 0 : index
    %get3A_0 = arith.constant 0 : index
    %get3A_1 = arith.constant 0 : index
    %get3A_2 = vector.load %arg2[%get3A, %get3A_0, %get3A_1] : memref<1x256x3xf32, #tpu.memory_space<vmem>>, vector<1x256x3xf32>
    %get3A_3 = vector.shape_cast %get3A_2 : vector<1x256x3xf32> to vector<256x3xf32>
    %get3A_4 = arith.constant 0 : index
    %get3A_5 = arith.constant 0 : index
    %get3A_6 = arith.constant 0 : index
    %get3A_7 = vector.load %arg3[%get3A_4, %get3A_5, %get3A_6] : memref<1x2048x3xf32, #tpu.memory_space<vmem>>, vector<1x2048x3xf32>
    %get3A_8 = vector.shape_cast %get3A_7 : vector<1x2048x3xf32> to vector<2048x3xf32>
    %get3A_9 = arith.constant 0 : index
    %get3A_10 = arith.constant 0 : index
    %get3A_11 = arith.constant 0 : index
    %get3A_12 = vector.load %arg4[%get3A_9, %get3A_10, %get3A_11] : memref<1x1x256xf32, #tpu.memory_space<vmem>>, vector<1x1x256xf32>
    %get3A_13 = vector.shape_cast %get3A_12 : vector<1x1x256xf32> to vector<1x256xf32>
    %squeeze3A = vector.shape_cast %get3A_13 : vector<1x256xf32> to vector<256xf32>
    %get3A_14 = arith.constant 0 : index
    %get3A_15 = arith.constant 0 : index
    %get3A_16 = arith.constant 0 : index
    %get3A_17 = vector.load %arg5[%get3A_14, %get3A_15, %get3A_16] : memref<1x1x2048xf32, #tpu.memory_space<vmem>>, vector<1x1x2048xf32>
    %get3A_18 = vector.shape_cast %get3A_17 : vector<1x1x2048xf32> to vector<1x2048xf32>
    %squeeze3A_19 = vector.shape_cast %get3A_18 : vector<1x2048xf32> to vector<2048xf32>
    %mul3A = arith.mulf %get3A_3, %get3A_3 : vector<256x3xf32>
    %reduce_sum3A = arith.constant dense<0.000000e+00> : vector<256xf32>
    %reduce_sum3A_20 = vector.multi_reduction <add>, %mul3A, %reduce_sum3A [1] : vector<256x3xf32> to vector<256xf32>
    %broadcast_in_dim3A = vector.shape_cast %reduce_sum3A_20 : vector<256xf32> to vector<256x1xf32>
    %mul3A_21 = arith.mulf %get3A_8, %get3A_8 : vector<2048x3xf32>
    %reduce_sum3A_22 = arith.constant dense<0.000000e+00> : vector<2048xf32>
    %reduce_sum3A_23 = vector.multi_reduction <add>, %mul3A_21, %reduce_sum3A_22 [1] : vector<2048x3xf32> to vector<2048xf32>
    %broadcast_in_dim3A_24 = vector.shape_cast %reduce_sum3A_23 : vector<2048xf32> to vector<1x2048xf32>
    %dot_general3A = arith.constant dense<0.000000e+00> : vector<256x2048xf32>
    %dot_general3A_25 = tpu.matmul %get3A_3, %get3A_8, %dot_general3A {dimension_numbers = #tpu.dot_dimension_numbers<[1], [1], [0], [0], [0, 0, 1, 0], [], []>, transpose_lhs_hint = false} : vector<256x3xf32>, vector<2048x3xf32>, vector<256x2048xf32> -> vector<256x2048xf32>
    %add3A = vector.broadcast %broadcast_in_dim3A : vector<256x1xf32> to vector<256x2048xf32>
    %add3A_26 = vector.broadcast %broadcast_in_dim3A_24 : vector<1x2048xf32> to vector<256x2048xf32>
    %add3A_27 = arith.addf %add3A, %add3A_26 : vector<256x2048xf32>
    %mul3A_28 = arith.constant 2.000000e+00 : f32
    %mul3A_29 = vector.broadcast %mul3A_28 : f32 to vector<256x2048xf32>
    %mul3A_30 = arith.mulf %mul3A_29, %dot_general3A_25 : vector<256x2048xf32>
    %sub3A = arith.subf %add3A_27, %mul3A_30 : vector<256x2048xf32>
    %jit3A = arith.constant 0.000000e+00 : f32
    %max3A = vector.broadcast %jit3A : f32 to vector<256x2048xf32>
    %max3A_31 = arith.maximumf %max3A, %sub3A : vector<256x2048xf32>
    %add3A_32 = arith.constant 9.99999996E-13 : f32
    %add3A_33 = vector.broadcast %add3A_32 : f32 to vector<256x2048xf32>
    %add3A_34 = arith.addf %max3A_31, %add3A_33 : vector<256x2048xf32>
    %mul3A_35 = arith.constant 256 : i32
    %mul3A_36 = arith.muli %arg1, %mul3A_35 : i32
    %iota3A = tpu.iota {dimensions = array<i32: 0>} : vector<256x2048xi32>
    %add3A_37 = vector.broadcast %mul3A_36 : i32 to vector<256x2048xi32>
    %add3A_38 = arith.addi %add3A_37, %iota3A : vector<256x2048xi32>
    %iota3A_39 = tpu.iota {dimensions = array<i32: 1>} : vector<256x2048xi32>
    %broadcast_in_dim3A_40 = vector.shape_cast %squeeze3A : vector<256xf32> to vector<256x1xf32>
    %gt3A = arith.constant 5.000000e-01 : f32
    %gt3A_41 = vector.broadcast %gt3A : f32 to vector<256x1xf32>
    %gt3A_42 = arith.cmpf ogt, %broadcast_in_dim3A_40, %gt3A_41 : vector<256x1xf32>
    %broadcast_in_dim3A_43 = vector.shape_cast %squeeze3A_19 : vector<2048xf32> to vector<1x2048xf32>
    %gt3A_44 = arith.constant 5.000000e-01 : f32
    %gt3A_45 = vector.broadcast %gt3A_44 : f32 to vector<1x2048xf32>
    %gt3A_46 = arith.cmpf ogt, %broadcast_in_dim3A_43, %gt3A_45 : vector<1x2048xf32>
    %and3A = vector.broadcast %gt3A_42 : vector<256x1xi1> to vector<256x2048xi1>
    %and3A_47 = vector.broadcast %gt3A_46 : vector<1x2048xi1> to vector<256x2048xi1>
    %and3A_48 = arith.andi %and3A, %and3A_47 : vector<256x2048xi1>
    %ne3A = arith.cmpi ne, %add3A_38, %iota3A_39 : vector<256x2048xi32>
    %and3A_49 = arith.andi %and3A_48, %ne3A : vector<256x2048xi1>
    %jit3A_50 = arith.constant 9.99999984E+17 : f32
    %broadcast_in_dim3A_51 = vector.broadcast %jit3A_50 : f32 to vector<256x2048xf32>
    %select_n3A = arith.select %and3A_49, %add3A_34, %broadcast_in_dim3A_51 : vector<256x2048xi1>, vector<256x2048xf32>
    %reduce_min3A = arith.constant dense<0x7F800000> : vector<256xf32>
    %reduce_min3A_52 = vector.multi_reduction <minimumf>, %select_n3A, %reduce_min3A [1] : vector<256x2048xf32> to vector<256xf32>
    %broadcast_in_dim3A_53 = vector.shape_cast %reduce_min3A_52 : vector<256xf32> to vector<256x1xf32>
    %eq3A = vector.broadcast %broadcast_in_dim3A_53 : vector<256x1xf32> to vector<256x2048xf32>
    %eq3A_54 = arith.cmpf oeq, %select_n3A, %eq3A : vector<256x2048xf32>
    %jit3A_55 = arith.constant 2048 : i32
    %broadcast_in_dim3A_56 = vector.broadcast %jit3A_55 : i32 to vector<256x2048xi32>
    %select_n3A_57 = arith.select %eq3A_54, %iota3A_39, %broadcast_in_dim3A_56 : vector<256x2048xi1>, vector<256x2048xi32>
    %reduce_min3A_58 = arith.constant dense<2147483647> : vector<256xi32>
    %reduce_min3A_59 = vector.multi_reduction <minsi>, %select_n3A_57, %reduce_min3A_58 [1] : vector<256x2048xi32> to vector<256xi32>
    %broadcast_in_dim3A_60 = vector.shape_cast %reduce_min3A_59 : vector<256xi32> to vector<256x1xi32>
    %eq3A_61 = vector.broadcast %broadcast_in_dim3A_60 : vector<256x1xi32> to vector<256x2048xi32>
    %eq3A_62 = arith.cmpi eq, %iota3A_39, %eq3A_61 : vector<256x2048xi32>
    %jit3A_63 = arith.constant 9.99999984E+17 : f32
    %broadcast_in_dim3A_64 = vector.broadcast %jit3A_63 : f32 to vector<256x2048xf32>
    %select_n3A_65 = arith.select %eq3A_62, %broadcast_in_dim3A_64, %select_n3A : vector<256x2048xi1>, vector<256x2048xf32>
    %reduce_min3A_66 = arith.constant dense<0x7F800000> : vector<256xf32>
    %reduce_min3A_67 = vector.multi_reduction <minimumf>, %select_n3A_65, %reduce_min3A_66 [1] : vector<256x2048xf32> to vector<256xf32>
    %broadcast_in_dim3A_68 = vector.shape_cast %reduce_min3A_67 : vector<256xf32> to vector<256x1xf32>
    %eq3A_69 = vector.broadcast %broadcast_in_dim3A_68 : vector<256x1xf32> to vector<256x2048xf32>
    %eq3A_70 = arith.cmpf oeq, %select_n3A_65, %eq3A_69 : vector<256x2048xf32>
    %jit3A_71 = arith.constant 2048 : i32
    %broadcast_in_dim3A_72 = vector.broadcast %jit3A_71 : i32 to vector<256x2048xi32>
    %select_n3A_73 = arith.select %eq3A_70, %iota3A_39, %broadcast_in_dim3A_72 : vector<256x2048xi1>, vector<256x2048xi32>
    %reduce_min3A_74 = arith.constant dense<2147483647> : vector<256xi32>
    %reduce_min3A_75 = vector.multi_reduction <minsi>, %select_n3A_73, %reduce_min3A_74 [1] : vector<256x2048xi32> to vector<256xi32>
    %broadcast_in_dim3A_76 = vector.shape_cast %reduce_min3A_75 : vector<256xi32> to vector<256x1xi32>
    %eq3A_77 = vector.broadcast %broadcast_in_dim3A_76 : vector<256x1xi32> to vector<256x2048xi32>
    %eq3A_78 = arith.cmpi eq, %iota3A_39, %eq3A_77 : vector<256x2048xi32>
    %jit3A_79 = arith.constant 9.99999984E+17 : f32
    %broadcast_in_dim3A_80 = vector.broadcast %jit3A_79 : f32 to vector<256x2048xf32>
    %select_n3A_81 = arith.select %eq3A_78, %broadcast_in_dim3A_80, %select_n3A_65 : vector<256x2048xi1>, vector<256x2048xf32>
    %reduce_min3A_82 = arith.constant dense<0x7F800000> : vector<256xf32>
    %reduce_min3A_83 = vector.multi_reduction <minimumf>, %select_n3A_81, %reduce_min3A_82 [1] : vector<256x2048xf32> to vector<256xf32>
    %broadcast_in_dim3A_84 = vector.shape_cast %reduce_min3A_83 : vector<256xf32> to vector<256x1xf32>
    %eq3A_85 = vector.broadcast %broadcast_in_dim3A_84 : vector<256x1xf32> to vector<256x2048xf32>
    %eq3A_86 = arith.cmpf oeq, %select_n3A_81, %eq3A_85 : vector<256x2048xf32>
    %jit3A_87 = arith.constant 2048 : i32
    %broadcast_in_dim3A_88 = vector.broadcast %jit3A_87 : i32 to vector<256x2048xi32>
    %select_n3A_89 = arith.select %eq3A_86, %iota3A_39, %broadcast_in_dim3A_88 : vector<256x2048xi1>, vector<256x2048xi32>
    %reduce_min3A_90 = arith.constant dense<2147483647> : vector<256xi32>
    %reduce_min3A_91 = vector.multi_reduction <minsi>, %select_n3A_89, %reduce_min3A_90 [1] : vector<256x2048xi32> to vector<256xi32>
    %broadcast_in_dim3A_92 = vector.shape_cast %reduce_min3A_91 : vector<256xi32> to vector<256x1xi32>
    %eq3A_93 = vector.broadcast %broadcast_in_dim3A_92 : vector<256x1xi32> to vector<256x2048xi32>
    %eq3A_94 = arith.cmpi eq, %iota3A_39, %eq3A_93 : vector<256x2048xi32>
    %jit3A_95 = arith.constant 9.99999984E+17 : f32
    %broadcast_in_dim3A_96 = vector.broadcast %jit3A_95 : f32 to vector<256x2048xf32>
    %select_n3A_97 = arith.select %eq3A_94, %broadcast_in_dim3A_96, %select_n3A_81 : vector<256x2048xi1>, vector<256x2048xf32>
    %reduce_min3A_98 = arith.constant dense<0x7F800000> : vector<256xf32>
    %reduce_min3A_99 = vector.multi_reduction <minimumf>, %select_n3A_97, %reduce_min3A_98 [1] : vector<256x2048xf32> to vector<256xf32>
    %broadcast_in_dim3A_100 = vector.shape_cast %reduce_min3A_99 : vector<256xf32> to vector<256x1xf32>
    %eq3A_101 = vector.broadcast %broadcast_in_dim3A_100 : vector<256x1xf32> to vector<256x2048xf32>
    %eq3A_102 = arith.cmpf oeq, %select_n3A_97, %eq3A_101 : vector<256x2048xf32>
    %jit3A_103 = arith.constant 2048 : i32
    %broadcast_in_dim3A_104 = vector.broadcast %jit3A_103 : i32 to vector<256x2048xi32>
    %select_n3A_105 = arith.select %eq3A_102, %iota3A_39, %broadcast_in_dim3A_104 : vector<256x2048xi1>, vector<256x2048xi32>
    %reduce_min3A_106 = arith.constant dense<2147483647> : vector<256xi32>
    %reduce_min3A_107 = vector.multi_reduction <minsi>, %select_n3A_105, %reduce_min3A_106 [1] : vector<256x2048xi32> to vector<256xi32>
    %broadcast_in_dim3A_108 = vector.shape_cast %reduce_min3A_107 : vector<256xi32> to vector<256x1xi32>
    %eq3A_109 = vector.broadcast %broadcast_in_dim3A_108 : vector<256x1xi32> to vector<256x2048xi32>
    %eq3A_110 = arith.cmpi eq, %iota3A_39, %eq3A_109 : vector<256x2048xi32>
    %jit3A_111 = arith.constant 9.99999984E+17 : f32
    %broadcast_in_dim3A_112 = vector.broadcast %jit3A_111 : f32 to vector<256x2048xf32>
    %select_n3A_113 = arith.select %eq3A_110, %broadcast_in_dim3A_112, %select_n3A_97 : vector<256x2048xi1>, vector<256x2048xf32>
    %reduce_min3A_114 = arith.constant dense<0x7F800000> : vector<256xf32>
    %reduce_min3A_115 = vector.multi_reduction <minimumf>, %select_n3A_113, %reduce_min3A_114 [1] : vector<256x2048xf32> to vector<256xf32>
    %broadcast_in_dim3A_116 = vector.shape_cast %reduce_min3A_115 : vector<256xf32> to vector<256x1xf32>
    %eq3A_117 = vector.broadcast %broadcast_in_dim3A_116 : vector<256x1xf32> to vector<256x2048xf32>
    %eq3A_118 = arith.cmpf oeq, %select_n3A_113, %eq3A_117 : vector<256x2048xf32>
    %jit3A_119 = arith.constant 2048 : i32
    %broadcast_in_dim3A_120 = vector.broadcast %jit3A_119 : i32 to vector<256x2048xi32>
    %select_n3A_121 = arith.select %eq3A_118, %iota3A_39, %broadcast_in_dim3A_120 : vector<256x2048xi1>, vector<256x2048xi32>
    %reduce_min3A_122 = arith.constant dense<2147483647> : vector<256xi32>
    %reduce_min3A_123 = vector.multi_reduction <minsi>, %select_n3A_121, %reduce_min3A_122 [1] : vector<256x2048xi32> to vector<256xi32>
    %broadcast_in_dim3A_124 = vector.shape_cast %reduce_min3A_123 : vector<256xi32> to vector<256x1xi32>
    %eq3A_125 = vector.broadcast %broadcast_in_dim3A_124 : vector<256x1xi32> to vector<256x2048xi32>
    %eq3A_126 = arith.cmpi eq, %iota3A_39, %eq3A_125 : vector<256x2048xi32>
    %jit3A_127 = arith.constant 9.99999984E+17 : f32
    %broadcast_in_dim3A_128 = vector.broadcast %jit3A_127 : f32 to vector<256x2048xf32>
    %select_n3A_129 = arith.select %eq3A_126, %broadcast_in_dim3A_128, %select_n3A_113 : vector<256x2048xi1>, vector<256x2048xf32>
    %reduce_min3A_130 = arith.constant dense<0x7F800000> : vector<256xf32>
    %reduce_min3A_131 = vector.multi_reduction <minimumf>, %select_n3A_129, %reduce_min3A_130 [1] : vector<256x2048xf32> to vector<256xf32>
    %broadcast_in_dim3A_132 = vector.shape_cast %reduce_min3A_131 : vector<256xf32> to vector<256x1xf32>
    %eq3A_133 = vector.broadcast %broadcast_in_dim3A_132 : vector<256x1xf32> to vector<256x2048xf32>
    %eq3A_134 = arith.cmpf oeq, %select_n3A_129, %eq3A_133 : vector<256x2048xf32>
    %jit3A_135 = arith.constant 2048 : i32
    %broadcast_in_dim3A_136 = vector.broadcast %jit3A_135 : i32 to vector<256x2048xi32>
    %select_n3A_137 = arith.select %eq3A_134, %iota3A_39, %broadcast_in_dim3A_136 : vector<256x2048xi1>, vector<256x2048xi32>
    %reduce_min3A_138 = arith.constant dense<2147483647> : vector<256xi32>
    %reduce_min3A_139 = vector.multi_reduction <minsi>, %select_n3A_137, %reduce_min3A_138 [1] : vector<256x2048xi32> to vector<256xi32>
    %broadcast_in_dim3A_140 = vector.shape_cast %reduce_min3A_139 : vector<256xi32> to vector<256x1xi32>
    %eq3A_141 = vector.broadcast %broadcast_in_dim3A_140 : vector<256x1xi32> to vector<256x2048xi32>
    %eq3A_142 = arith.cmpi eq, %iota3A_39, %eq3A_141 : vector<256x2048xi32>
    %jit3A_143 = arith.constant 9.99999984E+17 : f32
    %broadcast_in_dim3A_144 = vector.broadcast %jit3A_143 : f32 to vector<256x2048xf32>
    %select_n3A_145 = arith.select %eq3A_142, %broadcast_in_dim3A_144, %select_n3A_129 : vector<256x2048xi1>, vector<256x2048xf32>
    %reduce_min3A_146 = arith.constant dense<0x7F800000> : vector<256xf32>
    %reduce_min3A_147 = vector.multi_reduction <minimumf>, %select_n3A_145, %reduce_min3A_146 [1] : vector<256x2048xf32> to vector<256xf32>
    %broadcast_in_dim3A_148 = vector.shape_cast %reduce_min3A_147 : vector<256xf32> to vector<256x1xf32>
    %eq3A_149 = vector.broadcast %broadcast_in_dim3A_148 : vector<256x1xf32> to vector<256x2048xf32>
    %eq3A_150 = arith.cmpf oeq, %select_n3A_145, %eq3A_149 : vector<256x2048xf32>
    %jit3A_151 = arith.constant 2048 : i32
    %broadcast_in_dim3A_152 = vector.broadcast %jit3A_151 : i32 to vector<256x2048xi32>
    %select_n3A_153 = arith.select %eq3A_150, %iota3A_39, %broadcast_in_dim3A_152 : vector<256x2048xi1>, vector<256x2048xi32>
    %reduce_min3A_154 = arith.constant dense<2147483647> : vector<256xi32>
    %reduce_min3A_155 = vector.multi_reduction <minsi>, %select_n3A_153, %reduce_min3A_154 [1] : vector<256x2048xi32> to vector<256xi32>
    %broadcast_in_dim3A_156 = vector.shape_cast %reduce_min3A_155 : vector<256xi32> to vector<256x1xi32>
    %eq3A_157 = vector.broadcast %broadcast_in_dim3A_156 : vector<256x1xi32> to vector<256x2048xi32>
    %eq3A_158 = arith.cmpi eq, %iota3A_39, %eq3A_157 : vector<256x2048xi32>
    %jit3A_159 = arith.constant 9.99999984E+17 : f32
    %broadcast_in_dim3A_160 = vector.broadcast %jit3A_159 : f32 to vector<256x2048xf32>
    %select_n3A_161 = arith.select %eq3A_158, %broadcast_in_dim3A_160, %select_n3A_145 : vector<256x2048xi1>, vector<256x2048xf32>
    %reduce_min3A_162 = arith.constant dense<0x7F800000> : vector<256xf32>
    %reduce_min3A_163 = vector.multi_reduction <minimumf>, %select_n3A_161, %reduce_min3A_162 [1] : vector<256x2048xf32> to vector<256xf32>
    %broadcast_in_dim3A_164 = vector.shape_cast %reduce_min3A_163 : vector<256xf32> to vector<256x1xf32>
    %eq3A_165 = vector.broadcast %broadcast_in_dim3A_164 : vector<256x1xf32> to vector<256x2048xf32>
    %eq3A_166 = arith.cmpf oeq, %select_n3A_161, %eq3A_165 : vector<256x2048xf32>
    %jit3A_167 = arith.constant 2048 : i32
    %broadcast_in_dim3A_168 = vector.broadcast %jit3A_167 : i32 to vector<256x2048xi32>
    %select_n3A_169 = arith.select %eq3A_166, %iota3A_39, %broadcast_in_dim3A_168 : vector<256x2048xi1>, vector<256x2048xi32>
    %reduce_min3A_170 = arith.constant dense<2147483647> : vector<256xi32>
    %reduce_min3A_171 = vector.multi_reduction <minsi>, %select_n3A_169, %reduce_min3A_170 [1] : vector<256x2048xi32> to vector<256xi32>
    %broadcast_in_dim3A_172 = vector.shape_cast %reduce_min3A_171 : vector<256xi32> to vector<256x1xi32>
    %concatenate3A = tpu.concatenate %broadcast_in_dim3A_53, %broadcast_in_dim3A_68, %broadcast_in_dim3A_84, %broadcast_in_dim3A_100, %broadcast_in_dim3A_116, %broadcast_in_dim3A_132, %broadcast_in_dim3A_148, %broadcast_in_dim3A_164 in 1 : vector<256x1xf32>, vector<256x1xf32>, vector<256x1xf32>, vector<256x1xf32>, vector<256x1xf32>, vector<256x1xf32>, vector<256x1xf32>, vector<256x1xf32> -> vector<256x8xf32>
    %sqrt3A = math.sqrt %concatenate3A : vector<256x8xf32>
    %concatenate3A_173 = tpu.concatenate %broadcast_in_dim3A_60, %broadcast_in_dim3A_76, %broadcast_in_dim3A_92, %broadcast_in_dim3A_108, %broadcast_in_dim3A_124, %broadcast_in_dim3A_140, %broadcast_in_dim3A_156, %broadcast_in_dim3A_172 in 1 : vector<256x1xi32>, vector<256x1xi32>, vector<256x1xi32>, vector<256x1xi32>, vector<256x1xi32>, vector<256x1xi32>, vector<256x1xi32>, vector<256x1xi32> -> vector<256x8xi32>
    %lt3A = arith.constant 5.000000e+08 : f32
    %lt3A_174 = vector.broadcast %lt3A : f32 to vector<256x8xf32>
    %lt3A_175 = arith.cmpf olt, %sqrt3A, %lt3A_174 : vector<256x8xf32>
    %neg3A = arith.constant 0.000000e+00 : f32
    %neg3A_176 = vector.broadcast %neg3A : f32 to vector<256x8xf32>
    %neg3A_177 = arith.subf %neg3A_176, %sqrt3A : vector<256x8xf32>
    %jit3A_178 = arith.constant -1.000000e+09 : f32
    %broadcast_in_dim3A_179 = vector.broadcast %jit3A_178 : f32 to vector<256x8xf32>
    %select_n3A_180 = arith.select %lt3A_175, %neg3A_177, %broadcast_in_dim3A_179 : vector<256x8xi1>, vector<256x8xf32>
    %reduce_max3A = arith.constant dense<0xFF800000> : vector<256xf32>
    %reduce_max3A_181 = vector.multi_reduction <maximumf>, %select_n3A_180, %reduce_max3A [1] : vector<256x8xf32> to vector<256xf32>
    %max3A_182 = arith.constant 0xFF800000 : f32
    %max3A_183 = vector.broadcast %max3A_182 : f32 to vector<256xf32>
    %max3A_184 = arith.maximumf %max3A_183, %reduce_max3A_181 : vector<256xf32>
    %broadcast_in_dim3A_185 = vector.shape_cast %max3A_184 : vector<256xf32> to vector<256x1xf32>
    %sub3A_186 = vector.broadcast %broadcast_in_dim3A_185 : vector<256x1xf32> to vector<256x8xf32>
    %sub3A_187 = arith.subf %select_n3A_180, %sub3A_186 : vector<256x8xf32>
    %exp3A = math.exp %sub3A_187 : vector<256x8xf32>
    %reduce_sum3A_188 = arith.constant dense<0.000000e+00> : vector<256xf32>
    %reduce_sum3A_189 = vector.multi_reduction <add>, %exp3A, %reduce_sum3A_188 [1] : vector<256x8xf32> to vector<256xf32>
    %broadcast_in_dim3A_190 = vector.shape_cast %reduce_sum3A_189 : vector<256xf32> to vector<256x1xf32>
    %div3A = vector.broadcast %broadcast_in_dim3A_190 : vector<256x1xf32> to vector<256x8xf32>
    %div3A_191 = arith.divf %exp3A, %div3A : vector<256x8xf32>
    %convert_element_type3A = arith.extui %lt3A_175 : vector<256x8xi1> to vector<256x8xi32>
    %convert_element_type3A_192 = arith.sitofp %convert_element_type3A : vector<256x8xi32> to vector<256x8xf32>
    %mul3A_193 = arith.mulf %div3A_191, %convert_element_type3A_192 : vector<256x8xf32>
    %broadcast_in_dim3A_194 = vector.shape_cast %squeeze3A : vector<256xf32> to vector<256x1xf32>
    %mul3A_195 = vector.broadcast %broadcast_in_dim3A_194 : vector<256x1xf32> to vector<256x8xf32>
    %mul3A_196 = arith.mulf %mul3A_193, %mul3A_195 : vector<256x8xf32>
    %swap3A = arith.constant 0 : index
    %swap3A_197 = arith.constant 0 : index
    %swap3A_198 = arith.constant 0 : index
    %swap3A_199 = vector.load %arg6[%swap3A, %swap3A_197, %swap3A_198] : memref<1x256x8xf32, #tpu.memory_space<vmem>>, vector<1x256x8xf32>
    %swap3A_200 = vector.shape_cast %swap3A_199 : vector<1x256x8xf32> to vector<256x8xf32>
    %swap3A_201 = vector.shape_cast %mul3A_196 : vector<256x8xf32> to vector<1x256x8xf32>
    tpu.vector_store %arg6[%swap3A, %swap3A_197, %swap3A_198], %swap3A_201 {strides = array<i32>} : memref<1x256x8xf32, #tpu.memory_space<vmem>>, vector<1x256x8xf32>,
    %jit3A_202 = arith.constant 0 : i32
    %broadcast_in_dim3A_203 = vector.broadcast %jit3A_202 : i32 to vector<256x8xi32>
    %select_n3A_204 = arith.select %lt3A_175, %concatenate3A_173, %broadcast_in_dim3A_203 : vector<256x8xi1>, vector<256x8xi32>
    %mul3A_205 = arith.constant 2048 : i32
    %mul3A_206 = arith.muli %arg0, %mul3A_205 : i32
    %add3A_207 = vector.broadcast %mul3A_206 : i32 to vector<256x8xi32>
    %add3A_208 = arith.addi %select_n3A_204, %add3A_207 : vector<256x8xi32>
    %swap3A_209 = arith.constant 0 : index
    %swap3A_210 = arith.constant 0 : index
    %swap3A_211 = arith.constant 0 : index
    %swap3A_212 = vector.load %arg7[%swap3A_209, %swap3A_210, %swap3A_211] : memref<1x256x8xi32, #tpu.memory_space<vmem>>, vector<1x256x8xi32>
    %swap3A_213 = vector.shape_cast %swap3A_212 : vector<1x256x8xi32> to vector<256x8xi32>
    %swap3A_214 = vector.shape_cast %add3A_208 : vector<256x8xi32> to vector<1x256x8xi32>
    tpu.vector_store %arg7[%swap3A_209, %swap3A_210, %swap3A_211], %swap3A_214 {strides = array<i32>} : memref<1x256x8xi32, #tpu.memory_space<vmem>>, vector<1x256x8xi32>,
    return
  }
  func.func @transform_0(%arg0: i32, %arg1: i32) -> (i32, i32, i32) {
    %c0_i32 = arith.constant 0 : i32
    %c0_i32_0 = arith.constant 0 : i32
    return %arg0, %arg1, %c0_i32 : i32, i32, i32
  }
  func.func @transform_1(%arg0: i32, %arg1: i32) -> (i32, i32, i32) {
    %c0_i32 = arith.constant 0 : i32
    %c0_i32_0 = arith.constant 0 : i32
    %c0_i32_1 = arith.constant 0 : i32
    return %arg0, %c0_i32, %c0_i32_0 : i32, i32, i32
  }
  func.func @transform_2(%arg0: i32, %arg1: i32) -> (i32, i32, i32) {
    %c0_i32 = arith.constant 0 : i32
    %c0_i32_0 = arith.constant 0 : i32
    return %arg0, %c0_i32, %arg1 : i32, i32, i32
  }
  func.func @transform_3(%arg0: i32, %arg1: i32) -> (i32, i32, i32) {
    %c0_i32 = arith.constant 0 : i32
    %c0_i32_0 = arith.constant 0 : i32
    %c0_i32_1 = arith.constant 0 : i32
    return %arg0, %c0_i32, %c0_i32_0 : i32, i32, i32
  }
  func.func @transform_4(%arg0: i32, %arg1: i32) -> (i32, i32, i32) {
    %c0_i32 = arith.constant 0 : i32
    %c0_i32_0 = arith.constant 0 : i32
    return %arg0, %arg1, %c0_i32 : i32, i32, i32
  }
  func.func @transform_5(%arg0: i32, %arg1: i32) -> (i32, i32, i32) {
    %c0_i32 = arith.constant 0 : i32
    %c0_i32_0 = arith.constant 0 : i32
    return %arg0, %arg1, %c0_i32 : i32, i32, i32
  }
}

module attributes {stable_mosaic.version = 14 : i64} {
  func.func @_msg_body(%arg0: i32, %arg1: memref<512x64xf32, #tpu.memory_space<vmem>>, %arg2: memref<64x64xf32, #tpu.memory_space<vmem>>, %arg3: memref<1x64xf32, #tpu.memory_space<vmem>>, %arg4: memref<512x64xbf16, #tpu.memory_space<vmem>>) attributes {dimension_semantics = [#tpu.dimension_semantics<arbitrary>], iteration_bounds = array<i64: 16>, scalar_prefetch = 0 : i64, scratch_operands = 0 : i64, tpu.core_type = #tpu.core_type<tc>, window_params = [{transform_indices = @transform_0, window_bounds = array<i64: 512, 64>}, {pipeline_mode = #tpu.pipeline_mode<synchronous>, transform_indices = @transform_1, window_bounds = array<i64: 64, 64>}, {pipeline_mode = #tpu.pipeline_mode<synchronous>, transform_indices = @transform_2, window_bounds = array<i64: 1, 64>}, {transform_indices = @transform_3, window_bounds = array<i64: 512, 64>}]} {
    %get3A = arith.constant 0 : index
    %get3A_0 = arith.constant 0 : index
    %get3A_1 = vector.load %arg1[%get3A, %get3A_0] : memref<512x64xf32, #tpu.memory_space<vmem>>, vector<512x64xf32>
    %get3A_2 = arith.constant 0 : index
    %get3A_3 = arith.constant 0 : index
    %get3A_4 = vector.load %arg2[%get3A_2, %get3A_3] : memref<64x64xf32, #tpu.memory_space<vmem>>, vector<64x64xf32>
    %dot_general3A = arith.constant dense<0.000000e+00> : vector<512x64xf32>
    %dot_general3A_5 = tpu.matmul %get3A_1, %get3A_4, %dot_general3A {dimension_numbers = #tpu.dot_dimension_numbers<[1], [0], [0], [1], [0, 0, 1, 1], [], []>, transpose_lhs_hint = false} : vector<512x64xf32>, vector<64x64xf32>, vector<512x64xf32> -> vector<512x64xf32>
    %get3A_6 = arith.constant 0 : index
    %get3A_7 = arith.constant 0 : index
    %get3A_8 = vector.load %arg3[%get3A_6, %get3A_7] : memref<1x64xf32, #tpu.memory_space<vmem>>, vector<1x64xf32>
    %add3A = vector.broadcast %get3A_8 : vector<1x64xf32> to vector<512x64xf32>
    %add3A_9 = arith.addf %dot_general3A_5, %add3A : vector<512x64xf32>
    %integer_pow3A = arith.mulf %add3A_9, %add3A_9 : vector<512x64xf32>
    %integer_pow3A_10 = arith.mulf %add3A_9, %integer_pow3A : vector<512x64xf32>
    %mul3A = arith.constant 4.471500e-02 : f32
    %mul3A_11 = vector.broadcast %mul3A : f32 to vector<512x64xf32>
    %mul3A_12 = arith.mulf %mul3A_11, %integer_pow3A_10 : vector<512x64xf32>
    %add3A_13 = arith.addf %add3A_9, %mul3A_12 : vector<512x64xf32>
    %mul3A_14 = arith.constant 0.797884583 : f32
    %mul3A_15 = vector.broadcast %mul3A_14 : f32 to vector<512x64xf32>
    %mul3A_16 = arith.mulf %mul3A_15, %add3A_13 : vector<512x64xf32>
    %tanh3A = math.tanh %mul3A_16 : vector<512x64xf32>
    %add3A_17 = arith.constant 1.000000e+00 : f32
    %add3A_18 = vector.broadcast %add3A_17 : f32 to vector<512x64xf32>
    %add3A_19 = arith.addf %add3A_18, %tanh3A : vector<512x64xf32>
    %mul3A_20 = arith.constant 5.000000e-01 : f32
    %mul3A_21 = vector.broadcast %mul3A_20 : f32 to vector<512x64xf32>
    %mul3A_22 = arith.mulf %mul3A_21, %add3A_19 : vector<512x64xf32>
    %mul3A_23 = arith.mulf %add3A_9, %mul3A_22 : vector<512x64xf32>
    %convert_element_type3A = arith.truncf %mul3A_23 : vector<512x64xf32> to vector<512x64xbf16>
    %swap3A = arith.constant 0 : index
    %swap3A_24 = arith.constant 0 : index
    %swap3A_25 = vector.load %arg4[%swap3A, %swap3A_24] : memref<512x64xbf16, #tpu.memory_space<vmem>>, vector<512x64xbf16>
    tpu.vector_store %arg4[%swap3A, %swap3A_24], %convert_element_type3A {strides = array<i32>} : memref<512x64xbf16, #tpu.memory_space<vmem>>, vector<512x64xbf16>,
    return
  }
  func.func @transform_0(%arg0: i32) -> (i32, i32) {
    %c0_i32 = arith.constant 0 : i32
    %c0_i32_0 = arith.constant 0 : i32
    return %arg0, %c0_i32 : i32, i32
  }
  func.func @transform_1(%arg0: i32) -> (i32, i32) {
    %c0_i32 = arith.constant 0 : i32
    %c0_i32_0 = arith.constant 0 : i32
    %c0_i32_1 = arith.constant 0 : i32
    return %c0_i32, %c0_i32_0 : i32, i32
  }
  func.func @transform_2(%arg0: i32) -> (i32, i32) {
    %c0_i32 = arith.constant 0 : i32
    %c0_i32_0 = arith.constant 0 : i32
    %c0_i32_1 = arith.constant 0 : i32
    return %c0_i32, %c0_i32_0 : i32, i32
  }
  func.func @transform_3(%arg0: i32) -> (i32, i32) {
    %c0_i32 = arith.constant 0 : i32
    %c0_i32_0 = arith.constant 0 : i32
    return %arg0, %c0_i32 : i32, i32
  }
}

module attributes {stable_mosaic.version = 14 : i64} {
  func.func @_updmsg_body(%arg0: i32, %arg1: memref<512x64xf32, #tpu.memory_space<vmem>>, %arg2: memref<512x8x64xbf16, #tpu.memory_space<vmem>>, %arg3: memref<512x8xf32, #tpu.memory_space<vmem>>, %arg4: memref<64x64xf32, #tpu.memory_space<vmem>>, %arg5: memref<1x64xf32, #tpu.memory_space<vmem>>, %arg6: memref<1x64xf32, #tpu.memory_space<vmem>>, %arg7: memref<1x64xf32, #tpu.memory_space<vmem>>, %arg8: memref<64x64xf32, #tpu.memory_space<vmem>>, %arg9: memref<1x64xf32, #tpu.memory_space<vmem>>, %arg10: memref<512x64xf32, #tpu.memory_space<vmem>>, %arg11: memref<512x64xbf16, #tpu.memory_space<vmem>>) attributes {dimension_semantics = [#tpu.dimension_semantics<arbitrary>], iteration_bounds = array<i64: 16>, scalar_prefetch = 0 : i64, scratch_operands = 0 : i64, tpu.core_type = #tpu.core_type<tc>, window_params = [{transform_indices = @transform_0, window_bounds = array<i64: 512, 64>}, {transform_indices = @transform_1, window_bounds = array<i64: 512, 8, 64>}, {transform_indices = @transform_2, window_bounds = array<i64: 512, 8>}, {pipeline_mode = #tpu.pipeline_mode<synchronous>, transform_indices = @transform_3, window_bounds = array<i64: 64, 64>}, {pipeline_mode = #tpu.pipeline_mode<synchronous>, transform_indices = @transform_4, window_bounds = array<i64: 1, 64>}, {pipeline_mode = #tpu.pipeline_mode<synchronous>, transform_indices = @transform_5, window_bounds = array<i64: 1, 64>}, {pipeline_mode = #tpu.pipeline_mode<synchronous>, transform_indices = @transform_6, window_bounds = array<i64: 1, 64>}, {pipeline_mode = #tpu.pipeline_mode<synchronous>, transform_indices = @transform_7, window_bounds = array<i64: 64, 64>}, {pipeline_mode = #tpu.pipeline_mode<synchronous>, transform_indices = @transform_8, window_bounds = array<i64: 1, 64>}, {transform_indices = @transform_9, window_bounds = array<i64: 512, 64>}, {transform_indices = @transform_10, window_bounds = array<i64: 512, 64>}]} {
    %get3A = arith.constant 0 : index
    %get3A_0 = arith.constant 0 : index
    %get3A_1 = arith.constant 0 : index
    %get3A_2 = vector.load %arg2[%get3A, %get3A_0, %get3A_1] : memref<512x8x64xbf16, #tpu.memory_space<vmem>>, vector<512x8x64xbf16>
    %convert_element_type3A = arith.extf %get3A_2 : vector<512x8x64xbf16> to vector<512x8x64xf32>
    %get3A_3 = arith.constant 0 : index
    %get3A_4 = arith.constant 0 : index
    %get3A_5 = vector.load %arg3[%get3A_3, %get3A_4] : memref<512x8xf32, #tpu.memory_space<vmem>>, vector<512x8xf32>
    %broadcast_in_dim3A = vector.shape_cast %get3A_5 : vector<512x8xf32> to vector<512x8x1xf32>
    %mul3A = vector.broadcast %broadcast_in_dim3A : vector<512x8x1xf32> to vector<512x8x64xf32>
    %mul3A_6 = arith.mulf %convert_element_type3A, %mul3A : vector<512x8x64xf32>
    %reduce_sum3A = arith.constant dense<0.000000e+00> : vector<512x64xf32>
    %reduce_sum3A_7 = vector.multi_reduction <add>, %mul3A_6, %reduce_sum3A [1] : vector<512x8x64xf32> to vector<512x64xf32>
    %get3A_8 = arith.constant 0 : index
    %get3A_9 = arith.constant 0 : index
    %get3A_10 = vector.load %arg1[%get3A_8, %get3A_9] : memref<512x64xf32, #tpu.memory_space<vmem>>, vector<512x64xf32>
    %get3A_11 = arith.constant 0 : index
    %get3A_12 = arith.constant 0 : index
    %get3A_13 = vector.load %arg4[%get3A_11, %get3A_12] : memref<64x64xf32, #tpu.memory_space<vmem>>, vector<64x64xf32>
    %dot_general3A = arith.constant dense<0.000000e+00> : vector<512x64xf32>
    %dot_general3A_14 = tpu.matmul %reduce_sum3A_7, %get3A_13, %dot_general3A {dimension_numbers = #tpu.dot_dimension_numbers<[1], [0], [0], [1], [0, 0, 1, 1], [], []>, transpose_lhs_hint = false} : vector<512x64xf32>, vector<64x64xf32>, vector<512x64xf32> -> vector<512x64xf32>
    %add3A = arith.addf %get3A_10, %dot_general3A_14 : vector<512x64xf32>
    %get3A_15 = arith.constant 0 : index
    %get3A_16 = arith.constant 0 : index
    %get3A_17 = vector.load %arg5[%get3A_15, %get3A_16] : memref<1x64xf32, #tpu.memory_space<vmem>>, vector<1x64xf32>
    %add3A_18 = vector.broadcast %get3A_17 : vector<1x64xf32> to vector<512x64xf32>
    %add3A_19 = arith.addf %add3A, %add3A_18 : vector<512x64xf32>
    %get3A_20 = arith.constant 0 : index
    %get3A_21 = arith.constant 0 : index
    %get3A_22 = vector.load %arg6[%get3A_20, %get3A_21] : memref<1x64xf32, #tpu.memory_space<vmem>>, vector<1x64xf32>
    %get3A_23 = arith.constant 0 : index
    %get3A_24 = arith.constant 0 : index
    %get3A_25 = vector.load %arg7[%get3A_23, %get3A_24] : memref<1x64xf32, #tpu.memory_space<vmem>>, vector<1x64xf32>
    %reduce_sum3A_26 = arith.constant dense<0.000000e+00> : vector<512xf32>
    %reduce_sum3A_27 = vector.multi_reduction <add>, %add3A_19, %reduce_sum3A_26 [1] : vector<512x64xf32> to vector<512xf32>
    %broadcast_in_dim3A_28 = vector.shape_cast %reduce_sum3A_27 : vector<512xf32> to vector<512x1xf32>
    %div3A = arith.constant 6.400000e+01 : f32
    %div3A_29 = vector.broadcast %div3A : f32 to vector<512x1xf32>
    %div3A_30 = arith.divf %broadcast_in_dim3A_28, %div3A_29 : vector<512x1xf32>
    %sub3A = vector.broadcast %div3A_30 : vector<512x1xf32> to vector<512x64xf32>
    %sub3A_31 = arith.subf %add3A_19, %sub3A : vector<512x64xf32>
    %integer_pow3A = arith.mulf %sub3A_31, %sub3A_31 : vector<512x64xf32>
    %reduce_sum3A_32 = arith.constant dense<0.000000e+00> : vector<512xf32>
    %reduce_sum3A_33 = vector.multi_reduction <add>, %integer_pow3A, %reduce_sum3A_32 [1] : vector<512x64xf32> to vector<512xf32>
    %broadcast_in_dim3A_34 = vector.shape_cast %reduce_sum3A_33 : vector<512xf32> to vector<512x1xf32>
    %div3A_35 = arith.constant 6.400000e+01 : f32
    %div3A_36 = vector.broadcast %div3A_35 : f32 to vector<512x1xf32>
    %div3A_37 = arith.divf %broadcast_in_dim3A_34, %div3A_36 : vector<512x1xf32>
    %sub3A_38 = vector.broadcast %div3A_30 : vector<512x1xf32> to vector<512x64xf32>
    %sub3A_39 = arith.subf %add3A_19, %sub3A_38 : vector<512x64xf32>
    %add3A_40 = arith.constant 9.99999974E-6 : f32
    %add3A_41 = vector.broadcast %add3A_40 : f32 to vector<512x1xf32>
    %add3A_42 = arith.addf %div3A_37, %add3A_41 : vector<512x1xf32>
    %sqrt3A = math.sqrt %add3A_42 : vector<512x1xf32>
    %div3A_43 = vector.broadcast %sqrt3A : vector<512x1xf32> to vector<512x64xf32>
    %div3A_44 = arith.divf %sub3A_39, %div3A_43 : vector<512x64xf32>
    %mul3A_45 = vector.broadcast %get3A_22 : vector<1x64xf32> to vector<512x64xf32>
    %mul3A_46 = arith.mulf %div3A_44, %mul3A_45 : vector<512x64xf32>
    %add3A_47 = vector.broadcast %get3A_25 : vector<1x64xf32> to vector<512x64xf32>
    %add3A_48 = arith.addf %mul3A_46, %add3A_47 : vector<512x64xf32>
    %swap3A = arith.constant 0 : index
    %swap3A_49 = arith.constant 0 : index
    %swap3A_50 = vector.load %arg10[%swap3A, %swap3A_49] : memref<512x64xf32, #tpu.memory_space<vmem>>, vector<512x64xf32>
    tpu.vector_store %arg10[%swap3A, %swap3A_49], %add3A_48 {strides = array<i32>} : memref<512x64xf32, #tpu.memory_space<vmem>>, vector<512x64xf32>,
    %get3A_51 = arith.constant 0 : index
    %get3A_52 = arith.constant 0 : index
    %get3A_53 = vector.load %arg8[%get3A_51, %get3A_52] : memref<64x64xf32, #tpu.memory_space<vmem>>, vector<64x64xf32>
    %dot_general3A_54 = arith.constant dense<0.000000e+00> : vector<512x64xf32>
    %dot_general3A_55 = tpu.matmul %add3A_48, %get3A_53, %dot_general3A_54 {dimension_numbers = #tpu.dot_dimension_numbers<[1], [0], [0], [1], [0, 0, 1, 1], [], []>, transpose_lhs_hint = false} : vector<512x64xf32>, vector<64x64xf32>, vector<512x64xf32> -> vector<512x64xf32>
    %get3A_56 = arith.constant 0 : index
    %get3A_57 = arith.constant 0 : index
    %get3A_58 = vector.load %arg9[%get3A_56, %get3A_57] : memref<1x64xf32, #tpu.memory_space<vmem>>, vector<1x64xf32>
    %add3A_59 = vector.broadcast %get3A_58 : vector<1x64xf32> to vector<512x64xf32>
    %add3A_60 = arith.addf %dot_general3A_55, %add3A_59 : vector<512x64xf32>
    %integer_pow3A_61 = arith.mulf %add3A_60, %add3A_60 : vector<512x64xf32>
    %integer_pow3A_62 = arith.mulf %add3A_60, %integer_pow3A_61 : vector<512x64xf32>
    %mul3A_63 = arith.constant 4.471500e-02 : f32
    %mul3A_64 = vector.broadcast %mul3A_63 : f32 to vector<512x64xf32>
    %mul3A_65 = arith.mulf %mul3A_64, %integer_pow3A_62 : vector<512x64xf32>
    %add3A_66 = arith.addf %add3A_60, %mul3A_65 : vector<512x64xf32>
    %mul3A_67 = arith.constant 0.797884583 : f32
    %mul3A_68 = vector.broadcast %mul3A_67 : f32 to vector<512x64xf32>
    %mul3A_69 = arith.mulf %mul3A_68, %add3A_66 : vector<512x64xf32>
    %tanh3A = math.tanh %mul3A_69 : vector<512x64xf32>
    %add3A_70 = arith.constant 1.000000e+00 : f32
    %add3A_71 = vector.broadcast %add3A_70 : f32 to vector<512x64xf32>
    %add3A_72 = arith.addf %add3A_71, %tanh3A : vector<512x64xf32>
    %mul3A_73 = arith.constant 5.000000e-01 : f32
    %mul3A_74 = vector.broadcast %mul3A_73 : f32 to vector<512x64xf32>
    %mul3A_75 = arith.mulf %mul3A_74, %add3A_72 : vector<512x64xf32>
    %mul3A_76 = arith.mulf %add3A_60, %mul3A_75 : vector<512x64xf32>
    %convert_element_type3A_77 = arith.truncf %mul3A_76 : vector<512x64xf32> to vector<512x64xbf16>
    %swap3A_78 = arith.constant 0 : index
    %swap3A_79 = arith.constant 0 : index
    %swap3A_80 = vector.load %arg11[%swap3A_78, %swap3A_79] : memref<512x64xbf16, #tpu.memory_space<vmem>>, vector<512x64xbf16>
    tpu.vector_store %arg11[%swap3A_78, %swap3A_79], %convert_element_type3A_77 {strides = array<i32>} : memref<512x64xbf16, #tpu.memory_space<vmem>>, vector<512x64xbf16>,
    return
  }
  func.func @transform_0(%arg0: i32) -> (i32, i32) {
    %c0_i32 = arith.constant 0 : i32
    %c0_i32_0 = arith.constant 0 : i32
    return %arg0, %c0_i32 : i32, i32
  }
  func.func @transform_1(%arg0: i32) -> (i32, i32, i32) {
    %c0_i32 = arith.constant 0 : i32
    %c0_i32_0 = arith.constant 0 : i32
    %c0_i32_1 = arith.constant 0 : i32
    return %arg0, %c0_i32, %c0_i32_0 : i32, i32, i32
  }
  func.func @transform_2(%arg0: i32) -> (i32, i32) {
    %c0_i32 = arith.constant 0 : i32
    %c0_i32_0 = arith.constant 0 : i32
    return %arg0, %c0_i32 : i32, i32
  }
  func.func @transform_3(%arg0: i32) -> (i32, i32) {
    %c0_i32 = arith.constant 0 : i32
    %c0_i32_0 = arith.constant 0 : i32
    %c0_i32_1 = arith.constant 0 : i32
    return %c0_i32, %c0_i32_0 : i32, i32
  }
  func.func @transform_4(%arg0: i32) -> (i32, i32) {
    %c0_i32 = arith.constant 0 : i32
    %c0_i32_0 = arith.constant 0 : i32
    %c0_i32_1 = arith.constant 0 : i32
    return %c0_i32, %c0_i32_0 : i32, i32
  }
  func.func @transform_5(%arg0: i32) -> (i32, i32) {
    %c0_i32 = arith.constant 0 : i32
    %c0_i32_0 = arith.constant 0 : i32
    %c0_i32_1 = arith.constant 0 : i32
    return %c0_i32, %c0_i32_0 : i32, i32
  }
  func.func @transform_6(%arg0: i32) -> (i32, i32) {
    %c0_i32 = arith.constant 0 : i32
    %c0_i32_0 = arith.constant 0 : i32
    %c0_i32_1 = arith.constant 0 : i32
    return %c0_i32, %c0_i32_0 : i32, i32
  }
  func.func @transform_7(%arg0: i32) -> (i32, i32) {
    %c0_i32 = arith.constant 0 : i32
    %c0_i32_0 = arith.constant 0 : i32
    %c0_i32_1 = arith.constant 0 : i32
    return %c0_i32, %c0_i32_0 : i32, i32
  }
  func.func @transform_8(%arg0: i32) -> (i32, i32) {
    %c0_i32 = arith.constant 0 : i32
    %c0_i32_0 = arith.constant 0 : i32
    %c0_i32_1 = arith.constant 0 : i32
    return %c0_i32, %c0_i32_0 : i32, i32
  }
  func.func @transform_9(%arg0: i32) -> (i32, i32) {
    %c0_i32 = arith.constant 0 : i32
    %c0_i32_0 = arith.constant 0 : i32
    return %arg0, %c0_i32 : i32, i32
  }
  func.func @transform_10(%arg0: i32) -> (i32, i32) {
    %c0_i32 = arith.constant 0 : i32
    %c0_i32_0 = arith.constant 0 : i32
    return %arg0, %c0_i32 : i32, i32
  }
}

module attributes {stable_mosaic.version = 14 : i64} {
  func.func @_upd_body(%arg0: i32, %arg1: memref<512x64xf32, #tpu.memory_space<vmem>>, %arg2: memref<512x8x64xbf16, #tpu.memory_space<vmem>>, %arg3: memref<512x8xf32, #tpu.memory_space<vmem>>, %arg4: memref<64x64xf32, #tpu.memory_space<vmem>>, %arg5: memref<1x64xf32, #tpu.memory_space<vmem>>, %arg6: memref<1x64xf32, #tpu.memory_space<vmem>>, %arg7: memref<1x64xf32, #tpu.memory_space<vmem>>, %arg8: memref<512x64xbf16, #tpu.memory_space<vmem>>) attributes {dimension_semantics = [#tpu.dimension_semantics<arbitrary>], iteration_bounds = array<i64: 16>, scalar_prefetch = 0 : i64, scratch_operands = 0 : i64, tpu.core_type = #tpu.core_type<tc>, window_params = [{transform_indices = @transform_0, window_bounds = array<i64: 512, 64>}, {transform_indices = @transform_1, window_bounds = array<i64: 512, 8, 64>}, {transform_indices = @transform_2, window_bounds = array<i64: 512, 8>}, {pipeline_mode = #tpu.pipeline_mode<synchronous>, transform_indices = @transform_3, window_bounds = array<i64: 64, 64>}, {pipeline_mode = #tpu.pipeline_mode<synchronous>, transform_indices = @transform_4, window_bounds = array<i64: 1, 64>}, {pipeline_mode = #tpu.pipeline_mode<synchronous>, transform_indices = @transform_5, window_bounds = array<i64: 1, 64>}, {pipeline_mode = #tpu.pipeline_mode<synchronous>, transform_indices = @transform_6, window_bounds = array<i64: 1, 64>}, {transform_indices = @transform_7, window_bounds = array<i64: 512, 64>}]} {
    %get3A = arith.constant 0 : index
    %get3A_0 = arith.constant 0 : index
    %get3A_1 = arith.constant 0 : index
    %get3A_2 = vector.load %arg2[%get3A, %get3A_0, %get3A_1] : memref<512x8x64xbf16, #tpu.memory_space<vmem>>, vector<512x8x64xbf16>
    %convert_element_type3A = arith.extf %get3A_2 : vector<512x8x64xbf16> to vector<512x8x64xf32>
    %get3A_3 = arith.constant 0 : index
    %get3A_4 = arith.constant 0 : index
    %get3A_5 = vector.load %arg3[%get3A_3, %get3A_4] : memref<512x8xf32, #tpu.memory_space<vmem>>, vector<512x8xf32>
    %broadcast_in_dim3A = vector.shape_cast %get3A_5 : vector<512x8xf32> to vector<512x8x1xf32>
    %mul3A = vector.broadcast %broadcast_in_dim3A : vector<512x8x1xf32> to vector<512x8x64xf32>
    %mul3A_6 = arith.mulf %convert_element_type3A, %mul3A : vector<512x8x64xf32>
    %reduce_sum3A = arith.constant dense<0.000000e+00> : vector<512x64xf32>
    %reduce_sum3A_7 = vector.multi_reduction <add>, %mul3A_6, %reduce_sum3A [1] : vector<512x8x64xf32> to vector<512x64xf32>
    %get3A_8 = arith.constant 0 : index
    %get3A_9 = arith.constant 0 : index
    %get3A_10 = vector.load %arg1[%get3A_8, %get3A_9] : memref<512x64xf32, #tpu.memory_space<vmem>>, vector<512x64xf32>
    %get3A_11 = arith.constant 0 : index
    %get3A_12 = arith.constant 0 : index
    %get3A_13 = vector.load %arg4[%get3A_11, %get3A_12] : memref<64x64xf32, #tpu.memory_space<vmem>>, vector<64x64xf32>
    %dot_general3A = arith.constant dense<0.000000e+00> : vector<512x64xf32>
    %dot_general3A_14 = tpu.matmul %reduce_sum3A_7, %get3A_13, %dot_general3A {dimension_numbers = #tpu.dot_dimension_numbers<[1], [0], [0], [1], [0, 0, 1, 1], [], []>, transpose_lhs_hint = false} : vector<512x64xf32>, vector<64x64xf32>, vector<512x64xf32> -> vector<512x64xf32>
    %add3A = arith.addf %get3A_10, %dot_general3A_14 : vector<512x64xf32>
    %get3A_15 = arith.constant 0 : index
    %get3A_16 = arith.constant 0 : index
    %get3A_17 = vector.load %arg5[%get3A_15, %get3A_16] : memref<1x64xf32, #tpu.memory_space<vmem>>, vector<1x64xf32>
    %add3A_18 = vector.broadcast %get3A_17 : vector<1x64xf32> to vector<512x64xf32>
    %add3A_19 = arith.addf %add3A, %add3A_18 : vector<512x64xf32>
    %get3A_20 = arith.constant 0 : index
    %get3A_21 = arith.constant 0 : index
    %get3A_22 = vector.load %arg6[%get3A_20, %get3A_21] : memref<1x64xf32, #tpu.memory_space<vmem>>, vector<1x64xf32>
    %get3A_23 = arith.constant 0 : index
    %get3A_24 = arith.constant 0 : index
    %get3A_25 = vector.load %arg7[%get3A_23, %get3A_24] : memref<1x64xf32, #tpu.memory_space<vmem>>, vector<1x64xf32>
    %reduce_sum3A_26 = arith.constant dense<0.000000e+00> : vector<512xf32>
    %reduce_sum3A_27 = vector.multi_reduction <add>, %add3A_19, %reduce_sum3A_26 [1] : vector<512x64xf32> to vector<512xf32>
    %broadcast_in_dim3A_28 = vector.shape_cast %reduce_sum3A_27 : vector<512xf32> to vector<512x1xf32>
    %div3A = arith.constant 6.400000e+01 : f32
    %div3A_29 = vector.broadcast %div3A : f32 to vector<512x1xf32>
    %div3A_30 = arith.divf %broadcast_in_dim3A_28, %div3A_29 : vector<512x1xf32>
    %sub3A = vector.broadcast %div3A_30 : vector<512x1xf32> to vector<512x64xf32>
    %sub3A_31 = arith.subf %add3A_19, %sub3A : vector<512x64xf32>
    %integer_pow3A = arith.mulf %sub3A_31, %sub3A_31 : vector<512x64xf32>
    %reduce_sum3A_32 = arith.constant dense<0.000000e+00> : vector<512xf32>
    %reduce_sum3A_33 = vector.multi_reduction <add>, %integer_pow3A, %reduce_sum3A_32 [1] : vector<512x64xf32> to vector<512xf32>
    %broadcast_in_dim3A_34 = vector.shape_cast %reduce_sum3A_33 : vector<512xf32> to vector<512x1xf32>
    %div3A_35 = arith.constant 6.400000e+01 : f32
    %div3A_36 = vector.broadcast %div3A_35 : f32 to vector<512x1xf32>
    %div3A_37 = arith.divf %broadcast_in_dim3A_34, %div3A_36 : vector<512x1xf32>
    %sub3A_38 = vector.broadcast %div3A_30 : vector<512x1xf32> to vector<512x64xf32>
    %sub3A_39 = arith.subf %add3A_19, %sub3A_38 : vector<512x64xf32>
    %add3A_40 = arith.constant 9.99999974E-6 : f32
    %add3A_41 = vector.broadcast %add3A_40 : f32 to vector<512x1xf32>
    %add3A_42 = arith.addf %div3A_37, %add3A_41 : vector<512x1xf32>
    %sqrt3A = math.sqrt %add3A_42 : vector<512x1xf32>
    %div3A_43 = vector.broadcast %sqrt3A : vector<512x1xf32> to vector<512x64xf32>
    %div3A_44 = arith.divf %sub3A_39, %div3A_43 : vector<512x64xf32>
    %mul3A_45 = vector.broadcast %get3A_22 : vector<1x64xf32> to vector<512x64xf32>
    %mul3A_46 = arith.mulf %div3A_44, %mul3A_45 : vector<512x64xf32>
    %add3A_47 = vector.broadcast %get3A_25 : vector<1x64xf32> to vector<512x64xf32>
    %add3A_48 = arith.addf %mul3A_46, %add3A_47 : vector<512x64xf32>
    %convert_element_type3A_49 = arith.truncf %add3A_48 : vector<512x64xf32> to vector<512x64xbf16>
    %swap3A = arith.constant 0 : index
    %swap3A_50 = arith.constant 0 : index
    %swap3A_51 = vector.load %arg8[%swap3A, %swap3A_50] : memref<512x64xbf16, #tpu.memory_space<vmem>>, vector<512x64xbf16>
    tpu.vector_store %arg8[%swap3A, %swap3A_50], %convert_element_type3A_49 {strides = array<i32>} : memref<512x64xbf16, #tpu.memory_space<vmem>>, vector<512x64xbf16>,
    return
  }
  func.func @transform_0(%arg0: i32) -> (i32, i32) {
    %c0_i32 = arith.constant 0 : i32
    %c0_i32_0 = arith.constant 0 : i32
    return %arg0, %c0_i32 : i32, i32
  }
  func.func @transform_1(%arg0: i32) -> (i32, i32, i32) {
    %c0_i32 = arith.constant 0 : i32
    %c0_i32_0 = arith.constant 0 : i32
    %c0_i32_1 = arith.constant 0 : i32
    return %arg0, %c0_i32, %c0_i32_0 : i32, i32, i32
  }
  func.func @transform_2(%arg0: i32) -> (i32, i32) {
    %c0_i32 = arith.constant 0 : i32
    %c0_i32_0 = arith.constant 0 : i32
    return %arg0, %c0_i32 : i32, i32
  }
  func.func @transform_3(%arg0: i32) -> (i32, i32) {
    %c0_i32 = arith.constant 0 : i32
    %c0_i32_0 = arith.constant 0 : i32
    %c0_i32_1 = arith.constant 0 : i32
    return %c0_i32, %c0_i32_0 : i32, i32
  }
  func.func @transform_4(%arg0: i32) -> (i32, i32) {
    %c0_i32 = arith.constant 0 : i32
    %c0_i32_0 = arith.constant 0 : i32
    %c0_i32_1 = arith.constant 0 : i32
    return %c0_i32, %c0_i32_0 : i32, i32
  }
  func.func @transform_5(%arg0: i32) -> (i32, i32) {
    %c0_i32 = arith.constant 0 : i32
    %c0_i32_0 = arith.constant 0 : i32
    %c0_i32_1 = arith.constant 0 : i32
    return %c0_i32, %c0_i32_0 : i32, i32
  }
  func.func @transform_6(%arg0: i32) -> (i32, i32) {
    %c0_i32 = arith.constant 0 : i32
    %c0_i32_0 = arith.constant 0 : i32
    %c0_i32_1 = arith.constant 0 : i32
    return %c0_i32, %c0_i32_0 : i32, i32
  }
  func.func @transform_7(%arg0: i32) -> (i32, i32) {
    %c0_i32 = arith.constant 0 : i32
    %c0_i32_0 = arith.constant 0 : i32
    return %arg0, %c0_i32 : i32, i32
  }
}

module attributes {stable_mosaic.version = 14 : i64} {
  func.func @_final_body(%arg0: i32, %arg1: memref<512x64xf32, #tpu.memory_space<vmem>>, %arg2: memref<512x16x128xbf16, #tpu.memory_space<vmem>>, %arg3: memref<512x16xf32, #tpu.memory_space<vmem>>, %arg4: memref<512x32xf32, #tpu.memory_space<vmem>>, %arg5: memref<64x64xf32, #tpu.memory_space<vmem>>, %arg6: memref<1x64xf32, #tpu.memory_space<vmem>>, %arg7: memref<1x64xf32, #tpu.memory_space<vmem>>, %arg8: memref<1x64xf32, #tpu.memory_space<vmem>>, %arg9: memref<160x128xf32, #tpu.memory_space<vmem>>, %arg10: memref<1x128xf32, #tpu.memory_space<vmem>>, %arg11: memref<1x128xf32, #tpu.memory_space<vmem>>, %arg12: memref<1x128xf32, #tpu.memory_space<vmem>>, %arg13: memref<128x128xf32, #tpu.memory_space<vmem>>, %arg14: memref<1x128xf32, #tpu.memory_space<vmem>>, %arg15: memref<1x128xf32, #tpu.memory_space<vmem>>, %arg16: memref<1x128xf32, #tpu.memory_space<vmem>>, %arg17: memref<128x32xf32, #tpu.memory_space<vmem>>, %arg18: memref<1x32xf32, #tpu.memory_space<vmem>>, %arg19: memref<160x128xf32, #tpu.memory_space<vmem>>, %arg20: memref<1x128xf32, #tpu.memory_space<vmem>>, %arg21: memref<1x128xf32, #tpu.memory_space<vmem>>, %arg22: memref<1x128xf32, #tpu.memory_space<vmem>>, %arg23: memref<128x128xf32, #tpu.memory_space<vmem>>, %arg24: memref<1x128xf32, #tpu.memory_space<vmem>>, %arg25: memref<1x128xf32, #tpu.memory_space<vmem>>, %arg26: memref<1x128xf32, #tpu.memory_space<vmem>>, %arg27: memref<128x1xf32, #tpu.memory_space<vmem>>, %arg28: memref<1x1xf32, #tpu.memory_space<vmem>>, %arg29: memref<512x32xf32, #tpu.memory_space<vmem>>, %arg30: memref<512x1xf32, #tpu.memory_space<vmem>>) attributes {dimension_semantics = [#tpu.dimension_semantics<arbitrary>], iteration_bounds = array<i64: 16>, scalar_prefetch = 0 : i64, scratch_operands = 0 : i64, tpu.core_type = #tpu.core_type<tc>, window_params = [{transform_indices = @transform_0, window_bounds = array<i64: 512, 64>}, {transform_indices = @transform_1, window_bounds = array<i64: 512, 16, 128>}, {transform_indices = @transform_2, window_bounds = array<i64: 512, 16>}, {transform_indices = @transform_3, window_bounds = array<i64: 512, 32>}, {pipeline_mode = #tpu.pipeline_mode<synchronous>, transform_indices = @transform_4, window_bounds = array<i64: 64, 64>}, {pipeline_mode = #tpu.pipeline_mode<synchronous>, transform_indices = @transform_5, window_bounds = array<i64: 1, 64>}, {pipeline_mode = #tpu.pipeline_mode<synchronous>, transform_indices = @transform_6, window_bounds = array<i64: 1, 64>}, {pipeline_mode = #tpu.pipeline_mode<synchronous>, transform_indices = @transform_7, window_bounds = array<i64: 1, 64>}, {pipeline_mode = #tpu.pipeline_mode<synchronous>, transform_indices = @transform_8, window_bounds = array<i64: 160, 128>}, {pipeline_mode = #tpu.pipeline_mode<synchronous>, transform_indices = @transform_9, window_bounds = array<i64: 1, 128>}, {pipeline_mode = #tpu.pipeline_mode<synchronous>, transform_indices = @transform_10, window_bounds = array<i64: 1, 128>}, {pipeline_mode = #tpu.pipeline_mode<synchronous>, transform_indices = @transform_11, window_bounds = array<i64: 1, 128>}, {pipeline_mode = #tpu.pipeline_mode<synchronous>, transform_indices = @transform_12, window_bounds = array<i64: 128, 128>}, {pipeline_mode = #tpu.pipeline_mode<synchronous>, transform_indices = @transform_13, window_bounds = array<i64: 1, 128>}, {pipeline_mode = #tpu.pipeline_mode<synchronous>, transform_indices = @transform_14, window_bounds = array<i64: 1, 128>}, {pipeline_mode = #tpu.pipeline_mode<synchronous>, transform_indices = @transform_15, window_bounds = array<i64: 1, 128>}, {pipeline_mode = #tpu.pipeline_mode<synchronous>, transform_indices = @transform_16, window_bounds = array<i64: 128, 32>}, {pipeline_mode = #tpu.pipeline_mode<synchronous>, transform_indices = @transform_17, window_bounds = array<i64: 1, 32>}, {pipeline_mode = #tpu.pipeline_mode<synchronous>, transform_indices = @transform_18, window_bounds = array<i64: 160, 128>}, {pipeline_mode = #tpu.pipeline_mode<synchronous>, transform_indices = @transform_19, window_bounds = array<i64: 1, 128>}, {pipeline_mode = #tpu.pipeline_mode<synchronous>, transform_indices = @transform_20, window_bounds = array<i64: 1, 128>}, {pipeline_mode = #tpu.pipeline_mode<synchronous>, transform_indices = @transform_21, window_bounds = array<i64: 1, 128>}, {pipeline_mode = #tpu.pipeline_mode<synchronous>, transform_indices = @transform_22, window_bounds = array<i64: 128, 128>}, {pipeline_mode = #tpu.pipeline_mode<synchronous>, transform_indices = @transform_23, window_bounds = array<i64: 1, 128>}, {pipeline_mode = #tpu.pipeline_mode<synchronous>, transform_indices = @transform_24, window_bounds = array<i64: 1, 128>}, {pipeline_mode = #tpu.pipeline_mode<synchronous>, transform_indices = @transform_25, window_bounds = array<i64: 1, 128>}, {pipeline_mode = #tpu.pipeline_mode<synchronous>, transform_indices = @transform_26, window_bounds = array<i64: 128, 1>}, {pipeline_mode = #tpu.pipeline_mode<synchronous>, transform_indices = @transform_27, window_bounds = array<i64: 1, 1>}, {transform_indices = @transform_28, window_bounds = array<i64: 512, 32>}, {transform_indices = @transform_29, window_bounds = array<i64: 512, 1>}]} {
    %get3A = arith.constant 0 : index
    %get3A_0 = arith.constant 0 : index
    %get3A_1 = arith.constant 0 : index
    %get3A_2 = vector.load %arg2[%get3A, %get3A_0, %get3A_1] : memref<512x16x128xbf16, #tpu.memory_space<vmem>>, vector<512x16x128xbf16>
    %convert_element_type3A = arith.extf %get3A_2 : vector<512x16x128xbf16> to vector<512x16x128xf32>
    %get3A_3 = arith.constant 0 : index
    %get3A_4 = arith.constant 0 : index
    %get3A_5 = vector.load %arg3[%get3A_3, %get3A_4] : memref<512x16xf32, #tpu.memory_space<vmem>>, vector<512x16xf32>
    %broadcast_in_dim3A = vector.shape_cast %get3A_5 : vector<512x16xf32> to vector<512x16x1xf32>
    %slice3A = vector.extract_strided_slice %convert_element_type3A {offsets = [0, 0, 0], sizes = [512, 16, 64], strides = [1, 1, 1]} : vector<512x16x128xf32> to vector<512x16x64xf32>
    %mul3A = vector.broadcast %broadcast_in_dim3A : vector<512x16x1xf32> to vector<512x16x64xf32>
    %mul3A_6 = arith.mulf %slice3A, %mul3A : vector<512x16x64xf32>
    %reduce_sum3A = arith.constant dense<0.000000e+00> : vector<512x64xf32>
    %reduce_sum3A_7 = vector.multi_reduction <add>, %mul3A_6, %reduce_sum3A [1] : vector<512x16x64xf32> to vector<512x64xf32>
    %get3A_8 = arith.constant 0 : index
    %get3A_9 = arith.constant 0 : index
    %get3A_10 = vector.load %arg1[%get3A_8, %get3A_9] : memref<512x64xf32, #tpu.memory_space<vmem>>, vector<512x64xf32>
    %get3A_11 = arith.constant 0 : index
    %get3A_12 = arith.constant 0 : index
    %get3A_13 = vector.load %arg5[%get3A_11, %get3A_12] : memref<64x64xf32, #tpu.memory_space<vmem>>, vector<64x64xf32>
    %dot_general3A = arith.constant dense<0.000000e+00> : vector<512x64xf32>
    %dot_general3A_14 = tpu.matmul %reduce_sum3A_7, %get3A_13, %dot_general3A {dimension_numbers = #tpu.dot_dimension_numbers<[1], [0], [0], [1], [0, 0, 1, 1], [], []>, transpose_lhs_hint = false} : vector<512x64xf32>, vector<64x64xf32>, vector<512x64xf32> -> vector<512x64xf32>
    %add3A = arith.addf %get3A_10, %dot_general3A_14 : vector<512x64xf32>
    %get3A_15 = arith.constant 0 : index
    %get3A_16 = arith.constant 0 : index
    %get3A_17 = vector.load %arg6[%get3A_15, %get3A_16] : memref<1x64xf32, #tpu.memory_space<vmem>>, vector<1x64xf32>
    %add3A_18 = vector.broadcast %get3A_17 : vector<1x64xf32> to vector<512x64xf32>
    %add3A_19 = arith.addf %add3A, %add3A_18 : vector<512x64xf32>
    %get3A_20 = arith.constant 0 : index
    %get3A_21 = arith.constant 0 : index
    %get3A_22 = vector.load %arg7[%get3A_20, %get3A_21] : memref<1x64xf32, #tpu.memory_space<vmem>>, vector<1x64xf32>
    %get3A_23 = arith.constant 0 : index
    %get3A_24 = arith.constant 0 : index
    %get3A_25 = vector.load %arg8[%get3A_23, %get3A_24] : memref<1x64xf32, #tpu.memory_space<vmem>>, vector<1x64xf32>
    %reduce_sum3A_26 = arith.constant dense<0.000000e+00> : vector<512xf32>
    %reduce_sum3A_27 = vector.multi_reduction <add>, %add3A_19, %reduce_sum3A_26 [1] : vector<512x64xf32> to vector<512xf32>
    %broadcast_in_dim3A_28 = vector.shape_cast %reduce_sum3A_27 : vector<512xf32> to vector<512x1xf32>
    %div3A = arith.constant 6.400000e+01 : f32
    %div3A_29 = vector.broadcast %div3A : f32 to vector<512x1xf32>
    %div3A_30 = arith.divf %broadcast_in_dim3A_28, %div3A_29 : vector<512x1xf32>
    %sub3A = vector.broadcast %div3A_30 : vector<512x1xf32> to vector<512x64xf32>
    %sub3A_31 = arith.subf %add3A_19, %sub3A : vector<512x64xf32>
    %integer_pow3A = arith.mulf %sub3A_31, %sub3A_31 : vector<512x64xf32>
    %reduce_sum3A_32 = arith.constant dense<0.000000e+00> : vector<512xf32>
    %reduce_sum3A_33 = vector.multi_reduction <add>, %integer_pow3A, %reduce_sum3A_32 [1] : vector<512x64xf32> to vector<512xf32>
    %broadcast_in_dim3A_34 = vector.shape_cast %reduce_sum3A_33 : vector<512xf32> to vector<512x1xf32>
    %div3A_35 = arith.constant 6.400000e+01 : f32
    %div3A_36 = vector.broadcast %div3A_35 : f32 to vector<512x1xf32>
    %div3A_37 = arith.divf %broadcast_in_dim3A_34, %div3A_36 : vector<512x1xf32>
    %sub3A_38 = vector.broadcast %div3A_30 : vector<512x1xf32> to vector<512x64xf32>
    %sub3A_39 = arith.subf %add3A_19, %sub3A_38 : vector<512x64xf32>
    %add3A_40 = arith.constant 9.99999974E-6 : f32
    %add3A_41 = vector.broadcast %add3A_40 : f32 to vector<512x1xf32>
    %add3A_42 = arith.addf %div3A_37, %add3A_41 : vector<512x1xf32>
    %sqrt3A = math.sqrt %add3A_42 : vector<512x1xf32>
    %div3A_43 = vector.broadcast %sqrt3A : vector<512x1xf32> to vector<512x64xf32>
    %div3A_44 = arith.divf %sub3A_39, %div3A_43 : vector<512x64xf32>
    %mul3A_45 = vector.broadcast %get3A_22 : vector<1x64xf32> to vector<512x64xf32>
    %mul3A_46 = arith.mulf %div3A_44, %mul3A_45 : vector<512x64xf32>
    %add3A_47 = vector.broadcast %get3A_25 : vector<1x64xf32> to vector<512x64xf32>
    %add3A_48 = arith.addf %mul3A_46, %add3A_47 : vector<512x64xf32>
    %slice3A_49 = vector.extract_strided_slice %convert_element_type3A {offsets = [0, 0, 64], sizes = [512, 16, 64], strides = [1, 1, 1]} : vector<512x16x128xf32> to vector<512x16x64xf32>
    %mul3A_50 = vector.broadcast %broadcast_in_dim3A : vector<512x16x1xf32> to vector<512x16x64xf32>
    %mul3A_51 = arith.mulf %slice3A_49, %mul3A_50 : vector<512x16x64xf32>
    %reduce_sum3A_52 = arith.constant dense<0.000000e+00> : vector<512x64xf32>
    %reduce_sum3A_53 = vector.multi_reduction <add>, %mul3A_51, %reduce_sum3A_52 [1] : vector<512x16x64xf32> to vector<512x64xf32>
    %get3A_54 = arith.constant 0 : index
    %get3A_55 = arith.constant 0 : index
    %get3A_56 = vector.load %arg4[%get3A_54, %get3A_55] : memref<512x32xf32, #tpu.memory_space<vmem>>, vector<512x32xf32>
    %concatenate3A = tpu.concatenate %add3A_48, %reduce_sum3A_53, %get3A_56 in 1 : vector<512x64xf32>, vector<512x64xf32>, vector<512x32xf32> -> vector<512x160xf32>
    %get3A_57 = arith.constant 0 : index
    %get3A_58 = arith.constant 0 : index
    %get3A_59 = vector.load %arg9[%get3A_57, %get3A_58] : memref<160x128xf32, #tpu.memory_space<vmem>>, vector<160x128xf32>
    %dot_general3A_60 = arith.constant dense<0.000000e+00> : vector<512x128xf32>
    %dot_general3A_61 = tpu.matmul %concatenate3A, %get3A_59, %dot_general3A_60 {dimension_numbers = #tpu.dot_dimension_numbers<[1], [0], [0], [1], [0, 0, 1, 1], [], []>, transpose_lhs_hint = false} : vector<512x160xf32>, vector<160x128xf32>, vector<512x128xf32> -> vector<512x128xf32>
    %get3A_62 = arith.constant 0 : index
    %get3A_63 = arith.constant 0 : index
    %get3A_64 = vector.load %arg10[%get3A_62, %get3A_63] : memref<1x128xf32, #tpu.memory_space<vmem>>, vector<1x128xf32>
    %add3A_65 = vector.broadcast %get3A_64 : vector<1x128xf32> to vector<512x128xf32>
    %add3A_66 = arith.addf %dot_general3A_61, %add3A_65 : vector<512x128xf32>
    %get3A_67 = arith.constant 0 : index
    %get3A_68 = arith.constant 0 : index
    %get3A_69 = vector.load %arg11[%get3A_67, %get3A_68] : memref<1x128xf32, #tpu.memory_space<vmem>>, vector<1x128xf32>
    %get3A_70 = arith.constant 0 : index
    %get3A_71 = arith.constant 0 : index
    %get3A_72 = vector.load %arg12[%get3A_70, %get3A_71] : memref<1x128xf32, #tpu.memory_space<vmem>>, vector<1x128xf32>
    %reduce_sum3A_73 = arith.constant dense<0.000000e+00> : vector<512xf32>
    %reduce_sum3A_74 = vector.multi_reduction <add>, %add3A_66, %reduce_sum3A_73 [1] : vector<512x128xf32> to vector<512xf32>
    %broadcast_in_dim3A_75 = vector.shape_cast %reduce_sum3A_74 : vector<512xf32> to vector<512x1xf32>
    %div3A_76 = arith.constant 1.280000e+02 : f32
    %div3A_77 = vector.broadcast %div3A_76 : f32 to vector<512x1xf32>
    %div3A_78 = arith.divf %broadcast_in_dim3A_75, %div3A_77 : vector<512x1xf32>
    %sub3A_79 = vector.broadcast %div3A_78 : vector<512x1xf32> to vector<512x128xf32>
    %sub3A_80 = arith.subf %add3A_66, %sub3A_79 : vector<512x128xf32>
    %integer_pow3A_81 = arith.mulf %sub3A_80, %sub3A_80 : vector<512x128xf32>
    %reduce_sum3A_82 = arith.constant dense<0.000000e+00> : vector<512xf32>
    %reduce_sum3A_83 = vector.multi_reduction <add>, %integer_pow3A_81, %reduce_sum3A_82 [1] : vector<512x128xf32> to vector<512xf32>
    %broadcast_in_dim3A_84 = vector.shape_cast %reduce_sum3A_83 : vector<512xf32> to vector<512x1xf32>
    %div3A_85 = arith.constant 1.280000e+02 : f32
    %div3A_86 = vector.broadcast %div3A_85 : f32 to vector<512x1xf32>
    %div3A_87 = arith.divf %broadcast_in_dim3A_84, %div3A_86 : vector<512x1xf32>
    %sub3A_88 = vector.broadcast %div3A_78 : vector<512x1xf32> to vector<512x128xf32>
    %sub3A_89 = arith.subf %add3A_66, %sub3A_88 : vector<512x128xf32>
    %add3A_90 = arith.constant 9.99999974E-6 : f32
    %add3A_91 = vector.broadcast %add3A_90 : f32 to vector<512x1xf32>
    %add3A_92 = arith.addf %div3A_87, %add3A_91 : vector<512x1xf32>
    %sqrt3A_93 = math.sqrt %add3A_92 : vector<512x1xf32>
    %div3A_94 = vector.broadcast %sqrt3A_93 : vector<512x1xf32> to vector<512x128xf32>
    %div3A_95 = arith.divf %sub3A_89, %div3A_94 : vector<512x128xf32>
    %mul3A_96 = vector.broadcast %get3A_69 : vector<1x128xf32> to vector<512x128xf32>
    %mul3A_97 = arith.mulf %div3A_95, %mul3A_96 : vector<512x128xf32>
    %add3A_98 = vector.broadcast %get3A_72 : vector<1x128xf32> to vector<512x128xf32>
    %add3A_99 = arith.addf %mul3A_97, %add3A_98 : vector<512x128xf32>
    %integer_pow3A_100 = arith.mulf %add3A_99, %add3A_99 : vector<512x128xf32>
    %integer_pow3A_101 = arith.mulf %add3A_99, %integer_pow3A_100 : vector<512x128xf32>
    %mul3A_102 = arith.constant 4.471500e-02 : f32
    %mul3A_103 = vector.broadcast %mul3A_102 : f32 to vector<512x128xf32>
    %mul3A_104 = arith.mulf %mul3A_103, %integer_pow3A_101 : vector<512x128xf32>
    %add3A_105 = arith.addf %add3A_99, %mul3A_104 : vector<512x128xf32>
    %mul3A_106 = arith.constant 0.797884583 : f32
    %mul3A_107 = vector.broadcast %mul3A_106 : f32 to vector<512x128xf32>
    %mul3A_108 = arith.mulf %mul3A_107, %add3A_105 : vector<512x128xf32>
    %tanh3A = math.tanh %mul3A_108 : vector<512x128xf32>
    %add3A_109 = arith.constant 1.000000e+00 : f32
    %add3A_110 = vector.broadcast %add3A_109 : f32 to vector<512x128xf32>
    %add3A_111 = arith.addf %add3A_110, %tanh3A : vector<512x128xf32>
    %mul3A_112 = arith.constant 5.000000e-01 : f32
    %mul3A_113 = vector.broadcast %mul3A_112 : f32 to vector<512x128xf32>
    %mul3A_114 = arith.mulf %mul3A_113, %add3A_111 : vector<512x128xf32>
    %mul3A_115 = arith.mulf %add3A_99, %mul3A_114 : vector<512x128xf32>
    %get3A_116 = arith.constant 0 : index
    %get3A_117 = arith.constant 0 : index
    %get3A_118 = vector.load %arg13[%get3A_116, %get3A_117] : memref<128x128xf32, #tpu.memory_space<vmem>>, vector<128x128xf32>
    %dot_general3A_119 = arith.constant dense<0.000000e+00> : vector<512x128xf32>
    %dot_general3A_120 = tpu.matmul %mul3A_115, %get3A_118, %dot_general3A_119 {dimension_numbers = #tpu.dot_dimension_numbers<[1], [0], [0], [1], [0, 0, 1, 1], [], []>, transpose_lhs_hint = false} : vector<512x128xf32>, vector<128x128xf32>, vector<512x128xf32> -> vector<512x128xf32>
    %get3A_121 = arith.constant 0 : index
    %get3A_122 = arith.constant 0 : index
    %get3A_123 = vector.load %arg14[%get3A_121, %get3A_122] : memref<1x128xf32, #tpu.memory_space<vmem>>, vector<1x128xf32>
    %add3A_124 = vector.broadcast %get3A_123 : vector<1x128xf32> to vector<512x128xf32>
    %add3A_125 = arith.addf %dot_general3A_120, %add3A_124 : vector<512x128xf32>
    %get3A_126 = arith.constant 0 : index
    %get3A_127 = arith.constant 0 : index
    %get3A_128 = vector.load %arg15[%get3A_126, %get3A_127] : memref<1x128xf32, #tpu.memory_space<vmem>>, vector<1x128xf32>
    %get3A_129 = arith.constant 0 : index
    %get3A_130 = arith.constant 0 : index
    %get3A_131 = vector.load %arg16[%get3A_129, %get3A_130] : memref<1x128xf32, #tpu.memory_space<vmem>>, vector<1x128xf32>
    %reduce_sum3A_132 = arith.constant dense<0.000000e+00> : vector<512xf32>
    %reduce_sum3A_133 = vector.multi_reduction <add>, %add3A_125, %reduce_sum3A_132 [1] : vector<512x128xf32> to vector<512xf32>
    %broadcast_in_dim3A_134 = vector.shape_cast %reduce_sum3A_133 : vector<512xf32> to vector<512x1xf32>
    %div3A_135 = arith.constant 1.280000e+02 : f32
    %div3A_136 = vector.broadcast %div3A_135 : f32 to vector<512x1xf32>
    %div3A_137 = arith.divf %broadcast_in_dim3A_134, %div3A_136 : vector<512x1xf32>
    %sub3A_138 = vector.broadcast %div3A_137 : vector<512x1xf32> to vector<512x128xf32>
    %sub3A_139 = arith.subf %add3A_125, %sub3A_138 : vector<512x128xf32>
    %integer_pow3A_140 = arith.mulf %sub3A_139, %sub3A_139 : vector<512x128xf32>
    %reduce_sum3A_141 = arith.constant dense<0.000000e+00> : vector<512xf32>
    %reduce_sum3A_142 = vector.multi_reduction <add>, %integer_pow3A_140, %reduce_sum3A_141 [1] : vector<512x128xf32> to vector<512xf32>
    %broadcast_in_dim3A_143 = vector.shape_cast %reduce_sum3A_142 : vector<512xf32> to vector<512x1xf32>
    %div3A_144 = arith.constant 1.280000e+02 : f32
    %div3A_145 = vector.broadcast %div3A_144 : f32 to vector<512x1xf32>
    %div3A_146 = arith.divf %broadcast_in_dim3A_143, %div3A_145 : vector<512x1xf32>
    %sub3A_147 = vector.broadcast %div3A_137 : vector<512x1xf32> to vector<512x128xf32>
    %sub3A_148 = arith.subf %add3A_125, %sub3A_147 : vector<512x128xf32>
    %add3A_149 = arith.constant 9.99999974E-6 : f32
    %add3A_150 = vector.broadcast %add3A_149 : f32 to vector<512x1xf32>
    %add3A_151 = arith.addf %div3A_146, %add3A_150 : vector<512x1xf32>
    %sqrt3A_152 = math.sqrt %add3A_151 : vector<512x1xf32>
    %div3A_153 = vector.broadcast %sqrt3A_152 : vector<512x1xf32> to vector<512x128xf32>
    %div3A_154 = arith.divf %sub3A_148, %div3A_153 : vector<512x128xf32>
    %mul3A_155 = vector.broadcast %get3A_128 : vector<1x128xf32> to vector<512x128xf32>
    %mul3A_156 = arith.mulf %div3A_154, %mul3A_155 : vector<512x128xf32>
    %add3A_157 = vector.broadcast %get3A_131 : vector<1x128xf32> to vector<512x128xf32>
    %add3A_158 = arith.addf %mul3A_156, %add3A_157 : vector<512x128xf32>
    %integer_pow3A_159 = arith.mulf %add3A_158, %add3A_158 : vector<512x128xf32>
    %integer_pow3A_160 = arith.mulf %add3A_158, %integer_pow3A_159 : vector<512x128xf32>
    %mul3A_161 = arith.constant 4.471500e-02 : f32
    %mul3A_162 = vector.broadcast %mul3A_161 : f32 to vector<512x128xf32>
    %mul3A_163 = arith.mulf %mul3A_162, %integer_pow3A_160 : vector<512x128xf32>
    %add3A_164 = arith.addf %add3A_158, %mul3A_163 : vector<512x128xf32>
    %mul3A_165 = arith.constant 0.797884583 : f32
    %mul3A_166 = vector.broadcast %mul3A_165 : f32 to vector<512x128xf32>
    %mul3A_167 = arith.mulf %mul3A_166, %add3A_164 : vector<512x128xf32>
    %tanh3A_168 = math.tanh %mul3A_167 : vector<512x128xf32>
    %add3A_169 = arith.constant 1.000000e+00 : f32
    %add3A_170 = vector.broadcast %add3A_169 : f32 to vector<512x128xf32>
    %add3A_171 = arith.addf %add3A_170, %tanh3A_168 : vector<512x128xf32>
    %mul3A_172 = arith.constant 5.000000e-01 : f32
    %mul3A_173 = vector.broadcast %mul3A_172 : f32 to vector<512x128xf32>
    %mul3A_174 = arith.mulf %mul3A_173, %add3A_171 : vector<512x128xf32>
    %mul3A_175 = arith.mulf %add3A_158, %mul3A_174 : vector<512x128xf32>
    %get3A_176 = arith.constant 0 : index
    %get3A_177 = arith.constant 0 : index
    %get3A_178 = vector.load %arg17[%get3A_176, %get3A_177] : memref<128x32xf32, #tpu.memory_space<vmem>>, vector<128x32xf32>
    %dot_general3A_179 = arith.constant dense<0.000000e+00> : vector<512x32xf32>
    %dot_general3A_180 = tpu.matmul %mul3A_175, %get3A_178, %dot_general3A_179 {dimension_numbers = #tpu.dot_dimension_numbers<[1], [0], [0], [1], [0, 0, 1, 1], [], []>, transpose_lhs_hint = false} : vector<512x128xf32>, vector<128x32xf32>, vector<512x32xf32> -> vector<512x32xf32>
    %get3A_181 = arith.constant 0 : index
    %get3A_182 = arith.constant 0 : index
    %get3A_183 = vector.load %arg18[%get3A_181, %get3A_182] : memref<1x32xf32, #tpu.memory_space<vmem>>, vector<1x32xf32>
    %add3A_184 = vector.broadcast %get3A_183 : vector<1x32xf32> to vector<512x32xf32>
    %add3A_185 = arith.addf %dot_general3A_180, %add3A_184 : vector<512x32xf32>
    %swap3A = arith.constant 0 : index
    %swap3A_186 = arith.constant 0 : index
    %swap3A_187 = vector.load %arg29[%swap3A, %swap3A_186] : memref<512x32xf32, #tpu.memory_space<vmem>>, vector<512x32xf32>
    tpu.vector_store %arg29[%swap3A, %swap3A_186], %add3A_185 {strides = array<i32>} : memref<512x32xf32, #tpu.memory_space<vmem>>, vector<512x32xf32>,
    %get3A_188 = arith.constant 0 : index
    %get3A_189 = arith.constant 0 : index
    %get3A_190 = vector.load %arg19[%get3A_188, %get3A_189] : memref<160x128xf32, #tpu.memory_space<vmem>>, vector<160x128xf32>
    %dot_general3A_191 = arith.constant dense<0.000000e+00> : vector<512x128xf32>
    %dot_general3A_192 = tpu.matmul %concatenate3A, %get3A_190, %dot_general3A_191 {dimension_numbers = #tpu.dot_dimension_numbers<[1], [0], [0], [1], [0, 0, 1, 1], [], []>, transpose_lhs_hint = false} : vector<512x160xf32>, vector<160x128xf32>, vector<512x128xf32> -> vector<512x128xf32>
    %get3A_193 = arith.constant 0 : index
    %get3A_194 = arith.constant 0 : index
    %get3A_195 = vector.load %arg20[%get3A_193, %get3A_194] : memref<1x128xf32, #tpu.memory_space<vmem>>, vector<1x128xf32>
    %add3A_196 = vector.broadcast %get3A_195 : vector<1x128xf32> to vector<512x128xf32>
    %add3A_197 = arith.addf %dot_general3A_192, %add3A_196 : vector<512x128xf32>
    %get3A_198 = arith.constant 0 : index
    %get3A_199 = arith.constant 0 : index
    %get3A_200 = vector.load %arg21[%get3A_198, %get3A_199] : memref<1x128xf32, #tpu.memory_space<vmem>>, vector<1x128xf32>
    %get3A_201 = arith.constant 0 : index
    %get3A_202 = arith.constant 0 : index
    %get3A_203 = vector.load %arg22[%get3A_201, %get3A_202] : memref<1x128xf32, #tpu.memory_space<vmem>>, vector<1x128xf32>
    %reduce_sum3A_204 = arith.constant dense<0.000000e+00> : vector<512xf32>
    %reduce_sum3A_205 = vector.multi_reduction <add>, %add3A_197, %reduce_sum3A_204 [1] : vector<512x128xf32> to vector<512xf32>
    %broadcast_in_dim3A_206 = vector.shape_cast %reduce_sum3A_205 : vector<512xf32> to vector<512x1xf32>
    %div3A_207 = arith.constant 1.280000e+02 : f32
    %div3A_208 = vector.broadcast %div3A_207 : f32 to vector<512x1xf32>
    %div3A_209 = arith.divf %broadcast_in_dim3A_206, %div3A_208 : vector<512x1xf32>
    %sub3A_210 = vector.broadcast %div3A_209 : vector<512x1xf32> to vector<512x128xf32>
    %sub3A_211 = arith.subf %add3A_197, %sub3A_210 : vector<512x128xf32>
    %integer_pow3A_212 = arith.mulf %sub3A_211, %sub3A_211 : vector<512x128xf32>
    %reduce_sum3A_213 = arith.constant dense<0.000000e+00> : vector<512xf32>
    %reduce_sum3A_214 = vector.multi_reduction <add>, %integer_pow3A_212, %reduce_sum3A_213 [1] : vector<512x128xf32> to vector<512xf32>
    %broadcast_in_dim3A_215 = vector.shape_cast %reduce_sum3A_214 : vector<512xf32> to vector<512x1xf32>
    %div3A_216 = arith.constant 1.280000e+02 : f32
    %div3A_217 = vector.broadcast %div3A_216 : f32 to vector<512x1xf32>
    %div3A_218 = arith.divf %broadcast_in_dim3A_215, %div3A_217 : vector<512x1xf32>
    %sub3A_219 = vector.broadcast %div3A_209 : vector<512x1xf32> to vector<512x128xf32>
    %sub3A_220 = arith.subf %add3A_197, %sub3A_219 : vector<512x128xf32>
    %add3A_221 = arith.constant 9.99999974E-6 : f32
    %add3A_222 = vector.broadcast %add3A_221 : f32 to vector<512x1xf32>
    %add3A_223 = arith.addf %div3A_218, %add3A_222 : vector<512x1xf32>
    %sqrt3A_224 = math.sqrt %add3A_223 : vector<512x1xf32>
    %div3A_225 = vector.broadcast %sqrt3A_224 : vector<512x1xf32> to vector<512x128xf32>
    %div3A_226 = arith.divf %sub3A_220, %div3A_225 : vector<512x128xf32>
    %mul3A_227 = vector.broadcast %get3A_200 : vector<1x128xf32> to vector<512x128xf32>
    %mul3A_228 = arith.mulf %div3A_226, %mul3A_227 : vector<512x128xf32>
    %add3A_229 = vector.broadcast %get3A_203 : vector<1x128xf32> to vector<512x128xf32>
    %add3A_230 = arith.addf %mul3A_228, %add3A_229 : vector<512x128xf32>
    %integer_pow3A_231 = arith.mulf %add3A_230, %add3A_230 : vector<512x128xf32>
    %integer_pow3A_232 = arith.mulf %add3A_230, %integer_pow3A_231 : vector<512x128xf32>
    %mul3A_233 = arith.constant 4.471500e-02 : f32
    %mul3A_234 = vector.broadcast %mul3A_233 : f32 to vector<512x128xf32>
    %mul3A_235 = arith.mulf %mul3A_234, %integer_pow3A_232 : vector<512x128xf32>
    %add3A_236 = arith.addf %add3A_230, %mul3A_235 : vector<512x128xf32>
    %mul3A_237 = arith.constant 0.797884583 : f32
    %mul3A_238 = vector.broadcast %mul3A_237 : f32 to vector<512x128xf32>
    %mul3A_239 = arith.mulf %mul3A_238, %add3A_236 : vector<512x128xf32>
    %tanh3A_240 = math.tanh %mul3A_239 : vector<512x128xf32>
    %add3A_241 = arith.constant 1.000000e+00 : f32
    %add3A_242 = vector.broadcast %add3A_241 : f32 to vector<512x128xf32>
    %add3A_243 = arith.addf %add3A_242, %tanh3A_240 : vector<512x128xf32>
    %mul3A_244 = arith.constant 5.000000e-01 : f32
    %mul3A_245 = vector.broadcast %mul3A_244 : f32 to vector<512x128xf32>
    %mul3A_246 = arith.mulf %mul3A_245, %add3A_243 : vector<512x128xf32>
    %mul3A_247 = arith.mulf %add3A_230, %mul3A_246 : vector<512x128xf32>
    %get3A_248 = arith.constant 0 : index
    %get3A_249 = arith.constant 0 : index
    %get3A_250 = vector.load %arg23[%get3A_248, %get3A_249] : memref<128x128xf32, #tpu.memory_space<vmem>>, vector<128x128xf32>
    %dot_general3A_251 = arith.constant dense<0.000000e+00> : vector<512x128xf32>
    %dot_general3A_252 = tpu.matmul %mul3A_247, %get3A_250, %dot_general3A_251 {dimension_numbers = #tpu.dot_dimension_numbers<[1], [0], [0], [1], [0, 0, 1, 1], [], []>, transpose_lhs_hint = false} : vector<512x128xf32>, vector<128x128xf32>, vector<512x128xf32> -> vector<512x128xf32>
    %get3A_253 = arith.constant 0 : index
    %get3A_254 = arith.constant 0 : index
    %get3A_255 = vector.load %arg24[%get3A_253, %get3A_254] : memref<1x128xf32, #tpu.memory_space<vmem>>, vector<1x128xf32>
    %add3A_256 = vector.broadcast %get3A_255 : vector<1x128xf32> to vector<512x128xf32>
    %add3A_257 = arith.addf %dot_general3A_252, %add3A_256 : vector<512x128xf32>
    %get3A_258 = arith.constant 0 : index
    %get3A_259 = arith.constant 0 : index
    %get3A_260 = vector.load %arg25[%get3A_258, %get3A_259] : memref<1x128xf32, #tpu.memory_space<vmem>>, vector<1x128xf32>
    %get3A_261 = arith.constant 0 : index
    %get3A_262 = arith.constant 0 : index
    %get3A_263 = vector.load %arg26[%get3A_261, %get3A_262] : memref<1x128xf32, #tpu.memory_space<vmem>>, vector<1x128xf32>
    %reduce_sum3A_264 = arith.constant dense<0.000000e+00> : vector<512xf32>
    %reduce_sum3A_265 = vector.multi_reduction <add>, %add3A_257, %reduce_sum3A_264 [1] : vector<512x128xf32> to vector<512xf32>
    %broadcast_in_dim3A_266 = vector.shape_cast %reduce_sum3A_265 : vector<512xf32> to vector<512x1xf32>
    %div3A_267 = arith.constant 1.280000e+02 : f32
    %div3A_268 = vector.broadcast %div3A_267 : f32 to vector<512x1xf32>
    %div3A_269 = arith.divf %broadcast_in_dim3A_266, %div3A_268 : vector<512x1xf32>
    %sub3A_270 = vector.broadcast %div3A_269 : vector<512x1xf32> to vector<512x128xf32>
    %sub3A_271 = arith.subf %add3A_257, %sub3A_270 : vector<512x128xf32>
    %integer_pow3A_272 = arith.mulf %sub3A_271, %sub3A_271 : vector<512x128xf32>
    %reduce_sum3A_273 = arith.constant dense<0.000000e+00> : vector<512xf32>
    %reduce_sum3A_274 = vector.multi_reduction <add>, %integer_pow3A_272, %reduce_sum3A_273 [1] : vector<512x128xf32> to vector<512xf32>
    %broadcast_in_dim3A_275 = vector.shape_cast %reduce_sum3A_274 : vector<512xf32> to vector<512x1xf32>
    %div3A_276 = arith.constant 1.280000e+02 : f32
    %div3A_277 = vector.broadcast %div3A_276 : f32 to vector<512x1xf32>
    %div3A_278 = arith.divf %broadcast_in_dim3A_275, %div3A_277 : vector<512x1xf32>
    %sub3A_279 = vector.broadcast %div3A_269 : vector<512x1xf32> to vector<512x128xf32>
    %sub3A_280 = arith.subf %add3A_257, %sub3A_279 : vector<512x128xf32>
    %add3A_281 = arith.constant 9.99999974E-6 : f32
    %add3A_282 = vector.broadcast %add3A_281 : f32 to vector<512x1xf32>
    %add3A_283 = arith.addf %div3A_278, %add3A_282 : vector<512x1xf32>
    %sqrt3A_284 = math.sqrt %add3A_283 : vector<512x1xf32>
    %div3A_285 = vector.broadcast %sqrt3A_284 : vector<512x1xf32> to vector<512x128xf32>
    %div3A_286 = arith.divf %sub3A_280, %div3A_285 : vector<512x128xf32>
    %mul3A_287 = vector.broadcast %get3A_260 : vector<1x128xf32> to vector<512x128xf32>
    %mul3A_288 = arith.mulf %div3A_286, %mul3A_287 : vector<512x128xf32>
    %add3A_289 = vector.broadcast %get3A_263 : vector<1x128xf32> to vector<512x128xf32>
    %add3A_290 = arith.addf %mul3A_288, %add3A_289 : vector<512x128xf32>
    %integer_pow3A_291 = arith.mulf %add3A_290, %add3A_290 : vector<512x128xf32>
    %integer_pow3A_292 = arith.mulf %add3A_290, %integer_pow3A_291 : vector<512x128xf32>
    %mul3A_293 = arith.constant 4.471500e-02 : f32
    %mul3A_294 = vector.broadcast %mul3A_293 : f32 to vector<512x128xf32>
    %mul3A_295 = arith.mulf %mul3A_294, %integer_pow3A_292 : vector<512x128xf32>
    %add3A_296 = arith.addf %add3A_290, %mul3A_295 : vector<512x128xf32>
    %mul3A_297 = arith.constant 0.797884583 : f32
    %mul3A_298 = vector.broadcast %mul3A_297 : f32 to vector<512x128xf32>
    %mul3A_299 = arith.mulf %mul3A_298, %add3A_296 : vector<512x128xf32>
    %tanh3A_300 = math.tanh %mul3A_299 : vector<512x128xf32>
    %add3A_301 = arith.constant 1.000000e+00 : f32
    %add3A_302 = vector.broadcast %add3A_301 : f32 to vector<512x128xf32>
    %add3A_303 = arith.addf %add3A_302, %tanh3A_300 : vector<512x128xf32>
    %mul3A_304 = arith.constant 5.000000e-01 : f32
    %mul3A_305 = vector.broadcast %mul3A_304 : f32 to vector<512x128xf32>
    %mul3A_306 = arith.mulf %mul3A_305, %add3A_303 : vector<512x128xf32>
    %mul3A_307 = arith.mulf %add3A_290, %mul3A_306 : vector<512x128xf32>
    %get3A_308 = arith.constant 0 : index
    %get3A_309 = arith.constant 0 : index
    %get3A_310 = vector.load %arg27[%get3A_308, %get3A_309] : memref<128x1xf32, #tpu.memory_space<vmem>>, vector<128x1xf32>
    %dot_general3A_311 = arith.constant dense<0.000000e+00> : vector<512x1xf32>
    %dot_general3A_312 = tpu.matmul %mul3A_307, %get3A_310, %dot_general3A_311 {dimension_numbers = #tpu.dot_dimension_numbers<[1], [0], [0], [1], [0, 0, 1, 1], [], []>, transpose_lhs_hint = false} : vector<512x128xf32>, vector<128x1xf32>, vector<512x1xf32> -> vector<512x1xf32>
    %get3A_313 = arith.constant 0 : index
    %get3A_314 = arith.constant 0 : index
    %get3A_315 = vector.load %arg28[%get3A_313, %get3A_314] : memref<1x1xf32, #tpu.memory_space<vmem>>, vector<1x1xf32>
    %add3A_316 = vector.broadcast %get3A_315 : vector<1x1xf32> to vector<512x1xf32>
    %add3A_317 = arith.addf %dot_general3A_312, %add3A_316 : vector<512x1xf32>
    %swap3A_318 = arith.constant 0 : index
    %swap3A_319 = arith.constant 0 : index
    %swap3A_320 = vector.load %arg30[%swap3A_318, %swap3A_319] : memref<512x1xf32, #tpu.memory_space<vmem>>, vector<512x1xf32>
    tpu.vector_store %arg30[%swap3A_318, %swap3A_319], %add3A_317 {strides = array<i32>} : memref<512x1xf32, #tpu.memory_space<vmem>>, vector<512x1xf32>,
    return
  }
  func.func @transform_0(%arg0: i32) -> (i32, i32) {
    %c0_i32 = arith.constant 0 : i32
    %c0_i32_0 = arith.constant 0 : i32
    return %arg0, %c0_i32 : i32, i32
  }
  func.func @transform_1(%arg0: i32) -> (i32, i32, i32) {
    %c0_i32 = arith.constant 0 : i32
    %c0_i32_0 = arith.constant 0 : i32
    %c0_i32_1 = arith.constant 0 : i32
    return %arg0, %c0_i32, %c0_i32_0 : i32, i32, i32
  }
  func.func @transform_2(%arg0: i32) -> (i32, i32) {
    %c0_i32 = arith.constant 0 : i32
    %c0_i32_0 = arith.constant 0 : i32
    return %arg0, %c0_i32 : i32, i32
  }
  func.func @transform_3(%arg0: i32) -> (i32, i32) {
    %c0_i32 = arith.constant 0 : i32
    %c0_i32_0 = arith.constant 0 : i32
    return %arg0, %c0_i32 : i32, i32
  }
  func.func @transform_4(%arg0: i32) -> (i32, i32) {
    %c0_i32 = arith.constant 0 : i32
    %c0_i32_0 = arith.constant 0 : i32
    %c0_i32_1 = arith.constant 0 : i32
    return %c0_i32, %c0_i32_0 : i32, i32
  }
  func.func @transform_5(%arg0: i32) -> (i32, i32) {
    %c0_i32 = arith.constant 0 : i32
    %c0_i32_0 = arith.constant 0 : i32
    %c0_i32_1 = arith.constant 0 : i32
    return %c0_i32, %c0_i32_0 : i32, i32
  }
  func.func @transform_6(%arg0: i32) -> (i32, i32) {
    %c0_i32 = arith.constant 0 : i32
    %c0_i32_0 = arith.constant 0 : i32
    %c0_i32_1 = arith.constant 0 : i32
    return %c0_i32, %c0_i32_0 : i32, i32
  }
  func.func @transform_7(%arg0: i32) -> (i32, i32) {
    %c0_i32 = arith.constant 0 : i32
    %c0_i32_0 = arith.constant 0 : i32
    %c0_i32_1 = arith.constant 0 : i32
    return %c0_i32, %c0_i32_0 : i32, i32
  }
  func.func @transform_8(%arg0: i32) -> (i32, i32) {
    %c0_i32 = arith.constant 0 : i32
    %c0_i32_0 = arith.constant 0 : i32
    %c0_i32_1 = arith.constant 0 : i32
    return %c0_i32, %c0_i32_0 : i32, i32
  }
  func.func @transform_9(%arg0: i32) -> (i32, i32) {
    %c0_i32 = arith.constant 0 : i32
    %c0_i32_0 = arith.constant 0 : i32
    %c0_i32_1 = arith.constant 0 : i32
    return %c0_i32, %c0_i32_0 : i32, i32
  }
  func.func @transform_10(%arg0: i32) -> (i32, i32) {
    %c0_i32 = arith.constant 0 : i32
    %c0_i32_0 = arith.constant 0 : i32
    %c0_i32_1 = arith.constant 0 : i32
    return %c0_i32, %c0_i32_0 : i32, i32
  }
  func.func @transform_11(%arg0: i32) -> (i32, i32) {
    %c0_i32 = arith.constant 0 : i32
    %c0_i32_0 = arith.constant 0 : i32
    %c0_i32_1 = arith.constant 0 : i32
    return %c0_i32, %c0_i32_0 : i32, i32
  }
  func.func @transform_12(%arg0: i32) -> (i32, i32) {
    %c0_i32 = arith.constant 0 : i32
    %c0_i32_0 = arith.constant 0 : i32
    %c0_i32_1 = arith.constant 0 : i32
    return %c0_i32, %c0_i32_0 : i32, i32
  }
  func.func @transform_13(%arg0: i32) -> (i32, i32) {
    %c0_i32 = arith.constant 0 : i32
    %c0_i32_0 = arith.constant 0 : i32
    %c0_i32_1 = arith.constant 0 : i32
    return %c0_i32, %c0_i32_0 : i32, i32
  }
  func.func @transform_14(%arg0: i32) -> (i32, i32) {
    %c0_i32 = arith.constant 0 : i32
    %c0_i32_0 = arith.constant 0 : i32
    %c0_i32_1 = arith.constant 0 : i32
    return %c0_i32, %c0_i32_0 : i32, i32
  }
  func.func @transform_15(%arg0: i32) -> (i32, i32) {
    %c0_i32 = arith.constant 0 : i32
    %c0_i32_0 = arith.constant 0 : i32
    %c0_i32_1 = arith.constant 0 : i32
    return %c0_i32, %c0_i32_0 : i32, i32
  }
  func.func @transform_16(%arg0: i32) -> (i32, i32) {
    %c0_i32 = arith.constant 0 : i32
    %c0_i32_0 = arith.constant 0 : i32
    %c0_i32_1 = arith.constant 0 : i32
    return %c0_i32, %c0_i32_0 : i32, i32
  }
  func.func @transform_17(%arg0: i32) -> (i32, i32) {
    %c0_i32 = arith.constant 0 : i32
    %c0_i32_0 = arith.constant 0 : i32
    %c0_i32_1 = arith.constant 0 : i32
    return %c0_i32, %c0_i32_0 : i32, i32
  }
  func.func @transform_18(%arg0: i32) -> (i32, i32) {
    %c0_i32 = arith.constant 0 : i32
    %c0_i32_0 = arith.constant 0 : i32
    %c0_i32_1 = arith.constant 0 : i32
    return %c0_i32, %c0_i32_0 : i32, i32
  }
  func.func @transform_19(%arg0: i32) -> (i32, i32) {
    %c0_i32 = arith.constant 0 : i32
    %c0_i32_0 = arith.constant 0 : i32
    %c0_i32_1 = arith.constant 0 : i32
    return %c0_i32, %c0_i32_0 : i32, i32
  }
  func.func @transform_20(%arg0: i32) -> (i32, i32) {
    %c0_i32 = arith.constant 0 : i32
    %c0_i32_0 = arith.constant 0 : i32
    %c0_i32_1 = arith.constant 0 : i32
    return %c0_i32, %c0_i32_0 : i32, i32
  }
  func.func @transform_21(%arg0: i32) -> (i32, i32) {
    %c0_i32 = arith.constant 0 : i32
    %c0_i32_0 = arith.constant 0 : i32
    %c0_i32_1 = arith.constant 0 : i32
    return %c0_i32, %c0_i32_0 : i32, i32
  }
  func.func @transform_22(%arg0: i32) -> (i32, i32) {
    %c0_i32 = arith.constant 0 : i32
    %c0_i32_0 = arith.constant 0 : i32
    %c0_i32_1 = arith.constant 0 : i32
    return %c0_i32, %c0_i32_0 : i32, i32
  }
  func.func @transform_23(%arg0: i32) -> (i32, i32) {
    %c0_i32 = arith.constant 0 : i32
    %c0_i32_0 = arith.constant 0 : i32
    %c0_i32_1 = arith.constant 0 : i32
    return %c0_i32, %c0_i32_0 : i32, i32
  }
  func.func @transform_24(%arg0: i32) -> (i32, i32) {
    %c0_i32 = arith.constant 0 : i32
    %c0_i32_0 = arith.constant 0 : i32
    %c0_i32_1 = arith.constant 0 : i32
    return %c0_i32, %c0_i32_0 : i32, i32
  }
  func.func @transform_25(%arg0: i32) -> (i32, i32) {
    %c0_i32 = arith.constant 0 : i32
    %c0_i32_0 = arith.constant 0 : i32
    %c0_i32_1 = arith.constant 0 : i32
    return %c0_i32, %c0_i32_0 : i32, i32
  }
  func.func @transform_26(%arg0: i32) -> (i32, i32) {
    %c0_i32 = arith.constant 0 : i32
    %c0_i32_0 = arith.constant 0 : i32
    %c0_i32_1 = arith.constant 0 : i32
    return %c0_i32, %c0_i32_0 : i32, i32
  }
  func.func @transform_27(%arg0: i32) -> (i32, i32) {
    %c0_i32 = arith.constant 0 : i32
    %c0_i32_0 = arith.constant 0 : i32
    %c0_i32_1 = arith.constant 0 : i32
    return %c0_i32, %c0_i32_0 : i32, i32
  }
  func.func @transform_28(%arg0: i32) -> (i32, i32) {
    %c0_i32 = arith.constant 0 : i32
    %c0_i32_0 = arith.constant 0 : i32
    return %arg0, %c0_i32 : i32, i32
  }
  func.func @transform_29(%arg0: i32) -> (i32, i32) {
    %c0_i32 = arith.constant 0 : i32
    %c0_i32_0 = arith.constant 0 : i32
    return %arg0, %c0_i32 : i32, i32
  }
}

</mosaic_0001>

<sc_bundles>
// kernel: kernel.16.cloned.1.call-start
scs
__scs_entry_jumppad:
0x0: {  	(pc) =	sbr.rel $0x88, $3  }
0x1: {  	(tag) =	ssettag $0x0;
	lr =	simm.s32 $0x1  }
0x2: {  	[smem:$0x3F5C] =	sst lr;
	_ =	strace $0xD0000000  }
0x3: {  	_ = 	snop  }
0x4: {  	_ = 	snop  }
0x5: {  	_ = 	snop  }
0x6: {  	_ = 	snop  }
0x7: {  	_ = 	snop  }
__scs_overlays_trampoline_lowered:
0x8: {  	[smem:$0x3F6B] =	sst s0  }
0x9: {  	[smem:$0x3F6C] =	sst s1  }
0xa: {  	[smem:$0x3F6D] =	sst s2  }
0xb: {  	[smem:$0x3F6E] =	sst s3  }
0xc: {  	[smem:$0x3F6F] =	sst s4  }
0xd: {  	[smem:$0x3F70] =	sst s5  }
0xe: {  	[smem:$0x3F71] =	sst s6  }
0xf: {  	[smem:$0x3F72] =	sst s7  }
0x10: {  	[smem:$0x3F73] =	sst s8  }
0x11: {  	[smem:$0x3F74] =	sst s9;
	s0 =	simm.s32 @!p0 $0x0  }
0x12: {  	s1 =	sld [smem:$0x3F5A];
	s0 =	simm.s32 @p0 $0x1  }
0x13: {  	[smem:$0x3F75] =	sst s0;
	s0 =	simm.s32 @!p1 $0x0  }
0x14: {  	s2 =	sld [smem:$0x3F59];
	s0 =	simm.s32 @p1 $0x1  }
0x15: {  	[smem:$0x3F76] =	sst s0;
	s0 =	simm.s32 @!p2 $0x0  }
0x16: {  	s3 =	sld [smem:$0x3FDB];
	s0 =	simm.s32 @p2 $0x1  }
0x17: {  	s4 =	simm.s32 $0x1BF5;
	[smem:$0x3F78] =	sst s0  }
0x18: {  	s0 =	sld [smem:$0x3F5B];
	_ =	swait.ge [sflag:s4], $0x0  }
0x19: {  	s7 =	sld [smem:$0x3F5C]  }
0x1a: {  	s8 =	sadd.s32 $0xFFFFE003, lr  }
0x1b: {  	s9 =	sadd.s32 $0xFFFFFEF7, lr;
	s5 =	simm.s32 $0xFFFFFFFF;
	p2 =	slt.u32 s8, $0xFFFFF086  }
0x1c: {  	p1 =	slt.u32 s9, $0xF7A;
	s5 =	simm.s32 @!p2 $0x0  }
0x1d: {  	s5 =	simm.s32 @p1 $0x1;
	p0 =	seq.s32 s7, s2  }
0x1e: {  	s7 =	smul.u32 @!p0 $0xF7A, s2;
	p2 =	seq.s32 @!p0 s5, $0x0  }
0x1f: {  	s9 =	smul.u32 $0xF7A, s1;
	s8 =	simm.s32 @!p0 $0x1BF5;
	p2 =	por !p2, p0  }
0x20: {  	[sflag:s8] =	ssyncset.s32 @!p0 $0xFFFFF086;
	s6 =	sadd.s32 @!p0 s3, s7;
	s7 =	simm.s32 @!p0 $0x108  }
0x21: {  	s3 =	sadd.s32 s3, s9;
	s6 =	sadd.s32 @!p0 $0x88, s6;
	s7 =	simm.s32 @p2 $0x1082  }
0x22: {  	[simem:s7], [sflag:s8] =	dma.local @!p0 [hbm:s6], $0xF7A  }
0x23: {  	s9 =	sor.u32 $0xD0000000, s2;
	s6 =	simm.s32 $0x108;
	_ =	swait.ge @!p0 [sflag:s8], $0x0  }
0x24: {  	s3 =	sadd.s32 $0x88, s3;
	s6 =	simm.s32 @!p1 $0x1082;
	[sflag:s4] =	ssyncset.s32 $0xFFFFF086  }
0x25: {  	[simem:s6], [sflag:s4] =	dma.local [hbm:s3], $0xF7A  }
0x26: {  	[smem:$0x3F5C] =	sst s1;
	(tag) =	ssettag s2;
	_ =	strace s9  }
0x27: {  	s1 =	sld [smem:$0x3F6C]  }
0x28: {  	s2 =	sld [smem:$0x3F6D]  }
0x29: {  	s4 =	sld [smem:$0x3F6F]  }
0x2a: {  	p0 =	seq.s32 s5, $0x0;
	s5 =	sld [smem:$0x3F70]  }
0x2b: {  	s6 =	sld [smem:$0x3F71]  }
0x2c: {  	s7 =	sld [smem:$0x3F72]  }
0x2d: {  	s3 =	simm.s32 $0x108;
	s8 =	sld [smem:$0x3F73]  }
0x2e: {  	s3 =	simm.s32 @!p0 $0x1082;
	s9 =	sld [smem:$0x3F74]  }
0x2f: {  	lr =	sadd.s32 s0, s3;
	s0 =	sld [smem:$0x3F6B]  }
0x30: {  	s3 =	sld [smem:$0x3F6E]  }
0x31: {  	[smem:$0x3F77] =	sst s10  }
0x32: {  	s10 =	sld [smem:$0x3F75];
	_ =	sdelay $0x3  }
0x33: {  	p0 =	seq.s32 s10, $0x1;
	s10 =	sld [smem:$0x3F77];
	_ =	sdelay $0x3  }
0x34: {  	[smem:$0x3F77] =	sst s10  }
0x35: {  	s10 =	sld [smem:$0x3F76];
	_ =	sdelay $0x3  }
0x36: {  	p1 =	seq.s32 s10, $0x1;
	s10 =	sld [smem:$0x3F77];
	_ =	sdelay $0x3  }
0x37: {  	[smem:$0x3F77] =	sst s10  }
0x38: {  	s10 =	sld [smem:$0x3F78]  }
0x39: {  	_ = 	snop;
	(pc) =	sbr.ind lr, $3  }
0x3a: {  	_ = 	snop  }
0x3b: {  	_ = 	snop  }
0x3c: {  	p2 =	seq.s32 s10, $0x1;
	s10 =	sld [smem:$0x3F77]  }
0x3d: {  	_ =	shalt  }
0x3e: {  	_ =	shalt  }
0x3f: {  	_ =	shalt  }
0x40: {  	_ =	shalt  }
0x41: {  	_ =	shalt  }
0x42: {  	_ =	shalt  }
0x43: {  	_ =	shalt  }
0x44: {  	_ =	shalt  }
0x45: {  	_ =	shalt  }
0x46: {  	_ =	shalt  }
0x47: {  	_ =	shalt  }
0x48: {  	_ =	shalt  }
0x49: {  	_ =	shalt  }
0x4a: {  	_ =	shalt  }
0x4b: {  	_ =	shalt  }
0x4c: {  	_ =	shalt  }
0x4d: {  	_ =	shalt  }
0x4e: {  	_ =	shalt  }
0x4f: {  	_ =	shalt  }
0x50: {  	_ =	shalt  }
0x51: {  	_ =	shalt  }
0x52: {  	_ =	shalt  }
0x53: {  	_ =	shalt  }
0x54: {  	_ =	shalt  }
0x55: {  	_ =	shalt  }
0x56: {  	_ =	shalt  }
0x57: {  	_ =	shalt  }
0x58: {  	_ =	shalt  }
0x59: {  	_ =	shalt  }
0x5a: {  	_ =	shalt  }
0x5b: {  	_ =	shalt  }
0x5c: {  	_ =	shalt  }
0x5d: {  	_ =	shalt  }
0x5e: {  	_ =	shalt  }
0x5f: {  	_ =	shalt  }
0x60: {  	_ =	shalt  }
0x61: {  	_ =	shalt  }
0x62: {  	_ =	shalt  }
0x63: {  	_ =	shalt  }
0x64: {  	_ =	shalt  }
0x65: {  	_ =	shalt  }
0x66: {  	_ =	shalt  }
0x67: {  	_ =	shalt  }
0x68: {  	_ =	shalt  }
0x69: {  	_ =	shalt  }
0x6a: {  	_ =	shalt  }
0x6b: {  	_ =	shalt  }
0x6c: {  	_ =	shalt  }
0x6d: {  	_ =	shalt  }
0x6e: {  	_ =	shalt  }
0x6f: {  	_ =	shalt  }
0x70: {  	_ =	shalt  }
0x71: {  	_ =	shalt  }
0x72: {  	_ =	shalt  }
0x73: {  	_ =	shalt  }
0x74: {  	_ =	shalt  }
0x75: {  	_ =	shalt  }
0x76: {  	_ =	shalt  }
0x77: {  	_ =	shalt  }
0x78: {  	_ =	shalt  }
0x79: {  	_ =	shalt  }
0x7a: {  	_ =	shalt  }
0x7b: {  	_ =	shalt  }
0x7c: {  	_ =	shalt  }
0x7d: {  	_ =	shalt  }
0x7e: {  	_ =	shalt  }
0x7f: {  	_ =	shalt  }
0x80: {  	_ =	shalt  }
0x81: {  	_ =	shalt  }
0x82: {  	_ =	shalt  }
0x83: {  	_ =	shalt  }
0x84: {  	_ =	shalt  }
0x85: {  	_ =	shalt  }
0x86: {  	_ =	shalt  }
0x87: {  	_ =	shalt  }
.Lfunc_end0:
.L_simem_size_0:
called_computation_lowered:
.L_overlay_start_0:
0x88: {  	s2 =	sld [smem:$0x3FD9]  }
0x89: {  	s3 =	sld [smem:$0x3FFE];
	_ =	sdelay $0x1  }
0x8a: {  	s1 =	srdreg.scid  }
0x8b: {  	s0 =	sand.u32 $0x1, s1  }
0x8c: {  	s16 =	sshll.u32 s0, $0xA;
	s2 =	sadd.s32 s3, s2  }
0x8d: {  	s2 =	sadd.s32 s2, s16  }
0x8e: {  	[smem:$0x3F83] =	sst s2  }
0x8f: {  	_ = 	snop  }
0x90: {  	(tm) =	ssettm $0x1  }
0x91: {  	s17 =	sld [smem:$0x3FFB];
	_ =	sdelay $0x3  }
0x92: {  	_ =	strace s17  }
0x93: {  	s2 =	sld [smem:$0x3FFC];
	_ =	sdelay $0x3  }
0x94: {  	_ =	strace s2  }
0x95: {  	s2 =	sld [smem:$0x3FFD];
	_ =	sdelay $0x3  }
0x96: {  	_ =	strace s2  }
0x97: {  	_ =	strace $0x8FFFFFFF  }
0x98: {  	s18 =	sld [smem:$0x3FDB];
	_ =	sdelay $0x1  }
0x99: {  	s19 =	simm.s32 $_scs_section_size  }
0x9a: {  	s4 =	simm.s32 $_size__tile_overlayer_lowered;
	s5 =	simm.s32 $_tile_overlayer_lowered  }
0x9b: {  	s22 =	simm.s32 $0x1BFF;
	s21 =	sshll.u32 s5, $0x1;
	s2 =	sadd.s32 s19, s18  }
0x9c: {  	s6 =	simm.s32 $0x0;
	s20 =	sshll.u32 s4, $0x1;
	s4 =	sadd.s32 s21, s2  }
0x9d: {  	[timem:s6], [sflag:s22] =	dma.local [hbm:s4], s20  }
0x9e: {  	_ =	swait.ge [sflag:s22], s20  }
0x9f: {  	s3 =	ssub.s32 $0x0, s20;
	[sflag:s22] =	ssyncset.done $0x0  }
0xa0: {  	[sflag:s22] =	ssyncadd.s32 s3;
	_ =	sdelay $0x1  }
0xa1: {  	s23 =	simm.s32 $0x1B8B  }
0xa2: {  	_ =	swait.ge [sflag:s23], $0x1  }
0xa3: {  	[sflag:s23] =	ssyncset.done $0x0  }
0xa4: {  	s25 =	simm.s32 $0x1B8E;
	s24 =	sld [smem:$0x3FFE];
	[sflag:s23] =	ssyncadd.s32 $0xFFFFFFFF  }
0xa5: {  	s26 =	simm.s32 $execute0_lowered;
	[smem:$0x3FD2] =	sst s25  }
0xa6: {  	s4 =	sshll.u32 s26, $0x1;
	_ =	strace $0x80000046;
	[dreg:$0x1] =	wrdreg $0xFFFFFFFF  }
0xa7: {  	s28 =	simm.s32 $_size_execute0_lowered;
	s2 =	sadd.s32 s2, s4;
	[dreg:$0x0] =	wrdreg $0x0  }
0xa8: {  	s4 =	sshll.u32 s28, $0x1;
	[dreg:$0x2] =	wrdreg s2  }
0xa9: {  	[dreg:$0x3] =	wrdreg s4  }
0xaa: {  	[dreg:$0x4] =	wrdreg $0xC0  }
0xab: {  	_ =	task [dreg:s6], $0x5FFFF  }
0xac: {  	[dreg:$0x1] =	wrdreg $0xFFFFFFFF  }
0xad: {  	[dreg:$0x0] =	wrdreg $0x60  }
0xae: {  	[dreg:$0x2] =	wrdreg s24  }
0xaf: {  	[dreg:$0x3] =	wrdreg $0x9  }
0xb0: {  	_ =	task.clear_ibuf [dreg:s6], $0x4FFFF;
	_ =	strace $0x90000046  }
0xb1: {  	s29 =	simm.s32 $0x9;
	_ =	strace $0x80000048  }
0xb2: {  	_ =	swait.ge [sflag:s29], $0x1  }
0xb3: {  	[sflag:s29] =	ssyncadd.s32 $0xFFFFFFFF  }
0xb4: {  	_ =	strace $0x90000048  }
0xb5: {  	_ =	sfence  }
0xb6: {  	s30 =	sld [smem:$0x0];
	_ =	sdelay $0x2  }
0xb7: {  	s31 =	sshll.u32 s1, $0xD;
	s1 =	sshrl.u32 s1, $0x2  }
0xb8: {  	s3 =	sand.u32 $0x4000, s31;
	s1 =	sadd.s32 s1, s30  }
0xb9: {  	s0 =	sor.u32 s3, s0;
	s1 =	sshll.u32 s1, $0x11  }
0xba: {  	s0 =	sor.u32 s1, s0  }
0xbb: {  	s0 =	sadd.s32 $0x8F2B, s0  }
0xbc: {  	[sflag:s0] =	ssyncadd.remote.s32 $0x1  }
0xbd: {  	_ =	sfence.sel $0xFFFF  }
0xbe: {  	[dreg:$0x0] =	wrdreg $0xFFFFFFFF;
	(pc) =	sbr.abs _section_cstart, $3  }
0xbf: {  	[dreg:$0x1] =	wrdreg $0xFFFFFFFF  }
0xc0: {  	_ =	task.clear_ibuf [dreg:s6], $0x2FFFF;
	_ =	strace $0x9FFFFFFF  }
0xc1: {  	(tm) =	ssettm $0x7FFFFFFF  }
tec
execute0_lowered:
.L_overlay_start_1:
0x0: {  	(tag) =	ssettag $0x1  }
0x1: {  	s0 =	srdreg.scid  }
0x2: {  	s1 =	stileid.u32;
	s3 =	rddreg [dreg:$0x0];
	s11 =	simm.s32 $0x5000  }
0x3: {  	s30 =	simm.s32 $0x200;
	s9 =	simm.s32 $0x9000;
	s0 =	sand.u32 $0x1, s0  }
0x4: {  	s31 =	simm.s32 $0x300;
	s1 =	sshll.u32 s1, $0xD;
	s2 =	sshll.u32 s0, $0xC  }
0x5: {  	s6 =	simm.s32 $0xD000;
	s29 =	simm.s32 $0x400;
	s1 =	sor.u32 s2, s1  }
0x6: {  	s28 =	simm.s32 $0x500;
	s12 =	simm.s32 $0x3;
	s4 =	sshrl.u32 s1, $0x3  }
0x7: {  	s2 =	simm.s32 $0x0;
	s1 =	sshll.u32 s1, $0x3;
	s4 =	sadd.s32 s4, s3  }
0x8: {  	[smem:$0x7FF] =	sst s2;
	s1 =	sadd.s32 s1, s3;
	s4 =	sadd.s32 $0xA9800, s4  }
0x9: {  	_ =	strace $0x80000047;
	s13 =	sadd.s32 $0xBD800, s1;
	[dreg:$0x2] =	wrdreg s4  }
0xa: {  	s10 =	simm.s32 $0x4;
	s14 =	sadd.s32 $0xBE000, s1;
	[dreg:$0x3] =	wrdreg s13  }
0xb: {  	p0 =	por $0x0, $0x0;
	s15 =	sadd.s32 $0xBE800, s1;
	[dreg:$0x4] =	wrdreg s14  }
0xc: {  	s7 =	sadd.s32 $0xAD800, s3;
	s16 =	sadd.s32 $0xBF000, s1;
	[dreg:$0x5] =	wrdreg s15  }
0xd: {  	s0 =	ssub.s32 $0x2, s0;
	s17 =	sadd.s32 $0xBF800, s1;
	[dreg:$0x6] =	wrdreg s16  }
0xe: {  	s24 =	sshrl.u32 s0, $0x1;
	s18 =	sadd.s32 $0xC0000, s1;
	[dreg:$0x7] =	wrdreg s17  }
0xf: {  	s0 =	ssub.s32 s0, s24;
	s19 =	sadd.s32 $0xC0800, s1;
	[dreg:$0x8] =	wrdreg s18  }
0x10: {  	s24 =	simm.s32 $0x800;
	s20 =	sadd.s32 $0xC1000, s1;
	[dreg:$0x9] =	wrdreg s19  }
0x11: {  	s0 =	smax.u32 s0, $0x1;
	s21 =	sadd.s32 $0xC1800, s1;
	[dreg:$0xa] =	wrdreg s20  }
0x12: {  	s3 =	simm.s32 $0x5;
	s22 =	sadd.s32 $0xC2000, s1;
	[dreg:$0xb] =	wrdreg s21  }
0x13: {  	s23 =	sadd.s32 $0xC2800, s1;
	s25 =	sadd.s32 $0xC3000, s1;
	[dreg:$0xc] =	wrdreg s22  }
0x14: {  	s26 =	sadd.s32 $0xC3800, s1;
	s8 =	sadd.s32 $0xC4000, s1;
	[dreg:$0xd] =	wrdreg s23  }
0x15: {  	s5 =	sadd.s32 $0xC4800, s1;
	p1 =	sne.s32 s0, $0x1;
	[dreg:$0xe] =	wrdreg s25  }
0x16: {  	[dreg:$0xf] =	wrdreg s26;
	s4 =	sadd.s32 $0xC5000, s1;
	s15 =	simm.s32 $0x100  }
.Ltmp0:
0x17: {  	s13 =	simm.s32 $0x1000;
	s16 =	simm.s32 $0x1;
	(pc) =	sbr.rel @!p1 .LBB2_3-.Ltmp0, $4  }
0x18: {  	s14 =	simm.s32 $0x2;
	s26 =	simm.s32 $0x600;
	s25 =	simm.s32 $0x700  }
0x19: {  	s23 =	simm.s32 $0x900;
	s1 =	sadd.s32 $0xFFFFFFFF, s0;
	s22 =	simm.s32 $0xA00  }
0x1a: {  	s21 =	simm.s32 $0xB00;
	s20 =	simm.s32 $0xC00;
	s19 =	simm.s32 $0xD00  }
0x1b: {  	s18 =	simm.s32 $0xE00;
	s17 =	simm.s32 $0xF00;
	s0 =	rddreg [dreg:$0x2]  }
0x1c: {  	[tilespmem:s2], [sflag:$0x5] =	stream.linear.gather [hbm4b:s0+s2], $0x1000, $0x38;
	[tilespmem:$0x11000] =	vst v63  }
0x1d: {  	_ =	swait.ge [sflag:s3], $0x1000  }
0x1e: {  	[sflag:s3] =	ssyncset.done $0x0  }
0x1f: {  	[sflag:s3] =	ssyncadd.s32 $0xFFFFF000  }
0x20: {  	[tilespmem:s13], [sflag:$0x1] =	stream.indirect.gather [hbm4b:s7+s15], $0x40, s2, s15, $0xb8;
	[tilespmem:$0x11000] =	vst v63  }
0x21: {  	_ = 	snop  }
0x22: {  	[tilespmem:s11], [sflag:$0x2] =	stream.indirect.gather [hbm4b:s7+s15], $0x40, s15, s15, $0xb8;
	[tilespmem:$0x11000] =	vst v63  }
0x23: {  	_ = 	snop  }
0x24: {  	[tilespmem:s9], [sflag:$0x3] =	stream.indirect.gather [hbm4b:s7+s15], $0x40, s30, s15, $0xb8;
	[tilespmem:$0x11000] =	vst v63  }
0x25: {  	_ = 	snop  }
0x26: {  	[tilespmem:s6], [sflag:$0x4] =	stream.indirect.gather [hbm4b:s7+s15], $0x40, s31, s15, $0xb8;
	[tilespmem:$0x11000] =	vst v63  }
0x27: {  	_ =	swait.ge [sflag:s16], $0x4000  }
0x28: {  	[sflag:s16] =	ssyncset.done $0x0  }
0x29: {  	s0 =	rddreg [dreg:$0x3];
	[sflag:s16] =	ssyncadd.s32 $0xFFFFC000  }
0x2a: {  	[hbm4b:s0+s2] =	stream.linear.scatter [tilespmem:s13], [sflag:$0x5], $0x4000, $0x38;
	[tilespmem:$0x11000] =	vst v63  }
0x2b: {  	_ =	swait.ge [sflag:s3], $0x4000  }
0x2c: {  	[sflag:s3] =	ssyncset.done $0x0  }
0x2d: {  	[sflag:s3] =	ssyncadd.s32 $0xFFFFC000  }
0x2e: {  	[tilespmem:s13], [sflag:$0x1] =	stream.indirect.gather [hbm4b:s7+s15], $0x40, s29, s15, $0xb8;
	[tilespmem:$0x11000] =	vst v63  }
0x2f: {  	_ =	swait.ge [sflag:s14], $0x4000  }
0x30: {  	[sflag:s14] =	ssyncset.done $0x0  }
0x31: {  	s0 =	rddreg [dreg:$0x4];
	[sflag:s14] =	ssyncadd.s32 $0xFFFFC000  }
0x32: {  	[hbm4b:s0+s2] =	stream.linear.scatter [tilespmem:s11], [sflag:$0x5], $0x4000, $0x38;
	[tilespmem:$0x11000] =	vst v63  }
0x33: {  	_ =	swait.ge [sflag:s3], $0x4000  }
0x34: {  	[sflag:s3] =	ssyncset.done $0x0  }
0x35: {  	[sflag:s3] =	ssyncadd.s32 $0xFFFFC000  }
0x36: {  	[tilespmem:s11], [sflag:$0x2] =	stream.indirect.gather [hbm4b:s7+s15], $0x40, s28, s15, $0xb8;
	[tilespmem:$0x11000] =	vst v63  }
0x37: {  	_ =	swait.ge [sflag:s12], $0x4000  }
0x38: {  	[sflag:s12] =	ssyncset.done $0x0  }
0x39: {  	s0 =	rddreg [dreg:$0x5];
	[sflag:s12] =	ssyncadd.s32 $0xFFFFC000  }
0x3a: {  	[hbm4b:s0+s2] =	stream.linear.scatter [tilespmem:s9], [sflag:$0x5], $0x4000, $0x38;
	[tilespmem:$0x11000] =	vst v63  }
0x3b: {  	_ =	swait.ge [sflag:s3], $0x4000  }
0x3c: {  	[sflag:s3] =	ssyncset.done $0x0  }
0x3d: {  	[sflag:s3] =	ssyncadd.s32 $0xFFFFC000  }
0x3e: {  	[tilespmem:s9], [sflag:$0x3] =	stream.indirect.gather [hbm4b:s7+s15], $0x40, s26, s15, $0xb8;
	[tilespmem:$0x11000] =	vst v63  }
0x3f: {  	_ =	swait.ge [sflag:s10], $0x4000  }
0x40: {  	[sflag:s10] =	ssyncset.done $0x0  }
0x41: {  	s0 =	rddreg [dreg:$0x6];
	[sflag:s10] =	ssyncadd.s32 $0xFFFFC000  }
0x42: {  	[hbm4b:s0+s2] =	stream.linear.scatter [tilespmem:s6], [sflag:$0x5], $0x4000, $0x38;
	[tilespmem:$0x11000] =	vst v63  }
0x43: {  	_ =	swait.ge [sflag:s3], $0x4000  }
0x44: {  	[sflag:s3] =	ssyncset.done $0x0  }
0x45: {  	[sflag:s3] =	ssyncadd.s32 $0xFFFFC000  }
0x46: {  	[tilespmem:s6], [sflag:$0x4] =	stream.indirect.gather [hbm4b:s7+s15], $0x40, s25, s15, $0xb8;
	[tilespmem:$0x11000] =	vst v63  }
0x47: {  	_ =	swait.ge [sflag:s16], $0x4000  }
0x48: {  	[sflag:s16] =	ssyncset.done $0x0  }
0x49: {  	s0 =	rddreg [dreg:$0x7];
	[sflag:s16] =	ssyncadd.s32 $0xFFFFC000  }
0x4a: {  	[hbm4b:s0+s2] =	stream.linear.scatter [tilespmem:s13], [sflag:$0x5], $0x4000, $0x38;
	[tilespmem:$0x11000] =	vst v63  }
0x4b: {  	_ =	swait.ge [sflag:s3], $0x4000  }
0x4c: {  	[sflag:s3] =	ssyncset.done $0x0  }
0x4d: {  	[sflag:s3] =	ssyncadd.s32 $0xFFFFC000  }
0x4e: {  	[tilespmem:s13], [sflag:$0x1] =	stream.indirect.gather [hbm4b:s7+s15], $0x40, s24, s15, $0xb8;
	[tilespmem:$0x11000] =	vst v63  }
0x4f: {  	_ =	swait.ge [sflag:s14], $0x4000  }
0x50: {  	[sflag:s14] =	ssyncset.done $0x0  }
0x51: {  	s0 =	rddreg [dreg:$0x8];
	[sflag:s14] =	ssyncadd.s32 $0xFFFFC000  }
0x52: {  	[hbm4b:s0+s2] =	stream.linear.scatter [tilespmem:s11], [sflag:$0x5], $0x4000, $0x38;
	[tilespmem:$0x11000] =	vst v63  }
0x53: {  	_ =	swait.ge [sflag:s3], $0x4000  }
0x54: {  	[sflag:s3] =	ssyncset.done $0x0  }
0x55: {  	[sflag:s3] =	ssyncadd.s32 $0xFFFFC000  }
0x56: {  	[tilespmem:s11], [sflag:$0x2] =	stream.indirect.gather [hbm4b:s7+s15], $0x40, s23, s15, $0xb8;
	[tilespmem:$0x11000] =	vst v63  }
0x57: {  	_ =	swait.ge [sflag:s12], $0x4000  }
0x58: {  	[sflag:s12] =	ssyncset.done $0x0  }
0x59: {  	s0 =	rddreg [dreg:$0x9];
	[sflag:s12] =	ssyncadd.s32 $0xFFFFC000  }
0x5a: {  	[hbm4b:s0+s2] =	stream.linear.scatter [tilespmem:s9], [sflag:$0x5], $0x4000, $0x38;
	[tilespmem:$0x11000] =	vst v63  }
0x5b: {  	_ =	swait.ge [sflag:s3], $0x4000  }
0x5c: {  	[sflag:s3] =	ssyncset.done $0x0  }
0x5d: {  	[sflag:s3] =	ssyncadd.s32 $0xFFFFC000  }
0x5e: {  	[tilespmem:s9], [sflag:$0x3] =	stream.indirect.gather [hbm4b:s7+s15], $0x40, s22, s15, $0xb8;
	[tilespmem:$0x11000] =	vst v63  }
0x5f: {  	_ =	swait.ge [sflag:s10], $0x4000  }
0x60: {  	[sflag:s10] =	ssyncset.done $0x0  }
0x61: {  	s0 =	rddreg [dreg:$0xa];
	[sflag:s10] =	ssyncadd.s32 $0xFFFFC000  }
0x62: {  	[hbm4b:s0+s2] =	stream.linear.scatter [tilespmem:s6], [sflag:$0x5], $0x4000, $0x38;
	[tilespmem:$0x11000] =	vst v63  }
0x63: {  	_ =	swait.ge [sflag:s3], $0x4000  }
0x64: {  	[sflag:s3] =	ssyncset.done $0x0  }
0x65: {  	[sflag:s3] =	ssyncadd.s32 $0xFFFFC000  }
0x66: {  	[tilespmem:s6], [sflag:$0x4] =	stream.indirect.gather [hbm4b:s7+s15], $0x40, s21, s15, $0xb8;
	[tilespmem:$0x11000] =	vst v63  }
0x67: {  	_ =	swait.ge [sflag:s16], $0x4000  }
0x68: {  	[sflag:s16] =	ssyncset.done $0x0  }
0x69: {  	s0 =	rddreg [dreg:$0xb];
	[sflag:s16] =	ssyncadd.s32 $0xFFFFC000  }
0x6a: {  	[hbm4b:s0+s2] =	stream.linear.scatter [tilespmem:s13], [sflag:$0x5], $0x4000, $0x38;
	[tilespmem:$0x11000] =	vst v63  }
0x6b: {  	_ =	swait.ge [sflag:s3], $0x4000  }
0x6c: {  	[sflag:s3] =	ssyncset.done $0x0  }
0x6d: {  	[sflag:s3] =	ssyncadd.s32 $0xFFFFC000  }
0x6e: {  	[tilespmem:s13], [sflag:$0x1] =	stream.indirect.gather [hbm4b:s7+s15], $0x40, s20, s15, $0xb8;
	[tilespmem:$0x11000] =	vst v63  }
0x6f: {  	_ =	swait.ge [sflag:s14], $0x4000  }
0x70: {  	[sflag:s14] =	ssyncset.done $0x0  }
0x71: {  	s0 =	rddreg [dreg:$0xc];
	[sflag:s14] =	ssyncadd.s32 $0xFFFFC000  }
0x72: {  	[hbm4b:s0+s2] =	stream.linear.scatter [tilespmem:s11], [sflag:$0x5], $0x4000, $0x38;
	[tilespmem:$0x11000] =	vst v63  }
0x73: {  	_ =	swait.ge [sflag:s3], $0x4000  }
0x74: {  	[sflag:s3] =	ssyncset.done $0x0  }
0x75: {  	[sflag:s3] =	ssyncadd.s32 $0xFFFFC000  }
0x76: {  	[tilespmem:s11], [sflag:$0x2] =	stream.indirect.gather [hbm4b:s7+s15], $0x40, s19, s15, $0xb8;
	[tilespmem:$0x11000] =	vst v63  }
0x77: {  	_ =	swait.ge [sflag:s12], $0x4000  }
0x78: {  	[sflag:s12] =	ssyncset.done $0x0  }
0x79: {  	s0 =	rddreg [dreg:$0xd];
	[sflag:s12] =	ssyncadd.s32 $0xFFFFC000  }
0x7a: {  	[hbm4b:s0+s2] =	stream.linear.scatter [tilespmem:s9], [sflag:$0x5], $0x4000, $0x38;
	[tilespmem:$0x11000] =	vst v63  }
0x7b: {  	_ =	swait.ge [sflag:s3], $0x4000  }
0x7c: {  	[sflag:s3] =	ssyncset.done $0x0  }
0x7d: {  	[sflag:s3] =	ssyncadd.s32 $0xFFFFC000  }
0x7e: {  	[tilespmem:s9], [sflag:$0x3] =	stream.indirect.gather [hbm4b:s7+s15], $0x40, s18, s15, $0xb8;
	[tilespmem:$0x11000] =	vst v63  }
0x7f: {  	_ =	swait.ge [sflag:s10], $0x4000  }
0x80: {  	[sflag:s10] =	ssyncset.done $0x0  }
0x81: {  	s0 =	rddreg [dreg:$0xe];
	[sflag:s10] =	ssyncadd.s32 $0xFFFFC000  }
0x82: {  	[hbm4b:s0+s2] =	stream.linear.scatter [tilespmem:s6], [sflag:$0x5], $0x4000, $0x38;
	[tilespmem:$0x11000] =	vst v63  }
0x83: {  	_ =	swait.ge [sflag:s3], $0x4000  }
0x84: {  	[sflag:s3] =	ssyncset.done $0x0  }
0x85: {  	[sflag:s3] =	ssyncadd.s32 $0xFFFFC000  }
0x86: {  	[tilespmem:s6], [sflag:$0x4] =	stream.indirect.gather [hbm4b:s7+s15], $0x40, s17, s15, $0xb8;
	[tilespmem:$0x11000] =	vst v63  }
0x87: {  	_ =	swait.ge [sflag:s16], $0x4000  }
0x88: {  	[sflag:s16] =	ssyncset.done $0x0  }
0x89: {  	s0 =	rddreg [dreg:$0xf];
	[sflag:s16] =	ssyncadd.s32 $0xFFFFC000  }
0x8a: {  	[hbm4b:s0+s2] =	stream.linear.scatter [tilespmem:s13], [sflag:$0x5], $0x4000, $0x38;
	[tilespmem:$0x11000] =	vst v63  }
0x8b: {  	_ =	swait.ge [sflag:s3], $0x4000  }
0x8c: {  	[sflag:s3] =	ssyncset.done $0x0  }
0x8d: {  	[sflag:s3] =	ssyncadd.s32 $0xFFFFC000  }
0x8e: {  	_ =	swait.ge [sflag:s14], $0x4000  }
0x8f: {  	[sflag:s14] =	ssyncset.done $0x0  }
0x90: {  	[sflag:s14] =	ssyncadd.s32 $0xFFFFC000  }
0x91: {  	[hbm4b:s8+s2] =	stream.linear.scatter [tilespmem:s11], [sflag:$0x5], $0x4000, $0x38;
	[tilespmem:$0x11000] =	vst v63  }
0x92: {  	_ =	swait.ge [sflag:s3], $0x4000  }
0x93: {  	[sflag:s3] =	ssyncset.done $0x0  }
0x94: {  	[sflag:s3] =	ssyncadd.s32 $0xFFFFC000  }
0x95: {  	_ =	swait.ge [sflag:s12], $0x4000  }
0x96: {  	[sflag:s12] =	ssyncset.done $0x0  }
0x97: {  	[sflag:s12] =	ssyncadd.s32 $0xFFFFC000  }
0x98: {  	[hbm4b:s5+s2] =	stream.linear.scatter [tilespmem:s9], [sflag:$0x5], $0x4000, $0x38;
	[tilespmem:$0x11000] =	vst v63  }
0x99: {  	_ =	swait.ge [sflag:s3], $0x4000  }
0x9a: {  	[sflag:s3] =	ssyncset.done $0x0  }
0x9b: {  	[sflag:s3] =	ssyncadd.s32 $0xFFFFC000  }
0x9c: {  	p1 =	sne.s32 s1, $0x1;
	_ =	swait.ge [sflag:s10], $0x4000  }
.Ltmp1:
0x9d: {  	[sflag:s10] =	ssyncset.done $0x0;
	(pc) =	sbr.rel @!p1 .LBB2_3-.Ltmp1, $4  }
0x9e: {  	[sflag:s10] =	ssyncadd.s32 $0xFFFFC000  }
0x9f: {  	[hbm4b:s4+s2] =	stream.linear.scatter [tilespmem:s6], [sflag:$0x5], $0x4000, $0x38;
	[tilespmem:$0x11000] =	vst v63  }
0xa0: {  	s1 =	sadd.s32 $0xFFFFFFFF, s1;
	_ =	swait.ge [sflag:s3], $0x4000  }
0xa1: {  	p0 =	por $0x1, $0x1;
	s0 =	rddreg [dreg:$0x2];
	[sflag:s3] =	ssyncset.done $0x0  }
.LBB2_2:
0xa2: {  	[sflag:s3] =	ssyncadd.s32 $0xFFFFC000  }
0xa3: {  	[tilespmem:s2], [sflag:$0x5] =	stream.linear.gather [hbm4b:s0+s2], $0x1000, $0x38;
	[tilespmem:$0x11000] =	vst v63  }
0xa4: {  	_ =	swait.ge [sflag:s3], $0x1000  }
0xa5: {  	[sflag:s3] =	ssyncset.done $0x0  }
0xa6: {  	[sflag:s3] =	ssyncadd.s32 $0xFFFFF000  }
0xa7: {  	[tilespmem:s13], [sflag:$0x1] =	stream.indirect.gather [hbm4b:s7+s15], $0x40, s2, s15, $0xb8;
	[tilespmem:$0x11000] =	vst v63  }
0xa8: {  	_ = 	snop  }
0xa9: {  	[tilespmem:s11], [sflag:$0x2] =	stream.indirect.gather [hbm4b:s7+s15], $0x40, s15, s15, $0xb8;
	[tilespmem:$0x11000] =	vst v63  }
0xaa: {  	_ = 	snop  }
0xab: {  	[tilespmem:s9], [sflag:$0x3] =	stream.indirect.gather [hbm4b:s7+s15], $0x40, s30, s15, $0xb8;
	[tilespmem:$0x11000] =	vst v63  }
0xac: {  	_ = 	snop  }
0xad: {  	[tilespmem:s6], [sflag:$0x4] =	stream.indirect.gather [hbm4b:s7+s15], $0x40, s31, s15, $0xb8;
	[tilespmem:$0x11000] =	vst v63  }
0xae: {  	_ =	swait.ge [sflag:s16], $0x4000  }
0xaf: {  	[sflag:s16] =	ssyncset.done $0x0  }
0xb0: {  	s0 =	rddreg [dreg:$0x3];
	[sflag:s16] =	ssyncadd.s32 $0xFFFFC000  }
0xb1: {  	[hbm4b:s0+s2] =	stream.linear.scatter [tilespmem:s13], [sflag:$0x5], $0x4000, $0x38;
	[tilespmem:$0x11000] =	vst v63  }
0xb2: {  	_ =	swait.ge [sflag:s3], $0x4000  }
0xb3: {  	[sflag:s3] =	ssyncset.done $0x0  }
0xb4: {  	[sflag:s3] =	ssyncadd.s32 $0xFFFFC000  }
0xb5: {  	[tilespmem:s13], [sflag:$0x1] =	stream.indirect.gather [hbm4b:s7+s15], $0x40, s29, s15, $0xb8;
	[tilespmem:$0x11000] =	vst v63  }
0xb6: {  	_ =	swait.ge [sflag:s14], $0x4000  }
0xb7: {  	[sflag:s14] =	ssyncset.done $0x0  }
0xb8: {  	s0 =	rddreg [dreg:$0x4];
	[sflag:s14] =	ssyncadd.s32 $0xFFFFC000  }
0xb9: {  	[hbm4b:s0+s2] =	stream.linear.scatter [tilespmem:s11], [sflag:$0x5], $0x4000, $0x38;
	[tilespmem:$0x11000] =	vst v63  }
0xba: {  	_ =	swait.ge [sflag:s3], $0x4000  }
0xbb: {  	[sflag:s3] =	ssyncset.done $0x0  }
0xbc: {  	[sflag:s3] =	ssyncadd.s32 $0xFFFFC000  }
0xbd: {  	[tilespmem:s11], [sflag:$0x2] =	stream.indirect.gather [hbm4b:s7+s15], $0x40, s28, s15, $0xb8;
	[tilespmem:$0x11000] =	vst v63  }
0xbe: {  	_ =	swait.ge [sflag:s12], $0x4000  }
0xbf: {  	[sflag:s12] =	ssyncset.done $0x0  }
0xc0: {  	s0 =	rddreg [dreg:$0x5];
	[sflag:s12] =	ssyncadd.s32 $0xFFFFC000  }
0xc1: {  	[hbm4b:s0+s2] =	stream.linear.scatter [tilespmem:s9], [sflag:$0x5], $0x4000, $0x38;
	[tilespmem:$0x11000] =	vst v63  }
0xc2: {  	_ =	swait.ge [sflag:s3], $0x4000  }
0xc3: {  	[sflag:s3] =	ssyncset.done $0x0  }
0xc4: {  	[sflag:s3] =	ssyncadd.s32 $0xFFFFC000  }
0xc5: {  	[tilespmem:s9], [sflag:$0x3] =	stream.indirect.gather [hbm4b:s7+s15], $0x40, s26, s15, $0xb8;
	[tilespmem:$0x11000] =	vst v63  }
0xc6: {  	_ =	swait.ge [sflag:s10], $0x4000  }
0xc7: {  	[sflag:s10] =	ssyncset.done $0x0  }
0xc8: {  	s0 =	rddreg [dreg:$0x6];
	[sflag:s10] =	ssyncadd.s32 $0xFFFFC000  }
0xc9: {  	[hbm4b:s0+s2] =	stream.linear.scatter [tilespmem:s6], [sflag:$0x5], $0x4000, $0x38;
	[tilespmem:$0x11000] =	vst v63  }
0xca: {  	_ =	swait.ge [sflag:s3], $0x4000  }
0xcb: {  	[sflag:s3] =	ssyncset.done $0x0  }
0xcc: {  	[sflag:s3] =	ssyncadd.s32 $0xFFFFC000  }
0xcd: {  	[tilespmem:s6], [sflag:$0x4] =	stream.indirect.gather [hbm4b:s7+s15], $0x40, s25, s15, $0xb8;
	[tilespmem:$0x11000] =	vst v63  }
0xce: {  	_ =	swait.ge [sflag:s16], $0x4000  }
0xcf: {  	[sflag:s16] =	ssyncset.done $0x0  }
0xd0: {  	s0 =	rddreg [dreg:$0x7];
	[sflag:s16] =	ssyncadd.s32 $0xFFFFC000  }
0xd1: {  	[hbm4b:s0+s2] =	stream.linear.scatter [tilespmem:s13], [sflag:$0x5], $0x4000, $0x38;
	[tilespmem:$0x11000] =	vst v63  }
0xd2: {  	_ =	swait.ge [sflag:s3], $0x4000  }
0xd3: {  	[sflag:s3] =	ssyncset.done $0x0  }
0xd4: {  	[sflag:s3] =	ssyncadd.s32 $0xFFFFC000  }
0xd5: {  	[tilespmem:s13], [sflag:$0x1] =	stream.indirect.gather [hbm4b:s7+s15], $0x40, s24, s15, $0xb8;
	[tilespmem:$0x11000] =	vst v63  }
0xd6: {  	_ =	swait.ge [sflag:s14], $0x4000  }
0xd7: {  	[sflag:s14] =	ssyncset.done $0x0  }
0xd8: {  	s0 =	rddreg [dreg:$0x8];
	[sflag:s14] =	ssyncadd.s32 $0xFFFFC000  }
0xd9: {  	[hbm4b:s0+s2] =	stream.linear.scatter [tilespmem:s11], [sflag:$0x5], $0x4000, $0x38;
	[tilespmem:$0x11000] =	vst v63  }
0xda: {  	_ =	swait.ge [sflag:s3], $0x4000  }
0xdb: {  	[sflag:s3] =	ssyncset.done $0x0  }
0xdc: {  	[sflag:s3] =	ssyncadd.s32 $0xFFFFC000  }
0xdd: {  	[tilespmem:s11], [sflag:$0x2] =	stream.indirect.gather [hbm4b:s7+s15], $0x40, s23, s15, $0xb8;
	[tilespmem:$0x11000] =	vst v63  }
0xde: {  	_ =	swait.ge [sflag:s12], $0x4000  }
0xdf: {  	[sflag:s12] =	ssyncset.done $0x0  }
0xe0: {  	s0 =	rddreg [dreg:$0x9];
	[sflag:s12] =	ssyncadd.s32 $0xFFFFC000  }
0xe1: {  	[hbm4b:s0+s2] =	stream.linear.scatter [tilespmem:s9], [sflag:$0x5], $0x4000, $0x38;
	[tilespmem:$0x11000] =	vst v63  }
0xe2: {  	_ =	swait.ge [sflag:s3], $0x4000  }
0xe3: {  	[sflag:s3] =	ssyncset.done $0x0  }
0xe4: {  	[sflag:s3] =	ssyncadd.s32 $0xFFFFC000  }
0xe5: {  	[tilespmem:s9], [sflag:$0x3] =	stream.indirect.gather [hbm4b:s7+s15], $0x40, s22, s15, $0xb8;
	[tilespmem:$0x11000] =	vst v63  }
0xe6: {  	_ =	swait.ge [sflag:s10], $0x4000  }
0xe7: {  	[sflag:s10] =	ssyncset.done $0x0  }
0xe8: {  	s0 =	rddreg [dreg:$0xa];
	[sflag:s10] =	ssyncadd.s32 $0xFFFFC000  }
0xe9: {  	[hbm4b:s0+s2] =	stream.linear.scatter [tilespmem:s6], [sflag:$0x5], $0x4000, $0x38;
	[tilespmem:$0x11000] =	vst v63  }
0xea: {  	_ =	swait.ge [sflag:s3], $0x4000  }
0xeb: {  	[sflag:s3] =	ssyncset.done $0x0  }
0xec: {  	[sflag:s3] =	ssyncadd.s32 $0xFFFFC000  }
0xed: {  	[tilespmem:s6], [sflag:$0x4] =	stream.indirect.gather [hbm4b:s7+s15], $0x40, s21, s15, $0xb8;
	[tilespmem:$0x11000] =	vst v63  }
0xee: {  	_ =	swait.ge [sflag:s16], $0x4000  }
0xef: {  	[sflag:s16] =	ssyncset.done $0x0  }
0xf0: {  	s0 =	rddreg [dreg:$0xb];
	[sflag:s16] =	ssyncadd.s32 $0xFFFFC000  }
0xf1: {  	[hbm4b:s0+s2] =	stream.linear.scatter [tilespmem:s13], [sflag:$0x5], $0x4000, $0x38;
	[tilespmem:$0x11000] =	vst v63  }
0xf2: {  	_ =	swait.ge [sflag:s3], $0x4000  }
0xf3: {  	[sflag:s3] =	ssyncset.done $0x0  }
0xf4: {  	[sflag:s3] =	ssyncadd.s32 $0xFFFFC000  }
0xf5: {  	[tilespmem:s13], [sflag:$0x1] =	stream.indirect.gather [hbm4b:s7+s15], $0x40, s20, s15, $0xb8;
	[tilespmem:$0x11000] =	vst v63  }
0xf6: {  	_ =	swait.ge [sflag:s14], $0x4000  }
0xf7: {  	[sflag:s14] =	ssyncset.done $0x0  }
0xf8: {  	s0 =	rddreg [dreg:$0xc];
	[sflag:s14] =	ssyncadd.s32 $0xFFFFC000  }
0xf9: {  	[hbm4b:s0+s2] =	stream.linear.scatter [tilespmem:s11], [sflag:$0x5], $0x4000, $0x38;
	[tilespmem:$0x11000] =	vst v63  }
0xfa: {  	_ =	swait.ge [sflag:s3], $0x4000  }
0xfb: {  	[sflag:s3] =	ssyncset.done $0x0  }
0xfc: {  	[sflag:s3] =	ssyncadd.s32 $0xFFFFC000  }
0xfd: {  	[tilespmem:s11], [sflag:$0x2] =	stream.indirect.gather [hbm4b:s7+s15], $0x40, s19, s15, $0xb8;
	[tilespmem:$0x11000] =	vst v63  }
0xfe: {  	_ =	swait.ge [sflag:s12], $0x4000  }
0xff: {  	[sflag:s12] =	ssyncset.done $0x0  }
0x100: {  	s0 =	rddreg [dreg:$0xd];
	[sflag:s12] =	ssyncadd.s32 $0xFFFFC000  }
0x101: {  	[hbm4b:s0+s2] =	stream.linear.scatter [tilespmem:s9], [sflag:$0x5], $0x4000, $0x38;
	[tilespmem:$0x11000] =	vst v63  }
0x102: {  	_ =	swait.ge [sflag:s3], $0x4000  }
0x103: {  	[sflag:s3] =	ssyncset.done $0x0  }
0x104: {  	[sflag:s3] =	ssyncadd.s32 $0xFFFFC000  }
0x105: {  	[tilespmem:s9], [sflag:$0x3] =	stream.indirect.gather [hbm4b:s7+s15], $0x40, s18, s15, $0xb8;
	[tilespmem:$0x11000] =	vst v63  }
0x106: {  	_ =	swait.ge [sflag:s10], $0x4000  }
0x107: {  	[sflag:s10] =	ssyncset.done $0x0  }
0x108: {  	s0 =	rddreg [dreg:$0xe];
	[sflag:s10] =	ssyncadd.s32 $0xFFFFC000  }
0x109: {  	[hbm4b:s0+s2] =	stream.linear.scatter [tilespmem:s6], [sflag:$0x5], $0x4000, $0x38;
	[tilespmem:$0x11000] =	vst v63  }
0x10a: {  	_ =	swait.ge [sflag:s3], $0x4000  }
0x10b: {  	[sflag:s3] =	ssyncset.done $0x0  }
0x10c: {  	[sflag:s3] =	ssyncadd.s32 $0xFFFFC000  }
0x10d: {  	[tilespmem:s6], [sflag:$0x4] =	stream.indirect.gather [hbm4b:s7+s15], $0x40, s17, s15, $0xb8;
	[tilespmem:$0x11000] =	vst v63  }
0x10e: {  	_ =	swait.ge [sflag:s16], $0x4000  }
0x10f: {  	[sflag:s16] =	ssyncset.done $0x0  }
0x110: {  	s0 =	rddreg [dreg:$0xf];
	[sflag:s16] =	ssyncadd.s32 $0xFFFFC000  }
0x111: {  	[hbm4b:s0+s2] =	stream.linear.scatter [tilespmem:s13], [sflag:$0x5], $0x4000, $0x38;
	[tilespmem:$0x11000] =	vst v63  }
0x112: {  	_ =	swait.ge [sflag:s3], $0x4000  }
0x113: {  	[sflag:s3] =	ssyncset.done $0x0  }
0x114: {  	[sflag:s3] =	ssyncadd.s32 $0xFFFFC000  }
0x115: {  	_ =	swait.ge [sflag:s14], $0x4000  }
0x116: {  	[sflag:s14] =	ssyncset.done $0x0  }
0x117: {  	[sflag:s14] =	ssyncadd.s32 $0xFFFFC000  }
0x118: {  	[hbm4b:s8+s2] =	stream.linear.scatter [tilespmem:s11], [sflag:$0x5], $0x4000, $0x38;
	[tilespmem:$0x11000] =	vst v63  }
0x119: {  	_ =	swait.ge [sflag:s3], $0x4000  }
0x11a: {  	[sflag:s3] =	ssyncset.done $0x0  }
0x11b: {  	[sflag:s3] =	ssyncadd.s32 $0xFFFFC000  }
0x11c: {  	_ =	swait.ge [sflag:s12], $0x4000  }
0x11d: {  	[sflag:s12] =	ssyncset.done $0x0  }
0x11e: {  	[sflag:s12] =	ssyncadd.s32 $0xFFFFC000  }
0x11f: {  	[hbm4b:s5+s2] =	stream.linear.scatter [tilespmem:s9], [sflag:$0x5], $0x4000, $0x38;
	[tilespmem:$0x11000] =	vst v63  }
0x120: {  	_ =	swait.ge [sflag:s3], $0x4000  }
0x121: {  	[sflag:s3] =	ssyncset.done $0x0  }
0x122: {  	[sflag:s3] =	ssyncadd.s32 $0xFFFFC000  }
0x123: {  	p1 =	sne.s32 s1, $0x1;
	_ =	swait.ge [sflag:s10], $0x4000  }
.Ltmp2:
0x124: {  	[sflag:s10] =	ssyncset.done $0x0;
	(pc) =	sbr.rel @p1 .LBB2_2-.Ltmp2, $4  }
0x125: {  	[sflag:s10] =	ssyncadd.s32 $0xFFFFC000  }
0x126: {  	[hbm4b:s4+s2] =	stream.linear.scatter [tilespmem:s6], [sflag:$0x5], $0x4000, $0x38;
	[tilespmem:$0x11000] =	vst v63  }
0x127: {  	_ =	swait.ge [sflag:s3], $0x4000  }
0x128: {  	s1 =	sadd.s32 $0xFFFFFFFF, s1;
	s0 =	rddreg [dreg:$0x2];
	[sflag:s3] =	ssyncset.done $0x0  }
.LBB2_3:
0x129: {  	[sflag:s3] =	ssyncadd.s32 @p0 $0xFFFFC000  }
0x12a: {  	[tilespmem:s2], [sflag:$0x5] =	stream.linear.gather [hbm4b:s0+s2], $0x1000, $0x38;
	[tilespmem:$0x11000] =	vst v63  }
0x12b: {  	_ =	swait.ge [sflag:s3], $0x1000  }
0x12c: {  	[sflag:s3] =	ssyncset.done $0x0  }
0x12d: {  	[sflag:s3] =	ssyncadd.s32 $0xFFFFF000  }
0x12e: {  	[tilespmem:s13], [sflag:$0x1] =	stream.indirect.gather [hbm4b:s7+s15], $0x40, s2, s15, $0xb8;
	[tilespmem:$0x11000] =	vst v63  }
0x12f: {  	_ = 	snop  }
0x130: {  	[tilespmem:s11], [sflag:$0x2] =	stream.indirect.gather [hbm4b:s7+s15], $0x40, s15, s15, $0xb8;
	[tilespmem:$0x11000] =	vst v63  }
0x131: {  	_ = 	snop  }
0x132: {  	[tilespmem:s9], [sflag:$0x3] =	stream.indirect.gather [hbm4b:s7+s15], $0x40, s30, s15, $0xb8;
	[tilespmem:$0x11000] =	vst v63  }
0x133: {  	_ = 	snop  }
0x134: {  	[tilespmem:s6], [sflag:$0x4] =	stream.indirect.gather [hbm4b:s7+s15], $0x40, s31, s15, $0xb8;
	[tilespmem:$0x11000] =	vst v63  }
0x135: {  	_ =	swait.ge [sflag:s16], $0x4000  }
0x136: {  	[sflag:s16] =	ssyncset.done $0x0  }
0x137: {  	s31 =	rddreg [dreg:$0x3];
	[sflag:s16] =	ssyncadd.s32 $0xFFFFC000  }
0x138: {  	[hbm4b:s31+s2] =	stream.linear.scatter [tilespmem:s13], [sflag:$0x5], $0x4000, $0x38;
	[tilespmem:$0x11000] =	vst v63  }
0x139: {  	_ =	swait.ge [sflag:s3], $0x4000  }
0x13a: {  	[sflag:s3] =	ssyncset.done $0x0  }
0x13b: {  	[sflag:s3] =	ssyncadd.s32 $0xFFFFC000  }
0x13c: {  	[tilespmem:s13], [sflag:$0x1] =	stream.indirect.gather [hbm4b:s7+s15], $0x40, s29, s15, $0xb8;
	[tilespmem:$0x11000] =	vst v63  }
0x13d: {  	_ =	swait.ge [sflag:s14], $0x4000  }
0x13e: {  	[sflag:s14] =	ssyncset.done $0x0  }
0x13f: {  	s1 =	rddreg [dreg:$0x4];
	[sflag:s14] =	ssyncadd.s32 $0xFFFFC000  }
0x140: {  	[hbm4b:s1+s2] =	stream.linear.scatter [tilespmem:s11], [sflag:$0x5], $0x4000, $0x38;
	[tilespmem:$0x11000] =	vst v63  }
0x141: {  	_ =	swait.ge [sflag:s3], $0x4000  }
0x142: {  	[sflag:s3] =	ssyncset.done $0x0  }
0x143: {  	[sflag:s3] =	ssyncadd.s32 $0xFFFFC000  }
0x144: {  	[tilespmem:s11], [sflag:$0x2] =	stream.indirect.gather [hbm4b:s7+s15], $0x40, s28, s15, $0xb8;
	[tilespmem:$0x11000] =	vst v63  }
0x145: {  	_ =	swait.ge [sflag:s12], $0x4000  }
0x146: {  	[sflag:s12] =	ssyncset.done $0x0  }
0x147: {  	s29 =	rddreg [dreg:$0x5];
	[sflag:s12] =	ssyncadd.s32 $0xFFFFC000  }
0x148: {  	[hbm4b:s29+s2] =	stream.linear.scatter [tilespmem:s9], [sflag:$0x5], $0x4000, $0x38;
	[tilespmem:$0x11000] =	vst v63  }
0x149: {  	_ =	swait.ge [sflag:s3], $0x4000  }
0x14a: {  	[sflag:s3] =	ssyncset.done $0x0  }
0x14b: {  	[sflag:s3] =	ssyncadd.s32 $0xFFFFC000  }
0x14c: {  	[tilespmem:s9], [sflag:$0x3] =	stream.indirect.gather [hbm4b:s7+s15], $0x40, s26, s15, $0xb8;
	[tilespmem:$0x11000] =	vst v63  }
0x14d: {  	_ =	swait.ge [sflag:s10], $0x4000  }
0x14e: {  	[sflag:s10] =	ssyncset.done $0x0  }
0x14f: {  	s30 =	rddreg [dreg:$0x6];
	[sflag:s10] =	ssyncadd.s32 $0xFFFFC000  }
0x150: {  	[hbm4b:s30+s2] =	stream.linear.scatter [tilespmem:s6], [sflag:$0x5], $0x4000, $0x38;
	[tilespmem:$0x11000] =	vst v63  }
0x151: {  	_ =	swait.ge [sflag:s3], $0x4000  }
0x152: {  	[sflag:s3] =	ssyncset.done $0x0  }
0x153: {  	[sflag:s3] =	ssyncadd.s32 $0xFFFFC000  }
0x154: {  	[tilespmem:s6], [sflag:$0x4] =	stream.indirect.gather [hbm4b:s7+s15], $0x40, s25, s15, $0xb8;
	[tilespmem:$0x11000] =	vst v63  }
0x155: {  	_ =	swait.ge [sflag:s16], $0x4000  }
0x156: {  	[sflag:s16] =	ssyncset.done $0x0  }
0x157: {  	s31 =	rddreg [dreg:$0x7];
	[sflag:s16] =	ssyncadd.s32 $0xFFFFC000  }
0x158: {  	[hbm4b:s31+s2] =	stream.linear.scatter [tilespmem:s13], [sflag:$0x5], $0x4000, $0x38;
	[tilespmem:$0x11000] =	vst v63  }
0x159: {  	_ =	swait.ge [sflag:s3], $0x4000  }
0x15a: {  	[sflag:s3] =	ssyncset.done $0x0  }
0x15b: {  	[sflag:s3] =	ssyncadd.s32 $0xFFFFC000  }
0x15c: {  	[tilespmem:s13], [sflag:$0x1] =	stream.indirect.gather [hbm4b:s7+s15], $0x40, s24, s15, $0xb8;
	[tilespmem:$0x11000] =	vst v63  }
0x15d: {  	_ =	swait.ge [sflag:s14], $0x4000  }
0x15e: {  	[sflag:s14] =	ssyncset.done $0x0  }
0x15f: {  	s1 =	rddreg [dreg:$0x8];
	[sflag:s14] =	ssyncadd.s32 $0xFFFFC000  }
0x160: {  	[hbm4b:s1+s2] =	stream.linear.scatter [tilespmem:s11], [sflag:$0x5], $0x4000, $0x38;
	[tilespmem:$0x11000] =	vst v63  }
0x161: {  	_ =	swait.ge [sflag:s3], $0x4000  }
0x162: {  	[sflag:s3] =	ssyncset.done $0x0  }
0x163: {  	[sflag:s3] =	ssyncadd.s32 $0xFFFFC000  }
0x164: {  	[tilespmem:s11], [sflag:$0x2] =	stream.indirect.gather [hbm4b:s7+s15], $0x40, s23, s15, $0xb8;
	[tilespmem:$0x11000] =	vst v63  }
0x165: {  	_ =	swait.ge [sflag:s12], $0x4000  }
0x166: {  	[sflag:s12] =	ssyncset.done $0x0  }
0x167: {  	s23 =	rddreg [dreg:$0x9];
	[sflag:s12] =	ssyncadd.s32 $0xFFFFC000  }
0x168: {  	[hbm4b:s23+s2] =	stream.linear.scatter [tilespmem:s9], [sflag:$0x5], $0x4000, $0x38;
	[tilespmem:$0x11000] =	vst v63  }
0x169: {  	_ =	swait.ge [sflag:s3], $0x4000  }
0x16a: {  	[sflag:s3] =	ssyncset.done $0x0  }
0x16b: {  	[sflag:s3] =	ssyncadd.s32 $0xFFFFC000  }
0x16c: {  	[tilespmem:s9], [sflag:$0x3] =	stream.indirect.gather [hbm4b:s7+s15], $0x40, s22, s15, $0xb8;
	[tilespmem:$0x11000] =	vst v63  }
0x16d: {  	_ =	swait.ge [sflag:s10], $0x4000  }
0x16e: {  	[sflag:s10] =	ssyncset.done $0x0  }
0x16f: {  	s24 =	rddreg [dreg:$0xa];
	[sflag:s10] =	ssyncadd.s32 $0xFFFFC000  }
0x170: {  	[hbm4b:s24+s2] =	stream.linear.scatter [tilespmem:s6], [sflag:$0x5], $0x4000, $0x38;
	[tilespmem:$0x11000] =	vst v63  }
0x171: {  	_ =	swait.ge [sflag:s3], $0x4000  }
0x172: {  	[sflag:s3] =	ssyncset.done $0x0  }
0x173: {  	[sflag:s3] =	ssyncadd.s32 $0xFFFFC000  }
0x174: {  	[tilespmem:s6], [sflag:$0x4] =	stream.indirect.gather [hbm4b:s7+s15], $0x40, s21, s15, $0xb8;
	[tilespmem:$0x11000] =	vst v63  }
0x175: {  	_ =	swait.ge [sflag:s16], $0x4000  }
0x176: {  	[sflag:s16] =	ssyncset.done $0x0  }
0x177: {  	s25 =	rddreg [dreg:$0xb];
	[sflag:s16] =	ssyncadd.s32 $0xFFFFC000  }
0x178: {  	[hbm4b:s25+s2] =	stream.linear.scatter [tilespmem:s13], [sflag:$0x5], $0x4000, $0x38;
	[tilespmem:$0x11000] =	vst v63  }
0x179: {  	_ =	swait.ge [sflag:s3], $0x4000  }
0x17a: {  	[sflag:s3] =	ssyncset.done $0x0  }
0x17b: {  	[sflag:s3] =	ssyncadd.s32 $0xFFFFC000  }
0x17c: {  	[tilespmem:s13], [sflag:$0x1] =	stream.indirect.gather [hbm4b:s7+s15], $0x40, s20, s15, $0xb8;
	[tilespmem:$0x11000] =	vst v63  }
0x17d: {  	_ =	swait.ge [sflag:s14], $0x4000  }
0x17e: {  	[sflag:s14] =	ssyncset.done $0x0  }
0x17f: {  	s26 =	rddreg [dreg:$0xc];
	[sflag:s14] =	ssyncadd.s32 $0xFFFFC000  }
0x180: {  	[hbm4b:s26+s2] =	stream.linear.scatter [tilespmem:s11], [sflag:$0x5], $0x4000, $0x38;
	[tilespmem:$0x11000] =	vst v63  }
0x181: {  	_ =	swait.ge [sflag:s3], $0x4000  }
0x182: {  	[sflag:s3] =	ssyncset.done $0x0  }
0x183: {  	[sflag:s3] =	ssyncadd.s32 $0xFFFFC000  }
0x184: {  	[tilespmem:s11], [sflag:$0x2] =	stream.indirect.gather [hbm4b:s7+s15], $0x40, s19, s15, $0xb8;
	[tilespmem:$0x11000] =	vst v63  }
0x185: {  	_ =	swait.ge [sflag:s12], $0x4000  }
0x186: {  	[sflag:s12] =	ssyncset.done $0x0  }
0x187: {  	s28 =	rddreg [dreg:$0xd];
	[sflag:s12] =	ssyncadd.s32 $0xFFFFC000  }
0x188: {  	[hbm4b:s28+s2] =	stream.linear.scatter [tilespmem:s9], [sflag:$0x5], $0x4000, $0x38;
	[tilespmem:$0x11000] =	vst v63  }
0x189: {  	_ =	swait.ge [sflag:s3], $0x4000  }
0x18a: {  	[sflag:s3] =	ssyncset.done $0x0  }
0x18b: {  	[sflag:s3] =	ssyncadd.s32 $0xFFFFC000  }
0x18c: {  	[tilespmem:s9], [sflag:$0x3] =	stream.indirect.gather [hbm4b:s7+s15], $0x40, s18, s15, $0xb8;
	[tilespmem:$0x11000] =	vst v63  }
0x18d: {  	_ =	swait.ge [sflag:s10], $0x4000  }
0x18e: {  	[sflag:s10] =	ssyncset.done $0x0  }
0x18f: {  	s29 =	rddreg [dreg:$0xe];
	[sflag:s10] =	ssyncadd.s32 $0xFFFFC000  }
0x190: {  	[hbm4b:s29+s2] =	stream.linear.scatter [tilespmem:s6], [sflag:$0x5], $0x4000, $0x38;
	[tilespmem:$0x11000] =	vst v63  }
0x191: {  	_ =	swait.ge [sflag:s3], $0x4000  }
0x192: {  	[sflag:s3] =	ssyncset.done $0x0  }
0x193: {  	[sflag:s3] =	ssyncadd.s32 $0xFFFFC000  }
0x194: {  	[tilespmem:s6], [sflag:$0x4] =	stream.indirect.gather [hbm4b:s7+s15], $0x40, s17, s15, $0xb8;
	[tilespmem:$0x11000] =	vst v63  }
0x195: {  	_ =	swait.ge [sflag:s16], $0x4000  }
0x196: {  	[sflag:s16] =	ssyncset.done $0x0  }
0x197: {  	s30 =	rddreg [dreg:$0xf];
	[sflag:s16] =	ssyncadd.s32 $0xFFFFC000  }
0x198: {  	[hbm4b:s30+s2] =	stream.linear.scatter [tilespmem:s13], [sflag:$0x5], $0x4000, $0x38;
	[tilespmem:$0x11000] =	vst v63  }
0x199: {  	_ =	swait.ge [sflag:s3], $0x4000  }
0x19a: {  	[sflag:s3] =	ssyncset.done $0x0  }
0x19b: {  	[sflag:s3] =	ssyncadd.s32 $0xFFFFC000  }
0x19c: {  	_ =	swait.ge [sflag:s14], $0x4000  }
0x19d: {  	[sflag:s14] =	ssyncset.done $0x0  }
0x19e: {  	[sflag:s14] =	ssyncadd.s32 $0xFFFFC000  }
0x19f: {  	[hbm4b:s8+s2] =	stream.linear.scatter [tilespmem:s11], [sflag:$0x5], $0x4000, $0x38;
	[tilespmem:$0x11000] =	vst v63  }
0x1a0: {  	_ =	swait.ge [sflag:s3], $0x4000  }
0x1a1: {  	[sflag:s3] =	ssyncset.done $0x0  }
0x1a2: {  	[sflag:s3] =	ssyncadd.s32 $0xFFFFC000  }
0x1a3: {  	_ =	swait.ge [sflag:s12], $0x4000  }
0x1a4: {  	[sflag:s12] =	ssyncset.done $0x0  }
0x1a5: {  	[sflag:s12] =	ssyncadd.s32 $0xFFFFC000  }
0x1a6: {  	[hbm4b:s5+s2] =	stream.linear.scatter [tilespmem:s9], [sflag:$0x5], $0x4000, $0x38;
	[tilespmem:$0x11000] =	vst v63  }
0x1a7: {  	_ =	swait.ge [sflag:s3], $0x4000  }
0x1a8: {  	[sflag:s3] =	ssyncset.done $0x0  }
0x1a9: {  	[sflag:s3] =	ssyncadd.s32 $0xFFFFC000  }
0x1aa: {  	_ =	swait.ge [sflag:s10], $0x4000  }
0x1ab: {  	[sflag:s10] =	ssyncset.done $0x0  }
0x1ac: {  	[sflag:s10] =	ssyncadd.s32 $0xFFFFC000  }
0x1ad: {  	[hbm4b:s4+s2] =	stream.linear.scatter [tilespmem:s6], [sflag:$0x5], $0x4000, $0x38;
	[tilespmem:$0x11000] =	vst v63  }
0x1ae: {  	_ =	swait.ge [sflag:s3], $0x4000  }
0x1af: {  	[sflag:s3] =	ssyncset.done $0x0  }
0x1b0: {  	[sflag:s3] =	ssyncadd.s32 $0xFFFFC000  }
0x1b1: {  	_ =	sfence.sel $0x180000  }
0x1b2: {  	[bflag:$0x0] =	sbarrier.arrive $0xFFFF  }
0x1b3: {  	_ =	strace $0x90000047  }
0x1b4: {  	s31 =	stileid.u32;
	[bflag:$0x2] =	sbarrier.arrive $0xFFFF  }
0x1b5: {  	p0 =	sne.s32 s31, $0x0;
	s0 =	rddreg [dreg:$0x1]  }
0x1b6: {  	s0 =	sadd.s32 @!p0 $0x100000, s0  }
0x1b7: {  	[sflag:s0] =	ssyncadd.tile.s32 @!p0 $0x1;
	_ =	shalt  }
.Lfunc_end2:
_tile_overlayer_lowered:
.L_overlay_start_2:
0x1b8: {  	(tag) =	ssettag $0x2  }
0x1b9: {  	s0 =	rddreg [dreg:$0x0];
	s2 =	stileid.u32  }
0x1ba: {  	s1 =	rddreg [dreg:$0x1];
	p0 =	sne.s32 s2, $0x0  }
0x1bb: {  	s3 =	rddreg [dreg:$0x2];
	[bflag:$0x3] =	sbarrier.arrive $0xFFFF;
	s2 =	simm.s32 @!p0 $0x1C05  }
0x1bc: {  	[timem:s3], [sflag:s2] =	dma.local @!p0 [hbm:s0], s1  }
0x1bd: {  	s0 =	simm.s32 @!p0 $0x5  }
0x1be: {  	_ =	swait.ge @!p0 [sflag:s0], s1  }
0x1bf: {  	s1 =	ssub.s32 @!p0 $0x0, s1;
	[sflag:s0] =	ssyncset.done @!p0 $0x0  }
0x1c0: {  	[sflag:s0] =	ssyncadd.s32 @!p0 s1  }
0x1c1: {  	[bflag:$0x3] =	sbarrier.arrive $0xFFFF  }
0x1c2: {  	_ =	shalt  }

// kernel: kernel.19.cloned.1.call-start
scs
__scs_entry_jumppad:
0x0: {  	(pc) =	sbr.rel $0x88, $3  }
0x1: {  	(tag) =	ssettag $0x0;
	lr =	simm.s32 $0x1  }
0x2: {  	[smem:$0x3F5C] =	sst lr;
	_ =	strace $0xD0000000  }
0x3: {  	_ = 	snop  }
0x4: {  	_ = 	snop  }
0x5: {  	_ = 	snop  }
0x6: {  	_ = 	snop  }
0x7: {  	_ = 	snop  }
__scs_overlays_trampoline_lowered:
0x8: {  	[smem:$0x3F6B] =	sst s0  }
0x9: {  	[smem:$0x3F6C] =	sst s1  }
0xa: {  	[smem:$0x3F6D] =	sst s2  }
0xb: {  	[smem:$0x3F6E] =	sst s3  }
0xc: {  	[smem:$0x3F6F] =	sst s4  }
0xd: {  	[smem:$0x3F70] =	sst s5  }
0xe: {  	[smem:$0x3F71] =	sst s6  }
0xf: {  	[smem:$0x3F72] =	sst s7  }
0x10: {  	[smem:$0x3F73] =	sst s8  }
0x11: {  	[smem:$0x3F74] =	sst s9;
	s0 =	simm.s32 @!p0 $0x0  }
0x12: {  	s1 =	sld [smem:$0x3F5A];
	s0 =	simm.s32 @p0 $0x1  }
0x13: {  	[smem:$0x3F75] =	sst s0;
	s0 =	simm.s32 @!p1 $0x0  }
0x14: {  	s2 =	sld [smem:$0x3F59];
	s0 =	simm.s32 @p1 $0x1  }
0x15: {  	[smem:$0x3F76] =	sst s0;
	s0 =	simm.s32 @!p2 $0x0  }
0x16: {  	s3 =	sld [smem:$0x3FDB];
	s0 =	simm.s32 @p2 $0x1  }
0x17: {  	s4 =	simm.s32 $0x1BF5;
	[smem:$0x3F78] =	sst s0  }
0x18: {  	s0 =	sld [smem:$0x3F5B];
	_ =	swait.ge [sflag:s4], $0x0  }
0x19: {  	s7 =	sld [smem:$0x3F5C]  }
0x1a: {  	s8 =	sadd.s32 $0xFFFFE003, lr  }
0x1b: {  	s9 =	sadd.s32 $0xFFFFFEF7, lr;
	s5 =	simm.s32 $0xFFFFFFFF;
	p2 =	slt.u32 s8, $0xFFFFF086  }
0x1c: {  	p1 =	slt.u32 s9, $0xF7A;
	s5 =	simm.s32 @!p2 $0x0  }
0x1d: {  	s5 =	simm.s32 @p1 $0x1;
	p0 =	seq.s32 s7, s2  }
0x1e: {  	s7 =	smul.u32 @!p0 $0xF7A, s2;
	p2 =	seq.s32 @!p0 s5, $0x0  }
0x1f: {  	s9 =	smul.u32 $0xF7A, s1;
	s8 =	simm.s32 @!p0 $0x1BF5;
	p2 =	por !p2, p0  }
0x20: {  	[sflag:s8] =	ssyncset.s32 @!p0 $0xFFFFF086;
	s6 =	sadd.s32 @!p0 s3, s7;
	s7 =	simm.s32 @!p0 $0x108  }
0x21: {  	s3 =	sadd.s32 s3, s9;
	s6 =	sadd.s32 @!p0 $0x88, s6;
	s7 =	simm.s32 @p2 $0x1082  }
0x22: {  	[simem:s7], [sflag:s8] =	dma.local @!p0 [hbm:s6], $0xF7A  }
0x23: {  	s9 =	sor.u32 $0xD0000000, s2;
	s6 =	simm.s32 $0x108;
	_ =	swait.ge @!p0 [sflag:s8], $0x0  }
0x24: {  	s3 =	sadd.s32 $0x88, s3;
	s6 =	simm.s32 @!p1 $0x1082;
	[sflag:s4] =	ssyncset.s32 $0xFFFFF086  }
0x25: {  	[simem:s6], [sflag:s4] =	dma.local [hbm:s3], $0xF7A  }
0x26: {  	[smem:$0x3F5C] =	sst s1;
	(tag) =	ssettag s2;
	_ =	strace s9  }
0x27: {  	s1 =	sld [smem:$0x3F6C]  }
0x28: {  	s2 =	sld [smem:$0x3F6D]  }
0x29: {  	s4 =	sld [smem:$0x3F6F]  }
0x2a: {  	p0 =	seq.s32 s5, $0x0;
	s5 =	sld [smem:$0x3F70]  }
0x2b: {  	s6 =	sld [smem:$0x3F71]  }
0x2c: {  	s7 =	sld [smem:$0x3F72]  }
0x2d: {  	s3 =	simm.s32 $0x108;
	s8 =	sld [smem:$0x3F73]  }
0x2e: {  	s3 =	simm.s32 @!p0 $0x1082;
	s9 =	sld [smem:$0x3F74]  }
0x2f: {  	lr =	sadd.s32 s0, s3;
	s0 =	sld [smem:$0x3F6B]  }
0x30: {  	s3 =	sld [smem:$0x3F6E]  }
0x31: {  	[smem:$0x3F77] =	sst s10  }
0x32: {  	s10 =	sld [smem:$0x3F75];
	_ =	sdelay $0x3  }
0x33: {  	p0 =	seq.s32 s10, $0x1;
	s10 =	sld [smem:$0x3F77];
	_ =	sdelay $0x3  }
0x34: {  	[smem:$0x3F77] =	sst s10  }
0x35: {  	s10 =	sld [smem:$0x3F76];
	_ =	sdelay $0x3  }
0x36: {  	p1 =	seq.s32 s10, $0x1;
	s10 =	sld [smem:$0x3F77];
	_ =	sdelay $0x3  }
0x37: {  	[smem:$0x3F77] =	sst s10  }
0x38: {  	s10 =	sld [smem:$0x3F78]  }
0x39: {  	_ = 	snop;
	(pc) =	sbr.ind lr, $3  }
0x3a: {  	_ = 	snop  }
0x3b: {  	_ = 	snop  }
0x3c: {  	p2 =	seq.s32 s10, $0x1;
	s10 =	sld [smem:$0x3F77]  }
0x3d: {  	_ =	shalt  }
0x3e: {  	_ =	shalt  }
0x3f: {  	_ =	shalt  }
0x40: {  	_ =	shalt  }
0x41: {  	_ =	shalt  }
0x42: {  	_ =	shalt  }
0x43: {  	_ =	shalt  }
0x44: {  	_ =	shalt  }
0x45: {  	_ =	shalt  }
0x46: {  	_ =	shalt  }
0x47: {  	_ =	shalt  }
0x48: {  	_ =	shalt  }
0x49: {  	_ =	shalt  }
0x4a: {  	_ =	shalt  }
0x4b: {  	_ =	shalt  }
0x4c: {  	_ =	shalt  }
0x4d: {  	_ =	shalt  }
0x4e: {  	_ =	shalt  }
0x4f: {  	_ =	shalt  }
0x50: {  	_ =	shalt  }
0x51: {  	_ =	shalt  }
0x52: {  	_ =	shalt  }
0x53: {  	_ =	shalt  }
0x54: {  	_ =	shalt  }
0x55: {  	_ =	shalt  }
0x56: {  	_ =	shalt  }
0x57: {  	_ =	shalt  }
0x58: {  	_ =	shalt  }
0x59: {  	_ =	shalt  }
0x5a: {  	_ =	shalt  }
0x5b: {  	_ =	shalt  }
0x5c: {  	_ =	shalt  }
0x5d: {  	_ =	shalt  }
0x5e: {  	_ =	shalt  }
0x5f: {  	_ =	shalt  }
0x60: {  	_ =	shalt  }
0x61: {  	_ =	shalt  }
0x62: {  	_ =	shalt  }
0x63: {  	_ =	shalt  }
0x64: {  	_ =	shalt  }
0x65: {  	_ =	shalt  }
0x66: {  	_ =	shalt  }
0x67: {  	_ =	shalt  }
0x68: {  	_ =	shalt  }
0x69: {  	_ =	shalt  }
0x6a: {  	_ =	shalt  }
0x6b: {  	_ =	shalt  }
0x6c: {  	_ =	shalt  }
0x6d: {  	_ =	shalt  }
0x6e: {  	_ =	shalt  }
0x6f: {  	_ =	shalt  }
0x70: {  	_ =	shalt  }
0x71: {  	_ =	shalt  }
0x72: {  	_ =	shalt  }
0x73: {  	_ =	shalt  }
0x74: {  	_ =	shalt  }
0x75: {  	_ =	shalt  }
0x76: {  	_ =	shalt  }
0x77: {  	_ =	shalt  }
0x78: {  	_ =	shalt  }
0x79: {  	_ =	shalt  }
0x7a: {  	_ =	shalt  }
0x7b: {  	_ =	shalt  }
0x7c: {  	_ =	shalt  }
0x7d: {  	_ =	shalt  }
0x7e: {  	_ =	shalt  }
0x7f: {  	_ =	shalt  }
0x80: {  	_ =	shalt  }
0x81: {  	_ =	shalt  }
0x82: {  	_ =	shalt  }
0x83: {  	_ =	shalt  }
0x84: {  	_ =	shalt  }
0x85: {  	_ =	shalt  }
0x86: {  	_ =	shalt  }
0x87: {  	_ =	shalt  }
.Lfunc_end0:
.L_simem_size_0:
called_computation.1_lowered:
.L_overlay_start_0:
0x88: {  	s2 =	sld [smem:$0x3FD9]  }
0x89: {  	s3 =	sld [smem:$0x3FFE];
	_ =	sdelay $0x1  }
0x8a: {  	s1 =	srdreg.scid  }
0x8b: {  	s0 =	sand.u32 $0x1, s1  }
0x8c: {  	s14 =	sshll.u32 s0, $0xA;
	s2 =	sadd.s32 s3, s2  }
0x8d: {  	s2 =	sadd.s32 s2, s14  }
0x8e: {  	[smem:$0x3F83] =	sst s2  }
0x8f: {  	_ = 	snop  }
0x90: {  	s2 =	sld [smem:$0x3FD0];
	_ =	sdelay $0x2  }
0x91: {  	s15 =	simm.s32 $0xA;
	s4 =	simm.s32 $0x10  }
0x92: {  	[smem:s4], [sflag:s15] =	dma.local [hbm:s2], $0x1  }
0x93: {  	_ =	swait.eq [sflag:s15], $0x1  }
0x94: {  	[sflag:s15] =	ssyncset.done $0x0  }
0x95: {  	[sflag:s15] =	ssyncadd.s32 $0xFFFFFFFF  }
0x96: {  	s16 =	sld [smem:$0x11];
	(tm) =	ssettm $0x1  }
0x97: {  	s17 =	sld [smem:$0x3FFB];
	_ =	sdelay $0x3  }
0x98: {  	_ =	strace s17  }
0x99: {  	s3 =	sld [smem:$0x3FFC];
	_ =	sdelay $0x3  }
0x9a: {  	_ =	strace s3  }
0x9b: {  	s3 =	sld [smem:$0x3FFD];
	_ =	sdelay $0x3  }
0x9c: {  	_ =	strace s3  }
0x9d: {  	_ =	strace $0x8FFFFFFF  }
0x9e: {  	s18 =	sld [smem:$0x3FDB];
	_ =	sdelay $0x1  }
0x9f: {  	s19 =	simm.s32 $_scs_section_size  }
0xa0: {  	s5 =	simm.s32 $_size__tile_overlayer_lowered;
	s6 =	simm.s32 $_tile_overlayer_lowered  }
0xa1: {  	s22 =	simm.s32 $0x1BFF;
	s21 =	sshll.u32 s6, $0x1;
	s3 =	sadd.s32 s19, s18  }
0xa2: {  	s7 =	simm.s32 $0x0;
	s20 =	sshll.u32 s5, $0x1;
	s5 =	sadd.s32 s21, s3  }
0xa3: {  	[timem:s7], [sflag:s22] =	dma.local [hbm:s5], s20  }
0xa4: {  	_ =	swait.ge [sflag:s22], s20  }
0xa5: {  	s4 =	ssub.s32 $0x0, s20;
	[sflag:s22] =	ssyncset.done $0x0  }
0xa6: {  	[sflag:s22] =	ssyncadd.s32 s4;
	_ =	sdelay $0x1  }
0xa7: {  	s23 =	simm.s32 $0x1B8B  }
0xa8: {  	_ =	swait.ge [sflag:s23], $0x1  }
0xa9: {  	[sflag:s23] =	ssyncset.done $0x0  }
0xaa: {  	s25 =	simm.s32 $0x1B8E;
	s24 =	sld [smem:$0x3FFE];
	[sflag:s23] =	ssyncadd.s32 $0xFFFFFFFF  }
0xab: {  	s26 =	simm.s32 $execute0_lowered;
	[smem:$0x3FD2] =	sst s25  }
0xac: {  	s5 =	sshll.u32 s26, $0x1;
	_ =	strace $0x80000049;
	[dreg:$0x1] =	wrdreg $0xFFFFFFFF  }
0xad: {  	s28 =	simm.s32 $_size_execute0_lowered;
	s3 =	sadd.s32 s3, s5;
	[dreg:$0x0] =	wrdreg $0x0  }
0xae: {  	s5 =	sshll.u32 s28, $0x1;
	[dreg:$0x2] =	wrdreg s3  }
0xaf: {  	[dreg:$0x3] =	wrdreg s5  }
0xb0: {  	[dreg:$0x4] =	wrdreg $0xC0  }
0xb1: {  	_ =	task [dreg:s7], $0x5FFFF  }
0xb2: {  	[dreg:$0x1] =	wrdreg $0xFFFFFFFF  }
0xb3: {  	[dreg:$0x0] =	wrdreg $0x60  }
0xb4: {  	[dreg:$0x2] =	wrdreg s24  }
0xb5: {  	[dreg:$0x3] =	wrdreg s16  }
0xb6: {  	[dreg:$0x4] =	wrdreg $0x9  }
0xb7: {  	_ =	task.clear_ibuf [dreg:s7], $0x5FFFF;
	_ =	strace $0x90000049  }
0xb8: {  	s29 =	simm.s32 $0x9;
	_ =	strace $0x8000004B  }
0xb9: {  	_ =	swait.ge [sflag:s29], $0x1  }
0xba: {  	[sflag:s29] =	ssyncadd.s32 $0xFFFFFFFF  }
0xbb: {  	_ =	strace $0x9000004B  }
0xbc: {  	_ =	sfence  }
0xbd: {  	s30 =	sld [smem:$0x0];
	_ =	sdelay $0x2  }
0xbe: {  	s31 =	sshll.u32 s1, $0xD;
	s1 =	sshrl.u32 s1, $0x2  }
0xbf: {  	s3 =	sand.u32 $0x4000, s31;
	s1 =	sadd.s32 s1, s30  }
0xc0: {  	s0 =	sor.u32 s3, s0;
	s1 =	sshll.u32 s1, $0x11  }
0xc1: {  	s0 =	sor.u32 s1, s0  }
0xc2: {  	s0 =	sadd.s32 $0x8F2B, s0  }
0xc3: {  	[sflag:s0] =	ssyncadd.remote.s32 $0x1  }
0xc4: {  	_ =	sfence.sel $0xFFFF  }
0xc5: {  	[dreg:$0x0] =	wrdreg $0xFFFFFFFF;
	(pc) =	sbr.abs _section_cstart, $3  }
0xc6: {  	[dreg:$0x1] =	wrdreg $0xFFFFFFFF  }
0xc7: {  	_ =	task.clear_ibuf [dreg:s7], $0x2FFFF;
	_ =	strace $0x9FFFFFFF  }
0xc8: {  	(tm) =	ssettm $0x7FFFFFFF  }
0xc9: {  	_ =	shalt  }
tec
execute0_lowered:
.L_overlay_start_1:
0x0: {  	(tag) =	ssettag $0x1  }
0x1: {  	s1 =	srdreg.scid  }
0x2: {  	s8 =	rddreg [dreg:$0x0];
	s0 =	stileid.u32  }
0x3: {  	s3 =	rddreg [dreg:$0x1];
	s2 =	simm.s32 $0x0;
	s6 =	sand.u32 $0x1, s1  }
0x4: {  	s4 =	sshll.u32 s0, $0x9;
	[smem:$0x7FF] =	sst s2;
	s5 =	sshll.u32 s6, $0x8  }
0x5: {  	s1 =	rddreg [dreg:$0x2];
	_ =	strace $0x8000004A;
	s7 =	sor.u32 s5, s4  }
0x6: {  	s10 =	ssub.s32 $0x2, s6;
	s6 =	simm.s32 $0x100;
	s4 =	sshrl.u32 s7, $0x3  }
0x7: {  	s5 =	sadd.s32 $0x1BD800, s8;
	s4 =	sadd.s32 s3, s4;
	s3 =	simm.s32 $0x2  }
0x8: {  	[tilespmem:s2], [sflag:$0x2] =	stream.linear.gather [hbm4b:s4+s2], $0x100, $0x38;
	[tilespmem:$0x5100] =	vst v63  }
0x9: {  	s11 =	sshrl.u32 s10, $0x1;
	s9 =	smul.u32 $0xA, s7;
	_ =	swait.ge [sflag:s3], $0x100  }
0xa: {  	s7 =	simm.s32 $0x1;
	s31 =	ssub.s32 s10, s11;
	[sflag:s3] =	ssyncset.done $0x0  }
0xb: {  	s8 =	sadd.s32 s9, s8;
	s9 =	smax.u32 s31, $0x1;
	[sflag:s3] =	ssyncadd.s32 $0xFFFFFF00  }
0xc: {  	[tilespmem:s6], [sflag:$0x1] =	stream.indirect.gather [hbm4b:s5+s6], $0x50, s2, s6, $0xb8;
	[tilespmem:$0x5100] =	vst v63  }
0xd: {  	p0 =	sne.s32 s9, $0x1;
	_ =	swait.ge [sflag:s7], $0x5000  }
.Ltmp0:
0xe: {  	[sflag:s7] =	ssyncset.done $0x0;
	(pc) =	sbr.rel @!p0 .LBB2_2-.Ltmp0, $4  }
0xf: {  	s8 =	sadd.s32 $0x69800, s8;
	[sflag:s7] =	ssyncadd.s32 $0xFFFFB000  }
0x10: {  	[hbm4b:s8+s2] =	stream.linear.scatter [tilespmem:s6], [sflag:$0x2], $0x5000, $0x38;
	[tilespmem:$0x5100] =	vst v63  }
0x11: {  	_ =	swait.ge [sflag:s3], $0x5000  }
0x12: {  	s9 =	sadd.s32 $0xFFFFFFFF, s9;
	[sflag:s3] =	ssyncset.done $0x0  }
.LBB2_1:
0x13: {  	p0 =	sne.s32 s9, $0x1;
	s9 =	sadd.s32 $0xFFFFFFFF, s9;
	[sflag:s3] =	ssyncadd.s32 $0xFFFFB000  }
0x14: {  	[tilespmem:s2], [sflag:$0x2] =	stream.linear.gather [hbm4b:s4+s2], $0x100, $0x38;
	[tilespmem:$0x5100] =	vst v63  }
0x15: {  	_ =	swait.ge [sflag:s3], $0x100  }
0x16: {  	[sflag:s3] =	ssyncset.done $0x0  }
0x17: {  	[sflag:s3] =	ssyncadd.s32 $0xFFFFFF00  }
0x18: {  	[tilespmem:s6], [sflag:$0x1] =	stream.indirect.gather [hbm4b:s5+s6], $0x50, s2, s6, $0xb8;
	[tilespmem:$0x5100] =	vst v63  }
0x19: {  	_ =	swait.ge [sflag:s7], $0x5000  }
.Ltmp1:
0x1a: {  	[sflag:s7] =	ssyncset.done $0x0;
	(pc) =	sbr.rel @p0 .LBB2_1-.Ltmp1, $4  }
0x1b: {  	[sflag:s7] =	ssyncadd.s32 $0xFFFFB000  }
0x1c: {  	[hbm4b:s8+s2] =	stream.linear.scatter [tilespmem:s6], [sflag:$0x2], $0x5000, $0x38;
	[tilespmem:$0x5100] =	vst v63  }
0x1d: {  	_ =	swait.ge [sflag:s3], $0x5000  }
0x1e: {  	[sflag:s3] =	ssyncset.done $0x0  }
.LBB2_2:
0x1f: {  	[sflag:s3] =	ssyncadd.s32 $0xFFFFB000  }
0x20: {  	_ =	sfence.sel $0x180000  }
0x21: {  	[bflag:$0x0] =	sbarrier.arrive $0xFFFF  }
0x22: {  	p0 =	sne.s32 s0, $0x0;
	_ =	strace $0x9000004A  }
0x23: {  	s0 =	sadd.s32 @!p0 $0x100000, s1;
	[bflag:$0x2] =	sbarrier.arrive $0xFFFF  }
0x24: {  	[sflag:s0] =	ssyncadd.tile.s32 @!p0 $0x1;
	_ =	shalt  }
.Lfunc_end2:
_tile_overlayer_lowered:
.L_overlay_start_2:
0x25: {  	(tag) =	ssettag $0x2  }
0x26: {  	s0 =	rddreg [dreg:$0x0];
	s2 =	stileid.u32  }
0x27: {  	s1 =	rddreg [dreg:$0x1];
	p0 =	sne.s32 s2, $0x0  }
0x28: {  	s3 =	rddreg [dreg:$0x2];
	[bflag:$0x3] =	sbarrier.arrive $0xFFFF;
	s2 =	simm.s32 @!p0 $0x1C02  }
0x29: {  	[timem:s3], [sflag:s2] =	dma.local @!p0 [hbm:s0], s1  }
0x2a: {  	s0 =	simm.s32 @!p0 $0x2  }
0x2b: {  	_ =	swait.ge @!p0 [sflag:s0], s1  }
0x2c: {  	s1 =	ssub.s32 @!p0 $0x0, s1;
	[sflag:s0] =	ssyncset.done @!p0 $0x0  }
0x2d: {  	[sflag:s0] =	ssyncadd.s32 @!p0 s1  }
0x2e: {  	[bflag:$0x3] =	sbarrier.arrive $0xFFFF  }
0x2f: {  	_ =	shalt  }

// kernel: kernel.22.cloned.1.call-start
scs
__scs_entry_jumppad:
0x0: {  	(pc) =	sbr.rel $0x88, $3  }
0x1: {  	(tag) =	ssettag $0x0;
	lr =	simm.s32 $0x1  }
0x2: {  	[smem:$0x3F5C] =	sst lr;
	_ =	strace $0xD0000000  }
0x3: {  	_ = 	snop  }
0x4: {  	_ = 	snop  }
0x5: {  	_ = 	snop  }
0x6: {  	_ = 	snop  }
0x7: {  	_ = 	snop  }
__scs_overlays_trampoline_lowered:
0x8: {  	[smem:$0x3F6B] =	sst s0  }
0x9: {  	[smem:$0x3F6C] =	sst s1  }
0xa: {  	[smem:$0x3F6D] =	sst s2  }
0xb: {  	[smem:$0x3F6E] =	sst s3  }
0xc: {  	[smem:$0x3F6F] =	sst s4  }
0xd: {  	[smem:$0x3F70] =	sst s5  }
0xe: {  	[smem:$0x3F71] =	sst s6  }
0xf: {  	[smem:$0x3F72] =	sst s7  }
0x10: {  	[smem:$0x3F73] =	sst s8  }
0x11: {  	[smem:$0x3F74] =	sst s9;
	s0 =	simm.s32 @!p0 $0x0  }
0x12: {  	s1 =	sld [smem:$0x3F5A];
	s0 =	simm.s32 @p0 $0x1  }
0x13: {  	[smem:$0x3F75] =	sst s0;
	s0 =	simm.s32 @!p1 $0x0  }
0x14: {  	s2 =	sld [smem:$0x3F59];
	s0 =	simm.s32 @p1 $0x1  }
0x15: {  	[smem:$0x3F76] =	sst s0;
	s0 =	simm.s32 @!p2 $0x0  }
0x16: {  	s3 =	sld [smem:$0x3FDB];
	s0 =	simm.s32 @p2 $0x1  }
0x17: {  	s4 =	simm.s32 $0x1BF5;
	[smem:$0x3F78] =	sst s0  }
0x18: {  	s0 =	sld [smem:$0x3F5B];
	_ =	swait.ge [sflag:s4], $0x0  }
0x19: {  	s7 =	sld [smem:$0x3F5C]  }
0x1a: {  	s8 =	sadd.s32 $0xFFFFE003, lr  }
0x1b: {  	s9 =	sadd.s32 $0xFFFFFEF7, lr;
	s5 =	simm.s32 $0xFFFFFFFF;
	p2 =	slt.u32 s8, $0xFFFFF086  }
0x1c: {  	p1 =	slt.u32 s9, $0xF7A;
	s5 =	simm.s32 @!p2 $0x0  }
0x1d: {  	s5 =	simm.s32 @p1 $0x1;
	p0 =	seq.s32 s7, s2  }
0x1e: {  	s7 =	smul.u32 @!p0 $0xF7A, s2;
	p2 =	seq.s32 @!p0 s5, $0x0  }
0x1f: {  	s9 =	smul.u32 $0xF7A, s1;
	s8 =	simm.s32 @!p0 $0x1BF5;
	p2 =	por !p2, p0  }
0x20: {  	[sflag:s8] =	ssyncset.s32 @!p0 $0xFFFFF086;
	s6 =	sadd.s32 @!p0 s3, s7;
	s7 =	simm.s32 @!p0 $0x108  }
0x21: {  	s3 =	sadd.s32 s3, s9;
	s6 =	sadd.s32 @!p0 $0x88, s6;
	s7 =	simm.s32 @p2 $0x1082  }
0x22: {  	[simem:s7], [sflag:s8] =	dma.local @!p0 [hbm:s6], $0xF7A  }
0x23: {  	s9 =	sor.u32 $0xD0000000, s2;
	s6 =	simm.s32 $0x108;
	_ =	swait.ge @!p0 [sflag:s8], $0x0  }
0x24: {  	s3 =	sadd.s32 $0x88, s3;
	s6 =	simm.s32 @!p1 $0x1082;
	[sflag:s4] =	ssyncset.s32 $0xFFFFF086  }
0x25: {  	[simem:s6], [sflag:s4] =	dma.local [hbm:s3], $0xF7A  }
0x26: {  	[smem:$0x3F5C] =	sst s1;
	(tag) =	ssettag s2;
	_ =	strace s9  }
0x27: {  	s1 =	sld [smem:$0x3F6C]  }
0x28: {  	s2 =	sld [smem:$0x3F6D]  }
0x29: {  	s4 =	sld [smem:$0x3F6F]  }
0x2a: {  	p0 =	seq.s32 s5, $0x0;
	s5 =	sld [smem:$0x3F70]  }
0x2b: {  	s6 =	sld [smem:$0x3F71]  }
0x2c: {  	s7 =	sld [smem:$0x3F72]  }
0x2d: {  	s3 =	simm.s32 $0x108;
	s8 =	sld [smem:$0x3F73]  }
0x2e: {  	s3 =	simm.s32 @!p0 $0x1082;
	s9 =	sld [smem:$0x3F74]  }
0x2f: {  	lr =	sadd.s32 s0, s3;
	s0 =	sld [smem:$0x3F6B]  }
0x30: {  	s3 =	sld [smem:$0x3F6E]  }
0x31: {  	[smem:$0x3F77] =	sst s10  }
0x32: {  	s10 =	sld [smem:$0x3F75];
	_ =	sdelay $0x3  }
0x33: {  	p0 =	seq.s32 s10, $0x1;
	s10 =	sld [smem:$0x3F77];
	_ =	sdelay $0x3  }
0x34: {  	[smem:$0x3F77] =	sst s10  }
0x35: {  	s10 =	sld [smem:$0x3F76];
	_ =	sdelay $0x3  }
0x36: {  	p1 =	seq.s32 s10, $0x1;
	s10 =	sld [smem:$0x3F77];
	_ =	sdelay $0x3  }
0x37: {  	[smem:$0x3F77] =	sst s10  }
0x38: {  	s10 =	sld [smem:$0x3F78]  }
0x39: {  	_ = 	snop;
	(pc) =	sbr.ind lr, $3  }
0x3a: {  	_ = 	snop  }
0x3b: {  	_ = 	snop  }
0x3c: {  	p2 =	seq.s32 s10, $0x1;
	s10 =	sld [smem:$0x3F77]  }
0x3d: {  	_ =	shalt  }
0x3e: {  	_ =	shalt  }
0x3f: {  	_ =	shalt  }
0x40: {  	_ =	shalt  }
0x41: {  	_ =	shalt  }
0x42: {  	_ =	shalt  }
0x43: {  	_ =	shalt  }
0x44: {  	_ =	shalt  }
0x45: {  	_ =	shalt  }
0x46: {  	_ =	shalt  }
0x47: {  	_ =	shalt  }
0x48: {  	_ =	shalt  }
0x49: {  	_ =	shalt  }
0x4a: {  	_ =	shalt  }
0x4b: {  	_ =	shalt  }
0x4c: {  	_ =	shalt  }
0x4d: {  	_ =	shalt  }
0x4e: {  	_ =	shalt  }
0x4f: {  	_ =	shalt  }
0x50: {  	_ =	shalt  }
0x51: {  	_ =	shalt  }
0x52: {  	_ =	shalt  }
0x53: {  	_ =	shalt  }
0x54: {  	_ =	shalt  }
0x55: {  	_ =	shalt  }
0x56: {  	_ =	shalt  }
0x57: {  	_ =	shalt  }
0x58: {  	_ =	shalt  }
0x59: {  	_ =	shalt  }
0x5a: {  	_ =	shalt  }
0x5b: {  	_ =	shalt  }
0x5c: {  	_ =	shalt  }
0x5d: {  	_ =	shalt  }
0x5e: {  	_ =	shalt  }
0x5f: {  	_ =	shalt  }
0x60: {  	_ =	shalt  }
0x61: {  	_ =	shalt  }
0x62: {  	_ =	shalt  }
0x63: {  	_ =	shalt  }
0x64: {  	_ =	shalt  }
0x65: {  	_ =	shalt  }
0x66: {  	_ =	shalt  }
0x67: {  	_ =	shalt  }
0x68: {  	_ =	shalt  }
0x69: {  	_ =	shalt  }
0x6a: {  	_ =	shalt  }
0x6b: {  	_ =	shalt  }
0x6c: {  	_ =	shalt  }
0x6d: {  	_ =	shalt  }
0x6e: {  	_ =	shalt  }
0x6f: {  	_ =	shalt  }
0x70: {  	_ =	shalt  }
0x71: {  	_ =	shalt  }
0x72: {  	_ =	shalt  }
0x73: {  	_ =	shalt  }
0x74: {  	_ =	shalt  }
0x75: {  	_ =	shalt  }
0x76: {  	_ =	shalt  }
0x77: {  	_ =	shalt  }
0x78: {  	_ =	shalt  }
0x79: {  	_ =	shalt  }
0x7a: {  	_ =	shalt  }
0x7b: {  	_ =	shalt  }
0x7c: {  	_ =	shalt  }
0x7d: {  	_ =	shalt  }
0x7e: {  	_ =	shalt  }
0x7f: {  	_ =	shalt  }
0x80: {  	_ =	shalt  }
0x81: {  	_ =	shalt  }
0x82: {  	_ =	shalt  }
0x83: {  	_ =	shalt  }
0x84: {  	_ =	shalt  }
0x85: {  	_ =	shalt  }
0x86: {  	_ =	shalt  }
0x87: {  	_ =	shalt  }
.Lfunc_end0:
.L_simem_size_0:
called_computation.2_lowered:
.L_overlay_start_0:
0x88: {  	s2 =	sld [smem:$0x3FD9]  }
0x89: {  	s3 =	sld [smem:$0x3FFE];
	_ =	sdelay $0x1  }
0x8a: {  	s1 =	srdreg.scid  }
0x8b: {  	s0 =	sand.u32 $0x1, s1  }
0x8c: {  	s14 =	sshll.u32 s0, $0xA;
	s2 =	sadd.s32 s3, s2  }
0x8d: {  	s2 =	sadd.s32 s2, s14  }
0x8e: {  	[smem:$0x3F83] =	sst s2  }
0x8f: {  	_ = 	snop  }
0x90: {  	s2 =	sld [smem:$0x3FD0];
	_ =	sdelay $0x2  }
0x91: {  	s15 =	simm.s32 $0xA;
	s4 =	simm.s32 $0x10  }
0x92: {  	[smem:s4], [sflag:s15] =	dma.local [hbm:s2], $0x1  }
0x93: {  	_ =	swait.eq [sflag:s15], $0x1  }
0x94: {  	[sflag:s15] =	ssyncset.done $0x0  }
0x95: {  	[sflag:s15] =	ssyncadd.s32 $0xFFFFFFFF  }
0x96: {  	s16 =	sld [smem:$0x10];
	(tm) =	ssettm $0x1  }
0x97: {  	s17 =	sld [smem:$0x3FFB];
	_ =	sdelay $0x3  }
0x98: {  	_ =	strace s17  }
0x99: {  	s3 =	sld [smem:$0x3FFC];
	_ =	sdelay $0x3  }
0x9a: {  	_ =	strace s3  }
0x9b: {  	s3 =	sld [smem:$0x3FFD];
	_ =	sdelay $0x3  }
0x9c: {  	_ =	strace s3  }
0x9d: {  	_ =	strace $0x8FFFFFFF  }
0x9e: {  	s18 =	sld [smem:$0x3FDB];
	_ =	sdelay $0x1  }
0x9f: {  	s19 =	simm.s32 $_scs_section_size  }
0xa0: {  	s5 =	simm.s32 $_size__tile_overlayer_lowered;
	s6 =	simm.s32 $_tile_overlayer_lowered  }
0xa1: {  	s22 =	simm.s32 $0x1BFF;
	s21 =	sshll.u32 s6, $0x1;
	s3 =	sadd.s32 s19, s18  }
0xa2: {  	s7 =	simm.s32 $0x0;
	s20 =	sshll.u32 s5, $0x1;
	s5 =	sadd.s32 s21, s3  }
0xa3: {  	[timem:s7], [sflag:s22] =	dma.local [hbm:s5], s20  }
0xa4: {  	_ =	swait.ge [sflag:s22], s20  }
0xa5: {  	s4 =	ssub.s32 $0x0, s20;
	[sflag:s22] =	ssyncset.done $0x0  }
0xa6: {  	[sflag:s22] =	ssyncadd.s32 s4;
	_ =	sdelay $0x1  }
0xa7: {  	s23 =	simm.s32 $0x1B8B  }
0xa8: {  	_ =	swait.ge [sflag:s23], $0x1  }
0xa9: {  	[sflag:s23] =	ssyncset.done $0x0  }
0xaa: {  	s25 =	simm.s32 $0x1B8E;
	s24 =	sld [smem:$0x3FFE];
	[sflag:s23] =	ssyncadd.s32 $0xFFFFFFFF  }
0xab: {  	s26 =	simm.s32 $execute0_lowered;
	[smem:$0x3FD2] =	sst s25  }
0xac: {  	s5 =	sshll.u32 s26, $0x1;
	_ =	strace $0x8000004C;
	[dreg:$0x1] =	wrdreg $0xFFFFFFFF  }
0xad: {  	s28 =	simm.s32 $_size_execute0_lowered;
	s3 =	sadd.s32 s3, s5;
	[dreg:$0x0] =	wrdreg $0x0  }
0xae: {  	s5 =	sshll.u32 s28, $0x1;
	[dreg:$0x2] =	wrdreg s3  }
0xaf: {  	[dreg:$0x3] =	wrdreg s5  }
0xb0: {  	[dreg:$0x4] =	wrdreg $0xC0  }
0xb1: {  	_ =	task [dreg:s7], $0x5FFFF  }
0xb2: {  	[dreg:$0x1] =	wrdreg $0xFFFFFFFF  }
0xb3: {  	[dreg:$0x0] =	wrdreg $0x60  }
0xb4: {  	[dreg:$0x2] =	wrdreg s16  }
0xb5: {  	[dreg:$0x3] =	wrdreg s24  }
0xb6: {  	[dreg:$0x4] =	wrdreg $0x9  }
0xb7: {  	_ =	task.clear_ibuf [dreg:s7], $0x5FFFF;
	_ =	strace $0x9000004C  }
0xb8: {  	s29 =	simm.s32 $0x9;
	_ =	strace $0x8000004E  }
0xb9: {  	_ =	swait.ge [sflag:s29], $0x1  }
0xba: {  	[sflag:s29] =	ssyncadd.s32 $0xFFFFFFFF  }
0xbb: {  	_ =	strace $0x9000004E  }
0xbc: {  	_ =	sfence  }
0xbd: {  	s30 =	sld [smem:$0x0];
	_ =	sdelay $0x2  }
0xbe: {  	s31 =	sshll.u32 s1, $0xD;
	s1 =	sshrl.u32 s1, $0x2  }
0xbf: {  	s3 =	sand.u32 $0x4000, s31;
	s1 =	sadd.s32 s1, s30  }
0xc0: {  	s0 =	sor.u32 s3, s0;
	s1 =	sshll.u32 s1, $0x11  }
0xc1: {  	s0 =	sor.u32 s1, s0  }
0xc2: {  	s0 =	sadd.s32 $0x8F2B, s0  }
0xc3: {  	[sflag:s0] =	ssyncadd.remote.s32 $0x1  }
0xc4: {  	_ =	sfence.sel $0xFFFF  }
0xc5: {  	[dreg:$0x0] =	wrdreg $0xFFFFFFFF;
	(pc) =	sbr.abs _section_cstart, $3  }
0xc6: {  	[dreg:$0x1] =	wrdreg $0xFFFFFFFF  }
0xc7: {  	_ =	task.clear_ibuf [dreg:s7], $0x2FFFF;
	_ =	strace $0x9FFFFFFF  }
0xc8: {  	(tm) =	ssettm $0x7FFFFFFF  }
0xc9: {  	_ =	shalt  }
tec
execute0_lowered:
.L_overlay_start_1:
0x0: {  	(tag) =	ssettag $0x1  }
0x1: {  	s1 =	srdreg.scid  }
0x2: {  	s0 =	stileid.u32;
	s19 =	sand.u32 $0x1, s1  }
0x3: {  	s2 =	rddreg [dreg:$0x0];
	s31 =	sshll.u32 s0, $0xC;
	s3 =	sshll.u32 s19, $0xB  }
0x4: {  	s14 =	rddreg [dreg:$0x1];
	s15 =	sor.u32 s3, s31  }
0x5: {  	s1 =	rddreg [dreg:$0x2];
	s3 =	simm.s32 $0x0;
	s4 =	sshrl.u32 s15, $0x3  }
0x6: {  	[smem:$0x7FF] =	sst s3;
	s4 =	sadd.s32 s4, s14  }
0x7: {  	_ =	strace $0x8000004D;
	s5 =	sadd.s32 $0x69800, s4;
	s4 =	simm.s32 $0x5  }
0x8: {  	[tilespmem:s3], [sflag:$0x5] =	stream.linear.gather [hbm4b:s5+s3], $0x800, $0x38;
	[tilespmem:$0x10800] =	vst v63  }
0x9: {  	_ =	swait.ge [sflag:s4], $0x800  }
0xa: {  	[sflag:s4] =	ssyncset.done $0x0  }
0xb: {  	s6 =	simm.s32 $0x200;
	s7 =	simm.s32 $0x800;
	[sflag:s4] =	ssyncadd.s32 $0xFFFFF800  }
0xc: {  	[tilespmem:s7], [sflag:$0x1] =	stream.indirect.gather [hbm4b:s2+s6], $0x20, s3, s6, $0xb8;
	[tilespmem:$0x10800] =	vst v63  }
0xd: {  	s8 =	simm.s32 $0x4800  }
0xe: {  	[tilespmem:s8], [sflag:$0x2] =	stream.indirect.gather [hbm4b:s2+s6], $0x20, s6, s6, $0xb8;
	[tilespmem:$0x10800] =	vst v63  }
0xf: {  	s9 =	simm.s32 $0x400;
	s10 =	simm.s32 $0x8800  }
0x10: {  	[tilespmem:s10], [sflag:$0x3] =	stream.indirect.gather [hbm4b:s2+s6], $0x20, s9, s6, $0xb8;
	[tilespmem:$0x10800] =	vst v63  }
0x11: {  	s11 =	simm.s32 $0x600;
	s12 =	simm.s32 $0xC800;
	s13 =	simm.s32 $0x1  }
0x12: {  	[tilespmem:s12], [sflag:$0x4] =	stream.indirect.gather [hbm4b:s2+s6], $0x20, s11, s6, $0xb8;
	[tilespmem:$0x10800] =	vst v63  }
0x13: {  	s15 =	sshll.u32 s15, $0x2;
	_ =	swait.ge [sflag:s13], $0x4000  }
0x14: {  	s20 =	sadd.s32 s15, s14;
	[sflag:s13] =	ssyncset.done $0x0  }
0x15: {  	s14 =	sadd.s32 $0xAD800, s20;
	[sflag:s13] =	ssyncadd.s32 $0xFFFFC000  }
0x16: {  	[hbm4b:s14+s3] =	stream.linear.scatter [tilespmem:s7], [sflag:$0x5], $0x4000, $0x38;
	[tilespmem:$0x10800] =	vst v63  }
0x17: {  	_ =	swait.ge [sflag:s4], $0x4000  }
0x18: {  	[sflag:s4] =	ssyncset.done $0x0  }
0x19: {  	s15 =	simm.s32 $0x2;
	[sflag:s4] =	ssyncadd.s32 $0xFFFFC000  }
0x1a: {  	_ =	swait.ge [sflag:s15], $0x4000  }
0x1b: {  	[sflag:s15] =	ssyncset.done $0x0  }
0x1c: {  	s16 =	sadd.s32 $0xAE000, s20;
	[sflag:s15] =	ssyncadd.s32 $0xFFFFC000  }
0x1d: {  	[hbm4b:s16+s3] =	stream.linear.scatter [tilespmem:s8], [sflag:$0x5], $0x4000, $0x38;
	[tilespmem:$0x10800] =	vst v63  }
0x1e: {  	_ =	swait.ge [sflag:s4], $0x4000  }
0x1f: {  	[sflag:s4] =	ssyncset.done $0x0  }
0x20: {  	s17 =	simm.s32 $0x3;
	[sflag:s4] =	ssyncadd.s32 $0xFFFFC000  }
0x21: {  	_ =	swait.ge [sflag:s17], $0x4000  }
0x22: {  	[sflag:s17] =	ssyncset.done $0x0  }
0x23: {  	s21 =	ssub.s32 $0x2, s19;
	s18 =	sadd.s32 $0xAE800, s20;
	[sflag:s17] =	ssyncadd.s32 $0xFFFFC000  }
0x24: {  	[hbm4b:s18+s3] =	stream.linear.scatter [tilespmem:s10], [sflag:$0x5], $0x4000, $0x38;
	[tilespmem:$0x10800] =	vst v63  }
0x25: {  	s22 =	sshrl.u32 s21, $0x1;
	_ =	swait.ge [sflag:s4], $0x4000  }
0x26: {  	s21 =	ssub.s32 s21, s22;
	[sflag:s4] =	ssyncset.done $0x0  }
0x27: {  	s19 =	simm.s32 $0x4;
	s21 =	smax.u32 s21, $0x1;
	[sflag:s4] =	ssyncadd.s32 $0xFFFFC000  }
0x28: {  	p0 =	sne.s32 s21, $0x1;
	_ =	swait.ge [sflag:s19], $0x4000  }
.Ltmp0:
0x29: {  	[sflag:s19] =	ssyncset.done $0x0;
	(pc) =	sbr.rel @!p0 .LBB2_2-.Ltmp0, $4  }
0x2a: {  	s20 =	sadd.s32 $0xAF000, s20;
	[sflag:s19] =	ssyncadd.s32 $0xFFFFC000  }
0x2b: {  	[hbm4b:s20+s3] =	stream.linear.scatter [tilespmem:s12], [sflag:$0x5], $0x4000, $0x38;
	[tilespmem:$0x10800] =	vst v63  }
0x2c: {  	_ =	swait.ge [sflag:s4], $0x4000  }
0x2d: {  	s21 =	sadd.s32 $0xFFFFFFFF, s21;
	[sflag:s4] =	ssyncset.done $0x0  }
.LBB2_1:
0x2e: {  	p0 =	sne.s32 s21, $0x1;
	s21 =	sadd.s32 $0xFFFFFFFF, s21;
	[sflag:s4] =	ssyncadd.s32 $0xFFFFC000  }
0x2f: {  	[tilespmem:s3], [sflag:$0x5] =	stream.linear.gather [hbm4b:s5+s3], $0x800, $0x38;
	[tilespmem:$0x10800] =	vst v63  }
0x30: {  	_ =	swait.ge [sflag:s4], $0x800  }
0x31: {  	[sflag:s4] =	ssyncset.done $0x0  }
0x32: {  	[sflag:s4] =	ssyncadd.s32 $0xFFFFF800  }
0x33: {  	[tilespmem:s7], [sflag:$0x1] =	stream.indirect.gather [hbm4b:s2+s6], $0x20, s3, s6, $0xb8;
	[tilespmem:$0x10800] =	vst v63  }
0x34: {  	_ = 	snop  }
0x35: {  	[tilespmem:s8], [sflag:$0x2] =	stream.indirect.gather [hbm4b:s2+s6], $0x20, s6, s6, $0xb8;
	[tilespmem:$0x10800] =	vst v63  }
0x36: {  	_ = 	snop  }
0x37: {  	[tilespmem:s10], [sflag:$0x3] =	stream.indirect.gather [hbm4b:s2+s6], $0x20, s9, s6, $0xb8;
	[tilespmem:$0x10800] =	vst v63  }
0x38: {  	_ = 	snop  }
0x39: {  	[tilespmem:s12], [sflag:$0x4] =	stream.indirect.gather [hbm4b:s2+s6], $0x20, s11, s6, $0xb8;
	[tilespmem:$0x10800] =	vst v63  }
0x3a: {  	_ =	swait.ge [sflag:s13], $0x4000  }
0x3b: {  	[sflag:s13] =	ssyncset.done $0x0  }
0x3c: {  	[sflag:s13] =	ssyncadd.s32 $0xFFFFC000  }
0x3d: {  	[hbm4b:s14+s3] =	stream.linear.scatter [tilespmem:s7], [sflag:$0x5], $0x4000, $0x38;
	[tilespmem:$0x10800] =	vst v63  }
0x3e: {  	_ =	swait.ge [sflag:s4], $0x4000  }
0x3f: {  	[sflag:s4] =	ssyncset.done $0x0  }
0x40: {  	[sflag:s4] =	ssyncadd.s32 $0xFFFFC000  }
0x41: {  	_ =	swait.ge [sflag:s15], $0x4000  }
0x42: {  	[sflag:s15] =	ssyncset.done $0x0  }
0x43: {  	[sflag:s15] =	ssyncadd.s32 $0xFFFFC000  }
0x44: {  	[hbm4b:s16+s3] =	stream.linear.scatter [tilespmem:s8], [sflag:$0x5], $0x4000, $0x38;
	[tilespmem:$0x10800] =	vst v63  }
0x45: {  	_ =	swait.ge [sflag:s4], $0x4000  }
0x46: {  	[sflag:s4] =	ssyncset.done $0x0  }
0x47: {  	[sflag:s4] =	ssyncadd.s32 $0xFFFFC000  }
0x48: {  	_ =	swait.ge [sflag:s17], $0x4000  }
0x49: {  	[sflag:s17] =	ssyncset.done $0x0  }
0x4a: {  	[sflag:s17] =	ssyncadd.s32 $0xFFFFC000  }
0x4b: {  	[hbm4b:s18+s3] =	stream.linear.scatter [tilespmem:s10], [sflag:$0x5], $0x4000, $0x38;
	[tilespmem:$0x10800] =	vst v63  }
0x4c: {  	_ =	swait.ge [sflag:s4], $0x4000  }
0x4d: {  	[sflag:s4] =	ssyncset.done $0x0  }
0x4e: {  	[sflag:s4] =	ssyncadd.s32 $0xFFFFC000  }
0x4f: {  	_ =	swait.ge [sflag:s19], $0x4000  }
.Ltmp1:
0x50: {  	[sflag:s19] =	ssyncset.done $0x0;
	(pc) =	sbr.rel @p0 .LBB2_1-.Ltmp1, $4  }
0x51: {  	[sflag:s19] =	ssyncadd.s32 $0xFFFFC000  }
0x52: {  	[hbm4b:s20+s3] =	stream.linear.scatter [tilespmem:s12], [sflag:$0x5], $0x4000, $0x38;
	[tilespmem:$0x10800] =	vst v63  }
0x53: {  	_ =	swait.ge [sflag:s4], $0x4000  }
0x54: {  	[sflag:s4] =	ssyncset.done $0x0  }
.LBB2_2:
0x55: {  	[sflag:s4] =	ssyncadd.s32 $0xFFFFC000  }
0x56: {  	_ =	sfence.sel $0x180000  }
0x57: {  	[bflag:$0x0] =	sbarrier.arrive $0xFFFF  }
0x58: {  	p0 =	sne.s32 s0, $0x0;
	_ =	strace $0x9000004D  }
0x59: {  	s0 =	sadd.s32 @!p0 $0x100000, s1;
	[bflag:$0x2] =	sbarrier.arrive $0xFFFF  }
0x5a: {  	[sflag:s0] =	ssyncadd.tile.s32 @!p0 $0x1;
	_ =	shalt  }
.Lfunc_end2:
_tile_overlayer_lowered:
.L_overlay_start_2:
0x5b: {  	(tag) =	ssettag $0x2  }
0x5c: {  	s0 =	rddreg [dreg:$0x0];
	s2 =	stileid.u32  }
0x5d: {  	s1 =	rddreg [dreg:$0x1];
	p0 =	sne.s32 s2, $0x0  }
0x5e: {  	s3 =	rddreg [dreg:$0x2];
	[bflag:$0x3] =	sbarrier.arrive $0xFFFF;
	s2 =	simm.s32 @!p0 $0x1C05  }
0x5f: {  	[timem:s3], [sflag:s2] =	dma.local @!p0 [hbm:s0], s1  }
0x60: {  	s0 =	simm.s32 @!p0 $0x5  }
0x61: {  	_ =	swait.ge @!p0 [sflag:s0], s1  }
0x62: {  	s1 =	ssub.s32 @!p0 $0x0, s1;
	[sflag:s0] =	ssyncset.done @!p0 $0x0  }
0x63: {  	[sflag:s0] =	ssyncadd.s32 @!p0 s1  }
0x64: {  	[bflag:$0x3] =	sbarrier.arrive $0xFFFF  }
0x65: {  	_ =	shalt  }

// kernel: kernel.25.cloned.1.call-start
scs
__scs_entry_jumppad:
0x0: {  	(pc) =	sbr.rel $0x88, $3  }
0x1: {  	(tag) =	ssettag $0x0;
	lr =	simm.s32 $0x1  }
0x2: {  	[smem:$0x3F5C] =	sst lr;
	_ =	strace $0xD0000000  }
0x3: {  	_ = 	snop  }
0x4: {  	_ = 	snop  }
0x5: {  	_ = 	snop  }
0x6: {  	_ = 	snop  }
0x7: {  	_ = 	snop  }
__scs_overlays_trampoline_lowered:
0x8: {  	[smem:$0x3F6B] =	sst s0  }
0x9: {  	[smem:$0x3F6C] =	sst s1  }
0xa: {  	[smem:$0x3F6D] =	sst s2  }
0xb: {  	[smem:$0x3F6E] =	sst s3  }
0xc: {  	[smem:$0x3F6F] =	sst s4  }
0xd: {  	[smem:$0x3F70] =	sst s5  }
0xe: {  	[smem:$0x3F71] =	sst s6  }
0xf: {  	[smem:$0x3F72] =	sst s7  }
0x10: {  	[smem:$0x3F73] =	sst s8  }
0x11: {  	[smem:$0x3F74] =	sst s9;
	s0 =	simm.s32 @!p0 $0x0  }
0x12: {  	s1 =	sld [smem:$0x3F5A];
	s0 =	simm.s32 @p0 $0x1  }
0x13: {  	[smem:$0x3F75] =	sst s0;
	s0 =	simm.s32 @!p1 $0x0  }
0x14: {  	s2 =	sld [smem:$0x3F59];
	s0 =	simm.s32 @p1 $0x1  }
0x15: {  	[smem:$0x3F76] =	sst s0;
	s0 =	simm.s32 @!p2 $0x0  }
0x16: {  	s3 =	sld [smem:$0x3FDB];
	s0 =	simm.s32 @p2 $0x1  }
0x17: {  	s4 =	simm.s32 $0x1BF5;
	[smem:$0x3F78] =	sst s0  }
0x18: {  	s0 =	sld [smem:$0x3F5B];
	_ =	swait.ge [sflag:s4], $0x0  }
0x19: {  	s7 =	sld [smem:$0x3F5C]  }
0x1a: {  	s8 =	sadd.s32 $0xFFFFE003, lr  }
0x1b: {  	s9 =	sadd.s32 $0xFFFFFEF7, lr;
	s5 =	simm.s32 $0xFFFFFFFF;
	p2 =	slt.u32 s8, $0xFFFFF086  }
0x1c: {  	p1 =	slt.u32 s9, $0xF7A;
	s5 =	simm.s32 @!p2 $0x0  }
0x1d: {  	s5 =	simm.s32 @p1 $0x1;
	p0 =	seq.s32 s7, s2  }
0x1e: {  	s7 =	smul.u32 @!p0 $0xF7A, s2;
	p2 =	seq.s32 @!p0 s5, $0x0  }
0x1f: {  	s9 =	smul.u32 $0xF7A, s1;
	s8 =	simm.s32 @!p0 $0x1BF5;
	p2 =	por !p2, p0  }
0x20: {  	[sflag:s8] =	ssyncset.s32 @!p0 $0xFFFFF086;
	s6 =	sadd.s32 @!p0 s3, s7;
	s7 =	simm.s32 @!p0 $0x108  }
0x21: {  	s3 =	sadd.s32 s3, s9;
	s6 =	sadd.s32 @!p0 $0x88, s6;
	s7 =	simm.s32 @p2 $0x1082  }
0x22: {  	[simem:s7], [sflag:s8] =	dma.local @!p0 [hbm:s6], $0xF7A  }
0x23: {  	s9 =	sor.u32 $0xD0000000, s2;
	s6 =	simm.s32 $0x108;
	_ =	swait.ge @!p0 [sflag:s8], $0x0  }
0x24: {  	s3 =	sadd.s32 $0x88, s3;
	s6 =	simm.s32 @!p1 $0x1082;
	[sflag:s4] =	ssyncset.s32 $0xFFFFF086  }
0x25: {  	[simem:s6], [sflag:s4] =	dma.local [hbm:s3], $0xF7A  }
0x26: {  	[smem:$0x3F5C] =	sst s1;
	(tag) =	ssettag s2;
	_ =	strace s9  }
0x27: {  	s1 =	sld [smem:$0x3F6C]  }
0x28: {  	s2 =	sld [smem:$0x3F6D]  }
0x29: {  	s4 =	sld [smem:$0x3F6F]  }
0x2a: {  	p0 =	seq.s32 s5, $0x0;
	s5 =	sld [smem:$0x3F70]  }
0x2b: {  	s6 =	sld [smem:$0x3F71]  }
0x2c: {  	s7 =	sld [smem:$0x3F72]  }
0x2d: {  	s3 =	simm.s32 $0x108;
	s8 =	sld [smem:$0x3F73]  }
0x2e: {  	s3 =	simm.s32 @!p0 $0x1082;
	s9 =	sld [smem:$0x3F74]  }
0x2f: {  	lr =	sadd.s32 s0, s3;
	s0 =	sld [smem:$0x3F6B]  }
0x30: {  	s3 =	sld [smem:$0x3F6E]  }
0x31: {  	[smem:$0x3F77] =	sst s10  }
0x32: {  	s10 =	sld [smem:$0x3F75];
	_ =	sdelay $0x3  }
0x33: {  	p0 =	seq.s32 s10, $0x1;
	s10 =	sld [smem:$0x3F77];
	_ =	sdelay $0x3  }
0x34: {  	[smem:$0x3F77] =	sst s10  }
0x35: {  	s10 =	sld [smem:$0x3F76];
	_ =	sdelay $0x3  }
0x36: {  	p1 =	seq.s32 s10, $0x1;
	s10 =	sld [smem:$0x3F77];
	_ =	sdelay $0x3  }
0x37: {  	[smem:$0x3F77] =	sst s10  }
0x38: {  	s10 =	sld [smem:$0x3F78]  }
0x39: {  	_ = 	snop;
	(pc) =	sbr.ind lr, $3  }
0x3a: {  	_ = 	snop  }
0x3b: {  	_ = 	snop  }
0x3c: {  	p2 =	seq.s32 s10, $0x1;
	s10 =	sld [smem:$0x3F77]  }
0x3d: {  	_ =	shalt  }
0x3e: {  	_ =	shalt  }
0x3f: {  	_ =	shalt  }
0x40: {  	_ =	shalt  }
0x41: {  	_ =	shalt  }
0x42: {  	_ =	shalt  }
0x43: {  	_ =	shalt  }
0x44: {  	_ =	shalt  }
0x45: {  	_ =	shalt  }
0x46: {  	_ =	shalt  }
0x47: {  	_ =	shalt  }
0x48: {  	_ =	shalt  }
0x49: {  	_ =	shalt  }
0x4a: {  	_ =	shalt  }
0x4b: {  	_ =	shalt  }
0x4c: {  	_ =	shalt  }
0x4d: {  	_ =	shalt  }
0x4e: {  	_ =	shalt  }
0x4f: {  	_ =	shalt  }
0x50: {  	_ =	shalt  }
0x51: {  	_ =	shalt  }
0x52: {  	_ =	shalt  }
0x53: {  	_ =	shalt  }
0x54: {  	_ =	shalt  }
0x55: {  	_ =	shalt  }
0x56: {  	_ =	shalt  }
0x57: {  	_ =	shalt  }
0x58: {  	_ =	shalt  }
0x59: {  	_ =	shalt  }
0x5a: {  	_ =	shalt  }
0x5b: {  	_ =	shalt  }
0x5c: {  	_ =	shalt  }
0x5d: {  	_ =	shalt  }
0x5e: {  	_ =	shalt  }
0x5f: {  	_ =	shalt  }
0x60: {  	_ =	shalt  }
0x61: {  	_ =	shalt  }
0x62: {  	_ =	shalt  }
0x63: {  	_ =	shalt  }
0x64: {  	_ =	shalt  }
0x65: {  	_ =	shalt  }
0x66: {  	_ =	shalt  }
0x67: {  	_ =	shalt  }
0x68: {  	_ =	shalt  }
0x69: {  	_ =	shalt  }
0x6a: {  	_ =	shalt  }
0x6b: {  	_ =	shalt  }
0x6c: {  	_ =	shalt  }
0x6d: {  	_ =	shalt  }
0x6e: {  	_ =	shalt  }
0x6f: {  	_ =	shalt  }
0x70: {  	_ =	shalt  }
0x71: {  	_ =	shalt  }
0x72: {  	_ =	shalt  }
0x73: {  	_ =	shalt  }
0x74: {  	_ =	shalt  }
0x75: {  	_ =	shalt  }
0x76: {  	_ =	shalt  }
0x77: {  	_ =	shalt  }
0x78: {  	_ =	shalt  }
0x79: {  	_ =	shalt  }
0x7a: {  	_ =	shalt  }
0x7b: {  	_ =	shalt  }
0x7c: {  	_ =	shalt  }
0x7d: {  	_ =	shalt  }
0x7e: {  	_ =	shalt  }
0x7f: {  	_ =	shalt  }
0x80: {  	_ =	shalt  }
0x81: {  	_ =	shalt  }
0x82: {  	_ =	shalt  }
0x83: {  	_ =	shalt  }
0x84: {  	_ =	shalt  }
0x85: {  	_ =	shalt  }
0x86: {  	_ =	shalt  }
0x87: {  	_ =	shalt  }
.Lfunc_end0:
.L_simem_size_0:
called_computation.3_lowered:
.L_overlay_start_0:
0x88: {  	s2 =	sld [smem:$0x3FD9]  }
0x89: {  	s3 =	sld [smem:$0x3FFE];
	_ =	sdelay $0x1  }
0x8a: {  	s1 =	srdreg.scid  }
0x8b: {  	s0 =	sand.u32 $0x1, s1  }
0x8c: {  	s14 =	sshll.u32 s0, $0xA;
	s2 =	sadd.s32 s3, s2  }
0x8d: {  	s2 =	sadd.s32 s2, s14  }
0x8e: {  	[smem:$0x3F83] =	sst s2  }
0x8f: {  	_ = 	snop  }
0x90: {  	s2 =	sld [smem:$0x3FD0];
	_ =	sdelay $0x2  }
0x91: {  	s15 =	simm.s32 $0xA;
	s4 =	simm.s32 $0x10  }
0x92: {  	[smem:s4], [sflag:s15] =	dma.local [hbm:s2], $0x1  }
0x93: {  	_ =	swait.eq [sflag:s15], $0x1  }
0x94: {  	[sflag:s15] =	ssyncset.done $0x0  }
0x95: {  	[sflag:s15] =	ssyncadd.s32 $0xFFFFFFFF  }
0x96: {  	s16 =	sld [smem:$0x10];
	(tm) =	ssettm $0x1  }
0x97: {  	s17 =	sld [smem:$0x3FFB];
	_ =	sdelay $0x3  }
0x98: {  	_ =	strace s17  }
0x99: {  	s3 =	sld [smem:$0x3FFC];
	_ =	sdelay $0x3  }
0x9a: {  	_ =	strace s3  }
0x9b: {  	s3 =	sld [smem:$0x3FFD];
	_ =	sdelay $0x3  }
0x9c: {  	_ =	strace s3  }
0x9d: {  	_ =	strace $0x8FFFFFFF  }
0x9e: {  	s18 =	sld [smem:$0x3FDB];
	_ =	sdelay $0x1  }
0x9f: {  	s19 =	simm.s32 $_scs_section_size  }
0xa0: {  	s5 =	simm.s32 $_size__tile_overlayer_lowered;
	s6 =	simm.s32 $_tile_overlayer_lowered  }
0xa1: {  	s22 =	simm.s32 $0x1BFF;
	s21 =	sshll.u32 s6, $0x1;
	s3 =	sadd.s32 s19, s18  }
0xa2: {  	s7 =	simm.s32 $0x0;
	s20 =	sshll.u32 s5, $0x1;
	s5 =	sadd.s32 s21, s3  }
0xa3: {  	[timem:s7], [sflag:s22] =	dma.local [hbm:s5], s20  }
0xa4: {  	_ =	swait.ge [sflag:s22], s20  }
0xa5: {  	s4 =	ssub.s32 $0x0, s20;
	[sflag:s22] =	ssyncset.done $0x0  }
0xa6: {  	[sflag:s22] =	ssyncadd.s32 s4;
	_ =	sdelay $0x1  }
0xa7: {  	s23 =	simm.s32 $0x1B8B  }
0xa8: {  	_ =	swait.ge [sflag:s23], $0x1  }
0xa9: {  	[sflag:s23] =	ssyncset.done $0x0  }
0xaa: {  	s25 =	simm.s32 $0x1B8E;
	s24 =	sld [smem:$0x3FFE];
	[sflag:s23] =	ssyncadd.s32 $0xFFFFFFFF  }
0xab: {  	s26 =	simm.s32 $execute0_lowered;
	[smem:$0x3FD2] =	sst s25  }
0xac: {  	s5 =	sshll.u32 s26, $0x1;
	_ =	strace $0x8000004F;
	[dreg:$0x1] =	wrdreg $0xFFFFFFFF  }
0xad: {  	s28 =	simm.s32 $_size_execute0_lowered;
	s3 =	sadd.s32 s3, s5;
	[dreg:$0x0] =	wrdreg $0x0  }
0xae: {  	s5 =	sshll.u32 s28, $0x1;
	[dreg:$0x2] =	wrdreg s3  }
0xaf: {  	[dreg:$0x3] =	wrdreg s5  }
0xb0: {  	[dreg:$0x4] =	wrdreg $0xC0  }
0xb1: {  	_ =	task [dreg:s7], $0x5FFFF  }
0xb2: {  	[dreg:$0x1] =	wrdreg $0xFFFFFFFF  }
0xb3: {  	[dreg:$0x0] =	wrdreg $0x60  }
0xb4: {  	[dreg:$0x2] =	wrdreg s16  }
0xb5: {  	[dreg:$0x3] =	wrdreg s24  }
0xb6: {  	[dreg:$0x4] =	wrdreg $0x9  }
0xb7: {  	_ =	task.clear_ibuf [dreg:s7], $0x5FFFF;
	_ =	strace $0x9000004F  }
0xb8: {  	s29 =	simm.s32 $0x9;
	_ =	strace $0x80000051  }
0xb9: {  	_ =	swait.ge [sflag:s29], $0x1  }
0xba: {  	[sflag:s29] =	ssyncadd.s32 $0xFFFFFFFF  }
0xbb: {  	_ =	strace $0x90000051  }
0xbc: {  	_ =	sfence  }
0xbd: {  	s30 =	sld [smem:$0x0];
	_ =	sdelay $0x2  }
0xbe: {  	s31 =	sshll.u32 s1, $0xD;
	s1 =	sshrl.u32 s1, $0x2  }
0xbf: {  	s3 =	sand.u32 $0x4000, s31;
	s1 =	sadd.s32 s1, s30  }
0xc0: {  	s0 =	sor.u32 s3, s0;
	s1 =	sshll.u32 s1, $0x11  }
0xc1: {  	s0 =	sor.u32 s1, s0  }
0xc2: {  	s0 =	sadd.s32 $0x8F2B, s0  }
0xc3: {  	[sflag:s0] =	ssyncadd.remote.s32 $0x1  }
0xc4: {  	_ =	sfence.sel $0xFFFF  }
0xc5: {  	[dreg:$0x0] =	wrdreg $0xFFFFFFFF;
	(pc) =	sbr.abs _section_cstart, $3  }
0xc6: {  	[dreg:$0x1] =	wrdreg $0xFFFFFFFF  }
0xc7: {  	_ =	task.clear_ibuf [dreg:s7], $0x2FFFF;
	_ =	strace $0x9FFFFFFF  }
0xc8: {  	(tm) =	ssettm $0x7FFFFFFF  }
0xc9: {  	_ =	shalt  }
tec
execute0_lowered:
.L_overlay_start_1:
0x0: {  	(tag) =	ssettag $0x1  }
0x1: {  	s1 =	srdreg.scid  }
0x2: {  	s0 =	stileid.u32;
	s19 =	sand.u32 $0x1, s1  }
0x3: {  	s2 =	rddreg [dreg:$0x0];
	s31 =	sshll.u32 s0, $0xC;
	s3 =	sshll.u32 s19, $0xB  }
0x4: {  	s14 =	rddreg [dreg:$0x1];
	s15 =	sor.u32 s3, s31  }
0x5: {  	s1 =	rddreg [dreg:$0x2];
	s3 =	simm.s32 $0x0;
	s4 =	sshrl.u32 s15, $0x3  }
0x6: {  	[smem:$0x7FF] =	sst s3;
	s4 =	sadd.s32 s4, s14  }
0x7: {  	_ =	strace $0x80000050;
	s5 =	sadd.s32 $0x69800, s4;
	s4 =	simm.s32 $0x5  }
0x8: {  	[tilespmem:s3], [sflag:$0x5] =	stream.linear.gather [hbm4b:s5+s3], $0x800, $0x38;
	[tilespmem:$0x10800] =	vst v63  }
0x9: {  	_ =	swait.ge [sflag:s4], $0x800  }
0xa: {  	[sflag:s4] =	ssyncset.done $0x0  }
0xb: {  	s6 =	simm.s32 $0x200;
	s7 =	simm.s32 $0x800;
	[sflag:s4] =	ssyncadd.s32 $0xFFFFF800  }
0xc: {  	[tilespmem:s7], [sflag:$0x1] =	stream.indirect.gather [hbm4b:s2+s6], $0x20, s3, s6, $0xb8;
	[tilespmem:$0x10800] =	vst v63  }
0xd: {  	s8 =	simm.s32 $0x4800  }
0xe: {  	[tilespmem:s8], [sflag:$0x2] =	stream.indirect.gather [hbm4b:s2+s6], $0x20, s6, s6, $0xb8;
	[tilespmem:$0x10800] =	vst v63  }
0xf: {  	s9 =	simm.s32 $0x400;
	s10 =	simm.s32 $0x8800  }
0x10: {  	[tilespmem:s10], [sflag:$0x3] =	stream.indirect.gather [hbm4b:s2+s6], $0x20, s9, s6, $0xb8;
	[tilespmem:$0x10800] =	vst v63  }
0x11: {  	s11 =	simm.s32 $0x600;
	s12 =	simm.s32 $0xC800;
	s13 =	simm.s32 $0x1  }
0x12: {  	[tilespmem:s12], [sflag:$0x4] =	stream.indirect.gather [hbm4b:s2+s6], $0x20, s11, s6, $0xb8;
	[tilespmem:$0x10800] =	vst v63  }
0x13: {  	s15 =	sshll.u32 s15, $0x2;
	_ =	swait.ge [sflag:s13], $0x4000  }
0x14: {  	s20 =	sadd.s32 s15, s14;
	[sflag:s13] =	ssyncset.done $0x0  }
0x15: {  	s14 =	sadd.s32 $0xAD800, s20;
	[sflag:s13] =	ssyncadd.s32 $0xFFFFC000  }
0x16: {  	[hbm4b:s14+s3] =	stream.linear.scatter [tilespmem:s7], [sflag:$0x5], $0x4000, $0x38;
	[tilespmem:$0x10800] =	vst v63  }
0x17: {  	_ =	swait.ge [sflag:s4], $0x4000  }
0x18: {  	[sflag:s4] =	ssyncset.done $0x0  }
0x19: {  	s15 =	simm.s32 $0x2;
	[sflag:s4] =	ssyncadd.s32 $0xFFFFC000  }
0x1a: {  	_ =	swait.ge [sflag:s15], $0x4000  }
0x1b: {  	[sflag:s15] =	ssyncset.done $0x0  }
0x1c: {  	s16 =	sadd.s32 $0xAE000, s20;
	[sflag:s15] =	ssyncadd.s32 $0xFFFFC000  }
0x1d: {  	[hbm4b:s16+s3] =	stream.linear.scatter [tilespmem:s8], [sflag:$0x5], $0x4000, $0x38;
	[tilespmem:$0x10800] =	vst v63  }
0x1e: {  	_ =	swait.ge [sflag:s4], $0x4000  }
0x1f: {  	[sflag:s4] =	ssyncset.done $0x0  }
0x20: {  	s17 =	simm.s32 $0x3;
	[sflag:s4] =	ssyncadd.s32 $0xFFFFC000  }
0x21: {  	_ =	swait.ge [sflag:s17], $0x4000  }
0x22: {  	[sflag:s17] =	ssyncset.done $0x0  }
0x23: {  	s21 =	ssub.s32 $0x2, s19;
	s18 =	sadd.s32 $0xAE800, s20;
	[sflag:s17] =	ssyncadd.s32 $0xFFFFC000  }
0x24: {  	[hbm4b:s18+s3] =	stream.linear.scatter [tilespmem:s10], [sflag:$0x5], $0x4000, $0x38;
	[tilespmem:$0x10800] =	vst v63  }
0x25: {  	s22 =	sshrl.u32 s21, $0x1;
	_ =	swait.ge [sflag:s4], $0x4000  }
0x26: {  	s21 =	ssub.s32 s21, s22;
	[sflag:s4] =	ssyncset.done $0x0  }
0x27: {  	s19 =	simm.s32 $0x4;
	s21 =	smax.u32 s21, $0x1;
	[sflag:s4] =	ssyncadd.s32 $0xFFFFC000  }
0x28: {  	p0 =	sne.s32 s21, $0x1;
	_ =	swait.ge [sflag:s19], $0x4000  }
.Ltmp0:
0x29: {  	[sflag:s19] =	ssyncset.done $0x0;
	(pc) =	sbr.rel @!p0 .LBB2_2-.Ltmp0, $4  }
0x2a: {  	s20 =	sadd.s32 $0xAF000, s20;
	[sflag:s19] =	ssyncadd.s32 $0xFFFFC000  }
0x2b: {  	[hbm4b:s20+s3] =	stream.linear.scatter [tilespmem:s12], [sflag:$0x5], $0x4000, $0x38;
	[tilespmem:$0x10800] =	vst v63  }
0x2c: {  	_ =	swait.ge [sflag:s4], $0x4000  }
0x2d: {  	s21 =	sadd.s32 $0xFFFFFFFF, s21;
	[sflag:s4] =	ssyncset.done $0x0  }
.LBB2_1:
0x2e: {  	p0 =	sne.s32 s21, $0x1;
	s21 =	sadd.s32 $0xFFFFFFFF, s21;
	[sflag:s4] =	ssyncadd.s32 $0xFFFFC000  }
0x2f: {  	[tilespmem:s3], [sflag:$0x5] =	stream.linear.gather [hbm4b:s5+s3], $0x800, $0x38;
	[tilespmem:$0x10800] =	vst v63  }
0x30: {  	_ =	swait.ge [sflag:s4], $0x800  }
0x31: {  	[sflag:s4] =	ssyncset.done $0x0  }
0x32: {  	[sflag:s4] =	ssyncadd.s32 $0xFFFFF800  }
0x33: {  	[tilespmem:s7], [sflag:$0x1] =	stream.indirect.gather [hbm4b:s2+s6], $0x20, s3, s6, $0xb8;
	[tilespmem:$0x10800] =	vst v63  }
0x34: {  	_ = 	snop  }
0x35: {  	[tilespmem:s8], [sflag:$0x2] =	stream.indirect.gather [hbm4b:s2+s6], $0x20, s6, s6, $0xb8;
	[tilespmem:$0x10800] =	vst v63  }
0x36: {  	_ = 	snop  }
0x37: {  	[tilespmem:s10], [sflag:$0x3] =	stream.indirect.gather [hbm4b:s2+s6], $0x20, s9, s6, $0xb8;
	[tilespmem:$0x10800] =	vst v63  }
0x38: {  	_ = 	snop  }
0x39: {  	[tilespmem:s12], [sflag:$0x4] =	stream.indirect.gather [hbm4b:s2+s6], $0x20, s11, s6, $0xb8;
	[tilespmem:$0x10800] =	vst v63  }
0x3a: {  	_ =	swait.ge [sflag:s13], $0x4000  }
0x3b: {  	[sflag:s13] =	ssyncset.done $0x0  }
0x3c: {  	[sflag:s13] =	ssyncadd.s32 $0xFFFFC000  }
0x3d: {  	[hbm4b:s14+s3] =	stream.linear.scatter [tilespmem:s7], [sflag:$0x5], $0x4000, $0x38;
	[tilespmem:$0x10800] =	vst v63  }
0x3e: {  	_ =	swait.ge [sflag:s4], $0x4000  }
0x3f: {  	[sflag:s4] =	ssyncset.done $0x0  }
0x40: {  	[sflag:s4] =	ssyncadd.s32 $0xFFFFC000  }
0x41: {  	_ =	swait.ge [sflag:s15], $0x4000  }
0x42: {  	[sflag:s15] =	ssyncset.done $0x0  }
0x43: {  	[sflag:s15] =	ssyncadd.s32 $0xFFFFC000  }
0x44: {  	[hbm4b:s16+s3] =	stream.linear.scatter [tilespmem:s8], [sflag:$0x5], $0x4000, $0x38;
	[tilespmem:$0x10800] =	vst v63  }
0x45: {  	_ =	swait.ge [sflag:s4], $0x4000  }
0x46: {  	[sflag:s4] =	ssyncset.done $0x0  }
0x47: {  	[sflag:s4] =	ssyncadd.s32 $0xFFFFC000  }
0x48: {  	_ =	swait.ge [sflag:s17], $0x4000  }
0x49: {  	[sflag:s17] =	ssyncset.done $0x0  }
0x4a: {  	[sflag:s17] =	ssyncadd.s32 $0xFFFFC000  }
0x4b: {  	[hbm4b:s18+s3] =	stream.linear.scatter [tilespmem:s10], [sflag:$0x5], $0x4000, $0x38;
	[tilespmem:$0x10800] =	vst v63  }
0x4c: {  	_ =	swait.ge [sflag:s4], $0x4000  }
0x4d: {  	[sflag:s4] =	ssyncset.done $0x0  }
0x4e: {  	[sflag:s4] =	ssyncadd.s32 $0xFFFFC000  }
0x4f: {  	_ =	swait.ge [sflag:s19], $0x4000  }
.Ltmp1:
0x50: {  	[sflag:s19] =	ssyncset.done $0x0;
	(pc) =	sbr.rel @p0 .LBB2_1-.Ltmp1, $4  }
0x51: {  	[sflag:s19] =	ssyncadd.s32 $0xFFFFC000  }
0x52: {  	[hbm4b:s20+s3] =	stream.linear.scatter [tilespmem:s12], [sflag:$0x5], $0x4000, $0x38;
	[tilespmem:$0x10800] =	vst v63  }
0x53: {  	_ =	swait.ge [sflag:s4], $0x4000  }
0x54: {  	[sflag:s4] =	ssyncset.done $0x0  }
.LBB2_2:
0x55: {  	[sflag:s4] =	ssyncadd.s32 $0xFFFFC000  }
0x56: {  	_ =	sfence.sel $0x180000  }
0x57: {  	[bflag:$0x0] =	sbarrier.arrive $0xFFFF  }
0x58: {  	p0 =	sne.s32 s0, $0x0;
	_ =	strace $0x90000050  }
0x59: {  	s0 =	sadd.s32 @!p0 $0x100000, s1;
	[bflag:$0x2] =	sbarrier.arrive $0xFFFF  }
0x5a: {  	[sflag:s0] =	ssyncadd.tile.s32 @!p0 $0x1;
	_ =	shalt  }
.Lfunc_end2:
_tile_overlayer_lowered:
.L_overlay_start_2:
0x5b: {  	(tag) =	ssettag $0x2  }
0x5c: {  	s0 =	rddreg [dreg:$0x0];
	s2 =	stileid.u32  }
0x5d: {  	s1 =	rddreg [dreg:$0x1];
	p0 =	sne.s32 s2, $0x0  }
0x5e: {  	s3 =	rddreg [dreg:$0x2];
	[bflag:$0x3] =	sbarrier.arrive $0xFFFF;
	s2 =	simm.s32 @!p0 $0x1C05  }
0x5f: {  	[timem:s3], [sflag:s2] =	dma.local @!p0 [hbm:s0], s1  }
0x60: {  	s0 =	simm.s32 @!p0 $0x5  }
0x61: {  	_ =	swait.ge @!p0 [sflag:s0], s1  }
0x62: {  	s1 =	ssub.s32 @!p0 $0x0, s1;
	[sflag:s0] =	ssyncset.done @!p0 $0x0  }
0x63: {  	[sflag:s0] =	ssyncadd.s32 @!p0 s1  }
0x64: {  	[bflag:$0x3] =	sbarrier.arrive $0xFFFF  }
0x65: {  	_ =	shalt  }

// kernel: kernel.28.cloned.1.call-start
scs
__scs_entry_jumppad:
0x0: {  	(pc) =	sbr.rel $0x88, $3  }
0x1: {  	(tag) =	ssettag $0x0;
	lr =	simm.s32 $0x1  }
0x2: {  	[smem:$0x3F5C] =	sst lr;
	_ =	strace $0xD0000000  }
0x3: {  	_ = 	snop  }
0x4: {  	_ = 	snop  }
0x5: {  	_ = 	snop  }
0x6: {  	_ = 	snop  }
0x7: {  	_ = 	snop  }
__scs_overlays_trampoline_lowered:
0x8: {  	[smem:$0x3F6B] =	sst s0  }
0x9: {  	[smem:$0x3F6C] =	sst s1  }
0xa: {  	[smem:$0x3F6D] =	sst s2  }
0xb: {  	[smem:$0x3F6E] =	sst s3  }
0xc: {  	[smem:$0x3F6F] =	sst s4  }
0xd: {  	[smem:$0x3F70] =	sst s5  }
0xe: {  	[smem:$0x3F71] =	sst s6  }
0xf: {  	[smem:$0x3F72] =	sst s7  }
0x10: {  	[smem:$0x3F73] =	sst s8  }
0x11: {  	[smem:$0x3F74] =	sst s9;
	s0 =	simm.s32 @!p0 $0x0  }
0x12: {  	s1 =	sld [smem:$0x3F5A];
	s0 =	simm.s32 @p0 $0x1  }
0x13: {  	[smem:$0x3F75] =	sst s0;
	s0 =	simm.s32 @!p1 $0x0  }
0x14: {  	s2 =	sld [smem:$0x3F59];
	s0 =	simm.s32 @p1 $0x1  }
0x15: {  	[smem:$0x3F76] =	sst s0;
	s0 =	simm.s32 @!p2 $0x0  }
0x16: {  	s3 =	sld [smem:$0x3FDB];
	s0 =	simm.s32 @p2 $0x1  }
0x17: {  	s4 =	simm.s32 $0x1BF5;
	[smem:$0x3F78] =	sst s0  }
0x18: {  	s0 =	sld [smem:$0x3F5B];
	_ =	swait.ge [sflag:s4], $0x0  }
0x19: {  	s7 =	sld [smem:$0x3F5C]  }
0x1a: {  	s8 =	sadd.s32 $0xFFFFE003, lr  }
0x1b: {  	s9 =	sadd.s32 $0xFFFFFEF7, lr;
	s5 =	simm.s32 $0xFFFFFFFF;
	p2 =	slt.u32 s8, $0xFFFFF086  }
0x1c: {  	p1 =	slt.u32 s9, $0xF7A;
	s5 =	simm.s32 @!p2 $0x0  }
0x1d: {  	s5 =	simm.s32 @p1 $0x1;
	p0 =	seq.s32 s7, s2  }
0x1e: {  	s7 =	smul.u32 @!p0 $0xF7A, s2;
	p2 =	seq.s32 @!p0 s5, $0x0  }
0x1f: {  	s9 =	smul.u32 $0xF7A, s1;
	s8 =	simm.s32 @!p0 $0x1BF5;
	p2 =	por !p2, p0  }
0x20: {  	[sflag:s8] =	ssyncset.s32 @!p0 $0xFFFFF086;
	s6 =	sadd.s32 @!p0 s3, s7;
	s7 =	simm.s32 @!p0 $0x108  }
0x21: {  	s3 =	sadd.s32 s3, s9;
	s6 =	sadd.s32 @!p0 $0x88, s6;
	s7 =	simm.s32 @p2 $0x1082  }
0x22: {  	[simem:s7], [sflag:s8] =	dma.local @!p0 [hbm:s6], $0xF7A  }
0x23: {  	s9 =	sor.u32 $0xD0000000, s2;
	s6 =	simm.s32 $0x108;
	_ =	swait.ge @!p0 [sflag:s8], $0x0  }
0x24: {  	s3 =	sadd.s32 $0x88, s3;
	s6 =	simm.s32 @!p1 $0x1082;
	[sflag:s4] =	ssyncset.s32 $0xFFFFF086  }
0x25: {  	[simem:s6], [sflag:s4] =	dma.local [hbm:s3], $0xF7A  }
0x26: {  	[smem:$0x3F5C] =	sst s1;
	(tag) =	ssettag s2;
	_ =	strace s9  }
0x27: {  	s1 =	sld [smem:$0x3F6C]  }
0x28: {  	s2 =	sld [smem:$0x3F6D]  }
0x29: {  	s4 =	sld [smem:$0x3F6F]  }
0x2a: {  	p0 =	seq.s32 s5, $0x0;
	s5 =	sld [smem:$0x3F70]  }
0x2b: {  	s6 =	sld [smem:$0x3F71]  }
0x2c: {  	s7 =	sld [smem:$0x3F72]  }
0x2d: {  	s3 =	simm.s32 $0x108;
	s8 =	sld [smem:$0x3F73]  }
0x2e: {  	s3 =	simm.s32 @!p0 $0x1082;
	s9 =	sld [smem:$0x3F74]  }
0x2f: {  	lr =	sadd.s32 s0, s3;
	s0 =	sld [smem:$0x3F6B]  }
0x30: {  	s3 =	sld [smem:$0x3F6E]  }
0x31: {  	[smem:$0x3F77] =	sst s10  }
0x32: {  	s10 =	sld [smem:$0x3F75];
	_ =	sdelay $0x3  }
0x33: {  	p0 =	seq.s32 s10, $0x1;
	s10 =	sld [smem:$0x3F77];
	_ =	sdelay $0x3  }
0x34: {  	[smem:$0x3F77] =	sst s10  }
0x35: {  	s10 =	sld [smem:$0x3F76];
	_ =	sdelay $0x3  }
0x36: {  	p1 =	seq.s32 s10, $0x1;
	s10 =	sld [smem:$0x3F77];
	_ =	sdelay $0x3  }
0x37: {  	[smem:$0x3F77] =	sst s10  }
0x38: {  	s10 =	sld [smem:$0x3F78]  }
0x39: {  	_ = 	snop;
	(pc) =	sbr.ind lr, $3  }
0x3a: {  	_ = 	snop  }
0x3b: {  	_ = 	snop  }
0x3c: {  	p2 =	seq.s32 s10, $0x1;
	s10 =	sld [smem:$0x3F77]  }
0x3d: {  	_ =	shalt  }
0x3e: {  	_ =	shalt  }
0x3f: {  	_ =	shalt  }
0x40: {  	_ =	shalt  }
0x41: {  	_ =	shalt  }
0x42: {  	_ =	shalt  }
0x43: {  	_ =	shalt  }
0x44: {  	_ =	shalt  }
0x45: {  	_ =	shalt  }
0x46: {  	_ =	shalt  }
0x47: {  	_ =	shalt  }
0x48: {  	_ =	shalt  }
0x49: {  	_ =	shalt  }
0x4a: {  	_ =	shalt  }
0x4b: {  	_ =	shalt  }
0x4c: {  	_ =	shalt  }
0x4d: {  	_ =	shalt  }
0x4e: {  	_ =	shalt  }
0x4f: {  	_ =	shalt  }
0x50: {  	_ =	shalt  }
0x51: {  	_ =	shalt  }
0x52: {  	_ =	shalt  }
0x53: {  	_ =	shalt  }
0x54: {  	_ =	shalt  }
0x55: {  	_ =	shalt  }
0x56: {  	_ =	shalt  }
0x57: {  	_ =	shalt  }
0x58: {  	_ =	shalt  }
0x59: {  	_ =	shalt  }
0x5a: {  	_ =	shalt  }
0x5b: {  	_ =	shalt  }
0x5c: {  	_ =	shalt  }
0x5d: {  	_ =	shalt  }
0x5e: {  	_ =	shalt  }
0x5f: {  	_ =	shalt  }
0x60: {  	_ =	shalt  }
0x61: {  	_ =	shalt  }
0x62: {  	_ =	shalt  }
0x63: {  	_ =	shalt  }
0x64: {  	_ =	shalt  }
0x65: {  	_ =	shalt  }
0x66: {  	_ =	shalt  }
0x67: {  	_ =	shalt  }
0x68: {  	_ =	shalt  }
0x69: {  	_ =	shalt  }
0x6a: {  	_ =	shalt  }
0x6b: {  	_ =	shalt  }
0x6c: {  	_ =	shalt  }
0x6d: {  	_ =	shalt  }
0x6e: {  	_ =	shalt  }
0x6f: {  	_ =	shalt  }
0x70: {  	_ =	shalt  }
0x71: {  	_ =	shalt  }
0x72: {  	_ =	shalt  }
0x73: {  	_ =	shalt  }
0x74: {  	_ =	shalt  }
0x75: {  	_ =	shalt  }
0x76: {  	_ =	shalt  }
0x77: {  	_ =	shalt  }
0x78: {  	_ =	shalt  }
0x79: {  	_ =	shalt  }
0x7a: {  	_ =	shalt  }
0x7b: {  	_ =	shalt  }
0x7c: {  	_ =	shalt  }
0x7d: {  	_ =	shalt  }
0x7e: {  	_ =	shalt  }
0x7f: {  	_ =	shalt  }
0x80: {  	_ =	shalt  }
0x81: {  	_ =	shalt  }
0x82: {  	_ =	shalt  }
0x83: {  	_ =	shalt  }
0x84: {  	_ =	shalt  }
0x85: {  	_ =	shalt  }
0x86: {  	_ =	shalt  }
0x87: {  	_ =	shalt  }
.Lfunc_end0:
.L_simem_size_0:
called_computation.4_lowered:
.L_overlay_start_0:
0x88: {  	s2 =	sld [smem:$0x3FD9]  }
0x89: {  	s3 =	sld [smem:$0x3FFE];
	_ =	sdelay $0x1  }
0x8a: {  	s1 =	srdreg.scid  }
0x8b: {  	s0 =	sand.u32 $0x1, s1  }
0x8c: {  	s14 =	sshll.u32 s0, $0xA;
	s2 =	sadd.s32 s3, s2  }
0x8d: {  	s2 =	sadd.s32 s2, s14  }
0x8e: {  	[smem:$0x3F83] =	sst s2  }
0x8f: {  	_ = 	snop  }
0x90: {  	s2 =	sld [smem:$0x3FD0];
	_ =	sdelay $0x2  }
0x91: {  	s15 =	simm.s32 $0xA;
	s4 =	simm.s32 $0x10  }
0x92: {  	[smem:s4], [sflag:s15] =	dma.local [hbm:s2], $0x1  }
0x93: {  	_ =	swait.eq [sflag:s15], $0x1  }
0x94: {  	[sflag:s15] =	ssyncset.done $0x0  }
0x95: {  	s16 =	sld [smem:$0x10];
	[sflag:s15] =	ssyncadd.s32 $0xFFFFFFFF  }
0x96: {  	s17 =	sld [smem:$0x11];
	(tm) =	ssettm $0x1  }
0x97: {  	s18 =	sld [smem:$0x3FFB];
	_ =	sdelay $0x3  }
0x98: {  	_ =	strace s18  }
0x99: {  	s4 =	sld [smem:$0x3FFC];
	_ =	sdelay $0x3  }
0x9a: {  	_ =	strace s4  }
0x9b: {  	s4 =	sld [smem:$0x3FFD];
	_ =	sdelay $0x3  }
0x9c: {  	_ =	strace s4  }
0x9d: {  	_ =	strace $0x8FFFFFFF  }
0x9e: {  	s19 =	sld [smem:$0x3FDB];
	_ =	sdelay $0x1  }
0x9f: {  	s5 =	simm.s32 $_scs_section_size  }
0xa0: {  	s6 =	simm.s32 $_size__tile_overlayer_lowered;
	s7 =	simm.s32 $_tile_overlayer_lowered  }
0xa1: {  	s22 =	simm.s32 $0x1BFF;
	s21 =	sshll.u32 s7, $0x1;
	s4 =	sadd.s32 s5, s19  }
0xa2: {  	s8 =	simm.s32 $0x0;
	s20 =	sshll.u32 s6, $0x1;
	s6 =	sadd.s32 s21, s4  }
0xa3: {  	[timem:s8], [sflag:s22] =	dma.local [hbm:s6], s20  }
0xa4: {  	_ =	swait.ge [sflag:s22], s20  }
0xa5: {  	s5 =	ssub.s32 $0x0, s20;
	[sflag:s22] =	ssyncset.done $0x0  }
0xa6: {  	[sflag:s22] =	ssyncadd.s32 s5;
	_ =	sdelay $0x1  }
0xa7: {  	s23 =	simm.s32 $0x1B8B  }
0xa8: {  	_ =	swait.ge [sflag:s23], $0x1  }
0xa9: {  	[sflag:s23] =	ssyncset.done $0x0  }
0xaa: {  	s25 =	simm.s32 $0x1B8E;
	s24 =	sld [smem:$0x3FFE];
	[sflag:s23] =	ssyncadd.s32 $0xFFFFFFFF  }
0xab: {  	s26 =	simm.s32 $execute0_lowered;
	[smem:$0x3FD2] =	sst s25  }
0xac: {  	s6 =	sshll.u32 s26, $0x1;
	_ =	strace $0x80000052;
	[dreg:$0x1] =	wrdreg $0xFFFFFFFF  }
0xad: {  	s28 =	simm.s32 $_size_execute0_lowered;
	s4 =	sadd.s32 s4, s6;
	[dreg:$0x0] =	wrdreg $0x0  }
0xae: {  	s6 =	sshll.u32 s28, $0x1;
	[dreg:$0x2] =	wrdreg s4  }
0xaf: {  	[dreg:$0x3] =	wrdreg s6  }
0xb0: {  	[dreg:$0x4] =	wrdreg $0xC0  }
0xb1: {  	_ =	task [dreg:s8], $0x5FFFF  }
0xb2: {  	[dreg:$0x1] =	wrdreg $0xFFFFFFFF  }
0xb3: {  	[dreg:$0x0] =	wrdreg $0x60  }
0xb4: {  	[dreg:$0x2] =	wrdreg s24  }
0xb5: {  	[dreg:$0x3] =	wrdreg s17  }
0xb6: {  	[dreg:$0x4] =	wrdreg s16  }
0xb7: {  	[dreg:$0x5] =	wrdreg $0x9  }
0xb8: {  	_ =	task.clear_ibuf [dreg:s8], $0x6FFFF;
	_ =	strace $0x90000052  }
0xb9: {  	s29 =	simm.s32 $0x9;
	_ =	strace $0x80000054  }
0xba: {  	_ =	swait.ge [sflag:s29], $0x1  }
0xbb: {  	[sflag:s29] =	ssyncadd.s32 $0xFFFFFFFF  }
0xbc: {  	_ =	strace $0x90000054  }
0xbd: {  	_ =	sfence  }
0xbe: {  	s30 =	sld [smem:$0x0];
	_ =	sdelay $0x2  }
0xbf: {  	s31 =	sshll.u32 s1, $0xD;
	s1 =	sshrl.u32 s1, $0x2  }
0xc0: {  	s3 =	sand.u32 $0x4000, s31;
	s1 =	sadd.s32 s1, s30  }
0xc1: {  	s0 =	sor.u32 s3, s0;
	s1 =	sshll.u32 s1, $0x11  }
0xc2: {  	s0 =	sor.u32 s1, s0  }
0xc3: {  	s0 =	sadd.s32 $0x8F2B, s0  }
0xc4: {  	[sflag:s0] =	ssyncadd.remote.s32 $0x1  }
0xc5: {  	_ =	sfence.sel $0xFFFF  }
0xc6: {  	[dreg:$0x0] =	wrdreg $0xFFFFFFFF;
	(pc) =	sbr.abs _section_cstart, $3  }
0xc7: {  	[dreg:$0x1] =	wrdreg $0xFFFFFFFF  }
0xc8: {  	_ =	task.clear_ibuf [dreg:s8], $0x2FFFF;
	_ =	strace $0x9FFFFFFF  }
0xc9: {  	(tm) =	ssettm $0x7FFFFFFF  }
tec
execute0_lowered:
.L_overlay_start_1:
0x0: {  	(tag) =	ssettag $0x1  }
0x1: {  	s5 =	rddreg [dreg:$0x0]  }
0x2: {  	s1 =	srdreg.scid;
	s3 =	rddreg [dreg:$0x1]  }
0x3: {  	s0 =	stileid.u32;
	s8 =	rddreg [dreg:$0x2];
	s6 =	sand.u32 $0x1, s1  }
0x4: {  	s2 =	simm.s32 $0x0;
	s4 =	sshll.u32 s0, $0x9;
	s7 =	sshll.u32 s6, $0x8  }
0x5: {  	[smem:$0x7FF] =	sst s2;
	s9 =	sor.u32 s7, s4  }
0x6: {  	s1 =	rddreg [dreg:$0x3];
	_ =	strace $0x80000053;
	s4 =	sshrl.u32 s9, $0x3  }
0x7: {  	s10 =	ssub.s32 $0x2, s6;
	s4 =	sadd.s32 s3, s4;
	s3 =	simm.s32 $0x2  }
0x8: {  	[tilespmem:s2], [sflag:$0x2] =	stream.linear.gather [hbm4b:s4+s2], $0x100, $0x38;
	[tilespmem:$0x2100] =	vst v63  }
0x9: {  	s5 =	sadd.s32 $0x69800, s5;
	s11 =	sshrl.u32 s10, $0x1;
	_ =	swait.ge [sflag:s3], $0x100  }
0xa: {  	s6 =	simm.s32 $0x100;
	s10 =	ssub.s32 s10, s11;
	[sflag:s3] =	ssyncset.done $0x0  }
0xb: {  	s7 =	simm.s32 $0x1;
	s31 =	smax.u32 s10, $0x1;
	[sflag:s3] =	ssyncadd.s32 $0xFFFFFF00  }
0xc: {  	[tilespmem:s6], [sflag:$0x1] =	stream.indirect.gather [hbm4b:s5+s6], $0x20, s2, s6, $0xb8;
	[tilespmem:$0x2100] =	vst v63  }
0xd: {  	p0 =	sne.s32 s31, $0x1;
	_ =	swait.ge [sflag:s7], $0x2000  }
.Ltmp0:
0xe: {  	s9 =	sshll.u32 s9, $0x2;
	[sflag:s7] =	ssyncset.done $0x0;
	(pc) =	sbr.rel @!p0 .LBB2_2-.Ltmp0, $4  }
0xf: {  	s8 =	sadd.s32 s8, s9;
	[sflag:s7] =	ssyncadd.s32 $0xFFFFE000  }
0x10: {  	[hbm4b:s8+s2] =	stream.linear.scatter [tilespmem:s6], [sflag:$0x2], $0x2000, $0x38;
	[tilespmem:$0x2100] =	vst v63  }
0x11: {  	_ =	swait.ge [sflag:s3], $0x2000  }
0x12: {  	s9 =	sadd.s32 $0xFFFFFFFF, s31;
	[sflag:s3] =	ssyncset.done $0x0  }
.LBB2_1:
0x13: {  	p0 =	sne.s32 s9, $0x1;
	s9 =	sadd.s32 $0xFFFFFFFF, s9;
	[sflag:s3] =	ssyncadd.s32 $0xFFFFE000  }
0x14: {  	[tilespmem:s2], [sflag:$0x2] =	stream.linear.gather [hbm4b:s4+s2], $0x100, $0x38;
	[tilespmem:$0x2100] =	vst v63  }
0x15: {  	_ =	swait.ge [sflag:s3], $0x100  }
0x16: {  	[sflag:s3] =	ssyncset.done $0x0  }
0x17: {  	[sflag:s3] =	ssyncadd.s32 $0xFFFFFF00  }
0x18: {  	[tilespmem:s6], [sflag:$0x1] =	stream.indirect.gather [hbm4b:s5+s6], $0x20, s2, s6, $0xb8;
	[tilespmem:$0x2100] =	vst v63  }
0x19: {  	_ =	swait.ge [sflag:s7], $0x2000  }
.Ltmp1:
0x1a: {  	[sflag:s7] =	ssyncset.done $0x0;
	(pc) =	sbr.rel @p0 .LBB2_1-.Ltmp1, $4  }
0x1b: {  	[sflag:s7] =	ssyncadd.s32 $0xFFFFE000  }
0x1c: {  	[hbm4b:s8+s2] =	stream.linear.scatter [tilespmem:s6], [sflag:$0x2], $0x2000, $0x38;
	[tilespmem:$0x2100] =	vst v63  }
0x1d: {  	_ =	swait.ge [sflag:s3], $0x2000  }
0x1e: {  	[sflag:s3] =	ssyncset.done $0x0  }
.LBB2_2:
0x1f: {  	[sflag:s3] =	ssyncadd.s32 $0xFFFFE000  }
0x20: {  	_ =	sfence.sel $0x180000  }
0x21: {  	[bflag:$0x0] =	sbarrier.arrive $0xFFFF  }
0x22: {  	p0 =	sne.s32 s0, $0x0;
	_ =	strace $0x90000053  }
0x23: {  	s0 =	sadd.s32 @!p0 $0x100000, s1;
	[bflag:$0x2] =	sbarrier.arrive $0xFFFF  }
0x24: {  	[sflag:s0] =	ssyncadd.tile.s32 @!p0 $0x1;
	_ =	shalt  }
.Lfunc_end2:
_tile_overlayer_lowered:
.L_overlay_start_2:
0x25: {  	(tag) =	ssettag $0x2  }
0x26: {  	s0 =	rddreg [dreg:$0x0];
	s2 =	stileid.u32  }
0x27: {  	s1 =	rddreg [dreg:$0x1];
	p0 =	sne.s32 s2, $0x0  }
0x28: {  	s3 =	rddreg [dreg:$0x2];
	[bflag:$0x3] =	sbarrier.arrive $0xFFFF;
	s2 =	simm.s32 @!p0 $0x1C02  }
0x29: {  	[timem:s3], [sflag:s2] =	dma.local @!p0 [hbm:s0], s1  }
0x2a: {  	s0 =	simm.s32 @!p0 $0x2  }
0x2b: {  	_ =	swait.ge @!p0 [sflag:s0], s1  }
0x2c: {  	s1 =	ssub.s32 @!p0 $0x0, s1;
	[sflag:s0] =	ssyncset.done @!p0 $0x0  }
0x2d: {  	[sflag:s0] =	ssyncadd.s32 @!p0 s1  }
0x2e: {  	[bflag:$0x3] =	sbarrier.arrive $0xFFFF  }
0x2f: {  	_ =	shalt  }

// kernel: kernel.31.cloned.1.call-start
scs
__scs_entry_jumppad:
0x0: {  	(pc) =	sbr.rel $0x88, $3  }
0x1: {  	(tag) =	ssettag $0x0;
	lr =	simm.s32 $0x1  }
0x2: {  	[smem:$0x3F5C] =	sst lr;
	_ =	strace $0xD0000000  }
0x3: {  	_ = 	snop  }
0x4: {  	_ = 	snop  }
0x5: {  	_ = 	snop  }
0x6: {  	_ = 	snop  }
0x7: {  	_ = 	snop  }
__scs_overlays_trampoline_lowered:
0x8: {  	[smem:$0x3F6B] =	sst s0  }
0x9: {  	[smem:$0x3F6C] =	sst s1  }
0xa: {  	[smem:$0x3F6D] =	sst s2  }
0xb: {  	[smem:$0x3F6E] =	sst s3  }
0xc: {  	[smem:$0x3F6F] =	sst s4  }
0xd: {  	[smem:$0x3F70] =	sst s5  }
0xe: {  	[smem:$0x3F71] =	sst s6  }
0xf: {  	[smem:$0x3F72] =	sst s7  }
0x10: {  	[smem:$0x3F73] =	sst s8  }
0x11: {  	[smem:$0x3F74] =	sst s9;
	s0 =	simm.s32 @!p0 $0x0  }
0x12: {  	s1 =	sld [smem:$0x3F5A];
	s0 =	simm.s32 @p0 $0x1  }
0x13: {  	[smem:$0x3F75] =	sst s0;
	s0 =	simm.s32 @!p1 $0x0  }
0x14: {  	s2 =	sld [smem:$0x3F59];
	s0 =	simm.s32 @p1 $0x1  }
0x15: {  	[smem:$0x3F76] =	sst s0;
	s0 =	simm.s32 @!p2 $0x0  }
0x16: {  	s3 =	sld [smem:$0x3FDB];
	s0 =	simm.s32 @p2 $0x1  }
0x17: {  	s4 =	simm.s32 $0x1BF5;
	[smem:$0x3F78] =	sst s0  }
0x18: {  	s0 =	sld [smem:$0x3F5B];
	_ =	swait.ge [sflag:s4], $0x0  }
0x19: {  	s7 =	sld [smem:$0x3F5C]  }
0x1a: {  	s8 =	sadd.s32 $0xFFFFE003, lr  }
0x1b: {  	s9 =	sadd.s32 $0xFFFFFEF7, lr;
	s5 =	simm.s32 $0xFFFFFFFF;
	p2 =	slt.u32 s8, $0xFFFFF086  }
0x1c: {  	p1 =	slt.u32 s9, $0xF7A;
	s5 =	simm.s32 @!p2 $0x0  }
0x1d: {  	s5 =	simm.s32 @p1 $0x1;
	p0 =	seq.s32 s7, s2  }
0x1e: {  	s7 =	smul.u32 @!p0 $0xF7A, s2;
	p2 =	seq.s32 @!p0 s5, $0x0  }
0x1f: {  	s9 =	smul.u32 $0xF7A, s1;
	s8 =	simm.s32 @!p0 $0x1BF5;
	p2 =	por !p2, p0  }
0x20: {  	[sflag:s8] =	ssyncset.s32 @!p0 $0xFFFFF086;
	s6 =	sadd.s32 @!p0 s3, s7;
	s7 =	simm.s32 @!p0 $0x108  }
0x21: {  	s3 =	sadd.s32 s3, s9;
	s6 =	sadd.s32 @!p0 $0x88, s6;
	s7 =	simm.s32 @p2 $0x1082  }
0x22: {  	[simem:s7], [sflag:s8] =	dma.local @!p0 [hbm:s6], $0xF7A  }
0x23: {  	s9 =	sor.u32 $0xD0000000, s2;
	s6 =	simm.s32 $0x108;
	_ =	swait.ge @!p0 [sflag:s8], $0x0  }
0x24: {  	s3 =	sadd.s32 $0x88, s3;
	s6 =	simm.s32 @!p1 $0x1082;
	[sflag:s4] =	ssyncset.s32 $0xFFFFF086  }
0x25: {  	[simem:s6], [sflag:s4] =	dma.local [hbm:s3], $0xF7A  }
0x26: {  	[smem:$0x3F5C] =	sst s1;
	(tag) =	ssettag s2;
	_ =	strace s9  }
0x27: {  	s1 =	sld [smem:$0x3F6C]  }
0x28: {  	s2 =	sld [smem:$0x3F6D]  }
0x29: {  	s4 =	sld [smem:$0x3F6F]  }
0x2a: {  	p0 =	seq.s32 s5, $0x0;
	s5 =	sld [smem:$0x3F70]  }
0x2b: {  	s6 =	sld [smem:$0x3F71]  }
0x2c: {  	s7 =	sld [smem:$0x3F72]  }
0x2d: {  	s3 =	simm.s32 $0x108;
	s8 =	sld [smem:$0x3F73]  }
0x2e: {  	s3 =	simm.s32 @!p0 $0x1082;
	s9 =	sld [smem:$0x3F74]  }
0x2f: {  	lr =	sadd.s32 s0, s3;
	s0 =	sld [smem:$0x3F6B]  }
0x30: {  	s3 =	sld [smem:$0x3F6E]  }
0x31: {  	[smem:$0x3F77] =	sst s10  }
0x32: {  	s10 =	sld [smem:$0x3F75];
	_ =	sdelay $0x3  }
0x33: {  	p0 =	seq.s32 s10, $0x1;
	s10 =	sld [smem:$0x3F77];
	_ =	sdelay $0x3  }
0x34: {  	[smem:$0x3F77] =	sst s10  }
0x35: {  	s10 =	sld [smem:$0x3F76];
	_ =	sdelay $0x3  }
0x36: {  	p1 =	seq.s32 s10, $0x1;
	s10 =	sld [smem:$0x3F77];
	_ =	sdelay $0x3  }
0x37: {  	[smem:$0x3F77] =	sst s10  }
0x38: {  	s10 =	sld [smem:$0x3F78]  }
0x39: {  	_ = 	snop;
	(pc) =	sbr.ind lr, $3  }
0x3a: {  	_ = 	snop  }
0x3b: {  	_ = 	snop  }
0x3c: {  	p2 =	seq.s32 s10, $0x1;
	s10 =	sld [smem:$0x3F77]  }
0x3d: {  	_ =	shalt  }
0x3e: {  	_ =	shalt  }
0x3f: {  	_ =	shalt  }
0x40: {  	_ =	shalt  }
0x41: {  	_ =	shalt  }
0x42: {  	_ =	shalt  }
0x43: {  	_ =	shalt  }
0x44: {  	_ =	shalt  }
0x45: {  	_ =	shalt  }
0x46: {  	_ =	shalt  }
0x47: {  	_ =	shalt  }
0x48: {  	_ =	shalt  }
0x49: {  	_ =	shalt  }
0x4a: {  	_ =	shalt  }
0x4b: {  	_ =	shalt  }
0x4c: {  	_ =	shalt  }
0x4d: {  	_ =	shalt  }
0x4e: {  	_ =	shalt  }
0x4f: {  	_ =	shalt  }
0x50: {  	_ =	shalt  }
0x51: {  	_ =	shalt  }
0x52: {  	_ =	shalt  }
0x53: {  	_ =	shalt  }
0x54: {  	_ =	shalt  }
0x55: {  	_ =	shalt  }
0x56: {  	_ =	shalt  }
0x57: {  	_ =	shalt  }
0x58: {  	_ =	shalt  }
0x59: {  	_ =	shalt  }
0x5a: {  	_ =	shalt  }
0x5b: {  	_ =	shalt  }
0x5c: {  	_ =	shalt  }
0x5d: {  	_ =	shalt  }
0x5e: {  	_ =	shalt  }
0x5f: {  	_ =	shalt  }
0x60: {  	_ =	shalt  }
0x61: {  	_ =	shalt  }
0x62: {  	_ =	shalt  }
0x63: {  	_ =	shalt  }
0x64: {  	_ =	shalt  }
0x65: {  	_ =	shalt  }
0x66: {  	_ =	shalt  }
0x67: {  	_ =	shalt  }
0x68: {  	_ =	shalt  }
0x69: {  	_ =	shalt  }
0x6a: {  	_ =	shalt  }
0x6b: {  	_ =	shalt  }
0x6c: {  	_ =	shalt  }
0x6d: {  	_ =	shalt  }
0x6e: {  	_ =	shalt  }
0x6f: {  	_ =	shalt  }
0x70: {  	_ =	shalt  }
0x71: {  	_ =	shalt  }
0x72: {  	_ =	shalt  }
0x73: {  	_ =	shalt  }
0x74: {  	_ =	shalt  }
0x75: {  	_ =	shalt  }
0x76: {  	_ =	shalt  }
0x77: {  	_ =	shalt  }
0x78: {  	_ =	shalt  }
0x79: {  	_ =	shalt  }
0x7a: {  	_ =	shalt  }
0x7b: {  	_ =	shalt  }
0x7c: {  	_ =	shalt  }
0x7d: {  	_ =	shalt  }
0x7e: {  	_ =	shalt  }
0x7f: {  	_ =	shalt  }
0x80: {  	_ =	shalt  }
0x81: {  	_ =	shalt  }
0x82: {  	_ =	shalt  }
0x83: {  	_ =	shalt  }
0x84: {  	_ =	shalt  }
0x85: {  	_ =	shalt  }
0x86: {  	_ =	shalt  }
0x87: {  	_ =	shalt  }
.Lfunc_end0:
.L_simem_size_0:
called_computation.5_lowered:
.L_overlay_start_0:
0x88: {  	s2 =	sld [smem:$0x3FD9]  }
0x89: {  	s3 =	sld [smem:$0x3FFE];
	_ =	sdelay $0x1  }
0x8a: {  	s1 =	srdreg.scid  }
0x8b: {  	s0 =	sand.u32 $0x1, s1  }
0x8c: {  	s16 =	sshll.u32 s0, $0xA;
	s2 =	sadd.s32 s3, s2  }
0x8d: {  	s2 =	sadd.s32 s2, s16  }
0x8e: {  	[smem:$0x3F83] =	sst s2  }
0x8f: {  	_ = 	snop  }
0x90: {  	(tm) =	ssettm $0x1  }
0x91: {  	s17 =	sld [smem:$0x3FFB];
	_ =	sdelay $0x3  }
0x92: {  	_ =	strace s17  }
0x93: {  	s2 =	sld [smem:$0x3FFC];
	_ =	sdelay $0x3  }
0x94: {  	_ =	strace s2  }
0x95: {  	s2 =	sld [smem:$0x3FFD];
	_ =	sdelay $0x3  }
0x96: {  	_ =	strace s2  }
0x97: {  	_ =	strace $0x8FFFFFFF  }
0x98: {  	s18 =	sld [smem:$0x3FDB];
	_ =	sdelay $0x1  }
0x99: {  	s19 =	simm.s32 $_scs_section_size  }
0x9a: {  	s4 =	simm.s32 $_size__tile_overlayer_lowered;
	s5 =	simm.s32 $_tile_overlayer_lowered  }
0x9b: {  	s22 =	simm.s32 $0x1BFF;
	s21 =	sshll.u32 s5, $0x1;
	s2 =	sadd.s32 s19, s18  }
0x9c: {  	s6 =	simm.s32 $0x0;
	s20 =	sshll.u32 s4, $0x1;
	s4 =	sadd.s32 s21, s2  }
0x9d: {  	[timem:s6], [sflag:s22] =	dma.local [hbm:s4], s20  }
0x9e: {  	_ =	swait.ge [sflag:s22], s20  }
0x9f: {  	s3 =	ssub.s32 $0x0, s20;
	[sflag:s22] =	ssyncset.done $0x0  }
0xa0: {  	[sflag:s22] =	ssyncadd.s32 s3;
	_ =	sdelay $0x1  }
0xa1: {  	s23 =	simm.s32 $0x1B8B  }
0xa2: {  	_ =	swait.ge [sflag:s23], $0x1  }
0xa3: {  	[sflag:s23] =	ssyncset.done $0x0  }
0xa4: {  	s25 =	simm.s32 $0x1B8E;
	s24 =	sld [smem:$0x3FFE];
	[sflag:s23] =	ssyncadd.s32 $0xFFFFFFFF  }
0xa5: {  	s26 =	simm.s32 $execute0_lowered;
	[smem:$0x3FD2] =	sst s25  }
0xa6: {  	s4 =	sshll.u32 s26, $0x1;
	_ =	strace $0x80000055;
	[dreg:$0x1] =	wrdreg $0xFFFFFFFF  }
0xa7: {  	s28 =	simm.s32 $_size_execute0_lowered;
	s2 =	sadd.s32 s2, s4;
	[dreg:$0x0] =	wrdreg $0x0  }
0xa8: {  	s4 =	sshll.u32 s28, $0x1;
	[dreg:$0x2] =	wrdreg s2  }
0xa9: {  	[dreg:$0x3] =	wrdreg s4  }
0xaa: {  	[dreg:$0x4] =	wrdreg $0xC0  }
0xab: {  	_ =	task [dreg:s6], $0x5FFFF  }
0xac: {  	[dreg:$0x1] =	wrdreg $0xFFFFFFFF  }
0xad: {  	[dreg:$0x0] =	wrdreg $0x60  }
0xae: {  	[dreg:$0x2] =	wrdreg s24  }
0xaf: {  	[dreg:$0x3] =	wrdreg $0x9  }
0xb0: {  	_ =	task.clear_ibuf [dreg:s6], $0x4FFFF;
	_ =	strace $0x90000055  }
0xb1: {  	s29 =	simm.s32 $0x9;
	_ =	strace $0x80000057  }
0xb2: {  	_ =	swait.ge [sflag:s29], $0x1  }
0xb3: {  	[sflag:s29] =	ssyncadd.s32 $0xFFFFFFFF  }
0xb4: {  	_ =	strace $0x90000057  }
0xb5: {  	_ =	sfence  }
0xb6: {  	s30 =	sld [smem:$0x0];
	_ =	sdelay $0x2  }
0xb7: {  	s31 =	sshll.u32 s1, $0xD;
	s1 =	sshrl.u32 s1, $0x2  }
0xb8: {  	s3 =	sand.u32 $0x4000, s31;
	s1 =	sadd.s32 s1, s30  }
0xb9: {  	s0 =	sor.u32 s3, s0;
	s1 =	sshll.u32 s1, $0x11  }
0xba: {  	s0 =	sor.u32 s1, s0  }
0xbb: {  	s0 =	sadd.s32 $0x8F2B, s0  }
0xbc: {  	[sflag:s0] =	ssyncadd.remote.s32 $0x1  }
0xbd: {  	_ =	sfence.sel $0xFFFF  }
0xbe: {  	[dreg:$0x0] =	wrdreg $0xFFFFFFFF;
	(pc) =	sbr.abs _section_cstart, $3  }
0xbf: {  	[dreg:$0x1] =	wrdreg $0xFFFFFFFF  }
0xc0: {  	_ =	task.clear_ibuf [dreg:s6], $0x2FFFF;
	_ =	strace $0x9FFFFFFF  }
0xc1: {  	(tm) =	ssettm $0x7FFFFFFF  }
tec
execute0_lowered:
.L_overlay_start_1:
0x0: {  	(tag) =	ssettag $0x1  }
0x1: {  	s0 =	srdreg.scid  }
0x2: {  	s1 =	stileid.u32;
	s3 =	rddreg [dreg:$0x0];
	s11 =	simm.s32 $0x5000  }
0x3: {  	s30 =	simm.s32 $0x200;
	s9 =	simm.s32 $0x9000;
	s0 =	sand.u32 $0x1, s0  }
0x4: {  	s31 =	simm.s32 $0x300;
	s1 =	sshll.u32 s1, $0xD;
	s2 =	sshll.u32 s0, $0xC  }
0x5: {  	s6 =	simm.s32 $0xD000;
	s29 =	simm.s32 $0x400;
	s1 =	sor.u32 s2, s1  }
0x6: {  	s28 =	simm.s32 $0x500;
	s12 =	simm.s32 $0x3;
	s4 =	sshrl.u32 s1, $0x3  }
0x7: {  	s2 =	simm.s32 $0x0;
	s1 =	sshll.u32 s1, $0x3;
	s4 =	sadd.s32 s4, s3  }
0x8: {  	[smem:$0x7FF] =	sst s2;
	s1 =	sadd.s32 s1, s3;
	s4 =	sadd.s32 $0xA9800, s4  }
0x9: {  	_ =	strace $0x80000056;
	s13 =	sadd.s32 $0xAD800, s1;
	[dreg:$0x2] =	wrdreg s4  }
0xa: {  	s10 =	simm.s32 $0x4;
	s14 =	sadd.s32 $0xAE000, s1;
	[dreg:$0x3] =	wrdreg s13  }
0xb: {  	p0 =	por $0x0, $0x0;
	s15 =	sadd.s32 $0xAE800, s1;
	[dreg:$0x4] =	wrdreg s14  }
0xc: {  	s7 =	sadd.s32 $0x69800, s3;
	s16 =	sadd.s32 $0xAF000, s1;
	[dreg:$0x5] =	wrdreg s15  }
0xd: {  	s0 =	ssub.s32 $0x2, s0;
	s17 =	sadd.s32 $0xAF800, s1;
	[dreg:$0x6] =	wrdreg s16  }
0xe: {  	s24 =	sshrl.u32 s0, $0x1;
	s18 =	sadd.s32 $0xB0000, s1;
	[dreg:$0x7] =	wrdreg s17  }
0xf: {  	s0 =	ssub.s32 s0, s24;
	s19 =	sadd.s32 $0xB0800, s1;
	[dreg:$0x8] =	wrdreg s18  }
0x10: {  	s24 =	simm.s32 $0x800;
	s20 =	sadd.s32 $0xB1000, s1;
	[dreg:$0x9] =	wrdreg s19  }
0x11: {  	s0 =	smax.u32 s0, $0x1;
	s21 =	sadd.s32 $0xB1800, s1;
	[dreg:$0xa] =	wrdreg s20  }
0x12: {  	s3 =	simm.s32 $0x5;
	s22 =	sadd.s32 $0xB2000, s1;
	[dreg:$0xb] =	wrdreg s21  }
0x13: {  	s23 =	sadd.s32 $0xB2800, s1;
	s25 =	sadd.s32 $0xB3000, s1;
	[dreg:$0xc] =	wrdreg s22  }
0x14: {  	s26 =	sadd.s32 $0xB3800, s1;
	s8 =	sadd.s32 $0xB4000, s1;
	[dreg:$0xd] =	wrdreg s23  }
0x15: {  	s5 =	sadd.s32 $0xB4800, s1;
	p1 =	sne.s32 s0, $0x1;
	[dreg:$0xe] =	wrdreg s25  }
0x16: {  	[dreg:$0xf] =	wrdreg s26;
	s4 =	sadd.s32 $0xB5000, s1;
	s15 =	simm.s32 $0x100  }
.Ltmp0:
0x17: {  	s13 =	simm.s32 $0x1000;
	s16 =	simm.s32 $0x1;
	(pc) =	sbr.rel @!p1 .LBB2_3-.Ltmp0, $4  }
0x18: {  	s14 =	simm.s32 $0x2;
	s26 =	simm.s32 $0x600;
	s25 =	simm.s32 $0x700  }
0x19: {  	s23 =	simm.s32 $0x900;
	s1 =	sadd.s32 $0xFFFFFFFF, s0;
	s22 =	simm.s32 $0xA00  }
0x1a: {  	s21 =	simm.s32 $0xB00;
	s20 =	simm.s32 $0xC00;
	s19 =	simm.s32 $0xD00  }
0x1b: {  	s18 =	simm.s32 $0xE00;
	s17 =	simm.s32 $0xF00;
	s0 =	rddreg [dreg:$0x2]  }
0x1c: {  	[tilespmem:s2], [sflag:$0x5] =	stream.linear.gather [hbm4b:s0+s2], $0x1000, $0x38;
	[tilespmem:$0x11000] =	vst v63  }
0x1d: {  	_ =	swait.ge [sflag:s3], $0x1000  }
0x1e: {  	[sflag:s3] =	ssyncset.done $0x0  }
0x1f: {  	[sflag:s3] =	ssyncadd.s32 $0xFFFFF000  }
0x20: {  	[tilespmem:s13], [sflag:$0x1] =	stream.indirect.gather [hbm4b:s7+s15], $0x40, s2, s15, $0xb8;
	[tilespmem:$0x11000] =	vst v63  }
0x21: {  	_ = 	snop  }
0x22: {  	[tilespmem:s11], [sflag:$0x2] =	stream.indirect.gather [hbm4b:s7+s15], $0x40, s15, s15, $0xb8;
	[tilespmem:$0x11000] =	vst v63  }
0x23: {  	_ = 	snop  }
0x24: {  	[tilespmem:s9], [sflag:$0x3] =	stream.indirect.gather [hbm4b:s7+s15], $0x40, s30, s15, $0xb8;
	[tilespmem:$0x11000] =	vst v63  }
0x25: {  	_ = 	snop  }
0x26: {  	[tilespmem:s6], [sflag:$0x4] =	stream.indirect.gather [hbm4b:s7+s15], $0x40, s31, s15, $0xb8;
	[tilespmem:$0x11000] =	vst v63  }
0x27: {  	_ =	swait.ge [sflag:s16], $0x4000  }
0x28: {  	[sflag:s16] =	ssyncset.done $0x0  }
0x29: {  	s0 =	rddreg [dreg:$0x3];
	[sflag:s16] =	ssyncadd.s32 $0xFFFFC000  }
0x2a: {  	[hbm4b:s0+s2] =	stream.linear.scatter [tilespmem:s13], [sflag:$0x5], $0x4000, $0x38;
	[tilespmem:$0x11000] =	vst v63  }
0x2b: {  	_ =	swait.ge [sflag:s3], $0x4000  }
0x2c: {  	[sflag:s3] =	ssyncset.done $0x0  }
0x2d: {  	[sflag:s3] =	ssyncadd.s32 $0xFFFFC000  }
0x2e: {  	[tilespmem:s13], [sflag:$0x1] =	stream.indirect.gather [hbm4b:s7+s15], $0x40, s29, s15, $0xb8;
	[tilespmem:$0x11000] =	vst v63  }
0x2f: {  	_ =	swait.ge [sflag:s14], $0x4000  }
0x30: {  	[sflag:s14] =	ssyncset.done $0x0  }
0x31: {  	s0 =	rddreg [dreg:$0x4];
	[sflag:s14] =	ssyncadd.s32 $0xFFFFC000  }
0x32: {  	[hbm4b:s0+s2] =	stream.linear.scatter [tilespmem:s11], [sflag:$0x5], $0x4000, $0x38;
	[tilespmem:$0x11000] =	vst v63  }
0x33: {  	_ =	swait.ge [sflag:s3], $0x4000  }
0x34: {  	[sflag:s3] =	ssyncset.done $0x0  }
0x35: {  	[sflag:s3] =	ssyncadd.s32 $0xFFFFC000  }
0x36: {  	[tilespmem:s11], [sflag:$0x2] =	stream.indirect.gather [hbm4b:s7+s15], $0x40, s28, s15, $0xb8;
	[tilespmem:$0x11000] =	vst v63  }
0x37: {  	_ =	swait.ge [sflag:s12], $0x4000  }
0x38: {  	[sflag:s12] =	ssyncset.done $0x0  }
0x39: {  	s0 =	rddreg [dreg:$0x5];
	[sflag:s12] =	ssyncadd.s32 $0xFFFFC000  }
0x3a: {  	[hbm4b:s0+s2] =	stream.linear.scatter [tilespmem:s9], [sflag:$0x5], $0x4000, $0x38;
	[tilespmem:$0x11000] =	vst v63  }
0x3b: {  	_ =	swait.ge [sflag:s3], $0x4000  }
0x3c: {  	[sflag:s3] =	ssyncset.done $0x0  }
0x3d: {  	[sflag:s3] =	ssyncadd.s32 $0xFFFFC000  }
0x3e: {  	[tilespmem:s9], [sflag:$0x3] =	stream.indirect.gather [hbm4b:s7+s15], $0x40, s26, s15, $0xb8;
	[tilespmem:$0x11000] =	vst v63  }
0x3f: {  	_ =	swait.ge [sflag:s10], $0x4000  }
0x40: {  	[sflag:s10] =	ssyncset.done $0x0  }
0x41: {  	s0 =	rddreg [dreg:$0x6];
	[sflag:s10] =	ssyncadd.s32 $0xFFFFC000  }
0x42: {  	[hbm4b:s0+s2] =	stream.linear.scatter [tilespmem:s6], [sflag:$0x5], $0x4000, $0x38;
	[tilespmem:$0x11000] =	vst v63  }
0x43: {  	_ =	swait.ge [sflag:s3], $0x4000  }
0x44: {  	[sflag:s3] =	ssyncset.done $0x0  }
0x45: {  	[sflag:s3] =	ssyncadd.s32 $0xFFFFC000  }
0x46: {  	[tilespmem:s6], [sflag:$0x4] =	stream.indirect.gather [hbm4b:s7+s15], $0x40, s25, s15, $0xb8;
	[tilespmem:$0x11000] =	vst v63  }
0x47: {  	_ =	swait.ge [sflag:s16], $0x4000  }
0x48: {  	[sflag:s16] =	ssyncset.done $0x0  }
0x49: {  	s0 =	rddreg [dreg:$0x7];
	[sflag:s16] =	ssyncadd.s32 $0xFFFFC000  }
0x4a: {  	[hbm4b:s0+s2] =	stream.linear.scatter [tilespmem:s13], [sflag:$0x5], $0x4000, $0x38;
	[tilespmem:$0x11000] =	vst v63  }
0x4b: {  	_ =	swait.ge [sflag:s3], $0x4000  }
0x4c: {  	[sflag:s3] =	ssyncset.done $0x0  }
0x4d: {  	[sflag:s3] =	ssyncadd.s32 $0xFFFFC000  }
0x4e: {  	[tilespmem:s13], [sflag:$0x1] =	stream.indirect.gather [hbm4b:s7+s15], $0x40, s24, s15, $0xb8;
	[tilespmem:$0x11000] =	vst v63  }
0x4f: {  	_ =	swait.ge [sflag:s14], $0x4000  }
0x50: {  	[sflag:s14] =	ssyncset.done $0x0  }
0x51: {  	s0 =	rddreg [dreg:$0x8];
	[sflag:s14] =	ssyncadd.s32 $0xFFFFC000  }
0x52: {  	[hbm4b:s0+s2] =	stream.linear.scatter [tilespmem:s11], [sflag:$0x5], $0x4000, $0x38;
	[tilespmem:$0x11000] =	vst v63  }
0x53: {  	_ =	swait.ge [sflag:s3], $0x4000  }
0x54: {  	[sflag:s3] =	ssyncset.done $0x0  }
0x55: {  	[sflag:s3] =	ssyncadd.s32 $0xFFFFC000  }
0x56: {  	[tilespmem:s11], [sflag:$0x2] =	stream.indirect.gather [hbm4b:s7+s15], $0x40, s23, s15, $0xb8;
	[tilespmem:$0x11000] =	vst v63  }
0x57: {  	_ =	swait.ge [sflag:s12], $0x4000  }
0x58: {  	[sflag:s12] =	ssyncset.done $0x0  }
0x59: {  	s0 =	rddreg [dreg:$0x9];
	[sflag:s12] =	ssyncadd.s32 $0xFFFFC000  }
0x5a: {  	[hbm4b:s0+s2] =	stream.linear.scatter [tilespmem:s9], [sflag:$0x5], $0x4000, $0x38;
	[tilespmem:$0x11000] =	vst v63  }
0x5b: {  	_ =	swait.ge [sflag:s3], $0x4000  }
0x5c: {  	[sflag:s3] =	ssyncset.done $0x0  }
0x5d: {  	[sflag:s3] =	ssyncadd.s32 $0xFFFFC000  }
0x5e: {  	[tilespmem:s9], [sflag:$0x3] =	stream.indirect.gather [hbm4b:s7+s15], $0x40, s22, s15, $0xb8;
	[tilespmem:$0x11000] =	vst v63  }
0x5f: {  	_ =	swait.ge [sflag:s10], $0x4000  }
0x60: {  	[sflag:s10] =	ssyncset.done $0x0  }
0x61: {  	s0 =	rddreg [dreg:$0xa];
	[sflag:s10] =	ssyncadd.s32 $0xFFFFC000  }
0x62: {  	[hbm4b:s0+s2] =	stream.linear.scatter [tilespmem:s6], [sflag:$0x5], $0x4000, $0x38;
	[tilespmem:$0x11000] =	vst v63  }
0x63: {  	_ =	swait.ge [sflag:s3], $0x4000  }
0x64: {  	[sflag:s3] =	ssyncset.done $0x0  }
0x65: {  	[sflag:s3] =	ssyncadd.s32 $0xFFFFC000  }
0x66: {  	[tilespmem:s6], [sflag:$0x4] =	stream.indirect.gather [hbm4b:s7+s15], $0x40, s21, s15, $0xb8;
	[tilespmem:$0x11000] =	vst v63  }
0x67: {  	_ =	swait.ge [sflag:s16], $0x4000  }
0x68: {  	[sflag:s16] =	ssyncset.done $0x0  }
0x69: {  	s0 =	rddreg [dreg:$0xb];
	[sflag:s16] =	ssyncadd.s32 $0xFFFFC000  }
0x6a: {  	[hbm4b:s0+s2] =	stream.linear.scatter [tilespmem:s13], [sflag:$0x5], $0x4000, $0x38;
	[tilespmem:$0x11000] =	vst v63  }
0x6b: {  	_ =	swait.ge [sflag:s3], $0x4000  }
0x6c: {  	[sflag:s3] =	ssyncset.done $0x0  }
0x6d: {  	[sflag:s3] =	ssyncadd.s32 $0xFFFFC000  }
0x6e: {  	[tilespmem:s13], [sflag:$0x1] =	stream.indirect.gather [hbm4b:s7+s15], $0x40, s20, s15, $0xb8;
	[tilespmem:$0x11000] =	vst v63  }
0x6f: {  	_ =	swait.ge [sflag:s14], $0x4000  }
0x70: {  	[sflag:s14] =	ssyncset.done $0x0  }
0x71: {  	s0 =	rddreg [dreg:$0xc];
	[sflag:s14] =	ssyncadd.s32 $0xFFFFC000  }
0x72: {  	[hbm4b:s0+s2] =	stream.linear.scatter [tilespmem:s11], [sflag:$0x5], $0x4000, $0x38;
	[tilespmem:$0x11000] =	vst v63  }
0x73: {  	_ =	swait.ge [sflag:s3], $0x4000  }
0x74: {  	[sflag:s3] =	ssyncset.done $0x0  }
0x75: {  	[sflag:s3] =	ssyncadd.s32 $0xFFFFC000  }
0x76: {  	[tilespmem:s11], [sflag:$0x2] =	stream.indirect.gather [hbm4b:s7+s15], $0x40, s19, s15, $0xb8;
	[tilespmem:$0x11000] =	vst v63  }
0x77: {  	_ =	swait.ge [sflag:s12], $0x4000  }
0x78: {  	[sflag:s12] =	ssyncset.done $0x0  }
0x79: {  	s0 =	rddreg [dreg:$0xd];
	[sflag:s12] =	ssyncadd.s32 $0xFFFFC000  }
0x7a: {  	[hbm4b:s0+s2] =	stream.linear.scatter [tilespmem:s9], [sflag:$0x5], $0x4000, $0x38;
	[tilespmem:$0x11000] =	vst v63  }
0x7b: {  	_ =	swait.ge [sflag:s3], $0x4000  }
0x7c: {  	[sflag:s3] =	ssyncset.done $0x0  }
0x7d: {  	[sflag:s3] =	ssyncadd.s32 $0xFFFFC000  }
0x7e: {  	[tilespmem:s9], [sflag:$0x3] =	stream.indirect.gather [hbm4b:s7+s15], $0x40, s18, s15, $0xb8;
	[tilespmem:$0x11000] =	vst v63  }
0x7f: {  	_ =	swait.ge [sflag:s10], $0x4000  }
0x80: {  	[sflag:s10] =	ssyncset.done $0x0  }
0x81: {  	s0 =	rddreg [dreg:$0xe];
	[sflag:s10] =	ssyncadd.s32 $0xFFFFC000  }
0x82: {  	[hbm4b:s0+s2] =	stream.linear.scatter [tilespmem:s6], [sflag:$0x5], $0x4000, $0x38;
	[tilespmem:$0x11000] =	vst v63  }
0x83: {  	_ =	swait.ge [sflag:s3], $0x4000  }
0x84: {  	[sflag:s3] =	ssyncset.done $0x0  }
0x85: {  	[sflag:s3] =	ssyncadd.s32 $0xFFFFC000  }
0x86: {  	[tilespmem:s6], [sflag:$0x4] =	stream.indirect.gather [hbm4b:s7+s15], $0x40, s17, s15, $0xb8;
	[tilespmem:$0x11000] =	vst v63  }
0x87: {  	_ =	swait.ge [sflag:s16], $0x4000  }
0x88: {  	[sflag:s16] =	ssyncset.done $0x0  }
0x89: {  	s0 =	rddreg [dreg:$0xf];
	[sflag:s16] =	ssyncadd.s32 $0xFFFFC000  }
0x8a: {  	[hbm4b:s0+s2] =	stream.linear.scatter [tilespmem:s13], [sflag:$0x5], $0x4000, $0x38;
	[tilespmem:$0x11000] =	vst v63  }
0x8b: {  	_ =	swait.ge [sflag:s3], $0x4000  }
0x8c: {  	[sflag:s3] =	ssyncset.done $0x0  }
0x8d: {  	[sflag:s3] =	ssyncadd.s32 $0xFFFFC000  }
0x8e: {  	_ =	swait.ge [sflag:s14], $0x4000  }
0x8f: {  	[sflag:s14] =	ssyncset.done $0x0  }
0x90: {  	[sflag:s14] =	ssyncadd.s32 $0xFFFFC000  }
0x91: {  	[hbm4b:s8+s2] =	stream.linear.scatter [tilespmem:s11], [sflag:$0x5], $0x4000, $0x38;
	[tilespmem:$0x11000] =	vst v63  }
0x92: {  	_ =	swait.ge [sflag:s3], $0x4000  }
0x93: {  	[sflag:s3] =	ssyncset.done $0x0  }
0x94: {  	[sflag:s3] =	ssyncadd.s32 $0xFFFFC000  }
0x95: {  	_ =	swait.ge [sflag:s12], $0x4000  }
0x96: {  	[sflag:s12] =	ssyncset.done $0x0  }
0x97: {  	[sflag:s12] =	ssyncadd.s32 $0xFFFFC000  }
0x98: {  	[hbm4b:s5+s2] =	stream.linear.scatter [tilespmem:s9], [sflag:$0x5], $0x4000, $0x38;
	[tilespmem:$0x11000] =	vst v63  }
0x99: {  	_ =	swait.ge [sflag:s3], $0x4000  }
0x9a: {  	[sflag:s3] =	ssyncset.done $0x0  }
0x9b: {  	[sflag:s3] =	ssyncadd.s32 $0xFFFFC000  }
0x9c: {  	p1 =	sne.s32 s1, $0x1;
	_ =	swait.ge [sflag:s10], $0x4000  }
.Ltmp1:
0x9d: {  	[sflag:s10] =	ssyncset.done $0x0;
	(pc) =	sbr.rel @!p1 .LBB2_3-.Ltmp1, $4  }
0x9e: {  	[sflag:s10] =	ssyncadd.s32 $0xFFFFC000  }
0x9f: {  	[hbm4b:s4+s2] =	stream.linear.scatter [tilespmem:s6], [sflag:$0x5], $0x4000, $0x38;
	[tilespmem:$0x11000] =	vst v63  }
0xa0: {  	s1 =	sadd.s32 $0xFFFFFFFF, s1;
	_ =	swait.ge [sflag:s3], $0x4000  }
0xa1: {  	p0 =	por $0x1, $0x1;
	s0 =	rddreg [dreg:$0x2];
	[sflag:s3] =	ssyncset.done $0x0  }
.LBB2_2:
0xa2: {  	[sflag:s3] =	ssyncadd.s32 $0xFFFFC000  }
0xa3: {  	[tilespmem:s2], [sflag:$0x5] =	stream.linear.gather [hbm4b:s0+s2], $0x1000, $0x38;
	[tilespmem:$0x11000] =	vst v63  }
0xa4: {  	_ =	swait.ge [sflag:s3], $0x1000  }
0xa5: {  	[sflag:s3] =	ssyncset.done $0x0  }
0xa6: {  	[sflag:s3] =	ssyncadd.s32 $0xFFFFF000  }
0xa7: {  	[tilespmem:s13], [sflag:$0x1] =	stream.indirect.gather [hbm4b:s7+s15], $0x40, s2, s15, $0xb8;
	[tilespmem:$0x11000] =	vst v63  }
0xa8: {  	_ = 	snop  }
0xa9: {  	[tilespmem:s11], [sflag:$0x2] =	stream.indirect.gather [hbm4b:s7+s15], $0x40, s15, s15, $0xb8;
	[tilespmem:$0x11000] =	vst v63  }
0xaa: {  	_ = 	snop  }
0xab: {  	[tilespmem:s9], [sflag:$0x3] =	stream.indirect.gather [hbm4b:s7+s15], $0x40, s30, s15, $0xb8;
	[tilespmem:$0x11000] =	vst v63  }
0xac: {  	_ = 	snop  }
0xad: {  	[tilespmem:s6], [sflag:$0x4] =	stream.indirect.gather [hbm4b:s7+s15], $0x40, s31, s15, $0xb8;
	[tilespmem:$0x11000] =	vst v63  }
0xae: {  	_ =	swait.ge [sflag:s16], $0x4000  }
0xaf: {  	[sflag:s16] =	ssyncset.done $0x0  }
0xb0: {  	s0 =	rddreg [dreg:$0x3];
	[sflag:s16] =	ssyncadd.s32 $0xFFFFC000  }
0xb1: {  	[hbm4b:s0+s2] =	stream.linear.scatter [tilespmem:s13], [sflag:$0x5], $0x4000, $0x38;
	[tilespmem:$0x11000] =	vst v63  }
0xb2: {  	_ =	swait.ge [sflag:s3], $0x4000  }
0xb3: {  	[sflag:s3] =	ssyncset.done $0x0  }
0xb4: {  	[sflag:s3] =	ssyncadd.s32 $0xFFFFC000  }
0xb5: {  	[tilespmem:s13], [sflag:$0x1] =	stream.indirect.gather [hbm4b:s7+s15], $0x40, s29, s15, $0xb8;
	[tilespmem:$0x11000] =	vst v63  }
0xb6: {  	_ =	swait.ge [sflag:s14], $0x4000  }
0xb7: {  	[sflag:s14] =	ssyncset.done $0x0  }
0xb8: {  	s0 =	rddreg [dreg:$0x4];
	[sflag:s14] =	ssyncadd.s32 $0xFFFFC000  }
0xb9: {  	[hbm4b:s0+s2] =	stream.linear.scatter [tilespmem:s11], [sflag:$0x5], $0x4000, $0x38;
	[tilespmem:$0x11000] =	vst v63  }
0xba: {  	_ =	swait.ge [sflag:s3], $0x4000  }
0xbb: {  	[sflag:s3] =	ssyncset.done $0x0  }
0xbc: {  	[sflag:s3] =	ssyncadd.s32 $0xFFFFC000  }
0xbd: {  	[tilespmem:s11], [sflag:$0x2] =	stream.indirect.gather [hbm4b:s7+s15], $0x40, s28, s15, $0xb8;
	[tilespmem:$0x11000] =	vst v63  }
0xbe: {  	_ =	swait.ge [sflag:s12], $0x4000  }
0xbf: {  	[sflag:s12] =	ssyncset.done $0x0  }
0xc0: {  	s0 =	rddreg [dreg:$0x5];
	[sflag:s12] =	ssyncadd.s32 $0xFFFFC000  }
0xc1: {  	[hbm4b:s0+s2] =	stream.linear.scatter [tilespmem:s9], [sflag:$0x5], $0x4000, $0x38;
	[tilespmem:$0x11000] =	vst v63  }
0xc2: {  	_ =	swait.ge [sflag:s3], $0x4000  }
0xc3: {  	[sflag:s3] =	ssyncset.done $0x0  }
0xc4: {  	[sflag:s3] =	ssyncadd.s32 $0xFFFFC000  }
0xc5: {  	[tilespmem:s9], [sflag:$0x3] =	stream.indirect.gather [hbm4b:s7+s15], $0x40, s26, s15, $0xb8;
	[tilespmem:$0x11000] =	vst v63  }
0xc6: {  	_ =	swait.ge [sflag:s10], $0x4000  }
0xc7: {  	[sflag:s10] =	ssyncset.done $0x0  }
0xc8: {  	s0 =	rddreg [dreg:$0x6];
	[sflag:s10] =	ssyncadd.s32 $0xFFFFC000  }
0xc9: {  	[hbm4b:s0+s2] =	stream.linear.scatter [tilespmem:s6], [sflag:$0x5], $0x4000, $0x38;
	[tilespmem:$0x11000] =	vst v63  }
0xca: {  	_ =	swait.ge [sflag:s3], $0x4000  }
0xcb: {  	[sflag:s3] =	ssyncset.done $0x0  }
0xcc: {  	[sflag:s3] =	ssyncadd.s32 $0xFFFFC000  }
0xcd: {  	[tilespmem:s6], [sflag:$0x4] =	stream.indirect.gather [hbm4b:s7+s15], $0x40, s25, s15, $0xb8;
	[tilespmem:$0x11000] =	vst v63  }
0xce: {  	_ =	swait.ge [sflag:s16], $0x4000  }
0xcf: {  	[sflag:s16] =	ssyncset.done $0x0  }
0xd0: {  	s0 =	rddreg [dreg:$0x7];
	[sflag:s16] =	ssyncadd.s32 $0xFFFFC000  }
0xd1: {  	[hbm4b:s0+s2] =	stream.linear.scatter [tilespmem:s13], [sflag:$0x5], $0x4000, $0x38;
	[tilespmem:$0x11000] =	vst v63  }
0xd2: {  	_ =	swait.ge [sflag:s3], $0x4000  }
0xd3: {  	[sflag:s3] =	ssyncset.done $0x0  }
0xd4: {  	[sflag:s3] =	ssyncadd.s32 $0xFFFFC000  }
0xd5: {  	[tilespmem:s13], [sflag:$0x1] =	stream.indirect.gather [hbm4b:s7+s15], $0x40, s24, s15, $0xb8;
	[tilespmem:$0x11000] =	vst v63  }
0xd6: {  	_ =	swait.ge [sflag:s14], $0x4000  }
0xd7: {  	[sflag:s14] =	ssyncset.done $0x0  }
0xd8: {  	s0 =	rddreg [dreg:$0x8];
	[sflag:s14] =	ssyncadd.s32 $0xFFFFC000  }
0xd9: {  	[hbm4b:s0+s2] =	stream.linear.scatter [tilespmem:s11], [sflag:$0x5], $0x4000, $0x38;
	[tilespmem:$0x11000] =	vst v63  }
0xda: {  	_ =	swait.ge [sflag:s3], $0x4000  }
0xdb: {  	[sflag:s3] =	ssyncset.done $0x0  }
0xdc: {  	[sflag:s3] =	ssyncadd.s32 $0xFFFFC000  }
0xdd: {  	[tilespmem:s11], [sflag:$0x2] =	stream.indirect.gather [hbm4b:s7+s15], $0x40, s23, s15, $0xb8;
	[tilespmem:$0x11000] =	vst v63  }
0xde: {  	_ =	swait.ge [sflag:s12], $0x4000  }
0xdf: {  	[sflag:s12] =	ssyncset.done $0x0  }
0xe0: {  	s0 =	rddreg [dreg:$0x9];
	[sflag:s12] =	ssyncadd.s32 $0xFFFFC000  }
0xe1: {  	[hbm4b:s0+s2] =	stream.linear.scatter [tilespmem:s9], [sflag:$0x5], $0x4000, $0x38;
	[tilespmem:$0x11000] =	vst v63  }
0xe2: {  	_ =	swait.ge [sflag:s3], $0x4000  }
0xe3: {  	[sflag:s3] =	ssyncset.done $0x0  }
0xe4: {  	[sflag:s3] =	ssyncadd.s32 $0xFFFFC000  }
0xe5: {  	[tilespmem:s9], [sflag:$0x3] =	stream.indirect.gather [hbm4b:s7+s15], $0x40, s22, s15, $0xb8;
	[tilespmem:$0x11000] =	vst v63  }
0xe6: {  	_ =	swait.ge [sflag:s10], $0x4000  }
0xe7: {  	[sflag:s10] =	ssyncset.done $0x0  }
0xe8: {  	s0 =	rddreg [dreg:$0xa];
	[sflag:s10] =	ssyncadd.s32 $0xFFFFC000  }
0xe9: {  	[hbm4b:s0+s2] =	stream.linear.scatter [tilespmem:s6], [sflag:$0x5], $0x4000, $0x38;
	[tilespmem:$0x11000] =	vst v63  }
0xea: {  	_ =	swait.ge [sflag:s3], $0x4000  }
0xeb: {  	[sflag:s3] =	ssyncset.done $0x0  }
0xec: {  	[sflag:s3] =	ssyncadd.s32 $0xFFFFC000  }
0xed: {  	[tilespmem:s6], [sflag:$0x4] =	stream.indirect.gather [hbm4b:s7+s15], $0x40, s21, s15, $0xb8;
	[tilespmem:$0x11000] =	vst v63  }
0xee: {  	_ =	swait.ge [sflag:s16], $0x4000  }
0xef: {  	[sflag:s16] =	ssyncset.done $0x0  }
0xf0: {  	s0 =	rddreg [dreg:$0xb];
	[sflag:s16] =	ssyncadd.s32 $0xFFFFC000  }
0xf1: {  	[hbm4b:s0+s2] =	stream.linear.scatter [tilespmem:s13], [sflag:$0x5], $0x4000, $0x38;
	[tilespmem:$0x11000] =	vst v63  }
0xf2: {  	_ =	swait.ge [sflag:s3], $0x4000  }
0xf3: {  	[sflag:s3] =	ssyncset.done $0x0  }
0xf4: {  	[sflag:s3] =	ssyncadd.s32 $0xFFFFC000  }
0xf5: {  	[tilespmem:s13], [sflag:$0x1] =	stream.indirect.gather [hbm4b:s7+s15], $0x40, s20, s15, $0xb8;
	[tilespmem:$0x11000] =	vst v63  }
0xf6: {  	_ =	swait.ge [sflag:s14], $0x4000  }
0xf7: {  	[sflag:s14] =	ssyncset.done $0x0  }
0xf8: {  	s0 =	rddreg [dreg:$0xc];
	[sflag:s14] =	ssyncadd.s32 $0xFFFFC000  }
0xf9: {  	[hbm4b:s0+s2] =	stream.linear.scatter [tilespmem:s11], [sflag:$0x5], $0x4000, $0x38;
	[tilespmem:$0x11000] =	vst v63  }
0xfa: {  	_ =	swait.ge [sflag:s3], $0x4000  }
0xfb: {  	[sflag:s3] =	ssyncset.done $0x0  }
0xfc: {  	[sflag:s3] =	ssyncadd.s32 $0xFFFFC000  }
0xfd: {  	[tilespmem:s11], [sflag:$0x2] =	stream.indirect.gather [hbm4b:s7+s15], $0x40, s19, s15, $0xb8;
	[tilespmem:$0x11000] =	vst v63  }
0xfe: {  	_ =	swait.ge [sflag:s12], $0x4000  }
0xff: {  	[sflag:s12] =	ssyncset.done $0x0  }
0x100: {  	s0 =	rddreg [dreg:$0xd];
	[sflag:s12] =	ssyncadd.s32 $0xFFFFC000  }
0x101: {  	[hbm4b:s0+s2] =	stream.linear.scatter [tilespmem:s9], [sflag:$0x5], $0x4000, $0x38;
	[tilespmem:$0x11000] =	vst v63  }
0x102: {  	_ =	swait.ge [sflag:s3], $0x4000  }
0x103: {  	[sflag:s3] =	ssyncset.done $0x0  }
0x104: {  	[sflag:s3] =	ssyncadd.s32 $0xFFFFC000  }
0x105: {  	[tilespmem:s9], [sflag:$0x3] =	stream.indirect.gather [hbm4b:s7+s15], $0x40, s18, s15, $0xb8;
	[tilespmem:$0x11000] =	vst v63  }
0x106: {  	_ =	swait.ge [sflag:s10], $0x4000  }
0x107: {  	[sflag:s10] =	ssyncset.done $0x0  }
0x108: {  	s0 =	rddreg [dreg:$0xe];
	[sflag:s10] =	ssyncadd.s32 $0xFFFFC000  }
0x109: {  	[hbm4b:s0+s2] =	stream.linear.scatter [tilespmem:s6], [sflag:$0x5], $0x4000, $0x38;
	[tilespmem:$0x11000] =	vst v63  }
0x10a: {  	_ =	swait.ge [sflag:s3], $0x4000  }
0x10b: {  	[sflag:s3] =	ssyncset.done $0x0  }
0x10c: {  	[sflag:s3] =	ssyncadd.s32 $0xFFFFC000  }
0x10d: {  	[tilespmem:s6], [sflag:$0x4] =	stream.indirect.gather [hbm4b:s7+s15], $0x40, s17, s15, $0xb8;
	[tilespmem:$0x11000] =	vst v63  }
0x10e: {  	_ =	swait.ge [sflag:s16], $0x4000  }
0x10f: {  	[sflag:s16] =	ssyncset.done $0x0  }
0x110: {  	s0 =	rddreg [dreg:$0xf];
	[sflag:s16] =	ssyncadd.s32 $0xFFFFC000  }
0x111: {  	[hbm4b:s0+s2] =	stream.linear.scatter [tilespmem:s13], [sflag:$0x5], $0x4000, $0x38;
	[tilespmem:$0x11000] =	vst v63  }
0x112: {  	_ =	swait.ge [sflag:s3], $0x4000  }
0x113: {  	[sflag:s3] =	ssyncset.done $0x0  }
0x114: {  	[sflag:s3] =	ssyncadd.s32 $0xFFFFC000  }
0x115: {  	_ =	swait.ge [sflag:s14], $0x4000  }
0x116: {  	[sflag:s14] =	ssyncset.done $0x0  }
0x117: {  	[sflag:s14] =	ssyncadd.s32 $0xFFFFC000  }
0x118: {  	[hbm4b:s8+s2] =	stream.linear.scatter [tilespmem:s11], [sflag:$0x5], $0x4000, $0x38;
	[tilespmem:$0x11000] =	vst v63  }
0x119: {  	_ =	swait.ge [sflag:s3], $0x4000  }
0x11a: {  	[sflag:s3] =	ssyncset.done $0x0  }
0x11b: {  	[sflag:s3] =	ssyncadd.s32 $0xFFFFC000  }
0x11c: {  	_ =	swait.ge [sflag:s12], $0x4000  }
0x11d: {  	[sflag:s12] =	ssyncset.done $0x0  }
0x11e: {  	[sflag:s12] =	ssyncadd.s32 $0xFFFFC000  }
0x11f: {  	[hbm4b:s5+s2] =	stream.linear.scatter [tilespmem:s9], [sflag:$0x5], $0x4000, $0x38;
	[tilespmem:$0x11000] =	vst v63  }
0x120: {  	_ =	swait.ge [sflag:s3], $0x4000  }
0x121: {  	[sflag:s3] =	ssyncset.done $0x0  }
0x122: {  	[sflag:s3] =	ssyncadd.s32 $0xFFFFC000  }
0x123: {  	p1 =	sne.s32 s1, $0x1;
	_ =	swait.ge [sflag:s10], $0x4000  }
.Ltmp2:
0x124: {  	[sflag:s10] =	ssyncset.done $0x0;
	(pc) =	sbr.rel @p1 .LBB2_2-.Ltmp2, $4  }
0x125: {  	[sflag:s10] =	ssyncadd.s32 $0xFFFFC000  }
0x126: {  	[hbm4b:s4+s2] =	stream.linear.scatter [tilespmem:s6], [sflag:$0x5], $0x4000, $0x38;
	[tilespmem:$0x11000] =	vst v63  }
0x127: {  	_ =	swait.ge [sflag:s3], $0x4000  }
0x128: {  	s1 =	sadd.s32 $0xFFFFFFFF, s1;
	s0 =	rddreg [dreg:$0x2];
	[sflag:s3] =	ssyncset.done $0x0  }
.LBB2_3:
0x129: {  	[sflag:s3] =	ssyncadd.s32 @p0 $0xFFFFC000  }
0x12a: {  	[tilespmem:s2], [sflag:$0x5] =	stream.linear.gather [hbm4b:s0+s2], $0x1000, $0x38;
	[tilespmem:$0x11000] =	vst v63  }
0x12b: {  	_ =	swait.ge [sflag:s3], $0x1000  }
0x12c: {  	[sflag:s3] =	ssyncset.done $0x0  }
0x12d: {  	[sflag:s3] =	ssyncadd.s32 $0xFFFFF000  }
0x12e: {  	[tilespmem:s13], [sflag:$0x1] =	stream.indirect.gather [hbm4b:s7+s15], $0x40, s2, s15, $0xb8;
	[tilespmem:$0x11000] =	vst v63  }
0x12f: {  	_ = 	snop  }
0x130: {  	[tilespmem:s11], [sflag:$0x2] =	stream.indirect.gather [hbm4b:s7+s15], $0x40, s15, s15, $0xb8;
	[tilespmem:$0x11000] =	vst v63  }
0x131: {  	_ = 	snop  }
0x132: {  	[tilespmem:s9], [sflag:$0x3] =	stream.indirect.gather [hbm4b:s7+s15], $0x40, s30, s15, $0xb8;
	[tilespmem:$0x11000] =	vst v63  }
0x133: {  	_ = 	snop  }
0x134: {  	[tilespmem:s6], [sflag:$0x4] =	stream.indirect.gather [hbm4b:s7+s15], $0x40, s31, s15, $0xb8;
	[tilespmem:$0x11000] =	vst v63  }
0x135: {  	_ =	swait.ge [sflag:s16], $0x4000  }
0x136: {  	[sflag:s16] =	ssyncset.done $0x0  }
0x137: {  	s31 =	rddreg [dreg:$0x3];
	[sflag:s16] =	ssyncadd.s32 $0xFFFFC000  }
0x138: {  	[hbm4b:s31+s2] =	stream.linear.scatter [tilespmem:s13], [sflag:$0x5], $0x4000, $0x38;
	[tilespmem:$0x11000] =	vst v63  }
0x139: {  	_ =	swait.ge [sflag:s3], $0x4000  }
0x13a: {  	[sflag:s3] =	ssyncset.done $0x0  }
0x13b: {  	[sflag:s3] =	ssyncadd.s32 $0xFFFFC000  }
0x13c: {  	[tilespmem:s13], [sflag:$0x1] =	stream.indirect.gather [hbm4b:s7+s15], $0x40, s29, s15, $0xb8;
	[tilespmem:$0x11000] =	vst v63  }
0x13d: {  	_ =	swait.ge [sflag:s14], $0x4000  }
0x13e: {  	[sflag:s14] =	ssyncset.done $0x0  }
0x13f: {  	s1 =	rddreg [dreg:$0x4];
	[sflag:s14] =	ssyncadd.s32 $0xFFFFC000  }
0x140: {  	[hbm4b:s1+s2] =	stream.linear.scatter [tilespmem:s11], [sflag:$0x5], $0x4000, $0x38;
	[tilespmem:$0x11000] =	vst v63  }
0x141: {  	_ =	swait.ge [sflag:s3], $0x4000  }
0x142: {  	[sflag:s3] =	ssyncset.done $0x0  }
0x143: {  	[sflag:s3] =	ssyncadd.s32 $0xFFFFC000  }
0x144: {  	[tilespmem:s11], [sflag:$0x2] =	stream.indirect.gather [hbm4b:s7+s15], $0x40, s28, s15, $0xb8;
	[tilespmem:$0x11000] =	vst v63  }
0x145: {  	_ =	swait.ge [sflag:s12], $0x4000  }
0x146: {  	[sflag:s12] =	ssyncset.done $0x0  }
0x147: {  	s29 =	rddreg [dreg:$0x5];
	[sflag:s12] =	ssyncadd.s32 $0xFFFFC000  }
0x148: {  	[hbm4b:s29+s2] =	stream.linear.scatter [tilespmem:s9], [sflag:$0x5], $0x4000, $0x38;
	[tilespmem:$0x11000] =	vst v63  }
0x149: {  	_ =	swait.ge [sflag:s3], $0x4000  }
0x14a: {  	[sflag:s3] =	ssyncset.done $0x0  }
0x14b: {  	[sflag:s3] =	ssyncadd.s32 $0xFFFFC000  }
0x14c: {  	[tilespmem:s9], [sflag:$0x3] =	stream.indirect.gather [hbm4b:s7+s15], $0x40, s26, s15, $0xb8;
	[tilespmem:$0x11000] =	vst v63  }
0x14d: {  	_ =	swait.ge [sflag:s10], $0x4000  }
0x14e: {  	[sflag:s10] =	ssyncset.done $0x0  }
0x14f: {  	s30 =	rddreg [dreg:$0x6];
	[sflag:s10] =	ssyncadd.s32 $0xFFFFC000  }
0x150: {  	[hbm4b:s30+s2] =	stream.linear.scatter [tilespmem:s6], [sflag:$0x5], $0x4000, $0x38;
	[tilespmem:$0x11000] =	vst v63  }
0x151: {  	_ =	swait.ge [sflag:s3], $0x4000  }
0x152: {  	[sflag:s3] =	ssyncset.done $0x0  }
0x153: {  	[sflag:s3] =	ssyncadd.s32 $0xFFFFC000  }
0x154: {  	[tilespmem:s6], [sflag:$0x4] =	stream.indirect.gather [hbm4b:s7+s15], $0x40, s25, s15, $0xb8;
	[tilespmem:$0x11000] =	vst v63  }
0x155: {  	_ =	swait.ge [sflag:s16], $0x4000  }
0x156: {  	[sflag:s16] =	ssyncset.done $0x0  }
0x157: {  	s31 =	rddreg [dreg:$0x7];
	[sflag:s16] =	ssyncadd.s32 $0xFFFFC000  }
0x158: {  	[hbm4b:s31+s2] =	stream.linear.scatter [tilespmem:s13], [sflag:$0x5], $0x4000, $0x38;
	[tilespmem:$0x11000] =	vst v63  }
0x159: {  	_ =	swait.ge [sflag:s3], $0x4000  }
0x15a: {  	[sflag:s3] =	ssyncset.done $0x0  }
0x15b: {  	[sflag:s3] =	ssyncadd.s32 $0xFFFFC000  }
0x15c: {  	[tilespmem:s13], [sflag:$0x1] =	stream.indirect.gather [hbm4b:s7+s15], $0x40, s24, s15, $0xb8;
	[tilespmem:$0x11000] =	vst v63  }
0x15d: {  	_ =	swait.ge [sflag:s14], $0x4000  }
0x15e: {  	[sflag:s14] =	ssyncset.done $0x0  }
0x15f: {  	s1 =	rddreg [dreg:$0x8];
	[sflag:s14] =	ssyncadd.s32 $0xFFFFC000  }
0x160: {  	[hbm4b:s1+s2] =	stream.linear.scatter [tilespmem:s11], [sflag:$0x5], $0x4000, $0x38;
	[tilespmem:$0x11000] =	vst v63  }
0x161: {  	_ =	swait.ge [sflag:s3], $0x4000  }
0x162: {  	[sflag:s3] =	ssyncset.done $0x0  }
0x163: {  	[sflag:s3] =	ssyncadd.s32 $0xFFFFC000  }
0x164: {  	[tilespmem:s11], [sflag:$0x2] =	stream.indirect.gather [hbm4b:s7+s15], $0x40, s23, s15, $0xb8;
	[tilespmem:$0x11000] =	vst v63  }
0x165: {  	_ =	swait.ge [sflag:s12], $0x4000  }
0x166: {  	[sflag:s12] =	ssyncset.done $0x0  }
0x167: {  	s23 =	rddreg [dreg:$0x9];
	[sflag:s12] =	ssyncadd.s32 $0xFFFFC000  }
0x168: {  	[hbm4b:s23+s2] =	stream.linear.scatter [tilespmem:s9], [sflag:$0x5], $0x4000, $0x38;
	[tilespmem:$0x11000] =	vst v63  }
0x169: {  	_ =	swait.ge [sflag:s3], $0x4000  }
0x16a: {  	[sflag:s3] =	ssyncset.done $0x0  }
0x16b: {  	[sflag:s3] =	ssyncadd.s32 $0xFFFFC000  }
0x16c: {  	[tilespmem:s9], [sflag:$0x3] =	stream.indirect.gather [hbm4b:s7+s15], $0x40, s22, s15, $0xb8;
	[tilespmem:$0x11000] =	vst v63  }
0x16d: {  	_ =	swait.ge [sflag:s10], $0x4000  }
0x16e: {  	[sflag:s10] =	ssyncset.done $0x0  }
0x16f: {  	s24 =	rddreg [dreg:$0xa];
	[sflag:s10] =	ssyncadd.s32 $0xFFFFC000  }
0x170: {  	[hbm4b:s24+s2] =	stream.linear.scatter [tilespmem:s6], [sflag:$0x5], $0x4000, $0x38;
	[tilespmem:$0x11000] =	vst v63  }
0x171: {  	_ =	swait.ge [sflag:s3], $0x4000  }
0x172: {  	[sflag:s3] =	ssyncset.done $0x0  }
0x173: {  	[sflag:s3] =	ssyncadd.s32 $0xFFFFC000  }
0x174: {  	[tilespmem:s6], [sflag:$0x4] =	stream.indirect.gather [hbm4b:s7+s15], $0x40, s21, s15, $0xb8;
	[tilespmem:$0x11000] =	vst v63  }
0x175: {  	_ =	swait.ge [sflag:s16], $0x4000  }
0x176: {  	[sflag:s16] =	ssyncset.done $0x0  }
0x177: {  	s25 =	rddreg [dreg:$0xb];
	[sflag:s16] =	ssyncadd.s32 $0xFFFFC000  }
0x178: {  	[hbm4b:s25+s2] =	stream.linear.scatter [tilespmem:s13], [sflag:$0x5], $0x4000, $0x38;
	[tilespmem:$0x11000] =	vst v63  }
0x179: {  	_ =	swait.ge [sflag:s3], $0x4000  }
0x17a: {  	[sflag:s3] =	ssyncset.done $0x0  }
0x17b: {  	[sflag:s3] =	ssyncadd.s32 $0xFFFFC000  }
0x17c: {  	[tilespmem:s13], [sflag:$0x1] =	stream.indirect.gather [hbm4b:s7+s15], $0x40, s20, s15, $0xb8;
	[tilespmem:$0x11000] =	vst v63  }
0x17d: {  	_ =	swait.ge [sflag:s14], $0x4000  }
0x17e: {  	[sflag:s14] =	ssyncset.done $0x0  }
0x17f: {  	s26 =	rddreg [dreg:$0xc];
	[sflag:s14] =	ssyncadd.s32 $0xFFFFC000  }
0x180: {  	[hbm4b:s26+s2] =	stream.linear.scatter [tilespmem:s11], [sflag:$0x5], $0x4000, $0x38;
	[tilespmem:$0x11000] =	vst v63  }
0x181: {  	_ =	swait.ge [sflag:s3], $0x4000  }
0x182: {  	[sflag:s3] =	ssyncset.done $0x0  }
0x183: {  	[sflag:s3] =	ssyncadd.s32 $0xFFFFC000  }
0x184: {  	[tilespmem:s11], [sflag:$0x2] =	stream.indirect.gather [hbm4b:s7+s15], $0x40, s19, s15, $0xb8;
	[tilespmem:$0x11000] =	vst v63  }
0x185: {  	_ =	swait.ge [sflag:s12], $0x4000  }
0x186: {  	[sflag:s12] =	ssyncset.done $0x0  }
0x187: {  	s28 =	rddreg [dreg:$0xd];
	[sflag:s12] =	ssyncadd.s32 $0xFFFFC000  }
0x188: {  	[hbm4b:s28+s2] =	stream.linear.scatter [tilespmem:s9], [sflag:$0x5], $0x4000, $0x38;
	[tilespmem:$0x11000] =	vst v63  }
0x189: {  	_ =	swait.ge [sflag:s3], $0x4000  }
0x18a: {  	[sflag:s3] =	ssyncset.done $0x0  }
0x18b: {  	[sflag:s3] =	ssyncadd.s32 $0xFFFFC000  }
0x18c: {  	[tilespmem:s9], [sflag:$0x3] =	stream.indirect.gather [hbm4b:s7+s15], $0x40, s18, s15, $0xb8;
	[tilespmem:$0x11000] =	vst v63  }
0x18d: {  	_ =	swait.ge [sflag:s10], $0x4000  }
0x18e: {  	[sflag:s10] =	ssyncset.done $0x0  }
0x18f: {  	s29 =	rddreg [dreg:$0xe];
	[sflag:s10] =	ssyncadd.s32 $0xFFFFC000  }
0x190: {  	[hbm4b:s29+s2] =	stream.linear.scatter [tilespmem:s6], [sflag:$0x5], $0x4000, $0x38;
	[tilespmem:$0x11000] =	vst v63  }
0x191: {  	_ =	swait.ge [sflag:s3], $0x4000  }
0x192: {  	[sflag:s3] =	ssyncset.done $0x0  }
0x193: {  	[sflag:s3] =	ssyncadd.s32 $0xFFFFC000  }
0x194: {  	[tilespmem:s6], [sflag:$0x4] =	stream.indirect.gather [hbm4b:s7+s15], $0x40, s17, s15, $0xb8;
	[tilespmem:$0x11000] =	vst v63  }
0x195: {  	_ =	swait.ge [sflag:s16], $0x4000  }
0x196: {  	[sflag:s16] =	ssyncset.done $0x0  }
0x197: {  	s30 =	rddreg [dreg:$0xf];
	[sflag:s16] =	ssyncadd.s32 $0xFFFFC000  }
0x198: {  	[hbm4b:s30+s2] =	stream.linear.scatter [tilespmem:s13], [sflag:$0x5], $0x4000, $0x38;
	[tilespmem:$0x11000] =	vst v63  }
0x199: {  	_ =	swait.ge [sflag:s3], $0x4000  }
0x19a: {  	[sflag:s3] =	ssyncset.done $0x0  }
0x19b: {  	[sflag:s3] =	ssyncadd.s32 $0xFFFFC000  }
0x19c: {  	_ =	swait.ge [sflag:s14], $0x4000  }
0x19d: {  	[sflag:s14] =	ssyncset.done $0x0  }
0x19e: {  	[sflag:s14] =	ssyncadd.s32 $0xFFFFC000  }
0x19f: {  	[hbm4b:s8+s2] =	stream.linear.scatter [tilespmem:s11], [sflag:$0x5], $0x4000, $0x38;
	[tilespmem:$0x11000] =	vst v63  }
0x1a0: {  	_ =	swait.ge [sflag:s3], $0x4000  }
0x1a1: {  	[sflag:s3] =	ssyncset.done $0x0  }
0x1a2: {  	[sflag:s3] =	ssyncadd.s32 $0xFFFFC000  }
0x1a3: {  	_ =	swait.ge [sflag:s12], $0x4000  }
0x1a4: {  	[sflag:s12] =	ssyncset.done $0x0  }
0x1a5: {  	[sflag:s12] =	ssyncadd.s32 $0xFFFFC000  }
0x1a6: {  	[hbm4b:s5+s2] =	stream.linear.scatter [tilespmem:s9], [sflag:$0x5], $0x4000, $0x38;
	[tilespmem:$0x11000] =	vst v63  }
0x1a7: {  	_ =	swait.ge [sflag:s3], $0x4000  }
0x1a8: {  	[sflag:s3] =	ssyncset.done $0x0  }
0x1a9: {  	[sflag:s3] =	ssyncadd.s32 $0xFFFFC000  }
0x1aa: {  	_ =	swait.ge [sflag:s10], $0x4000  }
0x1ab: {  	[sflag:s10] =	ssyncset.done $0x0  }
0x1ac: {  	[sflag:s10] =	ssyncadd.s32 $0xFFFFC000  }
0x1ad: {  	[hbm4b:s4+s2] =	stream.linear.scatter [tilespmem:s6], [sflag:$0x5], $0x4000, $0x38;
	[tilespmem:$0x11000] =	vst v63  }
0x1ae: {  	_ =	swait.ge [sflag:s3], $0x4000  }
0x1af: {  	[sflag:s3] =	ssyncset.done $0x0  }
0x1b0: {  	[sflag:s3] =	ssyncadd.s32 $0xFFFFC000  }
0x1b1: {  	_ =	sfence.sel $0x180000  }
0x1b2: {  	[bflag:$0x0] =	sbarrier.arrive $0xFFFF  }
0x1b3: {  	_ =	strace $0x90000056  }
0x1b4: {  	s31 =	stileid.u32;
	[bflag:$0x2] =	sbarrier.arrive $0xFFFF  }
0x1b5: {  	p0 =	sne.s32 s31, $0x0;
	s0 =	rddreg [dreg:$0x1]  }
0x1b6: {  	s0 =	sadd.s32 @!p0 $0x100000, s0  }
0x1b7: {  	[sflag:s0] =	ssyncadd.tile.s32 @!p0 $0x1;
	_ =	shalt  }
.Lfunc_end2:
_tile_overlayer_lowered:
.L_overlay_start_2:
0x1b8: {  	(tag) =	ssettag $0x2  }
0x1b9: {  	s0 =	rddreg [dreg:$0x0];
	s2 =	stileid.u32  }
0x1ba: {  	s1 =	rddreg [dreg:$0x1];
	p0 =	sne.s32 s2, $0x0  }
0x1bb: {  	s3 =	rddreg [dreg:$0x2];
	[bflag:$0x3] =	sbarrier.arrive $0xFFFF;
	s2 =	simm.s32 @!p0 $0x1C05  }
0x1bc: {  	[timem:s3], [sflag:s2] =	dma.local @!p0 [hbm:s0], s1  }
0x1bd: {  	s0 =	simm.s32 @!p0 $0x5  }
0x1be: {  	_ =	swait.ge @!p0 [sflag:s0], s1  }
0x1bf: {  	s1 =	ssub.s32 @!p0 $0x0, s1;
	[sflag:s0] =	ssyncset.done @!p0 $0x0  }
0x1c0: {  	[sflag:s0] =	ssyncadd.s32 @!p0 s1  }
0x1c1: {  	[bflag:$0x3] =	sbarrier.arrive $0xFFFF  }
0x1c2: {  	_ =	shalt  }

</sc_bundles>
